<compile_context>
chip_gen: v7x
topology: tpu7x:2x2x1
jax: 0.10.2.dev20260603
libtpu: 0.0.44.dev20260713+nightly
codegen_flags: <defaults>
</compile_context>

<pallas_src>
import functools

import jax
import jax.numpy as jnp
from jax import lax
from jax.experimental import pallas as pl
from jax.experimental.pallas import tpu as pltpu
from jax.experimental.pallas import tpu_sc as plsc

N = 10000
E = 320000
D = 128
H = 128
DE = 16
OUT = 256

NC = 2
NS = 16
NW = NC * NS
EPW = E // NW
WIN = 80
NWIN = EPW // WIN
TROWS = 624
CHUNK = 104
NCH = TROWS // CHUNK
TAIL = N - NS * TROWS
LANES = H // 16


def _zero_f32(ref, rows, width):
    per_row = width // 16

    def body(i, _):
        ref[i // per_row, pl.ds((i % per_row) * 16, 16)] = jnp.zeros(
            (16,), jnp.float32)
        return 0

    lax.fori_loop(0, rows * per_row, body, 0)


def _make_edge_pass(with_c: bool, with_deg: bool):
    mesh = plsc.VectorSubcoreMesh(
        core_axis_name="c", subcore_axis_name="s", num_cores=NC,
        num_subcores=NS)

    out_type = [jax.ShapeDtypeStruct((NC, N, H), jnp.float32)]
    if with_deg:
        out_type.append(jax.ShapeDtypeStruct((NC, N, 16), jnp.float32))

    scratch = dict(
        src_v=pltpu.VMEM((WIN,), jnp.int32),
        dst_v=pltpu.VMEM((WIN,), jnp.int32),
        a_buf=pltpu.VMEM((WIN, H), jnp.float32),
        stage=pltpu.VMEM((CHUNK, H), jnp.float32),
        sem=pltpu.SemaphoreType.DMA,
    )
    if with_c:
        scratch["b_buf"] = pltpu.VMEM((WIN, H), jnp.float32)
        scratch["c_buf"] = pltpu.VMEM((WIN, H), jnp.float32)
    if with_deg:
        scratch["ones_v"] = pltpu.VMEM((WIN, 16), jnp.float32)
        scratch["dstage"] = pltpu.VMEM((CHUNK, 16), jnp.float32)
        scratch["deg_sh"] = pltpu.VMEM_SHARED((N, 16), jnp.float32)
    scratch["acc_sh"] = pltpu.VMEM_SHARED((N, H), jnp.float32)

    def body(a_hbm, b_hbm, c_hbm, src_hbm, dst_hbm, *refs):
        if with_deg:
            out_hbm, deg_hbm = refs[0], refs[1]
            refs = refs[2:]
        else:
            out_hbm = refs[0]
            refs = refs[1:]
        sc = dict(zip(scratch.keys(), refs))
        src_v, dst_v = sc["src_v"], sc["dst_v"]
        a_buf, stage, sem = sc["a_buf"], sc["stage"], sc["sem"]
        acc_sh = sc["acc_sh"]

        cid = lax.axis_index("c")
        sid = lax.axis_index("s")
        wid = cid * NS + sid

        _zero_f32(stage, CHUNK, H)
        for k in range(NCH):
            pltpu.sync_copy(stage,
                            acc_sh.at[pl.ds(sid * TROWS + k * CHUNK, CHUNK)])

        @pl.when(sid == NS - 1)
        def _():
            pltpu.sync_copy(stage.at[pl.ds(0, TAIL)],
                            acc_sh.at[pl.ds(NS * TROWS, TAIL)])

        if with_deg:
            _zero_f32(sc["dstage"], CHUNK, 16)
            for k in range(NCH):
                pltpu.sync_copy(
                    sc["dstage"],
                    sc["deg_sh"].at[pl.ds(sid * TROWS + k * CHUNK, CHUNK)])

            @pl.when(sid == NS - 1)
            def _():
                pltpu.sync_copy(sc["dstage"].at[pl.ds(0, TAIL)],
                                sc["deg_sh"].at[pl.ds(NS * TROWS, TAIL)])

            def ones_row(i, _):
                sc["ones_v"][i, pl.ds(0, 16)] = jnp.full((16,), 1.0,
                                                         jnp.float32)
                return 0
            lax.fori_loop(0, WIN, ones_row, 0)
        plsc.subcore_barrier()

        def window(w, _):
            ebase = pl.multiple_of(wid * EPW + w * WIN, 16)
            pltpu.sync_copy(src_hbm.at[pl.ds(ebase, WIN)], src_v)
            pltpu.sync_copy(dst_hbm.at[pl.ds(ebase, WIN)], dst_v)
            if with_c:
                b_buf, c_buf = sc["b_buf"], sc["c_buf"]
                cp_a = pltpu.async_copy(a_hbm.at[dst_v], a_buf, sem)
                cp_b = pltpu.async_copy(b_hbm.at[src_v], b_buf, sem)
                cp_c = pltpu.async_copy(c_hbm.at[pl.ds(ebase, WIN)], c_buf,
                                        sem)
                cp_a.wait()
                cp_b.wait()
                cp_c.wait()

                def row(r, _):
                    for j in range(LANES):
                        s = pl.ds(j * 16, 16)
                        v = a_buf[r, s] + b_buf[r, s] + c_buf[r, s]
                        a_buf[r, s] = jnp.maximum(v, 0.0)
                    return 0

                lax.fori_loop(0, WIN, row, 0)
            else:
                pltpu.async_copy(a_hbm.at[src_v], a_buf, sem).wait()

            pltpu.sync_copy(a_buf, acc_sh.at[dst_v], add=True)
            if with_deg:
                pltpu.sync_copy(sc["ones_v"], sc["deg_sh"].at[dst_v],
                                add=True)
            return 0

        lax.fori_loop(0, NWIN, window, 0)
        plsc.subcore_barrier()

        for k in range(NCH):
            rb = sid * TROWS + k * CHUNK
            pltpu.sync_copy(acc_sh.at[pl.ds(rb, CHUNK)], stage)
            pltpu.sync_copy(stage, out_hbm.at[cid, pl.ds(rb, CHUNK)])

        @pl.when(sid == NS - 1)
        def _():
            pltpu.sync_copy(acc_sh.at[pl.ds(NS * TROWS, TAIL)],
                            stage.at[pl.ds(0, TAIL)])
            pltpu.sync_copy(stage.at[pl.ds(0, TAIL)],
                            out_hbm.at[cid, pl.ds(NS * TROWS, TAIL)])

        if with_deg:
            for k in range(NCH):
                rb = sid * TROWS + k * CHUNK
                pltpu.sync_copy(sc["deg_sh"].at[pl.ds(rb, CHUNK)],
                                sc["dstage"])
                pltpu.sync_copy(sc["dstage"],
                                deg_hbm.at[cid, pl.ds(rb, CHUNK)])

            @pl.when(sid == NS - 1)
            def _():
                pltpu.sync_copy(sc["deg_sh"].at[pl.ds(NS * TROWS, TAIL)],
                                sc["dstage"].at[pl.ds(0, TAIL)])
                pltpu.sync_copy(sc["dstage"].at[pl.ds(0, TAIL)],
                                deg_hbm.at[cid, pl.ds(NS * TROWS, TAIL)])

    return pl.kernel(body, out_type=out_type, mesh=mesh,
                     scratch_types=list(scratch.values()))


_edge_pass2 = _make_edge_pass(with_c=True, with_deg=False)
_gcn_pass = _make_edge_pass(with_c=False, with_deg=False)





def _dep0(dep):
    return (dep.ravel()[0].astype(jnp.int32) * 0).astype(jnp.float32)


def _bn_jnp(h, g, b):
    m = h.mean(axis=0)
    v = h.var(axis=0)
    return (h - m) / jnp.sqrt(v + 1e-5) * g + b


def kernel(x, edge_index, edge_attr, W1, b1, g1, beta1, W2, b2, g2,
                    beta2, Wg, bg, Wf, bf):
    src = edge_index[0].astype(jnp.int32)
    dst = edge_index[1].astype(jnp.int32)
    a1 = x @ W1[:D]
    b1t = x @ W1[D:2 * D]
    c1 = edge_attr @ W1[2 * D:] + b1
    p1 = _edge_pass2(a1, b1t, c1, src, dst)[0]
    h = p1[0] + p1[1]
    h = jax.nn.relu(_bn_jnp(h, g1, beta1))
    a2 = h @ W2[:H]
    b2t = h @ W2[H:2 * H]
    c2 = edge_attr @ W2[2 * H:] + b2
    p2 = _edge_pass2(a2, b2t, c2, src, dst)[0]
    h = p2[0] + p2[1]
    h = jax.nn.relu(_bn_jnp(h, g2, beta2))
    ones_tbl = jnp.ones((N, H), jnp.float32) + _dep0(p2)
    degp = _gcn_pass(ones_tbl, ones_tbl, ones_tbl, src, dst)[0]
    deg = degp[0, :, 0] + degp[1, :, 0] + 1.0
    dinv = 1.0 / jnp.sqrt(deg)
    gg = h @ Wg
    gs = gg * dinv[:, None] + _dep0(degp) * 0.0
    s = _gcn_pass(gs, gs, gs, src, dst)[0]
    s = s[0] + s[1]
    out = dinv[:, None] * s + gg * dinv[:, None] ** 2 + bg
    return out @ Wf + bf

# --- scband reference (transcript-rebuilt; emitter-appended) ---
"""Pipeline reference for scband-geometric-graph-31559419691724 (READ-ONLY COPY).

The authoritative reference and input builder live on the scoring server;
editing this copy changes nothing except your own understanding.
"""

import jax, jax.numpy as jnp
import numpy as np

N = 10000
E = 320000
D = 128
H = 128
DE = 16
OUT = 256


def setup_inputs(seed: int = 0) -> dict:
    key = jax.random.key(seed)
    ks = jax.random.split(key, 16)
    x = jax.random.normal(ks[0], (N, D), dtype=jnp.float32)
    edge_index = jax.random.randint(ks[1], (2, E), 0, N, dtype=jnp.int32).astype(jnp.int64)
    edge_attr = jax.random.normal(ks[2], (E, DE), dtype=jnp.float32)
    W1 = jax.random.normal(ks[3], (2 * D + DE, H), dtype=jnp.float32) * 0.05
    b1 = jnp.zeros((H,), dtype=jnp.float32)
    g1 = jnp.ones((H,), dtype=jnp.float32)
    beta1 = jnp.zeros((H,), dtype=jnp.float32)
    W2 = jax.random.normal(ks[4], (2 * H + DE, H), dtype=jnp.float32) * 0.05
    b2 = jnp.zeros((H,), dtype=jnp.float32)
    g2 = jnp.ones((H,), dtype=jnp.float32)
    beta2 = jnp.zeros((H,), dtype=jnp.float32)
    Wg = jax.random.normal(ks[5], (H, H), dtype=jnp.float32) * 0.05
    bg = jnp.zeros((H,), dtype=jnp.float32)
    Wf = jax.random.normal(ks[6], (H, OUT), dtype=jnp.float32) * 0.05
    bf = jnp.zeros((OUT,), dtype=jnp.float32)
    return {
        "x": x, "edge_index": edge_index, "edge_attr": edge_attr,
        "W1": W1, "b1": b1, "g1": g1, "beta1": beta1,
        "W2": W2, "b2": b2, "g2": g2, "beta2": beta2,
        "Wg": Wg, "bg": bg, "Wf": Wf, "bf": bf,
    }


def _batch_norm(h, g, b):
    m = h.mean(axis=0)
    v = h.var(axis=0)
    return (h - m) / jnp.sqrt(v + 1e-5) * g + b


def _edge_conv(x, edge_index, edge_attr, W, b, n):
    src = edge_index[0]
    dst = edge_index[1]
    msg = jnp.concatenate([x[dst], x[src], edge_attr], axis=1) @ W + b
    msg = jax.nn.relu(msg)
    return jax.ops.segment_sum(msg, dst, num_segments=n)


def _gcn(x, edge_index, W, b, n):
    loop = jnp.arange(n, dtype=edge_index.dtype)
    src = jnp.concatenate([edge_index[0], loop])
    dst = jnp.concatenate([edge_index[1], loop])
    deg = jax.ops.segment_sum(jnp.ones_like(dst, dtype=x.dtype), dst, num_segments=n)
    dinv = jnp.where(deg > 0, 1.0 / jnp.sqrt(deg), 0.0)
    h = x @ W
    norm = (dinv[src] * dinv[dst])[:, None]
    return jax.ops.segment_sum(h[src] * norm, dst, num_segments=n) + b


def reference(x, edge_index, edge_attr, W1, b1, g1, beta1, W2, b2, g2, beta2, Wg, bg, Wf, bf):
    h = _edge_conv(x, edge_index, edge_attr, W1, b1, N)
    h = jax.nn.relu(_batch_norm(h, g1, beta1))
    # dropout omitted (deterministic / eval reference)
    h = _edge_conv(h, edge_index, edge_attr, W2, b2, N)
    h = jax.nn.relu(_batch_norm(h, g2, beta2))
    h = _gcn(h, edge_index, Wg, bg, N)
    return h @ Wf + bf

if __name__ == "__main__":
    import jax
    _d = setup_inputs()
    print(jax.jit(kernel)(*tuple(_d.values())))

</pallas_src>

<mosaic_0001>
#map = affine_map<(d0, d1) -> (0, 0)>
#map1 = affine_map<(d0, d1) -> (0)>
#map2 = affine_map<(d0, d1) -> (0, 0, 0)>
module attributes {stable_mosaic.version = 14 : i64} {
  func.func @body(%arg0: i32, %arg1: i32, %arg2: memref<10000x128xf32, #tpu.memory_space<hbm>>, %arg3: memref<10000x128xf32, #tpu.memory_space<hbm>>, %arg4: memref<320000x128xf32, #tpu.memory_space<hbm>>, %arg5: memref<320000xi32, #tpu.memory_space<hbm>>, %arg6: memref<320000xi32, #tpu.memory_space<hbm>>, %arg7: memref<2x10000x128xf32, #tpu.memory_space<hbm>>, %arg8: memref<80xi32, #tpu.memory_space<vmem>>, %arg9: memref<80xi32, #tpu.memory_space<vmem>>, %arg10: memref<80x128xf32, #tpu.memory_space<vmem>>, %arg11: memref<104x128xf32, #tpu.memory_space<vmem>>, %arg12: memref<!tpu.dma_semaphore, #tpu.memory_space<semaphore_mem>>, %arg13: memref<80x128xf32, #tpu.memory_space<vmem>>, %arg14: memref<80x128xf32, #tpu.memory_space<vmem>>, %arg15: memref<10000x128xf32, #tpu.memory_space<vmem_shared>>) attributes {dimension_semantics = [#tpu.dimension_semantics<core_parallel>, #tpu.dimension_semantics<subcore_parallel>], iteration_bounds = array<i64: 2, 16>, scalar_prefetch = 0 : i64, scratch_operands = 8 : i64, tpu.core_type = #tpu.core_type<sc_vector_subcore>, window_params = [{transform_indices = #map}, {transform_indices = #map}, {transform_indices = #map}, {transform_indices = #map1}, {transform_indices = #map1}, {transform_indices = #map2}]} {
    %mul3A = arith.constant 16 : i32
    %mul3A_0 = arith.muli %arg0, %mul3A : i32
    %add3A = arith.addi %mul3A_0, %arg1 : i32
    %scan3A = arith.constant 0 : i32
    %scan3A_1 = arith.constant 0 : i32
    %scan3A_2 = arith.constant 832 : i32
    %scan3A_3 = arith.addi %scan3A_1, %scan3A_2 : i32
    %scan3A_4 = arith.constant 1 : i32
    %scan3A_5 = scf.for %scan3A_70 = %scan3A_1 to %scan3A_3 step %scan3A_4 iter_args(%scan3A_71 = %scan3A) -> (i32)  : i32 {
      %broadcast_in_dim3A = arith.constant 0.000000e+00 : f32
      %broadcast_in_dim3A_72 = vector.broadcast %broadcast_in_dim3A : f32 to vector<16xf32>
      %jit3A = arith.constant 8 : i32
      %div3A = arith.divsi %scan3A_70, %jit3A : i32
      %sign3A = arith.constant 0 : i32
      %sign3A_73 = arith.cmpi sgt, %scan3A_70, %sign3A : i32
      %sign3A_74 = arith.extui %sign3A_73 : i1 to i32
      %sign3A_75 = arith.constant 0 : i32
      %sign3A_76 = arith.cmpi slt, %scan3A_70, %sign3A_75 : i32
      %sign3A_77 = arith.extui %sign3A_76 : i1 to i32
      %sign3A_78 = arith.subi %sign3A_74, %sign3A_77 : i32
      %sign3A_79 = arith.constant 0 : i32
      %sign3A_80 = arith.cmpi sgt, %jit3A, %sign3A_79 : i32
      %sign3A_81 = arith.extui %sign3A_80 : i1 to i32
      %sign3A_82 = arith.constant 0 : i32
      %sign3A_83 = arith.cmpi slt, %jit3A, %sign3A_82 : i32
      %sign3A_84 = arith.extui %sign3A_83 : i1 to i32
      %sign3A_85 = arith.subi %sign3A_81, %sign3A_84 : i32
      %ne3A = arith.cmpi ne, %sign3A_78, %sign3A_85 : i32
      %rem3A = arith.remsi %scan3A_70, %jit3A : i32
      %ne3A_86 = arith.constant 0 : i32
      %ne3A_87 = arith.cmpi ne, %rem3A, %ne3A_86 : i32
      %and3A = arith.andi %ne3A, %ne3A_87 : i1
      %sub3A = arith.constant 1 : i32
      %sub3A_88 = arith.subi %div3A, %sub3A : i32
      %select_n3A = arith.select %and3A, %sub3A_88, %div3A : i32
      %jit3A_89 = arith.constant 8 : i32
      %eq3A_90 = arith.constant 0 : i32
      %eq3A_91 = arith.cmpi eq, %jit3A_89, %eq3A_90 : i32
      %jit3A_92 = arith.constant 1 : i32
      %select_n3A_93 = arith.select %eq3A_91, %jit3A_92, %jit3A_89 : i32
      %rem3A_94 = arith.remsi %scan3A_70, %select_n3A_93 : i32
      %ne3A_95 = arith.constant 0 : i32
      %ne3A_96 = arith.cmpi ne, %rem3A_94, %ne3A_95 : i32
      %lt3A = arith.constant 0 : i32
      %lt3A_97 = arith.cmpi slt, %rem3A_94, %lt3A : i32
      %lt3A_98 = arith.constant 0 : i32
      %lt3A_99 = arith.cmpi slt, %select_n3A_93, %lt3A_98 : i32
      %ne3A_100 = arith.xori %lt3A_97, %lt3A_99 : i1
      %and3A_101 = arith.andi %ne3A_100, %ne3A_96 : i1
      %add3A_102 = arith.addi %rem3A_94, %select_n3A_93 : i32
      %select_n3A_103 = arith.select %and3A_101, %add3A_102, %rem3A_94 : i32
      %mul3A_104 = arith.constant 16 : i32
      %mul3A_105 = arith.muli %select_n3A_103, %mul3A_104 : i32
      %swap3A = arith.index_cast %select_n3A : i32 to index
      %swap3A_106 = arith.index_cast %mul3A_105 : i32 to index
      %swap3A_107 = tpu.vector_load %arg11[%swap3A, %swap3A_106] {strides = array<i32>} : memref<104x128xf32, #tpu.memory_space<vmem>>, vector<1x16xf32>,
      %swap3A_108 = vector.shape_cast %swap3A_107 : vector<1x16xf32> to vector<16xf32>
      %swap3A_109 = vector.shape_cast %broadcast_in_dim3A_72 : vector<16xf32> to vector<1x16xf32>
      tpu.vector_store %arg11[%swap3A, %swap3A_106], %swap3A_109 {strides = array<i32>} : memref<104x128xf32, #tpu.memory_space<vmem>>, vector<1x16xf32>,
      %scan3A_110 = arith.constant 0 : i32
      scf.yield %scan3A_110 : i32
    }
    %scan3A_6 = arith.constant 832 : i32
    %mul3A_7 = arith.constant 624 : i32
    %mul3A_8 = arith.muli %arg1, %mul3A_7 : i32
    %add3A_9 = arith.constant 0 : i32
    %add3A_10 = arith.addi %mul3A_8, %add3A_9 : i32
    "tpu.region"() ({
      %run_scoped3A = tpu.sem_alloc : memref<!tpu.dma_semaphore, #tpu.memory_space<semaphore_mem>>
      %dma_start3A = arith.constant 0 : i32
      %dma_start3A_70 = tpu.memref_slice %arg15[%add3A_10, %dma_start3A] : memref<10000x128xf32, #tpu.memory_space<vmem_shared>> -> memref<104x128xf32, #tpu.memory_space<vmem_shared>>
      %dma_start3A_71 = arith.constant 0 : i32
      %dma_start3A_72 = tpu.memref_slice %arg15[%add3A_10, %dma_start3A_71] : memref<10000x128xf32, #tpu.memory_space<vmem_shared>> -> memref<104x128xf32, #tpu.memory_space<vmem_shared>>
      tpu.enqueue_dma source(%arg11 : memref<104x128xf32, #tpu.memory_space<vmem>>) target(%dma_start3A_72 : memref<104x128xf32, #tpu.memory_space<vmem_shared>>) target_semaphore(%run_scoped3A : memref<!tpu.dma_semaphore, #tpu.memory_space<semaphore_mem>>)
      %dma_wait3A = arith.constant 0 : i32
      %dma_wait3A_73 = tpu.memref_slice %arg15[%add3A_10, %dma_wait3A] : memref<10000x128xf32, #tpu.memory_space<vmem_shared>> -> memref<104x128xf32, #tpu.memory_space<vmem_shared>>
      %dma_wait3A_74 = arith.constant 0 : i32
      %dma_wait3A_75 = tpu.memref_slice %arg15[%add3A_10, %dma_wait3A_74] : memref<10000x128xf32, #tpu.memory_space<vmem_shared>> -> memref<104x128xf32, #tpu.memory_space<vmem_shared>>
      tpu.wait_dma2 semaphore(%run_scoped3A : memref<!tpu.dma_semaphore, #tpu.memory_space<semaphore_mem>>) src(%arg11 : memref<104x128xf32, #tpu.memory_space<vmem>>) dst(%dma_wait3A_75 : memref<104x128xf32, #tpu.memory_space<vmem_shared>>)
      tpu.yield
    }) : () -> ()
    %mul3A_11 = arith.constant 624 : i32
    %mul3A_12 = arith.muli %arg1, %mul3A_11 : i32
    %add3A_13 = arith.constant 104 : i32
    %add3A_14 = arith.addi %mul3A_12, %add3A_13 : i32
    "tpu.region"() ({
      %run_scoped3A = tpu.sem_alloc : memref<!tpu.dma_semaphore, #tpu.memory_space<semaphore_mem>>
      %dma_start3A = arith.constant 0 : i32
      %dma_start3A_70 = tpu.memref_slice %arg15[%add3A_14, %dma_start3A] : memref<10000x128xf32, #tpu.memory_space<vmem_shared>> -> memref<104x128xf32, #tpu.memory_space<vmem_shared>>
      %dma_start3A_71 = arith.constant 0 : i32
      %dma_start3A_72 = tpu.memref_slice %arg15[%add3A_14, %dma_start3A_71] : memref<10000x128xf32, #tpu.memory_space<vmem_shared>> -> memref<104x128xf32, #tpu.memory_space<vmem_shared>>
      tpu.enqueue_dma source(%arg11 : memref<104x128xf32, #tpu.memory_space<vmem>>) target(%dma_start3A_72 : memref<104x128xf32, #tpu.memory_space<vmem_shared>>) target_semaphore(%run_scoped3A : memref<!tpu.dma_semaphore, #tpu.memory_space<semaphore_mem>>)
      %dma_wait3A = arith.constant 0 : i32
      %dma_wait3A_73 = tpu.memref_slice %arg15[%add3A_14, %dma_wait3A] : memref<10000x128xf32, #tpu.memory_space<vmem_shared>> -> memref<104x128xf32, #tpu.memory_space<vmem_shared>>
      %dma_wait3A_74 = arith.constant 0 : i32
      %dma_wait3A_75 = tpu.memref_slice %arg15[%add3A_14, %dma_wait3A_74] : memref<10000x128xf32, #tpu.memory_space<vmem_shared>> -> memref<104x128xf32, #tpu.memory_space<vmem_shared>>
      tpu.wait_dma2 semaphore(%run_scoped3A : memref<!tpu.dma_semaphore, #tpu.memory_space<semaphore_mem>>) src(%arg11 : memref<104x128xf32, #tpu.memory_space<vmem>>) dst(%dma_wait3A_75 : memref<104x128xf32, #tpu.memory_space<vmem_shared>>)
      tpu.yield
    }) : () -> ()
    %mul3A_15 = arith.constant 624 : i32
    %mul3A_16 = arith.muli %arg1, %mul3A_15 : i32
    %add3A_17 = arith.constant 208 : i32
    %add3A_18 = arith.addi %mul3A_16, %add3A_17 : i32
    "tpu.region"() ({
      %run_scoped3A = tpu.sem_alloc : memref<!tpu.dma_semaphore, #tpu.memory_space<semaphore_mem>>
      %dma_start3A = arith.constant 0 : i32
      %dma_start3A_70 = tpu.memref_slice %arg15[%add3A_18, %dma_start3A] : memref<10000x128xf32, #tpu.memory_space<vmem_shared>> -> memref<104x128xf32, #tpu.memory_space<vmem_shared>>
      %dma_start3A_71 = arith.constant 0 : i32
      %dma_start3A_72 = tpu.memref_slice %arg15[%add3A_18, %dma_start3A_71] : memref<10000x128xf32, #tpu.memory_space<vmem_shared>> -> memref<104x128xf32, #tpu.memory_space<vmem_shared>>
      tpu.enqueue_dma source(%arg11 : memref<104x128xf32, #tpu.memory_space<vmem>>) target(%dma_start3A_72 : memref<104x128xf32, #tpu.memory_space<vmem_shared>>) target_semaphore(%run_scoped3A : memref<!tpu.dma_semaphore, #tpu.memory_space<semaphore_mem>>)
      %dma_wait3A = arith.constant 0 : i32
      %dma_wait3A_73 = tpu.memref_slice %arg15[%add3A_18, %dma_wait3A] : memref<10000x128xf32, #tpu.memory_space<vmem_shared>> -> memref<104x128xf32, #tpu.memory_space<vmem_shared>>
      %dma_wait3A_74 = arith.constant 0 : i32
      %dma_wait3A_75 = tpu.memref_slice %arg15[%add3A_18, %dma_wait3A_74] : memref<10000x128xf32, #tpu.memory_space<vmem_shared>> -> memref<104x128xf32, #tpu.memory_space<vmem_shared>>
      tpu.wait_dma2 semaphore(%run_scoped3A : memref<!tpu.dma_semaphore, #tpu.memory_space<semaphore_mem>>) src(%arg11 : memref<104x128xf32, #tpu.memory_space<vmem>>) dst(%dma_wait3A_75 : memref<104x128xf32, #tpu.memory_space<vmem_shared>>)
      tpu.yield
    }) : () -> ()
    %mul3A_19 = arith.constant 624 : i32
    %mul3A_20 = arith.muli %arg1, %mul3A_19 : i32
    %add3A_21 = arith.constant 312 : i32
    %add3A_22 = arith.addi %mul3A_20, %add3A_21 : i32
    "tpu.region"() ({
      %run_scoped3A = tpu.sem_alloc : memref<!tpu.dma_semaphore, #tpu.memory_space<semaphore_mem>>
      %dma_start3A = arith.constant 0 : i32
      %dma_start3A_70 = tpu.memref_slice %arg15[%add3A_22, %dma_start3A] : memref<10000x128xf32, #tpu.memory_space<vmem_shared>> -> memref<104x128xf32, #tpu.memory_space<vmem_shared>>
      %dma_start3A_71 = arith.constant 0 : i32
      %dma_start3A_72 = tpu.memref_slice %arg15[%add3A_22, %dma_start3A_71] : memref<10000x128xf32, #tpu.memory_space<vmem_shared>> -> memref<104x128xf32, #tpu.memory_space<vmem_shared>>
      tpu.enqueue_dma source(%arg11 : memref<104x128xf32, #tpu.memory_space<vmem>>) target(%dma_start3A_72 : memref<104x128xf32, #tpu.memory_space<vmem_shared>>) target_semaphore(%run_scoped3A : memref<!tpu.dma_semaphore, #tpu.memory_space<semaphore_mem>>)
      %dma_wait3A = arith.constant 0 : i32
      %dma_wait3A_73 = tpu.memref_slice %arg15[%add3A_22, %dma_wait3A] : memref<10000x128xf32, #tpu.memory_space<vmem_shared>> -> memref<104x128xf32, #tpu.memory_space<vmem_shared>>
      %dma_wait3A_74 = arith.constant 0 : i32
      %dma_wait3A_75 = tpu.memref_slice %arg15[%add3A_22, %dma_wait3A_74] : memref<10000x128xf32, #tpu.memory_space<vmem_shared>> -> memref<104x128xf32, #tpu.memory_space<vmem_shared>>
      tpu.wait_dma2 semaphore(%run_scoped3A : memref<!tpu.dma_semaphore, #tpu.memory_space<semaphore_mem>>) src(%arg11 : memref<104x128xf32, #tpu.memory_space<vmem>>) dst(%dma_wait3A_75 : memref<104x128xf32, #tpu.memory_space<vmem_shared>>)
      tpu.yield
    }) : () -> ()
    %mul3A_23 = arith.constant 624 : i32
    %mul3A_24 = arith.muli %arg1, %mul3A_23 : i32
    %add3A_25 = arith.constant 416 : i32
    %add3A_26 = arith.addi %mul3A_24, %add3A_25 : i32
    "tpu.region"() ({
      %run_scoped3A = tpu.sem_alloc : memref<!tpu.dma_semaphore, #tpu.memory_space<semaphore_mem>>
      %dma_start3A = arith.constant 0 : i32
      %dma_start3A_70 = tpu.memref_slice %arg15[%add3A_26, %dma_start3A] : memref<10000x128xf32, #tpu.memory_space<vmem_shared>> -> memref<104x128xf32, #tpu.memory_space<vmem_shared>>
      %dma_start3A_71 = arith.constant 0 : i32
      %dma_start3A_72 = tpu.memref_slice %arg15[%add3A_26, %dma_start3A_71] : memref<10000x128xf32, #tpu.memory_space<vmem_shared>> -> memref<104x128xf32, #tpu.memory_space<vmem_shared>>
      tpu.enqueue_dma source(%arg11 : memref<104x128xf32, #tpu.memory_space<vmem>>) target(%dma_start3A_72 : memref<104x128xf32, #tpu.memory_space<vmem_shared>>) target_semaphore(%run_scoped3A : memref<!tpu.dma_semaphore, #tpu.memory_space<semaphore_mem>>)
      %dma_wait3A = arith.constant 0 : i32
      %dma_wait3A_73 = tpu.memref_slice %arg15[%add3A_26, %dma_wait3A] : memref<10000x128xf32, #tpu.memory_space<vmem_shared>> -> memref<104x128xf32, #tpu.memory_space<vmem_shared>>
      %dma_wait3A_74 = arith.constant 0 : i32
      %dma_wait3A_75 = tpu.memref_slice %arg15[%add3A_26, %dma_wait3A_74] : memref<10000x128xf32, #tpu.memory_space<vmem_shared>> -> memref<104x128xf32, #tpu.memory_space<vmem_shared>>
      tpu.wait_dma2 semaphore(%run_scoped3A : memref<!tpu.dma_semaphore, #tpu.memory_space<semaphore_mem>>) src(%arg11 : memref<104x128xf32, #tpu.memory_space<vmem>>) dst(%dma_wait3A_75 : memref<104x128xf32, #tpu.memory_space<vmem_shared>>)
      tpu.yield
    }) : () -> ()
    %mul3A_27 = arith.constant 624 : i32
    %mul3A_28 = arith.muli %arg1, %mul3A_27 : i32
    %add3A_29 = arith.constant 520 : i32
    %add3A_30 = arith.addi %mul3A_28, %add3A_29 : i32
    "tpu.region"() ({
      %run_scoped3A = tpu.sem_alloc : memref<!tpu.dma_semaphore, #tpu.memory_space<semaphore_mem>>
      %dma_start3A = arith.constant 0 : i32
      %dma_start3A_70 = tpu.memref_slice %arg15[%add3A_30, %dma_start3A] : memref<10000x128xf32, #tpu.memory_space<vmem_shared>> -> memref<104x128xf32, #tpu.memory_space<vmem_shared>>
      %dma_start3A_71 = arith.constant 0 : i32
      %dma_start3A_72 = tpu.memref_slice %arg15[%add3A_30, %dma_start3A_71] : memref<10000x128xf32, #tpu.memory_space<vmem_shared>> -> memref<104x128xf32, #tpu.memory_space<vmem_shared>>
      tpu.enqueue_dma source(%arg11 : memref<104x128xf32, #tpu.memory_space<vmem>>) target(%dma_start3A_72 : memref<104x128xf32, #tpu.memory_space<vmem_shared>>) target_semaphore(%run_scoped3A : memref<!tpu.dma_semaphore, #tpu.memory_space<semaphore_mem>>)
      %dma_wait3A = arith.constant 0 : i32
      %dma_wait3A_73 = tpu.memref_slice %arg15[%add3A_30, %dma_wait3A] : memref<10000x128xf32, #tpu.memory_space<vmem_shared>> -> memref<104x128xf32, #tpu.memory_space<vmem_shared>>
      %dma_wait3A_74 = arith.constant 0 : i32
      %dma_wait3A_75 = tpu.memref_slice %arg15[%add3A_30, %dma_wait3A_74] : memref<10000x128xf32, #tpu.memory_space<vmem_shared>> -> memref<104x128xf32, #tpu.memory_space<vmem_shared>>
      tpu.wait_dma2 semaphore(%run_scoped3A : memref<!tpu.dma_semaphore, #tpu.memory_space<semaphore_mem>>) src(%arg11 : memref<104x128xf32, #tpu.memory_space<vmem>>) dst(%dma_wait3A_75 : memref<104x128xf32, #tpu.memory_space<vmem_shared>>)
      tpu.yield
    }) : () -> ()
    %eq3A = arith.constant 15 : i32
    %eq3A_31 = arith.cmpi eq, %arg1, %eq3A : i32
    %convert_element_type3A = arith.extui %eq3A_31 : i1 to i32
    %cond3A = arith.constant 0 : i32
    %cond3A_32 = arith.cmpi ne, %convert_element_type3A, %cond3A : i32
    scf.if %cond3A_32 {
      "tpu.region"() ({
        %run_scoped3A = tpu.sem_alloc : memref<!tpu.dma_semaphore, #tpu.memory_space<semaphore_mem>>
        %dma_start3A = arith.constant 0 : i32
        %dma_start3A_70 = arith.constant 0 : i32
        %dma_start3A_71 = tpu.memref_slice %arg11[%dma_start3A, %dma_start3A_70] : memref<104x128xf32, #tpu.memory_space<vmem>> -> memref<16x128xf32, #tpu.memory_space<vmem>>
        %dma_start3A_72 = arith.constant 9984 : i32
        %dma_start3A_73 = arith.constant 0 : i32
        %dma_start3A_74 = tpu.memref_slice %arg15[%dma_start3A_72, %dma_start3A_73] : memref<10000x128xf32, #tpu.memory_space<vmem_shared>> -> memref<16x128xf32, #tpu.memory_space<vmem_shared>>
        %dma_start3A_75 = arith.constant 9984 : i32
        %dma_start3A_76 = arith.constant 0 : i32
        %dma_start3A_77 = tpu.memref_slice %arg15[%dma_start3A_75, %dma_start3A_76] : memref<10000x128xf32, #tpu.memory_space<vmem_shared>> -> memref<16x128xf32, #tpu.memory_space<vmem_shared>>
        %dma_start3A_78 = arith.constant 0 : i32
        %dma_start3A_79 = arith.constant 0 : i32
        %dma_start3A_80 = tpu.memref_slice %arg11[%dma_start3A_78, %dma_start3A_79] : memref<104x128xf32, #tpu.memory_space<vmem>> -> memref<16x128xf32, #tpu.memory_space<vmem>>
        tpu.enqueue_dma source(%dma_start3A_80 : memref<16x128xf32, #tpu.memory_space<vmem>>) target(%dma_start3A_77 : memref<16x128xf32, #tpu.memory_space<vmem_shared>>) target_semaphore(%run_scoped3A : memref<!tpu.dma_semaphore, #tpu.memory_space<semaphore_mem>>)
        %dma_wait3A = arith.constant 0 : i32
        %dma_wait3A_81 = arith.constant 0 : i32
        %dma_wait3A_82 = tpu.memref_slice %arg11[%dma_wait3A, %dma_wait3A_81] : memref<104x128xf32, #tpu.memory_space<vmem>> -> memref<16x128xf32, #tpu.memory_space<vmem>>
        %dma_wait3A_83 = arith.constant 9984 : i32
        %dma_wait3A_84 = arith.constant 0 : i32
        %dma_wait3A_85 = tpu.memref_slice %arg15[%dma_wait3A_83, %dma_wait3A_84] : memref<10000x128xf32, #tpu.memory_space<vmem_shared>> -> memref<16x128xf32, #tpu.memory_space<vmem_shared>>
        %dma_wait3A_86 = arith.constant 9984 : i32
        %dma_wait3A_87 = arith.constant 0 : i32
        %dma_wait3A_88 = tpu.memref_slice %arg15[%dma_wait3A_86, %dma_wait3A_87] : memref<10000x128xf32, #tpu.memory_space<vmem_shared>> -> memref<16x128xf32, #tpu.memory_space<vmem_shared>>
        %dma_wait3A_89 = arith.constant 0 : i32
        %dma_wait3A_90 = arith.constant 0 : i32
        %dma_wait3A_91 = tpu.memref_slice %arg11[%dma_wait3A_89, %dma_wait3A_90] : memref<104x128xf32, #tpu.memory_space<vmem>> -> memref<16x128xf32, #tpu.memory_space<vmem>>
        tpu.wait_dma2 semaphore(%run_scoped3A : memref<!tpu.dma_semaphore, #tpu.memory_space<semaphore_mem>>) src(%dma_wait3A_91 : memref<16x128xf32, #tpu.memory_space<vmem>>) dst(%dma_wait3A_88 : memref<16x128xf32, #tpu.memory_space<vmem_shared>>)
        tpu.yield
      }) : () -> ()
    } else {
    }
    %barrier3A = arith.constant 0 : index
    tpu.barrier barrier_id(%barrier3A)
    %scan3A_33 = arith.constant 0 : i32
    %scan3A_34 = arith.constant 0 : i32
    %scan3A_35 = arith.constant 125 : i32
    %scan3A_36 = arith.addi %scan3A_34, %scan3A_35 : i32
    %scan3A_37 = arith.constant 1 : i32
    %scan3A_38 = scf.for %scan3A_70 = %scan3A_34 to %scan3A_36 step %scan3A_37 iter_args(%scan3A_71 = %scan3A_33) -> (i32)  : i32 {
      %mul3A_72 = arith.constant 10000 : i32
      %mul3A_73 = arith.muli %add3A, %mul3A_72 : i32
      %mul3A_74 = arith.constant 80 : i32
      %mul3A_75 = arith.muli %scan3A_70, %mul3A_74 : i32
      %add3A_76 = arith.addi %mul3A_73, %mul3A_75 : i32
      %multiple_of3A = tpu.assume_multiple %add3A_76, 16 : i32
      "tpu.region"() ({
        %run_scoped3A = tpu.sem_alloc : memref<!tpu.dma_semaphore, #tpu.memory_space<semaphore_mem>>
        %dma_start3A_103 = tpu.memref_slice %arg5[%multiple_of3A] : memref<320000xi32, #tpu.memory_space<hbm>> -> memref<80xi32, #tpu.memory_space<hbm>>
        %dma_start3A_104 = tpu.memref_slice %arg5[%multiple_of3A] : memref<320000xi32, #tpu.memory_space<hbm>> -> memref<80xi32, #tpu.memory_space<hbm>>
        tpu.enqueue_dma source(%dma_start3A_104 : memref<80xi32, #tpu.memory_space<hbm>>) target(%arg8 : memref<80xi32, #tpu.memory_space<vmem>>) target_semaphore(%run_scoped3A : memref<!tpu.dma_semaphore, #tpu.memory_space<semaphore_mem>>)
        %dma_wait3A_105 = tpu.memref_slice %arg5[%multiple_of3A] : memref<320000xi32, #tpu.memory_space<hbm>> -> memref<80xi32, #tpu.memory_space<hbm>>
        %dma_wait3A_106 = tpu.memref_slice %arg5[%multiple_of3A] : memref<320000xi32, #tpu.memory_space<hbm>> -> memref<80xi32, #tpu.memory_space<hbm>>
        tpu.wait_dma2 semaphore(%run_scoped3A : memref<!tpu.dma_semaphore, #tpu.memory_space<semaphore_mem>>) src(%dma_wait3A_106 : memref<80xi32, #tpu.memory_space<hbm>>) dst(%arg8 : memref<80xi32, #tpu.memory_space<vmem>>)
        tpu.yield
      }) : () -> ()
      "tpu.region"() ({
        %run_scoped3A = tpu.sem_alloc : memref<!tpu.dma_semaphore, #tpu.memory_space<semaphore_mem>>
        %dma_start3A_103 = tpu.memref_slice %arg6[%multiple_of3A] : memref<320000xi32, #tpu.memory_space<hbm>> -> memref<80xi32, #tpu.memory_space<hbm>>
        %dma_start3A_104 = tpu.memref_slice %arg6[%multiple_of3A] : memref<320000xi32, #tpu.memory_space<hbm>> -> memref<80xi32, #tpu.memory_space<hbm>>
        tpu.enqueue_dma source(%dma_start3A_104 : memref<80xi32, #tpu.memory_space<hbm>>) target(%arg9 : memref<80xi32, #tpu.memory_space<vmem>>) target_semaphore(%run_scoped3A : memref<!tpu.dma_semaphore, #tpu.memory_space<semaphore_mem>>)
        %dma_wait3A_105 = tpu.memref_slice %arg6[%multiple_of3A] : memref<320000xi32, #tpu.memory_space<hbm>> -> memref<80xi32, #tpu.memory_space<hbm>>
        %dma_wait3A_106 = tpu.memref_slice %arg6[%multiple_of3A] : memref<320000xi32, #tpu.memory_space<hbm>> -> memref<80xi32, #tpu.memory_space<hbm>>
        tpu.wait_dma2 semaphore(%run_scoped3A : memref<!tpu.dma_semaphore, #tpu.memory_space<semaphore_mem>>) src(%dma_wait3A_106 : memref<80xi32, #tpu.memory_space<hbm>>) dst(%arg9 : memref<80xi32, #tpu.memory_space<vmem>>)
        tpu.yield
      }) : () -> ()
      %dma_start3A = arith.constant 0 : i32
      %dma_start3A_77 = arith.constant 0 : i32
      %dma_start3A_78 = tpu.memref_slice %arg2[%dma_start3A, %dma_start3A_77] : memref<10000x128xf32, #tpu.memory_space<hbm>> -> memref<10000x128xf32, #tpu.memory_space<hbm>>
      tpu.enqueue_indirect_dma source(%dma_start3A_78 : memref<10000x128xf32, #tpu.memory_space<hbm>>) target(%arg10 : memref<80x128xf32, #tpu.memory_space<vmem>>) offsets(%arg9 : memref<80xi32, #tpu.memory_space<vmem>>) semaphore(%arg12 : memref<!tpu.dma_semaphore, #tpu.memory_space<semaphore_mem>>)
      %dma_start3A_79 = arith.constant 0 : i32
      %dma_start3A_80 = arith.constant 0 : i32
      %dma_start3A_81 = tpu.memref_slice %arg3[%dma_start3A_79, %dma_start3A_80] : memref<10000x128xf32, #tpu.memory_space<hbm>> -> memref<10000x128xf32, #tpu.memory_space<hbm>>
      tpu.enqueue_indirect_dma source(%dma_start3A_81 : memref<10000x128xf32, #tpu.memory_space<hbm>>) target(%arg13 : memref<80x128xf32, #tpu.memory_space<vmem>>) offsets(%arg8 : memref<80xi32, #tpu.memory_space<vmem>>) semaphore(%arg12 : memref<!tpu.dma_semaphore, #tpu.memory_space<semaphore_mem>>)
      %dma_start3A_82 = arith.constant 0 : i32
      %dma_start3A_83 = tpu.memref_slice %arg4[%multiple_of3A, %dma_start3A_82] : memref<320000x128xf32, #tpu.memory_space<hbm>> -> memref<80x128xf32, #tpu.memory_space<hbm>>
      %dma_start3A_84 = arith.constant 0 : i32
      %dma_start3A_85 = tpu.memref_slice %arg4[%multiple_of3A, %dma_start3A_84] : memref<320000x128xf32, #tpu.memory_space<hbm>> -> memref<80x128xf32, #tpu.memory_space<hbm>>
      tpu.enqueue_dma source(%dma_start3A_85 : memref<80x128xf32, #tpu.memory_space<hbm>>) target(%arg14 : memref<80x128xf32, #tpu.memory_space<vmem>>) target_semaphore(%arg12 : memref<!tpu.dma_semaphore, #tpu.memory_space<semaphore_mem>>)
      %dma_wait3A = arith.constant 0 : i32
      %dma_wait3A_86 = arith.constant 0 : i32
      %dma_wait3A_87 = tpu.memref_slice %arg2[%dma_wait3A, %dma_wait3A_86] : memref<10000x128xf32, #tpu.memory_space<hbm>> -> memref<10000x128xf32, #tpu.memory_space<hbm>>
      tpu.wait_indirect_dma semaphore(%arg12 : memref<!tpu.dma_semaphore, #tpu.memory_space<semaphore_mem>>) src(%dma_wait3A_87 : memref<10000x128xf32, #tpu.memory_space<hbm>>) dst(%arg10 : memref<80x128xf32, #tpu.memory_space<vmem>>)
      %dma_wait3A_88 = arith.constant 0 : i32
      %dma_wait3A_89 = arith.constant 0 : i32
      %dma_wait3A_90 = tpu.memref_slice %arg3[%dma_wait3A_88, %dma_wait3A_89] : memref<10000x128xf32, #tpu.memory_space<hbm>> -> memref<10000x128xf32, #tpu.memory_space<hbm>>
      tpu.wait_indirect_dma semaphore(%arg12 : memref<!tpu.dma_semaphore, #tpu.memory_space<semaphore_mem>>) src(%dma_wait3A_90 : memref<10000x128xf32, #tpu.memory_space<hbm>>) dst(%arg13 : memref<80x128xf32, #tpu.memory_space<vmem>>)
      %dma_wait3A_91 = arith.constant 0 : i32
      %dma_wait3A_92 = tpu.memref_slice %arg4[%multiple_of3A, %dma_wait3A_91] : memref<320000x128xf32, #tpu.memory_space<hbm>> -> memref<80x128xf32, #tpu.memory_space<hbm>>
      %dma_wait3A_93 = arith.constant 0 : i32
      %dma_wait3A_94 = tpu.memref_slice %arg4[%multiple_of3A, %dma_wait3A_93] : memref<320000x128xf32, #tpu.memory_space<hbm>> -> memref<80x128xf32, #tpu.memory_space<hbm>>
      tpu.wait_dma2 semaphore(%arg12 : memref<!tpu.dma_semaphore, #tpu.memory_space<semaphore_mem>>) src(%dma_wait3A_94 : memref<80x128xf32, #tpu.memory_space<hbm>>) dst(%arg14 : memref<80x128xf32, #tpu.memory_space<vmem>>)
      %scan3A_95 = arith.constant 0 : i32
      %scan3A_96 = arith.constant 0 : i32
      %scan3A_97 = arith.constant 80 : i32
      %scan3A_98 = arith.addi %scan3A_96, %scan3A_97 : i32
      %scan3A_99 = arith.constant 1 : i32
      %scan3A_100 = scf.for %scan3A_103 = %scan3A_96 to %scan3A_98 step %scan3A_99 iter_args(%scan3A_104 = %scan3A_95) -> (i32)  : i32 {
        %get3A = arith.index_cast %scan3A_103 : i32 to index
        %get3A_105 = arith.constant 0 : index
        %get3A_106 = tpu.vector_load %arg10[%get3A, %get3A_105] {strides = array<i32>} : memref<80x128xf32, #tpu.memory_space<vmem>>, vector<1x16xf32>,
        %get3A_107 = vector.shape_cast %get3A_106 : vector<1x16xf32> to vector<16xf32>
        %get3A_108 = arith.index_cast %scan3A_103 : i32 to index
        %get3A_109 = arith.constant 0 : index
        %get3A_110 = tpu.vector_load %arg13[%get3A_108, %get3A_109] {strides = array<i32>} : memref<80x128xf32, #tpu.memory_space<vmem>>, vector<1x16xf32>,
        %get3A_111 = vector.shape_cast %get3A_110 : vector<1x16xf32> to vector<16xf32>
        %add3A_112 = arith.addf %get3A_107, %get3A_111 : vector<16xf32>
        %get3A_113 = arith.index_cast %scan3A_103 : i32 to index
        %get3A_114 = arith.constant 0 : index
        %get3A_115 = tpu.vector_load %arg14[%get3A_113, %get3A_114] {strides = array<i32>} : memref<80x128xf32, #tpu.memory_space<vmem>>, vector<1x16xf32>,
        %get3A_116 = vector.shape_cast %get3A_115 : vector<1x16xf32> to vector<16xf32>
        %add3A_117 = arith.addf %add3A_112, %get3A_116 : vector<16xf32>
        %max3A = arith.constant 0.000000e+00 : f32
        %max3A_118 = vector.broadcast %max3A : f32 to vector<16xf32>
        %max3A_119 = arith.maximumf %add3A_117, %max3A_118 : vector<16xf32>
        %swap3A = arith.index_cast %scan3A_103 : i32 to index
        %swap3A_120 = arith.constant 0 : index
        %swap3A_121 = tpu.vector_load %arg10[%swap3A, %swap3A_120] {strides = array<i32>} : memref<80x128xf32, #tpu.memory_space<vmem>>, vector<1x16xf32>,
        %swap3A_122 = vector.shape_cast %swap3A_121 : vector<1x16xf32> to vector<16xf32>
        %swap3A_123 = vector.shape_cast %max3A_119 : vector<16xf32> to vector<1x16xf32>
        tpu.vector_store %arg10[%swap3A, %swap3A_120], %swap3A_123 {strides = array<i32>} : memref<80x128xf32, #tpu.memory_space<vmem>>, vector<1x16xf32>,
        %get3A_124 = arith.index_cast %scan3A_103 : i32 to index
        %get3A_125 = arith.constant 16 : index
        %get3A_126 = tpu.vector_load %arg10[%get3A_124, %get3A_125] {strides = array<i32>} : memref<80x128xf32, #tpu.memory_space<vmem>>, vector<1x16xf32>,
        %get3A_127 = vector.shape_cast %get3A_126 : vector<1x16xf32> to vector<16xf32>
        %get3A_128 = arith.index_cast %scan3A_103 : i32 to index
        %get3A_129 = arith.constant 16 : index
        %get3A_130 = tpu.vector_load %arg13[%get3A_128, %get3A_129] {strides = array<i32>} : memref<80x128xf32, #tpu.memory_space<vmem>>, vector<1x16xf32>,
        %get3A_131 = vector.shape_cast %get3A_130 : vector<1x16xf32> to vector<16xf32>
        %add3A_132 = arith.addf %get3A_127, %get3A_131 : vector<16xf32>
        %get3A_133 = arith.index_cast %scan3A_103 : i32 to index
        %get3A_134 = arith.constant 16 : index
        %get3A_135 = tpu.vector_load %arg14[%get3A_133, %get3A_134] {strides = array<i32>} : memref<80x128xf32, #tpu.memory_space<vmem>>, vector<1x16xf32>,
        %get3A_136 = vector.shape_cast %get3A_135 : vector<1x16xf32> to vector<16xf32>
        %add3A_137 = arith.addf %add3A_132, %get3A_136 : vector<16xf32>
        %max3A_138 = arith.constant 0.000000e+00 : f32
        %max3A_139 = vector.broadcast %max3A_138 : f32 to vector<16xf32>
        %max3A_140 = arith.maximumf %add3A_137, %max3A_139 : vector<16xf32>
        %swap3A_141 = arith.index_cast %scan3A_103 : i32 to index
        %swap3A_142 = arith.constant 16 : index
        %swap3A_143 = tpu.vector_load %arg10[%swap3A_141, %swap3A_142] {strides = array<i32>} : memref<80x128xf32, #tpu.memory_space<vmem>>, vector<1x16xf32>,
        %swap3A_144 = vector.shape_cast %swap3A_143 : vector<1x16xf32> to vector<16xf32>
        %swap3A_145 = vector.shape_cast %max3A_140 : vector<16xf32> to vector<1x16xf32>
        tpu.vector_store %arg10[%swap3A_141, %swap3A_142], %swap3A_145 {strides = array<i32>} : memref<80x128xf32, #tpu.memory_space<vmem>>, vector<1x16xf32>,
        %get3A_146 = arith.index_cast %scan3A_103 : i32 to index
        %get3A_147 = arith.constant 32 : index
        %get3A_148 = tpu.vector_load %arg10[%get3A_146, %get3A_147] {strides = array<i32>} : memref<80x128xf32, #tpu.memory_space<vmem>>, vector<1x16xf32>,
        %get3A_149 = vector.shape_cast %get3A_148 : vector<1x16xf32> to vector<16xf32>
        %get3A_150 = arith.index_cast %scan3A_103 : i32 to index
        %get3A_151 = arith.constant 32 : index
        %get3A_152 = tpu.vector_load %arg13[%get3A_150, %get3A_151] {strides = array<i32>} : memref<80x128xf32, #tpu.memory_space<vmem>>, vector<1x16xf32>,
        %get3A_153 = vector.shape_cast %get3A_152 : vector<1x16xf32> to vector<16xf32>
        %add3A_154 = arith.addf %get3A_149, %get3A_153 : vector<16xf32>
        %get3A_155 = arith.index_cast %scan3A_103 : i32 to index
        %get3A_156 = arith.constant 32 : index
        %get3A_157 = tpu.vector_load %arg14[%get3A_155, %get3A_156] {strides = array<i32>} : memref<80x128xf32, #tpu.memory_space<vmem>>, vector<1x16xf32>,
        %get3A_158 = vector.shape_cast %get3A_157 : vector<1x16xf32> to vector<16xf32>
        %add3A_159 = arith.addf %add3A_154, %get3A_158 : vector<16xf32>
        %max3A_160 = arith.constant 0.000000e+00 : f32
        %max3A_161 = vector.broadcast %max3A_160 : f32 to vector<16xf32>
        %max3A_162 = arith.maximumf %add3A_159, %max3A_161 : vector<16xf32>
        %swap3A_163 = arith.index_cast %scan3A_103 : i32 to index
        %swap3A_164 = arith.constant 32 : index
        %swap3A_165 = tpu.vector_load %arg10[%swap3A_163, %swap3A_164] {strides = array<i32>} : memref<80x128xf32, #tpu.memory_space<vmem>>, vector<1x16xf32>,
        %swap3A_166 = vector.shape_cast %swap3A_165 : vector<1x16xf32> to vector<16xf32>
        %swap3A_167 = vector.shape_cast %max3A_162 : vector<16xf32> to vector<1x16xf32>
        tpu.vector_store %arg10[%swap3A_163, %swap3A_164], %swap3A_167 {strides = array<i32>} : memref<80x128xf32, #tpu.memory_space<vmem>>, vector<1x16xf32>,
        %get3A_168 = arith.index_cast %scan3A_103 : i32 to index
        %get3A_169 = arith.constant 48 : index
        %get3A_170 = tpu.vector_load %arg10[%get3A_168, %get3A_169] {strides = array<i32>} : memref<80x128xf32, #tpu.memory_space<vmem>>, vector<1x16xf32>,
        %get3A_171 = vector.shape_cast %get3A_170 : vector<1x16xf32> to vector<16xf32>
        %get3A_172 = arith.index_cast %scan3A_103 : i32 to index
        %get3A_173 = arith.constant 48 : index
        %get3A_174 = tpu.vector_load %arg13[%get3A_172, %get3A_173] {strides = array<i32>} : memref<80x128xf32, #tpu.memory_space<vmem>>, vector<1x16xf32>,
        %get3A_175 = vector.shape_cast %get3A_174 : vector<1x16xf32> to vector<16xf32>
        %add3A_176 = arith.addf %get3A_171, %get3A_175 : vector<16xf32>
        %get3A_177 = arith.index_cast %scan3A_103 : i32 to index
        %get3A_178 = arith.constant 48 : index
        %get3A_179 = tpu.vector_load %arg14[%get3A_177, %get3A_178] {strides = array<i32>} : memref<80x128xf32, #tpu.memory_space<vmem>>, vector<1x16xf32>,
        %get3A_180 = vector.shape_cast %get3A_179 : vector<1x16xf32> to vector<16xf32>
        %add3A_181 = arith.addf %add3A_176, %get3A_180 : vector<16xf32>
        %max3A_182 = arith.constant 0.000000e+00 : f32
        %max3A_183 = vector.broadcast %max3A_182 : f32 to vector<16xf32>
        %max3A_184 = arith.maximumf %add3A_181, %max3A_183 : vector<16xf32>
        %swap3A_185 = arith.index_cast %scan3A_103 : i32 to index
        %swap3A_186 = arith.constant 48 : index
        %swap3A_187 = tpu.vector_load %arg10[%swap3A_185, %swap3A_186] {strides = array<i32>} : memref<80x128xf32, #tpu.memory_space<vmem>>, vector<1x16xf32>,
        %swap3A_188 = vector.shape_cast %swap3A_187 : vector<1x16xf32> to vector<16xf32>
        %swap3A_189 = vector.shape_cast %max3A_184 : vector<16xf32> to vector<1x16xf32>
        tpu.vector_store %arg10[%swap3A_185, %swap3A_186], %swap3A_189 {strides = array<i32>} : memref<80x128xf32, #tpu.memory_space<vmem>>, vector<1x16xf32>,
        %get3A_190 = arith.index_cast %scan3A_103 : i32 to index
        %get3A_191 = arith.constant 64 : index
        %get3A_192 = tpu.vector_load %arg10[%get3A_190, %get3A_191] {strides = array<i32>} : memref<80x128xf32, #tpu.memory_space<vmem>>, vector<1x16xf32>,
        %get3A_193 = vector.shape_cast %get3A_192 : vector<1x16xf32> to vector<16xf32>
        %get3A_194 = arith.index_cast %scan3A_103 : i32 to index
        %get3A_195 = arith.constant 64 : index
        %get3A_196 = tpu.vector_load %arg13[%get3A_194, %get3A_195] {strides = array<i32>} : memref<80x128xf32, #tpu.memory_space<vmem>>, vector<1x16xf32>,
        %get3A_197 = vector.shape_cast %get3A_196 : vector<1x16xf32> to vector<16xf32>
        %add3A_198 = arith.addf %get3A_193, %get3A_197 : vector<16xf32>
        %get3A_199 = arith.index_cast %scan3A_103 : i32 to index
        %get3A_200 = arith.constant 64 : index
        %get3A_201 = tpu.vector_load %arg14[%get3A_199, %get3A_200] {strides = array<i32>} : memref<80x128xf32, #tpu.memory_space<vmem>>, vector<1x16xf32>,
        %get3A_202 = vector.shape_cast %get3A_201 : vector<1x16xf32> to vector<16xf32>
        %add3A_203 = arith.addf %add3A_198, %get3A_202 : vector<16xf32>
        %max3A_204 = arith.constant 0.000000e+00 : f32
        %max3A_205 = vector.broadcast %max3A_204 : f32 to vector<16xf32>
        %max3A_206 = arith.maximumf %add3A_203, %max3A_205 : vector<16xf32>
        %swap3A_207 = arith.index_cast %scan3A_103 : i32 to index
        %swap3A_208 = arith.constant 64 : index
        %swap3A_209 = tpu.vector_load %arg10[%swap3A_207, %swap3A_208] {strides = array<i32>} : memref<80x128xf32, #tpu.memory_space<vmem>>, vector<1x16xf32>,
        %swap3A_210 = vector.shape_cast %swap3A_209 : vector<1x16xf32> to vector<16xf32>
        %swap3A_211 = vector.shape_cast %max3A_206 : vector<16xf32> to vector<1x16xf32>
        tpu.vector_store %arg10[%swap3A_207, %swap3A_208], %swap3A_211 {strides = array<i32>} : memref<80x128xf32, #tpu.memory_space<vmem>>, vector<1x16xf32>,
        %get3A_212 = arith.index_cast %scan3A_103 : i32 to index
        %get3A_213 = arith.constant 80 : index
        %get3A_214 = tpu.vector_load %arg10[%get3A_212, %get3A_213] {strides = array<i32>} : memref<80x128xf32, #tpu.memory_space<vmem>>, vector<1x16xf32>,
        %get3A_215 = vector.shape_cast %get3A_214 : vector<1x16xf32> to vector<16xf32>
        %get3A_216 = arith.index_cast %scan3A_103 : i32 to index
        %get3A_217 = arith.constant 80 : index
        %get3A_218 = tpu.vector_load %arg13[%get3A_216, %get3A_217] {strides = array<i32>} : memref<80x128xf32, #tpu.memory_space<vmem>>, vector<1x16xf32>,
        %get3A_219 = vector.shape_cast %get3A_218 : vector<1x16xf32> to vector<16xf32>
        %add3A_220 = arith.addf %get3A_215, %get3A_219 : vector<16xf32>
        %get3A_221 = arith.index_cast %scan3A_103 : i32 to index
        %get3A_222 = arith.constant 80 : index
        %get3A_223 = tpu.vector_load %arg14[%get3A_221, %get3A_222] {strides = array<i32>} : memref<80x128xf32, #tpu.memory_space<vmem>>, vector<1x16xf32>,
        %get3A_224 = vector.shape_cast %get3A_223 : vector<1x16xf32> to vector<16xf32>
        %add3A_225 = arith.addf %add3A_220, %get3A_224 : vector<16xf32>
        %max3A_226 = arith.constant 0.000000e+00 : f32
        %max3A_227 = vector.broadcast %max3A_226 : f32 to vector<16xf32>
        %max3A_228 = arith.maximumf %add3A_225, %max3A_227 : vector<16xf32>
        %swap3A_229 = arith.index_cast %scan3A_103 : i32 to index
        %swap3A_230 = arith.constant 80 : index
        %swap3A_231 = tpu.vector_load %arg10[%swap3A_229, %swap3A_230] {strides = array<i32>} : memref<80x128xf32, #tpu.memory_space<vmem>>, vector<1x16xf32>,
        %swap3A_232 = vector.shape_cast %swap3A_231 : vector<1x16xf32> to vector<16xf32>
        %swap3A_233 = vector.shape_cast %max3A_228 : vector<16xf32> to vector<1x16xf32>
        tpu.vector_store %arg10[%swap3A_229, %swap3A_230], %swap3A_233 {strides = array<i32>} : memref<80x128xf32, #tpu.memory_space<vmem>>, vector<1x16xf32>,
        %get3A_234 = arith.index_cast %scan3A_103 : i32 to index
        %get3A_235 = arith.constant 96 : index
        %get3A_236 = tpu.vector_load %arg10[%get3A_234, %get3A_235] {strides = array<i32>} : memref<80x128xf32, #tpu.memory_space<vmem>>, vector<1x16xf32>,
        %get3A_237 = vector.shape_cast %get3A_236 : vector<1x16xf32> to vector<16xf32>
        %get3A_238 = arith.index_cast %scan3A_103 : i32 to index
        %get3A_239 = arith.constant 96 : index
        %get3A_240 = tpu.vector_load %arg13[%get3A_238, %get3A_239] {strides = array<i32>} : memref<80x128xf32, #tpu.memory_space<vmem>>, vector<1x16xf32>,
        %get3A_241 = vector.shape_cast %get3A_240 : vector<1x16xf32> to vector<16xf32>
        %add3A_242 = arith.addf %get3A_237, %get3A_241 : vector<16xf32>
        %get3A_243 = arith.index_cast %scan3A_103 : i32 to index
        %get3A_244 = arith.constant 96 : index
        %get3A_245 = tpu.vector_load %arg14[%get3A_243, %get3A_244] {strides = array<i32>} : memref<80x128xf32, #tpu.memory_space<vmem>>, vector<1x16xf32>,
        %get3A_246 = vector.shape_cast %get3A_245 : vector<1x16xf32> to vector<16xf32>
        %add3A_247 = arith.addf %add3A_242, %get3A_246 : vector<16xf32>
        %max3A_248 = arith.constant 0.000000e+00 : f32
        %max3A_249 = vector.broadcast %max3A_248 : f32 to vector<16xf32>
        %max3A_250 = arith.maximumf %add3A_247, %max3A_249 : vector<16xf32>
        %swap3A_251 = arith.index_cast %scan3A_103 : i32 to index
        %swap3A_252 = arith.constant 96 : index
        %swap3A_253 = tpu.vector_load %arg10[%swap3A_251, %swap3A_252] {strides = array<i32>} : memref<80x128xf32, #tpu.memory_space<vmem>>, vector<1x16xf32>,
        %swap3A_254 = vector.shape_cast %swap3A_253 : vector<1x16xf32> to vector<16xf32>
        %swap3A_255 = vector.shape_cast %max3A_250 : vector<16xf32> to vector<1x16xf32>
        tpu.vector_store %arg10[%swap3A_251, %swap3A_252], %swap3A_255 {strides = array<i32>} : memref<80x128xf32, #tpu.memory_space<vmem>>, vector<1x16xf32>,
        %get3A_256 = arith.index_cast %scan3A_103 : i32 to index
        %get3A_257 = arith.constant 112 : index
        %get3A_258 = tpu.vector_load %arg10[%get3A_256, %get3A_257] {strides = array<i32>} : memref<80x128xf32, #tpu.memory_space<vmem>>, vector<1x16xf32>,
        %get3A_259 = vector.shape_cast %get3A_258 : vector<1x16xf32> to vector<16xf32>
        %get3A_260 = arith.index_cast %scan3A_103 : i32 to index
        %get3A_261 = arith.constant 112 : index
        %get3A_262 = tpu.vector_load %arg13[%get3A_260, %get3A_261] {strides = array<i32>} : memref<80x128xf32, #tpu.memory_space<vmem>>, vector<1x16xf32>,
        %get3A_263 = vector.shape_cast %get3A_262 : vector<1x16xf32> to vector<16xf32>
        %add3A_264 = arith.addf %get3A_259, %get3A_263 : vector<16xf32>
        %get3A_265 = arith.index_cast %scan3A_103 : i32 to index
        %get3A_266 = arith.constant 112 : index
        %get3A_267 = tpu.vector_load %arg14[%get3A_265, %get3A_266] {strides = array<i32>} : memref<80x128xf32, #tpu.memory_space<vmem>>, vector<1x16xf32>,
        %get3A_268 = vector.shape_cast %get3A_267 : vector<1x16xf32> to vector<16xf32>
        %add3A_269 = arith.addf %add3A_264, %get3A_268 : vector<16xf32>
        %max3A_270 = arith.constant 0.000000e+00 : f32
        %max3A_271 = vector.broadcast %max3A_270 : f32 to vector<16xf32>
        %max3A_272 = arith.maximumf %add3A_269, %max3A_271 : vector<16xf32>
        %swap3A_273 = arith.index_cast %scan3A_103 : i32 to index
        %swap3A_274 = arith.constant 112 : index
        %swap3A_275 = tpu.vector_load %arg10[%swap3A_273, %swap3A_274] {strides = array<i32>} : memref<80x128xf32, #tpu.memory_space<vmem>>, vector<1x16xf32>,
        %swap3A_276 = vector.shape_cast %swap3A_275 : vector<1x16xf32> to vector<16xf32>
        %swap3A_277 = vector.shape_cast %max3A_272 : vector<16xf32> to vector<1x16xf32>
        tpu.vector_store %arg10[%swap3A_273, %swap3A_274], %swap3A_277 {strides = array<i32>} : memref<80x128xf32, #tpu.memory_space<vmem>>, vector<1x16xf32>,
        %scan3A_278 = arith.constant 0 : i32
        scf.yield %scan3A_278 : i32
      }
      %scan3A_101 = arith.constant 80 : i32
      "tpu.region"() ({
        %run_scoped3A = tpu.sem_alloc : memref<!tpu.dma_semaphore, #tpu.memory_space<semaphore_mem>>
        %dma_start3A_103 = arith.constant 0 : i32
        %dma_start3A_104 = arith.constant 0 : i32
        %dma_start3A_105 = tpu.memref_slice %arg15[%dma_start3A_103, %dma_start3A_104] : memref<10000x128xf32, #tpu.memory_space<vmem_shared>> -> memref<10000x128xf32, #tpu.memory_space<vmem_shared>>
        tpu.enqueue_indirect_dma source(%arg10 : memref<80x128xf32, #tpu.memory_space<vmem>>) target(%dma_start3A_105 : memref<10000x128xf32, #tpu.memory_space<vmem_shared>>) offsets(%arg9 : memref<80xi32, #tpu.memory_space<vmem>>) semaphore(%run_scoped3A : memref<!tpu.dma_semaphore, #tpu.memory_space<semaphore_mem>>) {add = true}
        %dma_wait3A_106 = arith.constant 0 : i32
        %dma_wait3A_107 = arith.constant 0 : i32
        %dma_wait3A_108 = tpu.memref_slice %arg15[%dma_wait3A_106, %dma_wait3A_107] : memref<10000x128xf32, #tpu.memory_space<vmem_shared>> -> memref<10000x128xf32, #tpu.memory_space<vmem_shared>>
        tpu.wait_indirect_dma semaphore(%run_scoped3A : memref<!tpu.dma_semaphore, #tpu.memory_space<semaphore_mem>>) src(%arg10 : memref<80x128xf32, #tpu.memory_space<vmem>>) dst(%dma_wait3A_108 : memref<10000x128xf32, #tpu.memory_space<vmem_shared>>)
        tpu.yield
      }) : () -> ()
      %scan3A_102 = arith.constant 0 : i32
      scf.yield %scan3A_102 : i32
    }
    %scan3A_39 = arith.constant 125 : i32
    %barrier3A_40 = arith.constant 0 : index
    tpu.barrier barrier_id(%barrier3A_40)
    %mul3A_41 = arith.constant 624 : i32
    %mul3A_42 = arith.muli %arg1, %mul3A_41 : i32
    %add3A_43 = arith.constant 0 : i32
    %add3A_44 = arith.addi %mul3A_42, %add3A_43 : i32
    "tpu.region"() ({
      %run_scoped3A = tpu.sem_alloc : memref<!tpu.dma_semaphore, #tpu.memory_space<semaphore_mem>>
      %dma_start3A = arith.constant 0 : i32
      %dma_start3A_70 = tpu.memref_slice %arg15[%add3A_44, %dma_start3A] : memref<10000x128xf32, #tpu.memory_space<vmem_shared>> -> memref<104x128xf32, #tpu.memory_space<vmem_shared>>
      %dma_start3A_71 = arith.constant 0 : i32
      %dma_start3A_72 = tpu.memref_slice %arg15[%add3A_44, %dma_start3A_71] : memref<10000x128xf32, #tpu.memory_space<vmem_shared>> -> memref<104x128xf32, #tpu.memory_space<vmem_shared>>
      tpu.enqueue_dma source(%dma_start3A_72 : memref<104x128xf32, #tpu.memory_space<vmem_shared>>) target(%arg11 : memref<104x128xf32, #tpu.memory_space<vmem>>) target_semaphore(%run_scoped3A : memref<!tpu.dma_semaphore, #tpu.memory_space<semaphore_mem>>)
      %dma_wait3A = arith.constant 0 : i32
      %dma_wait3A_73 = tpu.memref_slice %arg15[%add3A_44, %dma_wait3A] : memref<10000x128xf32, #tpu.memory_space<vmem_shared>> -> memref<104x128xf32, #tpu.memory_space<vmem_shared>>
      %dma_wait3A_74 = arith.constant 0 : i32
      %dma_wait3A_75 = tpu.memref_slice %arg15[%add3A_44, %dma_wait3A_74] : memref<10000x128xf32, #tpu.memory_space<vmem_shared>> -> memref<104x128xf32, #tpu.memory_space<vmem_shared>>
      tpu.wait_dma2 semaphore(%run_scoped3A : memref<!tpu.dma_semaphore, #tpu.memory_space<semaphore_mem>>) src(%dma_wait3A_75 : memref<104x128xf32, #tpu.memory_space<vmem_shared>>) dst(%arg11 : memref<104x128xf32, #tpu.memory_space<vmem>>)
      tpu.yield
    }) : () -> ()
    "tpu.region"() ({
      %run_scoped3A = tpu.sem_alloc : memref<!tpu.dma_semaphore, #tpu.memory_space<semaphore_mem>>
      %dma_start3A = arith.constant 0 : i32
      %dma_start3A_70 = tpu.memref_slice %arg7[%arg0, %add3A_44, %dma_start3A] : memref<2x10000x128xf32, #tpu.memory_space<hbm>> -> memref<1x104x128xf32, #tpu.memory_space<hbm>>
      %dma_start3A_71 = tpu.memref_squeeze %dma_start3A_70 : memref<1x104x128xf32, #tpu.memory_space<hbm>> -> memref<104x128xf32, #tpu.memory_space<hbm>>
      %dma_start3A_72 = arith.constant 0 : i32
      %dma_start3A_73 = tpu.memref_slice %arg7[%arg0, %add3A_44, %dma_start3A_72] : memref<2x10000x128xf32, #tpu.memory_space<hbm>> -> memref<1x104x128xf32, #tpu.memory_space<hbm>>
      %dma_start3A_74 = tpu.memref_squeeze %dma_start3A_73 : memref<1x104x128xf32, #tpu.memory_space<hbm>> -> memref<104x128xf32, #tpu.memory_space<hbm>>
      tpu.enqueue_dma source(%arg11 : memref<104x128xf32, #tpu.memory_space<vmem>>) target(%dma_start3A_74 : memref<104x128xf32, #tpu.memory_space<hbm>>) target_semaphore(%run_scoped3A : memref<!tpu.dma_semaphore, #tpu.memory_space<semaphore_mem>>)
      %dma_wait3A = arith.constant 0 : i32
      %dma_wait3A_75 = tpu.memref_slice %arg7[%arg0, %add3A_44, %dma_wait3A] : memref<2x10000x128xf32, #tpu.memory_space<hbm>> -> memref<1x104x128xf32, #tpu.memory_space<hbm>>
      %dma_wait3A_76 = tpu.memref_squeeze %dma_wait3A_75 : memref<1x104x128xf32, #tpu.memory_space<hbm>> -> memref<104x128xf32, #tpu.memory_space<hbm>>
      %dma_wait3A_77 = arith.constant 0 : i32
      %dma_wait3A_78 = tpu.memref_slice %arg7[%arg0, %add3A_44, %dma_wait3A_77] : memref<2x10000x128xf32, #tpu.memory_space<hbm>> -> memref<1x104x128xf32, #tpu.memory_space<hbm>>
      %dma_wait3A_79 = tpu.memref_squeeze %dma_wait3A_78 : memref<1x104x128xf32, #tpu.memory_space<hbm>> -> memref<104x128xf32, #tpu.memory_space<hbm>>
      tpu.wait_dma2 semaphore(%run_scoped3A : memref<!tpu.dma_semaphore, #tpu.memory_space<semaphore_mem>>) src(%arg11 : memref<104x128xf32, #tpu.memory_space<vmem>>) dst(%dma_wait3A_79 : memref<104x128xf32, #tpu.memory_space<hbm>>)
      tpu.yield
    }) : () -> ()
    %mul3A_45 = arith.constant 624 : i32
    %mul3A_46 = arith.muli %arg1, %mul3A_45 : i32
    %add3A_47 = arith.constant 104 : i32
    %add3A_48 = arith.addi %mul3A_46, %add3A_47 : i32
    "tpu.region"() ({
      %run_scoped3A = tpu.sem_alloc : memref<!tpu.dma_semaphore, #tpu.memory_space<semaphore_mem>>
      %dma_start3A = arith.constant 0 : i32
      %dma_start3A_70 = tpu.memref_slice %arg15[%add3A_48, %dma_start3A] : memref<10000x128xf32, #tpu.memory_space<vmem_shared>> -> memref<104x128xf32, #tpu.memory_space<vmem_shared>>
      %dma_start3A_71 = arith.constant 0 : i32
      %dma_start3A_72 = tpu.memref_slice %arg15[%add3A_48, %dma_start3A_71] : memref<10000x128xf32, #tpu.memory_space<vmem_shared>> -> memref<104x128xf32, #tpu.memory_space<vmem_shared>>
      tpu.enqueue_dma source(%dma_start3A_72 : memref<104x128xf32, #tpu.memory_space<vmem_shared>>) target(%arg11 : memref<104x128xf32, #tpu.memory_space<vmem>>) target_semaphore(%run_scoped3A : memref<!tpu.dma_semaphore, #tpu.memory_space<semaphore_mem>>)
      %dma_wait3A = arith.constant 0 : i32
      %dma_wait3A_73 = tpu.memref_slice %arg15[%add3A_48, %dma_wait3A] : memref<10000x128xf32, #tpu.memory_space<vmem_shared>> -> memref<104x128xf32, #tpu.memory_space<vmem_shared>>
      %dma_wait3A_74 = arith.constant 0 : i32
      %dma_wait3A_75 = tpu.memref_slice %arg15[%add3A_48, %dma_wait3A_74] : memref<10000x128xf32, #tpu.memory_space<vmem_shared>> -> memref<104x128xf32, #tpu.memory_space<vmem_shared>>
      tpu.wait_dma2 semaphore(%run_scoped3A : memref<!tpu.dma_semaphore, #tpu.memory_space<semaphore_mem>>) src(%dma_wait3A_75 : memref<104x128xf32, #tpu.memory_space<vmem_shared>>) dst(%arg11 : memref<104x128xf32, #tpu.memory_space<vmem>>)
      tpu.yield
    }) : () -> ()
    "tpu.region"() ({
      %run_scoped3A = tpu.sem_alloc : memref<!tpu.dma_semaphore, #tpu.memory_space<semaphore_mem>>
      %dma_start3A = arith.constant 0 : i32
      %dma_start3A_70 = tpu.memref_slice %arg7[%arg0, %add3A_48, %dma_start3A] : memref<2x10000x128xf32, #tpu.memory_space<hbm>> -> memref<1x104x128xf32, #tpu.memory_space<hbm>>
      %dma_start3A_71 = tpu.memref_squeeze %dma_start3A_70 : memref<1x104x128xf32, #tpu.memory_space<hbm>> -> memref<104x128xf32, #tpu.memory_space<hbm>>
      %dma_start3A_72 = arith.constant 0 : i32
      %dma_start3A_73 = tpu.memref_slice %arg7[%arg0, %add3A_48, %dma_start3A_72] : memref<2x10000x128xf32, #tpu.memory_space<hbm>> -> memref<1x104x128xf32, #tpu.memory_space<hbm>>
      %dma_start3A_74 = tpu.memref_squeeze %dma_start3A_73 : memref<1x104x128xf32, #tpu.memory_space<hbm>> -> memref<104x128xf32, #tpu.memory_space<hbm>>
      tpu.enqueue_dma source(%arg11 : memref<104x128xf32, #tpu.memory_space<vmem>>) target(%dma_start3A_74 : memref<104x128xf32, #tpu.memory_space<hbm>>) target_semaphore(%run_scoped3A : memref<!tpu.dma_semaphore, #tpu.memory_space<semaphore_mem>>)
      %dma_wait3A = arith.constant 0 : i32
      %dma_wait3A_75 = tpu.memref_slice %arg7[%arg0, %add3A_48, %dma_wait3A] : memref<2x10000x128xf32, #tpu.memory_space<hbm>> -> memref<1x104x128xf32, #tpu.memory_space<hbm>>
      %dma_wait3A_76 = tpu.memref_squeeze %dma_wait3A_75 : memref<1x104x128xf32, #tpu.memory_space<hbm>> -> memref<104x128xf32, #tpu.memory_space<hbm>>
      %dma_wait3A_77 = arith.constant 0 : i32
      %dma_wait3A_78 = tpu.memref_slice %arg7[%arg0, %add3A_48, %dma_wait3A_77] : memref<2x10000x128xf32, #tpu.memory_space<hbm>> -> memref<1x104x128xf32, #tpu.memory_space<hbm>>
      %dma_wait3A_79 = tpu.memref_squeeze %dma_wait3A_78 : memref<1x104x128xf32, #tpu.memory_space<hbm>> -> memref<104x128xf32, #tpu.memory_space<hbm>>
      tpu.wait_dma2 semaphore(%run_scoped3A : memref<!tpu.dma_semaphore, #tpu.memory_space<semaphore_mem>>) src(%arg11 : memref<104x128xf32, #tpu.memory_space<vmem>>) dst(%dma_wait3A_79 : memref<104x128xf32, #tpu.memory_space<hbm>>)
      tpu.yield
    }) : () -> ()
    %mul3A_49 = arith.constant 624 : i32
    %mul3A_50 = arith.muli %arg1, %mul3A_49 : i32
    %add3A_51 = arith.constant 208 : i32
    %add3A_52 = arith.addi %mul3A_50, %add3A_51 : i32
    "tpu.region"() ({
      %run_scoped3A = tpu.sem_alloc : memref<!tpu.dma_semaphore, #tpu.memory_space<semaphore_mem>>
      %dma_start3A = arith.constant 0 : i32
      %dma_start3A_70 = tpu.memref_slice %arg15[%add3A_52, %dma_start3A] : memref<10000x128xf32, #tpu.memory_space<vmem_shared>> -> memref<104x128xf32, #tpu.memory_space<vmem_shared>>
      %dma_start3A_71 = arith.constant 0 : i32
      %dma_start3A_72 = tpu.memref_slice %arg15[%add3A_52, %dma_start3A_71] : memref<10000x128xf32, #tpu.memory_space<vmem_shared>> -> memref<104x128xf32, #tpu.memory_space<vmem_shared>>
      tpu.enqueue_dma source(%dma_start3A_72 : memref<104x128xf32, #tpu.memory_space<vmem_shared>>) target(%arg11 : memref<104x128xf32, #tpu.memory_space<vmem>>) target_semaphore(%run_scoped3A : memref<!tpu.dma_semaphore, #tpu.memory_space<semaphore_mem>>)
      %dma_wait3A = arith.constant 0 : i32
      %dma_wait3A_73 = tpu.memref_slice %arg15[%add3A_52, %dma_wait3A] : memref<10000x128xf32, #tpu.memory_space<vmem_shared>> -> memref<104x128xf32, #tpu.memory_space<vmem_shared>>
      %dma_wait3A_74 = arith.constant 0 : i32
      %dma_wait3A_75 = tpu.memref_slice %arg15[%add3A_52, %dma_wait3A_74] : memref<10000x128xf32, #tpu.memory_space<vmem_shared>> -> memref<104x128xf32, #tpu.memory_space<vmem_shared>>
      tpu.wait_dma2 semaphore(%run_scoped3A : memref<!tpu.dma_semaphore, #tpu.memory_space<semaphore_mem>>) src(%dma_wait3A_75 : memref<104x128xf32, #tpu.memory_space<vmem_shared>>) dst(%arg11 : memref<104x128xf32, #tpu.memory_space<vmem>>)
      tpu.yield
    }) : () -> ()
    "tpu.region"() ({
      %run_scoped3A = tpu.sem_alloc : memref<!tpu.dma_semaphore, #tpu.memory_space<semaphore_mem>>
      %dma_start3A = arith.constant 0 : i32
      %dma_start3A_70 = tpu.memref_slice %arg7[%arg0, %add3A_52, %dma_start3A] : memref<2x10000x128xf32, #tpu.memory_space<hbm>> -> memref<1x104x128xf32, #tpu.memory_space<hbm>>
      %dma_start3A_71 = tpu.memref_squeeze %dma_start3A_70 : memref<1x104x128xf32, #tpu.memory_space<hbm>> -> memref<104x128xf32, #tpu.memory_space<hbm>>
      %dma_start3A_72 = arith.constant 0 : i32
      %dma_start3A_73 = tpu.memref_slice %arg7[%arg0, %add3A_52, %dma_start3A_72] : memref<2x10000x128xf32, #tpu.memory_space<hbm>> -> memref<1x104x128xf32, #tpu.memory_space<hbm>>
      %dma_start3A_74 = tpu.memref_squeeze %dma_start3A_73 : memref<1x104x128xf32, #tpu.memory_space<hbm>> -> memref<104x128xf32, #tpu.memory_space<hbm>>
      tpu.enqueue_dma source(%arg11 : memref<104x128xf32, #tpu.memory_space<vmem>>) target(%dma_start3A_74 : memref<104x128xf32, #tpu.memory_space<hbm>>) target_semaphore(%run_scoped3A : memref<!tpu.dma_semaphore, #tpu.memory_space<semaphore_mem>>)
      %dma_wait3A = arith.constant 0 : i32
      %dma_wait3A_75 = tpu.memref_slice %arg7[%arg0, %add3A_52, %dma_wait3A] : memref<2x10000x128xf32, #tpu.memory_space<hbm>> -> memref<1x104x128xf32, #tpu.memory_space<hbm>>
      %dma_wait3A_76 = tpu.memref_squeeze %dma_wait3A_75 : memref<1x104x128xf32, #tpu.memory_space<hbm>> -> memref<104x128xf32, #tpu.memory_space<hbm>>
      %dma_wait3A_77 = arith.constant 0 : i32
      %dma_wait3A_78 = tpu.memref_slice %arg7[%arg0, %add3A_52, %dma_wait3A_77] : memref<2x10000x128xf32, #tpu.memory_space<hbm>> -> memref<1x104x128xf32, #tpu.memory_space<hbm>>
      %dma_wait3A_79 = tpu.memref_squeeze %dma_wait3A_78 : memref<1x104x128xf32, #tpu.memory_space<hbm>> -> memref<104x128xf32, #tpu.memory_space<hbm>>
      tpu.wait_dma2 semaphore(%run_scoped3A : memref<!tpu.dma_semaphore, #tpu.memory_space<semaphore_mem>>) src(%arg11 : memref<104x128xf32, #tpu.memory_space<vmem>>) dst(%dma_wait3A_79 : memref<104x128xf32, #tpu.memory_space<hbm>>)
      tpu.yield
    }) : () -> ()
    %mul3A_53 = arith.constant 624 : i32
    %mul3A_54 = arith.muli %arg1, %mul3A_53 : i32
    %add3A_55 = arith.constant 312 : i32
    %add3A_56 = arith.addi %mul3A_54, %add3A_55 : i32
    "tpu.region"() ({
      %run_scoped3A = tpu.sem_alloc : memref<!tpu.dma_semaphore, #tpu.memory_space<semaphore_mem>>
      %dma_start3A = arith.constant 0 : i32
      %dma_start3A_70 = tpu.memref_slice %arg15[%add3A_56, %dma_start3A] : memref<10000x128xf32, #tpu.memory_space<vmem_shared>> -> memref<104x128xf32, #tpu.memory_space<vmem_shared>>
      %dma_start3A_71 = arith.constant 0 : i32
      %dma_start3A_72 = tpu.memref_slice %arg15[%add3A_56, %dma_start3A_71] : memref<10000x128xf32, #tpu.memory_space<vmem_shared>> -> memref<104x128xf32, #tpu.memory_space<vmem_shared>>
      tpu.enqueue_dma source(%dma_start3A_72 : memref<104x128xf32, #tpu.memory_space<vmem_shared>>) target(%arg11 : memref<104x128xf32, #tpu.memory_space<vmem>>) target_semaphore(%run_scoped3A : memref<!tpu.dma_semaphore, #tpu.memory_space<semaphore_mem>>)
      %dma_wait3A = arith.constant 0 : i32
      %dma_wait3A_73 = tpu.memref_slice %arg15[%add3A_56, %dma_wait3A] : memref<10000x128xf32, #tpu.memory_space<vmem_shared>> -> memref<104x128xf32, #tpu.memory_space<vmem_shared>>
      %dma_wait3A_74 = arith.constant 0 : i32
      %dma_wait3A_75 = tpu.memref_slice %arg15[%add3A_56, %dma_wait3A_74] : memref<10000x128xf32, #tpu.memory_space<vmem_shared>> -> memref<104x128xf32, #tpu.memory_space<vmem_shared>>
      tpu.wait_dma2 semaphore(%run_scoped3A : memref<!tpu.dma_semaphore, #tpu.memory_space<semaphore_mem>>) src(%dma_wait3A_75 : memref<104x128xf32, #tpu.memory_space<vmem_shared>>) dst(%arg11 : memref<104x128xf32, #tpu.memory_space<vmem>>)
      tpu.yield
    }) : () -> ()
    "tpu.region"() ({
      %run_scoped3A = tpu.sem_alloc : memref<!tpu.dma_semaphore, #tpu.memory_space<semaphore_mem>>
      %dma_start3A = arith.constant 0 : i32
      %dma_start3A_70 = tpu.memref_slice %arg7[%arg0, %add3A_56, %dma_start3A] : memref<2x10000x128xf32, #tpu.memory_space<hbm>> -> memref<1x104x128xf32, #tpu.memory_space<hbm>>
      %dma_start3A_71 = tpu.memref_squeeze %dma_start3A_70 : memref<1x104x128xf32, #tpu.memory_space<hbm>> -> memref<104x128xf32, #tpu.memory_space<hbm>>
      %dma_start3A_72 = arith.constant 0 : i32
      %dma_start3A_73 = tpu.memref_slice %arg7[%arg0, %add3A_56, %dma_start3A_72] : memref<2x10000x128xf32, #tpu.memory_space<hbm>> -> memref<1x104x128xf32, #tpu.memory_space<hbm>>
      %dma_start3A_74 = tpu.memref_squeeze %dma_start3A_73 : memref<1x104x128xf32, #tpu.memory_space<hbm>> -> memref<104x128xf32, #tpu.memory_space<hbm>>
      tpu.enqueue_dma source(%arg11 : memref<104x128xf32, #tpu.memory_space<vmem>>) target(%dma_start3A_74 : memref<104x128xf32, #tpu.memory_space<hbm>>) target_semaphore(%run_scoped3A : memref<!tpu.dma_semaphore, #tpu.memory_space<semaphore_mem>>)
      %dma_wait3A = arith.constant 0 : i32
      %dma_wait3A_75 = tpu.memref_slice %arg7[%arg0, %add3A_56, %dma_wait3A] : memref<2x10000x128xf32, #tpu.memory_space<hbm>> -> memref<1x104x128xf32, #tpu.memory_space<hbm>>
      %dma_wait3A_76 = tpu.memref_squeeze %dma_wait3A_75 : memref<1x104x128xf32, #tpu.memory_space<hbm>> -> memref<104x128xf32, #tpu.memory_space<hbm>>
      %dma_wait3A_77 = arith.constant 0 : i32
      %dma_wait3A_78 = tpu.memref_slice %arg7[%arg0, %add3A_56, %dma_wait3A_77] : memref<2x10000x128xf32, #tpu.memory_space<hbm>> -> memref<1x104x128xf32, #tpu.memory_space<hbm>>
      %dma_wait3A_79 = tpu.memref_squeeze %dma_wait3A_78 : memref<1x104x128xf32, #tpu.memory_space<hbm>> -> memref<104x128xf32, #tpu.memory_space<hbm>>
      tpu.wait_dma2 semaphore(%run_scoped3A : memref<!tpu.dma_semaphore, #tpu.memory_space<semaphore_mem>>) src(%arg11 : memref<104x128xf32, #tpu.memory_space<vmem>>) dst(%dma_wait3A_79 : memref<104x128xf32, #tpu.memory_space<hbm>>)
      tpu.yield
    }) : () -> ()
    %mul3A_57 = arith.constant 624 : i32
    %mul3A_58 = arith.muli %arg1, %mul3A_57 : i32
    %add3A_59 = arith.constant 416 : i32
    %add3A_60 = arith.addi %mul3A_58, %add3A_59 : i32
    "tpu.region"() ({
      %run_scoped3A = tpu.sem_alloc : memref<!tpu.dma_semaphore, #tpu.memory_space<semaphore_mem>>
      %dma_start3A = arith.constant 0 : i32
      %dma_start3A_70 = tpu.memref_slice %arg15[%add3A_60, %dma_start3A] : memref<10000x128xf32, #tpu.memory_space<vmem_shared>> -> memref<104x128xf32, #tpu.memory_space<vmem_shared>>
      %dma_start3A_71 = arith.constant 0 : i32
      %dma_start3A_72 = tpu.memref_slice %arg15[%add3A_60, %dma_start3A_71] : memref<10000x128xf32, #tpu.memory_space<vmem_shared>> -> memref<104x128xf32, #tpu.memory_space<vmem_shared>>
      tpu.enqueue_dma source(%dma_start3A_72 : memref<104x128xf32, #tpu.memory_space<vmem_shared>>) target(%arg11 : memref<104x128xf32, #tpu.memory_space<vmem>>) target_semaphore(%run_scoped3A : memref<!tpu.dma_semaphore, #tpu.memory_space<semaphore_mem>>)
      %dma_wait3A = arith.constant 0 : i32
      %dma_wait3A_73 = tpu.memref_slice %arg15[%add3A_60, %dma_wait3A] : memref<10000x128xf32, #tpu.memory_space<vmem_shared>> -> memref<104x128xf32, #tpu.memory_space<vmem_shared>>
      %dma_wait3A_74 = arith.constant 0 : i32
      %dma_wait3A_75 = tpu.memref_slice %arg15[%add3A_60, %dma_wait3A_74] : memref<10000x128xf32, #tpu.memory_space<vmem_shared>> -> memref<104x128xf32, #tpu.memory_space<vmem_shared>>
      tpu.wait_dma2 semaphore(%run_scoped3A : memref<!tpu.dma_semaphore, #tpu.memory_space<semaphore_mem>>) src(%dma_wait3A_75 : memref<104x128xf32, #tpu.memory_space<vmem_shared>>) dst(%arg11 : memref<104x128xf32, #tpu.memory_space<vmem>>)
      tpu.yield
    }) : () -> ()
    "tpu.region"() ({
      %run_scoped3A = tpu.sem_alloc : memref<!tpu.dma_semaphore, #tpu.memory_space<semaphore_mem>>
      %dma_start3A = arith.constant 0 : i32
      %dma_start3A_70 = tpu.memref_slice %arg7[%arg0, %add3A_60, %dma_start3A] : memref<2x10000x128xf32, #tpu.memory_space<hbm>> -> memref<1x104x128xf32, #tpu.memory_space<hbm>>
      %dma_start3A_71 = tpu.memref_squeeze %dma_start3A_70 : memref<1x104x128xf32, #tpu.memory_space<hbm>> -> memref<104x128xf32, #tpu.memory_space<hbm>>
      %dma_start3A_72 = arith.constant 0 : i32
      %dma_start3A_73 = tpu.memref_slice %arg7[%arg0, %add3A_60, %dma_start3A_72] : memref<2x10000x128xf32, #tpu.memory_space<hbm>> -> memref<1x104x128xf32, #tpu.memory_space<hbm>>
      %dma_start3A_74 = tpu.memref_squeeze %dma_start3A_73 : memref<1x104x128xf32, #tpu.memory_space<hbm>> -> memref<104x128xf32, #tpu.memory_space<hbm>>
      tpu.enqueue_dma source(%arg11 : memref<104x128xf32, #tpu.memory_space<vmem>>) target(%dma_start3A_74 : memref<104x128xf32, #tpu.memory_space<hbm>>) target_semaphore(%run_scoped3A : memref<!tpu.dma_semaphore, #tpu.memory_space<semaphore_mem>>)
      %dma_wait3A = arith.constant 0 : i32
      %dma_wait3A_75 = tpu.memref_slice %arg7[%arg0, %add3A_60, %dma_wait3A] : memref<2x10000x128xf32, #tpu.memory_space<hbm>> -> memref<1x104x128xf32, #tpu.memory_space<hbm>>
      %dma_wait3A_76 = tpu.memref_squeeze %dma_wait3A_75 : memref<1x104x128xf32, #tpu.memory_space<hbm>> -> memref<104x128xf32, #tpu.memory_space<hbm>>
      %dma_wait3A_77 = arith.constant 0 : i32
      %dma_wait3A_78 = tpu.memref_slice %arg7[%arg0, %add3A_60, %dma_wait3A_77] : memref<2x10000x128xf32, #tpu.memory_space<hbm>> -> memref<1x104x128xf32, #tpu.memory_space<hbm>>
      %dma_wait3A_79 = tpu.memref_squeeze %dma_wait3A_78 : memref<1x104x128xf32, #tpu.memory_space<hbm>> -> memref<104x128xf32, #tpu.memory_space<hbm>>
      tpu.wait_dma2 semaphore(%run_scoped3A : memref<!tpu.dma_semaphore, #tpu.memory_space<semaphore_mem>>) src(%arg11 : memref<104x128xf32, #tpu.memory_space<vmem>>) dst(%dma_wait3A_79 : memref<104x128xf32, #tpu.memory_space<hbm>>)
      tpu.yield
    }) : () -> ()
    %mul3A_61 = arith.constant 624 : i32
    %mul3A_62 = arith.muli %arg1, %mul3A_61 : i32
    %add3A_63 = arith.constant 520 : i32
    %add3A_64 = arith.addi %mul3A_62, %add3A_63 : i32
    "tpu.region"() ({
      %run_scoped3A = tpu.sem_alloc : memref<!tpu.dma_semaphore, #tpu.memory_space<semaphore_mem>>
      %dma_start3A = arith.constant 0 : i32
      %dma_start3A_70 = tpu.memref_slice %arg15[%add3A_64, %dma_start3A] : memref<10000x128xf32, #tpu.memory_space<vmem_shared>> -> memref<104x128xf32, #tpu.memory_space<vmem_shared>>
      %dma_start3A_71 = arith.constant 0 : i32
      %dma_start3A_72 = tpu.memref_slice %arg15[%add3A_64, %dma_start3A_71] : memref<10000x128xf32, #tpu.memory_space<vmem_shared>> -> memref<104x128xf32, #tpu.memory_space<vmem_shared>>
      tpu.enqueue_dma source(%dma_start3A_72 : memref<104x128xf32, #tpu.memory_space<vmem_shared>>) target(%arg11 : memref<104x128xf32, #tpu.memory_space<vmem>>) target_semaphore(%run_scoped3A : memref<!tpu.dma_semaphore, #tpu.memory_space<semaphore_mem>>)
      %dma_wait3A = arith.constant 0 : i32
      %dma_wait3A_73 = tpu.memref_slice %arg15[%add3A_64, %dma_wait3A] : memref<10000x128xf32, #tpu.memory_space<vmem_shared>> -> memref<104x128xf32, #tpu.memory_space<vmem_shared>>
      %dma_wait3A_74 = arith.constant 0 : i32
      %dma_wait3A_75 = tpu.memref_slice %arg15[%add3A_64, %dma_wait3A_74] : memref<10000x128xf32, #tpu.memory_space<vmem_shared>> -> memref<104x128xf32, #tpu.memory_space<vmem_shared>>
      tpu.wait_dma2 semaphore(%run_scoped3A : memref<!tpu.dma_semaphore, #tpu.memory_space<semaphore_mem>>) src(%dma_wait3A_75 : memref<104x128xf32, #tpu.memory_space<vmem_shared>>) dst(%arg11 : memref<104x128xf32, #tpu.memory_space<vmem>>)
      tpu.yield
    }) : () -> ()
    "tpu.region"() ({
      %run_scoped3A = tpu.sem_alloc : memref<!tpu.dma_semaphore, #tpu.memory_space<semaphore_mem>>
      %dma_start3A = arith.constant 0 : i32
      %dma_start3A_70 = tpu.memref_slice %arg7[%arg0, %add3A_64, %dma_start3A] : memref<2x10000x128xf32, #tpu.memory_space<hbm>> -> memref<1x104x128xf32, #tpu.memory_space<hbm>>
      %dma_start3A_71 = tpu.memref_squeeze %dma_start3A_70 : memref<1x104x128xf32, #tpu.memory_space<hbm>> -> memref<104x128xf32, #tpu.memory_space<hbm>>
      %dma_start3A_72 = arith.constant 0 : i32
      %dma_start3A_73 = tpu.memref_slice %arg7[%arg0, %add3A_64, %dma_start3A_72] : memref<2x10000x128xf32, #tpu.memory_space<hbm>> -> memref<1x104x128xf32, #tpu.memory_space<hbm>>
      %dma_start3A_74 = tpu.memref_squeeze %dma_start3A_73 : memref<1x104x128xf32, #tpu.memory_space<hbm>> -> memref<104x128xf32, #tpu.memory_space<hbm>>
      tpu.enqueue_dma source(%arg11 : memref<104x128xf32, #tpu.memory_space<vmem>>) target(%dma_start3A_74 : memref<104x128xf32, #tpu.memory_space<hbm>>) target_semaphore(%run_scoped3A : memref<!tpu.dma_semaphore, #tpu.memory_space<semaphore_mem>>)
      %dma_wait3A = arith.constant 0 : i32
      %dma_wait3A_75 = tpu.memref_slice %arg7[%arg0, %add3A_64, %dma_wait3A] : memref<2x10000x128xf32, #tpu.memory_space<hbm>> -> memref<1x104x128xf32, #tpu.memory_space<hbm>>
      %dma_wait3A_76 = tpu.memref_squeeze %dma_wait3A_75 : memref<1x104x128xf32, #tpu.memory_space<hbm>> -> memref<104x128xf32, #tpu.memory_space<hbm>>
      %dma_wait3A_77 = arith.constant 0 : i32
      %dma_wait3A_78 = tpu.memref_slice %arg7[%arg0, %add3A_64, %dma_wait3A_77] : memref<2x10000x128xf32, #tpu.memory_space<hbm>> -> memref<1x104x128xf32, #tpu.memory_space<hbm>>
      %dma_wait3A_79 = tpu.memref_squeeze %dma_wait3A_78 : memref<1x104x128xf32, #tpu.memory_space<hbm>> -> memref<104x128xf32, #tpu.memory_space<hbm>>
      tpu.wait_dma2 semaphore(%run_scoped3A : memref<!tpu.dma_semaphore, #tpu.memory_space<semaphore_mem>>) src(%arg11 : memref<104x128xf32, #tpu.memory_space<vmem>>) dst(%dma_wait3A_79 : memref<104x128xf32, #tpu.memory_space<hbm>>)
      tpu.yield
    }) : () -> ()
    %eq3A_65 = arith.constant 15 : i32
    %eq3A_66 = arith.cmpi eq, %arg1, %eq3A_65 : i32
    %convert_element_type3A_67 = arith.extui %eq3A_66 : i1 to i32
    %cond3A_68 = arith.constant 0 : i32
    %cond3A_69 = arith.cmpi ne, %convert_element_type3A_67, %cond3A_68 : i32
    scf.if %cond3A_69 {
      "tpu.region"() ({
        %run_scoped3A = tpu.sem_alloc : memref<!tpu.dma_semaphore, #tpu.memory_space<semaphore_mem>>
        %dma_start3A = arith.constant 0 : i32
        %dma_start3A_70 = arith.constant 0 : i32
        %dma_start3A_71 = tpu.memref_slice %arg11[%dma_start3A, %dma_start3A_70] : memref<104x128xf32, #tpu.memory_space<vmem>> -> memref<16x128xf32, #tpu.memory_space<vmem>>
        %dma_start3A_72 = arith.constant 9984 : i32
        %dma_start3A_73 = arith.constant 0 : i32
        %dma_start3A_74 = tpu.memref_slice %arg15[%dma_start3A_72, %dma_start3A_73] : memref<10000x128xf32, #tpu.memory_space<vmem_shared>> -> memref<16x128xf32, #tpu.memory_space<vmem_shared>>
        %dma_start3A_75 = arith.constant 0 : i32
        %dma_start3A_76 = arith.constant 0 : i32
        %dma_start3A_77 = tpu.memref_slice %arg11[%dma_start3A_75, %dma_start3A_76] : memref<104x128xf32, #tpu.memory_space<vmem>> -> memref<16x128xf32, #tpu.memory_space<vmem>>
        %dma_start3A_78 = arith.constant 9984 : i32
        %dma_start3A_79 = arith.constant 0 : i32
        %dma_start3A_80 = tpu.memref_slice %arg15[%dma_start3A_78, %dma_start3A_79] : memref<10000x128xf32, #tpu.memory_space<vmem_shared>> -> memref<16x128xf32, #tpu.memory_space<vmem_shared>>
        tpu.enqueue_dma source(%dma_start3A_80 : memref<16x128xf32, #tpu.memory_space<vmem_shared>>) target(%dma_start3A_77 : memref<16x128xf32, #tpu.memory_space<vmem>>) target_semaphore(%run_scoped3A : memref<!tpu.dma_semaphore, #tpu.memory_space<semaphore_mem>>)
        %dma_wait3A = arith.constant 0 : i32
        %dma_wait3A_81 = arith.constant 0 : i32
        %dma_wait3A_82 = tpu.memref_slice %arg11[%dma_wait3A, %dma_wait3A_81] : memref<104x128xf32, #tpu.memory_space<vmem>> -> memref<16x128xf32, #tpu.memory_space<vmem>>
        %dma_wait3A_83 = arith.constant 9984 : i32
        %dma_wait3A_84 = arith.constant 0 : i32
        %dma_wait3A_85 = tpu.memref_slice %arg15[%dma_wait3A_83, %dma_wait3A_84] : memref<10000x128xf32, #tpu.memory_space<vmem_shared>> -> memref<16x128xf32, #tpu.memory_space<vmem_shared>>
        %dma_wait3A_86 = arith.constant 0 : i32
        %dma_wait3A_87 = arith.constant 0 : i32
        %dma_wait3A_88 = tpu.memref_slice %arg11[%dma_wait3A_86, %dma_wait3A_87] : memref<104x128xf32, #tpu.memory_space<vmem>> -> memref<16x128xf32, #tpu.memory_space<vmem>>
        %dma_wait3A_89 = arith.constant 9984 : i32
        %dma_wait3A_90 = arith.constant 0 : i32
        %dma_wait3A_91 = tpu.memref_slice %arg15[%dma_wait3A_89, %dma_wait3A_90] : memref<10000x128xf32, #tpu.memory_space<vmem_shared>> -> memref<16x128xf32, #tpu.memory_space<vmem_shared>>
        tpu.wait_dma2 semaphore(%run_scoped3A : memref<!tpu.dma_semaphore, #tpu.memory_space<semaphore_mem>>) src(%dma_wait3A_91 : memref<16x128xf32, #tpu.memory_space<vmem_shared>>) dst(%dma_wait3A_88 : memref<16x128xf32, #tpu.memory_space<vmem>>)
        tpu.yield
      }) : () -> ()
      "tpu.region"() ({
        %run_scoped3A = tpu.sem_alloc : memref<!tpu.dma_semaphore, #tpu.memory_space<semaphore_mem>>
        %dma_start3A = arith.constant 0 : i32
        %dma_start3A_70 = arith.constant 0 : i32
        %dma_start3A_71 = tpu.memref_slice %arg11[%dma_start3A, %dma_start3A_70] : memref<104x128xf32, #tpu.memory_space<vmem>> -> memref<16x128xf32, #tpu.memory_space<vmem>>
        %dma_start3A_72 = arith.constant 9984 : i32
        %dma_start3A_73 = arith.constant 0 : i32
        %dma_start3A_74 = tpu.memref_slice %arg7[%arg0, %dma_start3A_72, %dma_start3A_73] : memref<2x10000x128xf32, #tpu.memory_space<hbm>> -> memref<1x16x128xf32, #tpu.memory_space<hbm>>
        %dma_start3A_75 = tpu.memref_squeeze %dma_start3A_74 : memref<1x16x128xf32, #tpu.memory_space<hbm>> -> memref<16x128xf32, #tpu.memory_space<hbm>>
        %dma_start3A_76 = arith.constant 9984 : i32
        %dma_start3A_77 = arith.constant 0 : i32
        %dma_start3A_78 = tpu.memref_slice %arg7[%arg0, %dma_start3A_76, %dma_start3A_77] : memref<2x10000x128xf32, #tpu.memory_space<hbm>> -> memref<1x16x128xf32, #tpu.memory_space<hbm>>
        %dma_start3A_79 = tpu.memref_squeeze %dma_start3A_78 : memref<1x16x128xf32, #tpu.memory_space<hbm>> -> memref<16x128xf32, #tpu.memory_space<hbm>>
        %dma_start3A_80 = arith.constant 0 : i32
        %dma_start3A_81 = arith.constant 0 : i32
        %dma_start3A_82 = tpu.memref_slice %arg11[%dma_start3A_80, %dma_start3A_81] : memref<104x128xf32, #tpu.memory_space<vmem>> -> memref<16x128xf32, #tpu.memory_space<vmem>>
        tpu.enqueue_dma source(%dma_start3A_82 : memref<16x128xf32, #tpu.memory_space<vmem>>) target(%dma_start3A_79 : memref<16x128xf32, #tpu.memory_space<hbm>>) target_semaphore(%run_scoped3A : memref<!tpu.dma_semaphore, #tpu.memory_space<semaphore_mem>>)
        %dma_wait3A = arith.constant 0 : i32
        %dma_wait3A_83 = arith.constant 0 : i32
        %dma_wait3A_84 = tpu.memref_slice %arg11[%dma_wait3A, %dma_wait3A_83] : memref<104x128xf32, #tpu.memory_space<vmem>> -> memref<16x128xf32, #tpu.memory_space<vmem>>
        %dma_wait3A_85 = arith.constant 9984 : i32
        %dma_wait3A_86 = arith.constant 0 : i32
        %dma_wait3A_87 = tpu.memref_slice %arg7[%arg0, %dma_wait3A_85, %dma_wait3A_86] : memref<2x10000x128xf32, #tpu.memory_space<hbm>> -> memref<1x16x128xf32, #tpu.memory_space<hbm>>
        %dma_wait3A_88 = tpu.memref_squeeze %dma_wait3A_87 : memref<1x16x128xf32, #tpu.memory_space<hbm>> -> memref<16x128xf32, #tpu.memory_space<hbm>>
        %dma_wait3A_89 = arith.constant 9984 : i32
        %dma_wait3A_90 = arith.constant 0 : i32
        %dma_wait3A_91 = tpu.memref_slice %arg7[%arg0, %dma_wait3A_89, %dma_wait3A_90] : memref<2x10000x128xf32, #tpu.memory_space<hbm>> -> memref<1x16x128xf32, #tpu.memory_space<hbm>>
        %dma_wait3A_92 = tpu.memref_squeeze %dma_wait3A_91 : memref<1x16x128xf32, #tpu.memory_space<hbm>> -> memref<16x128xf32, #tpu.memory_space<hbm>>
        %dma_wait3A_93 = arith.constant 0 : i32
        %dma_wait3A_94 = arith.constant 0 : i32
        %dma_wait3A_95 = tpu.memref_slice %arg11[%dma_wait3A_93, %dma_wait3A_94] : memref<104x128xf32, #tpu.memory_space<vmem>> -> memref<16x128xf32, #tpu.memory_space<vmem>>
        tpu.wait_dma2 semaphore(%run_scoped3A : memref<!tpu.dma_semaphore, #tpu.memory_space<semaphore_mem>>) src(%dma_wait3A_95 : memref<16x128xf32, #tpu.memory_space<vmem>>) dst(%dma_wait3A_92 : memref<16x128xf32, #tpu.memory_space<hbm>>)
        tpu.yield
      }) : () -> ()
    } else {
    }
    return
  }
}

#map = affine_map<(d0, d1) -> (0, 0)>
#map1 = affine_map<(d0, d1) -> (0)>
#map2 = affine_map<(d0, d1) -> (0, 0, 0)>
module attributes {stable_mosaic.version = 14 : i64} {
  func.func @body(%arg0: i32, %arg1: i32, %arg2: memref<10000x128xf32, #tpu.memory_space<hbm>>, %arg3: memref<10000x128xf32, #tpu.memory_space<hbm>>, %arg4: memref<10000x128xf32, #tpu.memory_space<hbm>>, %arg5: memref<320000xi32, #tpu.memory_space<hbm>>, %arg6: memref<320000xi32, #tpu.memory_space<hbm>>, %arg7: memref<2x10000x128xf32, #tpu.memory_space<hbm>>, %arg8: memref<80xi32, #tpu.memory_space<vmem>>, %arg9: memref<80xi32, #tpu.memory_space<vmem>>, %arg10: memref<80x128xf32, #tpu.memory_space<vmem>>, %arg11: memref<104x128xf32, #tpu.memory_space<vmem>>, %arg12: memref<!tpu.dma_semaphore, #tpu.memory_space<semaphore_mem>>, %arg13: memref<10000x128xf32, #tpu.memory_space<vmem_shared>>) attributes {dimension_semantics = [#tpu.dimension_semantics<core_parallel>, #tpu.dimension_semantics<subcore_parallel>], iteration_bounds = array<i64: 2, 16>, scalar_prefetch = 0 : i64, scratch_operands = 6 : i64, tpu.core_type = #tpu.core_type<sc_vector_subcore>, window_params = [{transform_indices = #map}, {transform_indices = #map}, {transform_indices = #map}, {transform_indices = #map1}, {transform_indices = #map1}, {transform_indices = #map2}]} {
    %mul3A = arith.constant 16 : i32
    %mul3A_0 = arith.muli %arg0, %mul3A : i32
    %add3A = arith.addi %mul3A_0, %arg1 : i32
    %scan3A = arith.constant 0 : i32
    %scan3A_1 = arith.constant 0 : i32
    %scan3A_2 = arith.constant 832 : i32
    %scan3A_3 = arith.addi %scan3A_1, %scan3A_2 : i32
    %scan3A_4 = arith.constant 1 : i32
    %scan3A_5 = scf.for %scan3A_70 = %scan3A_1 to %scan3A_3 step %scan3A_4 iter_args(%scan3A_71 = %scan3A) -> (i32)  : i32 {
      %broadcast_in_dim3A = arith.constant 0.000000e+00 : f32
      %broadcast_in_dim3A_72 = vector.broadcast %broadcast_in_dim3A : f32 to vector<16xf32>
      %jit3A = arith.constant 8 : i32
      %div3A = arith.divsi %scan3A_70, %jit3A : i32
      %sign3A = arith.constant 0 : i32
      %sign3A_73 = arith.cmpi sgt, %scan3A_70, %sign3A : i32
      %sign3A_74 = arith.extui %sign3A_73 : i1 to i32
      %sign3A_75 = arith.constant 0 : i32
      %sign3A_76 = arith.cmpi slt, %scan3A_70, %sign3A_75 : i32
      %sign3A_77 = arith.extui %sign3A_76 : i1 to i32
      %sign3A_78 = arith.subi %sign3A_74, %sign3A_77 : i32
      %sign3A_79 = arith.constant 0 : i32
      %sign3A_80 = arith.cmpi sgt, %jit3A, %sign3A_79 : i32
      %sign3A_81 = arith.extui %sign3A_80 : i1 to i32
      %sign3A_82 = arith.constant 0 : i32
      %sign3A_83 = arith.cmpi slt, %jit3A, %sign3A_82 : i32
      %sign3A_84 = arith.extui %sign3A_83 : i1 to i32
      %sign3A_85 = arith.subi %sign3A_81, %sign3A_84 : i32
      %ne3A = arith.cmpi ne, %sign3A_78, %sign3A_85 : i32
      %rem3A = arith.remsi %scan3A_70, %jit3A : i32
      %ne3A_86 = arith.constant 0 : i32
      %ne3A_87 = arith.cmpi ne, %rem3A, %ne3A_86 : i32
      %and3A = arith.andi %ne3A, %ne3A_87 : i1
      %sub3A = arith.constant 1 : i32
      %sub3A_88 = arith.subi %div3A, %sub3A : i32
      %select_n3A = arith.select %and3A, %sub3A_88, %div3A : i32
      %jit3A_89 = arith.constant 8 : i32
      %eq3A_90 = arith.constant 0 : i32
      %eq3A_91 = arith.cmpi eq, %jit3A_89, %eq3A_90 : i32
      %jit3A_92 = arith.constant 1 : i32
      %select_n3A_93 = arith.select %eq3A_91, %jit3A_92, %jit3A_89 : i32
      %rem3A_94 = arith.remsi %scan3A_70, %select_n3A_93 : i32
      %ne3A_95 = arith.constant 0 : i32
      %ne3A_96 = arith.cmpi ne, %rem3A_94, %ne3A_95 : i32
      %lt3A = arith.constant 0 : i32
      %lt3A_97 = arith.cmpi slt, %rem3A_94, %lt3A : i32
      %lt3A_98 = arith.constant 0 : i32
      %lt3A_99 = arith.cmpi slt, %select_n3A_93, %lt3A_98 : i32
      %ne3A_100 = arith.xori %lt3A_97, %lt3A_99 : i1
      %and3A_101 = arith.andi %ne3A_100, %ne3A_96 : i1
      %add3A_102 = arith.addi %rem3A_94, %select_n3A_93 : i32
      %select_n3A_103 = arith.select %and3A_101, %add3A_102, %rem3A_94 : i32
      %mul3A_104 = arith.constant 16 : i32
      %mul3A_105 = arith.muli %select_n3A_103, %mul3A_104 : i32
      %swap3A = arith.index_cast %select_n3A : i32 to index
      %swap3A_106 = arith.index_cast %mul3A_105 : i32 to index
      %swap3A_107 = tpu.vector_load %arg11[%swap3A, %swap3A_106] {strides = array<i32>} : memref<104x128xf32, #tpu.memory_space<vmem>>, vector<1x16xf32>,
      %swap3A_108 = vector.shape_cast %swap3A_107 : vector<1x16xf32> to vector<16xf32>
      %swap3A_109 = vector.shape_cast %broadcast_in_dim3A_72 : vector<16xf32> to vector<1x16xf32>
      tpu.vector_store %arg11[%swap3A, %swap3A_106], %swap3A_109 {strides = array<i32>} : memref<104x128xf32, #tpu.memory_space<vmem>>, vector<1x16xf32>,
      %scan3A_110 = arith.constant 0 : i32
      scf.yield %scan3A_110 : i32
    }
    %scan3A_6 = arith.constant 832 : i32
    %mul3A_7 = arith.constant 624 : i32
    %mul3A_8 = arith.muli %arg1, %mul3A_7 : i32
    %add3A_9 = arith.constant 0 : i32
    %add3A_10 = arith.addi %mul3A_8, %add3A_9 : i32
    "tpu.region"() ({
      %run_scoped3A = tpu.sem_alloc : memref<!tpu.dma_semaphore, #tpu.memory_space<semaphore_mem>>
      %dma_start3A = arith.constant 0 : i32
      %dma_start3A_70 = tpu.memref_slice %arg13[%add3A_10, %dma_start3A] : memref<10000x128xf32, #tpu.memory_space<vmem_shared>> -> memref<104x128xf32, #tpu.memory_space<vmem_shared>>
      %dma_start3A_71 = arith.constant 0 : i32
      %dma_start3A_72 = tpu.memref_slice %arg13[%add3A_10, %dma_start3A_71] : memref<10000x128xf32, #tpu.memory_space<vmem_shared>> -> memref<104x128xf32, #tpu.memory_space<vmem_shared>>
      tpu.enqueue_dma source(%arg11 : memref<104x128xf32, #tpu.memory_space<vmem>>) target(%dma_start3A_72 : memref<104x128xf32, #tpu.memory_space<vmem_shared>>) target_semaphore(%run_scoped3A : memref<!tpu.dma_semaphore, #tpu.memory_space<semaphore_mem>>)
      %dma_wait3A = arith.constant 0 : i32
      %dma_wait3A_73 = tpu.memref_slice %arg13[%add3A_10, %dma_wait3A] : memref<10000x128xf32, #tpu.memory_space<vmem_shared>> -> memref<104x128xf32, #tpu.memory_space<vmem_shared>>
      %dma_wait3A_74 = arith.constant 0 : i32
      %dma_wait3A_75 = tpu.memref_slice %arg13[%add3A_10, %dma_wait3A_74] : memref<10000x128xf32, #tpu.memory_space<vmem_shared>> -> memref<104x128xf32, #tpu.memory_space<vmem_shared>>
      tpu.wait_dma2 semaphore(%run_scoped3A : memref<!tpu.dma_semaphore, #tpu.memory_space<semaphore_mem>>) src(%arg11 : memref<104x128xf32, #tpu.memory_space<vmem>>) dst(%dma_wait3A_75 : memref<104x128xf32, #tpu.memory_space<vmem_shared>>)
      tpu.yield
    }) : () -> ()
    %mul3A_11 = arith.constant 624 : i32
    %mul3A_12 = arith.muli %arg1, %mul3A_11 : i32
    %add3A_13 = arith.constant 104 : i32
    %add3A_14 = arith.addi %mul3A_12, %add3A_13 : i32
    "tpu.region"() ({
      %run_scoped3A = tpu.sem_alloc : memref<!tpu.dma_semaphore, #tpu.memory_space<semaphore_mem>>
      %dma_start3A = arith.constant 0 : i32
      %dma_start3A_70 = tpu.memref_slice %arg13[%add3A_14, %dma_start3A] : memref<10000x128xf32, #tpu.memory_space<vmem_shared>> -> memref<104x128xf32, #tpu.memory_space<vmem_shared>>
      %dma_start3A_71 = arith.constant 0 : i32
      %dma_start3A_72 = tpu.memref_slice %arg13[%add3A_14, %dma_start3A_71] : memref<10000x128xf32, #tpu.memory_space<vmem_shared>> -> memref<104x128xf32, #tpu.memory_space<vmem_shared>>
      tpu.enqueue_dma source(%arg11 : memref<104x128xf32, #tpu.memory_space<vmem>>) target(%dma_start3A_72 : memref<104x128xf32, #tpu.memory_space<vmem_shared>>) target_semaphore(%run_scoped3A : memref<!tpu.dma_semaphore, #tpu.memory_space<semaphore_mem>>)
      %dma_wait3A = arith.constant 0 : i32
      %dma_wait3A_73 = tpu.memref_slice %arg13[%add3A_14, %dma_wait3A] : memref<10000x128xf32, #tpu.memory_space<vmem_shared>> -> memref<104x128xf32, #tpu.memory_space<vmem_shared>>
      %dma_wait3A_74 = arith.constant 0 : i32
      %dma_wait3A_75 = tpu.memref_slice %arg13[%add3A_14, %dma_wait3A_74] : memref<10000x128xf32, #tpu.memory_space<vmem_shared>> -> memref<104x128xf32, #tpu.memory_space<vmem_shared>>
      tpu.wait_dma2 semaphore(%run_scoped3A : memref<!tpu.dma_semaphore, #tpu.memory_space<semaphore_mem>>) src(%arg11 : memref<104x128xf32, #tpu.memory_space<vmem>>) dst(%dma_wait3A_75 : memref<104x128xf32, #tpu.memory_space<vmem_shared>>)
      tpu.yield
    }) : () -> ()
    %mul3A_15 = arith.constant 624 : i32
    %mul3A_16 = arith.muli %arg1, %mul3A_15 : i32
    %add3A_17 = arith.constant 208 : i32
    %add3A_18 = arith.addi %mul3A_16, %add3A_17 : i32
    "tpu.region"() ({
      %run_scoped3A = tpu.sem_alloc : memref<!tpu.dma_semaphore, #tpu.memory_space<semaphore_mem>>
      %dma_start3A = arith.constant 0 : i32
      %dma_start3A_70 = tpu.memref_slice %arg13[%add3A_18, %dma_start3A] : memref<10000x128xf32, #tpu.memory_space<vmem_shared>> -> memref<104x128xf32, #tpu.memory_space<vmem_shared>>
      %dma_start3A_71 = arith.constant 0 : i32
      %dma_start3A_72 = tpu.memref_slice %arg13[%add3A_18, %dma_start3A_71] : memref<10000x128xf32, #tpu.memory_space<vmem_shared>> -> memref<104x128xf32, #tpu.memory_space<vmem_shared>>
      tpu.enqueue_dma source(%arg11 : memref<104x128xf32, #tpu.memory_space<vmem>>) target(%dma_start3A_72 : memref<104x128xf32, #tpu.memory_space<vmem_shared>>) target_semaphore(%run_scoped3A : memref<!tpu.dma_semaphore, #tpu.memory_space<semaphore_mem>>)
      %dma_wait3A = arith.constant 0 : i32
      %dma_wait3A_73 = tpu.memref_slice %arg13[%add3A_18, %dma_wait3A] : memref<10000x128xf32, #tpu.memory_space<vmem_shared>> -> memref<104x128xf32, #tpu.memory_space<vmem_shared>>
      %dma_wait3A_74 = arith.constant 0 : i32
      %dma_wait3A_75 = tpu.memref_slice %arg13[%add3A_18, %dma_wait3A_74] : memref<10000x128xf32, #tpu.memory_space<vmem_shared>> -> memref<104x128xf32, #tpu.memory_space<vmem_shared>>
      tpu.wait_dma2 semaphore(%run_scoped3A : memref<!tpu.dma_semaphore, #tpu.memory_space<semaphore_mem>>) src(%arg11 : memref<104x128xf32, #tpu.memory_space<vmem>>) dst(%dma_wait3A_75 : memref<104x128xf32, #tpu.memory_space<vmem_shared>>)
      tpu.yield
    }) : () -> ()
    %mul3A_19 = arith.constant 624 : i32
    %mul3A_20 = arith.muli %arg1, %mul3A_19 : i32
    %add3A_21 = arith.constant 312 : i32
    %add3A_22 = arith.addi %mul3A_20, %add3A_21 : i32
    "tpu.region"() ({
      %run_scoped3A = tpu.sem_alloc : memref<!tpu.dma_semaphore, #tpu.memory_space<semaphore_mem>>
      %dma_start3A = arith.constant 0 : i32
      %dma_start3A_70 = tpu.memref_slice %arg13[%add3A_22, %dma_start3A] : memref<10000x128xf32, #tpu.memory_space<vmem_shared>> -> memref<104x128xf32, #tpu.memory_space<vmem_shared>>
      %dma_start3A_71 = arith.constant 0 : i32
      %dma_start3A_72 = tpu.memref_slice %arg13[%add3A_22, %dma_start3A_71] : memref<10000x128xf32, #tpu.memory_space<vmem_shared>> -> memref<104x128xf32, #tpu.memory_space<vmem_shared>>
      tpu.enqueue_dma source(%arg11 : memref<104x128xf32, #tpu.memory_space<vmem>>) target(%dma_start3A_72 : memref<104x128xf32, #tpu.memory_space<vmem_shared>>) target_semaphore(%run_scoped3A : memref<!tpu.dma_semaphore, #tpu.memory_space<semaphore_mem>>)
      %dma_wait3A = arith.constant 0 : i32
      %dma_wait3A_73 = tpu.memref_slice %arg13[%add3A_22, %dma_wait3A] : memref<10000x128xf32, #tpu.memory_space<vmem_shared>> -> memref<104x128xf32, #tpu.memory_space<vmem_shared>>
      %dma_wait3A_74 = arith.constant 0 : i32
      %dma_wait3A_75 = tpu.memref_slice %arg13[%add3A_22, %dma_wait3A_74] : memref<10000x128xf32, #tpu.memory_space<vmem_shared>> -> memref<104x128xf32, #tpu.memory_space<vmem_shared>>
      tpu.wait_dma2 semaphore(%run_scoped3A : memref<!tpu.dma_semaphore, #tpu.memory_space<semaphore_mem>>) src(%arg11 : memref<104x128xf32, #tpu.memory_space<vmem>>) dst(%dma_wait3A_75 : memref<104x128xf32, #tpu.memory_space<vmem_shared>>)
      tpu.yield
    }) : () -> ()
    %mul3A_23 = arith.constant 624 : i32
    %mul3A_24 = arith.muli %arg1, %mul3A_23 : i32
    %add3A_25 = arith.constant 416 : i32
    %add3A_26 = arith.addi %mul3A_24, %add3A_25 : i32
    "tpu.region"() ({
      %run_scoped3A = tpu.sem_alloc : memref<!tpu.dma_semaphore, #tpu.memory_space<semaphore_mem>>
      %dma_start3A = arith.constant 0 : i32
      %dma_start3A_70 = tpu.memref_slice %arg13[%add3A_26, %dma_start3A] : memref<10000x128xf32, #tpu.memory_space<vmem_shared>> -> memref<104x128xf32, #tpu.memory_space<vmem_shared>>
      %dma_start3A_71 = arith.constant 0 : i32
      %dma_start3A_72 = tpu.memref_slice %arg13[%add3A_26, %dma_start3A_71] : memref<10000x128xf32, #tpu.memory_space<vmem_shared>> -> memref<104x128xf32, #tpu.memory_space<vmem_shared>>
      tpu.enqueue_dma source(%arg11 : memref<104x128xf32, #tpu.memory_space<vmem>>) target(%dma_start3A_72 : memref<104x128xf32, #tpu.memory_space<vmem_shared>>) target_semaphore(%run_scoped3A : memref<!tpu.dma_semaphore, #tpu.memory_space<semaphore_mem>>)
      %dma_wait3A = arith.constant 0 : i32
      %dma_wait3A_73 = tpu.memref_slice %arg13[%add3A_26, %dma_wait3A] : memref<10000x128xf32, #tpu.memory_space<vmem_shared>> -> memref<104x128xf32, #tpu.memory_space<vmem_shared>>
      %dma_wait3A_74 = arith.constant 0 : i32
      %dma_wait3A_75 = tpu.memref_slice %arg13[%add3A_26, %dma_wait3A_74] : memref<10000x128xf32, #tpu.memory_space<vmem_shared>> -> memref<104x128xf32, #tpu.memory_space<vmem_shared>>
      tpu.wait_dma2 semaphore(%run_scoped3A : memref<!tpu.dma_semaphore, #tpu.memory_space<semaphore_mem>>) src(%arg11 : memref<104x128xf32, #tpu.memory_space<vmem>>) dst(%dma_wait3A_75 : memref<104x128xf32, #tpu.memory_space<vmem_shared>>)
      tpu.yield
    }) : () -> ()
    %mul3A_27 = arith.constant 624 : i32
    %mul3A_28 = arith.muli %arg1, %mul3A_27 : i32
    %add3A_29 = arith.constant 520 : i32
    %add3A_30 = arith.addi %mul3A_28, %add3A_29 : i32
    "tpu.region"() ({
      %run_scoped3A = tpu.sem_alloc : memref<!tpu.dma_semaphore, #tpu.memory_space<semaphore_mem>>
      %dma_start3A = arith.constant 0 : i32
      %dma_start3A_70 = tpu.memref_slice %arg13[%add3A_30, %dma_start3A] : memref<10000x128xf32, #tpu.memory_space<vmem_shared>> -> memref<104x128xf32, #tpu.memory_space<vmem_shared>>
      %dma_start3A_71 = arith.constant 0 : i32
      %dma_start3A_72 = tpu.memref_slice %arg13[%add3A_30, %dma_start3A_71] : memref<10000x128xf32, #tpu.memory_space<vmem_shared>> -> memref<104x128xf32, #tpu.memory_space<vmem_shared>>
      tpu.enqueue_dma source(%arg11 : memref<104x128xf32, #tpu.memory_space<vmem>>) target(%dma_start3A_72 : memref<104x128xf32, #tpu.memory_space<vmem_shared>>) target_semaphore(%run_scoped3A : memref<!tpu.dma_semaphore, #tpu.memory_space<semaphore_mem>>)
      %dma_wait3A = arith.constant 0 : i32
      %dma_wait3A_73 = tpu.memref_slice %arg13[%add3A_30, %dma_wait3A] : memref<10000x128xf32, #tpu.memory_space<vmem_shared>> -> memref<104x128xf32, #tpu.memory_space<vmem_shared>>
      %dma_wait3A_74 = arith.constant 0 : i32
      %dma_wait3A_75 = tpu.memref_slice %arg13[%add3A_30, %dma_wait3A_74] : memref<10000x128xf32, #tpu.memory_space<vmem_shared>> -> memref<104x128xf32, #tpu.memory_space<vmem_shared>>
      tpu.wait_dma2 semaphore(%run_scoped3A : memref<!tpu.dma_semaphore, #tpu.memory_space<semaphore_mem>>) src(%arg11 : memref<104x128xf32, #tpu.memory_space<vmem>>) dst(%dma_wait3A_75 : memref<104x128xf32, #tpu.memory_space<vmem_shared>>)
      tpu.yield
    }) : () -> ()
    %eq3A = arith.constant 15 : i32
    %eq3A_31 = arith.cmpi eq, %arg1, %eq3A : i32
    %convert_element_type3A = arith.extui %eq3A_31 : i1 to i32
    %cond3A = arith.constant 0 : i32
    %cond3A_32 = arith.cmpi ne, %convert_element_type3A, %cond3A : i32
    scf.if %cond3A_32 {
      "tpu.region"() ({
        %run_scoped3A = tpu.sem_alloc : memref<!tpu.dma_semaphore, #tpu.memory_space<semaphore_mem>>
        %dma_start3A = arith.constant 0 : i32
        %dma_start3A_70 = arith.constant 0 : i32
        %dma_start3A_71 = tpu.memref_slice %arg11[%dma_start3A, %dma_start3A_70] : memref<104x128xf32, #tpu.memory_space<vmem>> -> memref<16x128xf32, #tpu.memory_space<vmem>>
        %dma_start3A_72 = arith.constant 9984 : i32
        %dma_start3A_73 = arith.constant 0 : i32
        %dma_start3A_74 = tpu.memref_slice %arg13[%dma_start3A_72, %dma_start3A_73] : memref<10000x128xf32, #tpu.memory_space<vmem_shared>> -> memref<16x128xf32, #tpu.memory_space<vmem_shared>>
        %dma_start3A_75 = arith.constant 9984 : i32
        %dma_start3A_76 = arith.constant 0 : i32
        %dma_start3A_77 = tpu.memref_slice %arg13[%dma_start3A_75, %dma_start3A_76] : memref<10000x128xf32, #tpu.memory_space<vmem_shared>> -> memref<16x128xf32, #tpu.memory_space<vmem_shared>>
        %dma_start3A_78 = arith.constant 0 : i32
        %dma_start3A_79 = arith.constant 0 : i32
        %dma_start3A_80 = tpu.memref_slice %arg11[%dma_start3A_78, %dma_start3A_79] : memref<104x128xf32, #tpu.memory_space<vmem>> -> memref<16x128xf32, #tpu.memory_space<vmem>>
        tpu.enqueue_dma source(%dma_start3A_80 : memref<16x128xf32, #tpu.memory_space<vmem>>) target(%dma_start3A_77 : memref<16x128xf32, #tpu.memory_space<vmem_shared>>) target_semaphore(%run_scoped3A : memref<!tpu.dma_semaphore, #tpu.memory_space<semaphore_mem>>)
        %dma_wait3A = arith.constant 0 : i32
        %dma_wait3A_81 = arith.constant 0 : i32
        %dma_wait3A_82 = tpu.memref_slice %arg11[%dma_wait3A, %dma_wait3A_81] : memref<104x128xf32, #tpu.memory_space<vmem>> -> memref<16x128xf32, #tpu.memory_space<vmem>>
        %dma_wait3A_83 = arith.constant 9984 : i32
        %dma_wait3A_84 = arith.constant 0 : i32
        %dma_wait3A_85 = tpu.memref_slice %arg13[%dma_wait3A_83, %dma_wait3A_84] : memref<10000x128xf32, #tpu.memory_space<vmem_shared>> -> memref<16x128xf32, #tpu.memory_space<vmem_shared>>
        %dma_wait3A_86 = arith.constant 9984 : i32
        %dma_wait3A_87 = arith.constant 0 : i32
        %dma_wait3A_88 = tpu.memref_slice %arg13[%dma_wait3A_86, %dma_wait3A_87] : memref<10000x128xf32, #tpu.memory_space<vmem_shared>> -> memref<16x128xf32, #tpu.memory_space<vmem_shared>>
        %dma_wait3A_89 = arith.constant 0 : i32
        %dma_wait3A_90 = arith.constant 0 : i32
        %dma_wait3A_91 = tpu.memref_slice %arg11[%dma_wait3A_89, %dma_wait3A_90] : memref<104x128xf32, #tpu.memory_space<vmem>> -> memref<16x128xf32, #tpu.memory_space<vmem>>
        tpu.wait_dma2 semaphore(%run_scoped3A : memref<!tpu.dma_semaphore, #tpu.memory_space<semaphore_mem>>) src(%dma_wait3A_91 : memref<16x128xf32, #tpu.memory_space<vmem>>) dst(%dma_wait3A_88 : memref<16x128xf32, #tpu.memory_space<vmem_shared>>)
        tpu.yield
      }) : () -> ()
    } else {
    }
    %barrier3A = arith.constant 0 : index
    tpu.barrier barrier_id(%barrier3A)
    %scan3A_33 = arith.constant 0 : i32
    %scan3A_34 = arith.constant 0 : i32
    %scan3A_35 = arith.constant 125 : i32
    %scan3A_36 = arith.addi %scan3A_34, %scan3A_35 : i32
    %scan3A_37 = arith.constant 1 : i32
    %scan3A_38 = scf.for %scan3A_70 = %scan3A_34 to %scan3A_36 step %scan3A_37 iter_args(%scan3A_71 = %scan3A_33) -> (i32)  : i32 {
      %mul3A_72 = arith.constant 10000 : i32
      %mul3A_73 = arith.muli %add3A, %mul3A_72 : i32
      %mul3A_74 = arith.constant 80 : i32
      %mul3A_75 = arith.muli %scan3A_70, %mul3A_74 : i32
      %add3A_76 = arith.addi %mul3A_73, %mul3A_75 : i32
      %multiple_of3A = tpu.assume_multiple %add3A_76, 16 : i32
      "tpu.region"() ({
        %run_scoped3A = tpu.sem_alloc : memref<!tpu.dma_semaphore, #tpu.memory_space<semaphore_mem>>
        %dma_start3A_82 = tpu.memref_slice %arg5[%multiple_of3A] : memref<320000xi32, #tpu.memory_space<hbm>> -> memref<80xi32, #tpu.memory_space<hbm>>
        %dma_start3A_83 = tpu.memref_slice %arg5[%multiple_of3A] : memref<320000xi32, #tpu.memory_space<hbm>> -> memref<80xi32, #tpu.memory_space<hbm>>
        tpu.enqueue_dma source(%dma_start3A_83 : memref<80xi32, #tpu.memory_space<hbm>>) target(%arg8 : memref<80xi32, #tpu.memory_space<vmem>>) target_semaphore(%run_scoped3A : memref<!tpu.dma_semaphore, #tpu.memory_space<semaphore_mem>>)
        %dma_wait3A_84 = tpu.memref_slice %arg5[%multiple_of3A] : memref<320000xi32, #tpu.memory_space<hbm>> -> memref<80xi32, #tpu.memory_space<hbm>>
        %dma_wait3A_85 = tpu.memref_slice %arg5[%multiple_of3A] : memref<320000xi32, #tpu.memory_space<hbm>> -> memref<80xi32, #tpu.memory_space<hbm>>
        tpu.wait_dma2 semaphore(%run_scoped3A : memref<!tpu.dma_semaphore, #tpu.memory_space<semaphore_mem>>) src(%dma_wait3A_85 : memref<80xi32, #tpu.memory_space<hbm>>) dst(%arg8 : memref<80xi32, #tpu.memory_space<vmem>>)
        tpu.yield
      }) : () -> ()
      "tpu.region"() ({
        %run_scoped3A = tpu.sem_alloc : memref<!tpu.dma_semaphore, #tpu.memory_space<semaphore_mem>>
        %dma_start3A_82 = tpu.memref_slice %arg6[%multiple_of3A] : memref<320000xi32, #tpu.memory_space<hbm>> -> memref<80xi32, #tpu.memory_space<hbm>>
        %dma_start3A_83 = tpu.memref_slice %arg6[%multiple_of3A] : memref<320000xi32, #tpu.memory_space<hbm>> -> memref<80xi32, #tpu.memory_space<hbm>>
        tpu.enqueue_dma source(%dma_start3A_83 : memref<80xi32, #tpu.memory_space<hbm>>) target(%arg9 : memref<80xi32, #tpu.memory_space<vmem>>) target_semaphore(%run_scoped3A : memref<!tpu.dma_semaphore, #tpu.memory_space<semaphore_mem>>)
        %dma_wait3A_84 = tpu.memref_slice %arg6[%multiple_of3A] : memref<320000xi32, #tpu.memory_space<hbm>> -> memref<80xi32, #tpu.memory_space<hbm>>
        %dma_wait3A_85 = tpu.memref_slice %arg6[%multiple_of3A] : memref<320000xi32, #tpu.memory_space<hbm>> -> memref<80xi32, #tpu.memory_space<hbm>>
        tpu.wait_dma2 semaphore(%run_scoped3A : memref<!tpu.dma_semaphore, #tpu.memory_space<semaphore_mem>>) src(%dma_wait3A_85 : memref<80xi32, #tpu.memory_space<hbm>>) dst(%arg9 : memref<80xi32, #tpu.memory_space<vmem>>)
        tpu.yield
      }) : () -> ()
      %dma_start3A = arith.constant 0 : i32
      %dma_start3A_77 = arith.constant 0 : i32
      %dma_start3A_78 = tpu.memref_slice %arg2[%dma_start3A, %dma_start3A_77] : memref<10000x128xf32, #tpu.memory_space<hbm>> -> memref<10000x128xf32, #tpu.memory_space<hbm>>
      tpu.enqueue_indirect_dma source(%dma_start3A_78 : memref<10000x128xf32, #tpu.memory_space<hbm>>) target(%arg10 : memref<80x128xf32, #tpu.memory_space<vmem>>) offsets(%arg8 : memref<80xi32, #tpu.memory_space<vmem>>) semaphore(%arg12 : memref<!tpu.dma_semaphore, #tpu.memory_space<semaphore_mem>>)
      %dma_wait3A = arith.constant 0 : i32
      %dma_wait3A_79 = arith.constant 0 : i32
      %dma_wait3A_80 = tpu.memref_slice %arg2[%dma_wait3A, %dma_wait3A_79] : memref<10000x128xf32, #tpu.memory_space<hbm>> -> memref<10000x128xf32, #tpu.memory_space<hbm>>
      tpu.wait_indirect_dma semaphore(%arg12 : memref<!tpu.dma_semaphore, #tpu.memory_space<semaphore_mem>>) src(%dma_wait3A_80 : memref<10000x128xf32, #tpu.memory_space<hbm>>) dst(%arg10 : memref<80x128xf32, #tpu.memory_space<vmem>>)
      "tpu.region"() ({
        %run_scoped3A = tpu.sem_alloc : memref<!tpu.dma_semaphore, #tpu.memory_space<semaphore_mem>>
        %dma_start3A_82 = arith.constant 0 : i32
        %dma_start3A_83 = arith.constant 0 : i32
        %dma_start3A_84 = tpu.memref_slice %arg13[%dma_start3A_82, %dma_start3A_83] : memref<10000x128xf32, #tpu.memory_space<vmem_shared>> -> memref<10000x128xf32, #tpu.memory_space<vmem_shared>>
        tpu.enqueue_indirect_dma source(%arg10 : memref<80x128xf32, #tpu.memory_space<vmem>>) target(%dma_start3A_84 : memref<10000x128xf32, #tpu.memory_space<vmem_shared>>) offsets(%arg9 : memref<80xi32, #tpu.memory_space<vmem>>) semaphore(%run_scoped3A : memref<!tpu.dma_semaphore, #tpu.memory_space<semaphore_mem>>) {add = true}
        %dma_wait3A_85 = arith.constant 0 : i32
        %dma_wait3A_86 = arith.constant 0 : i32
        %dma_wait3A_87 = tpu.memref_slice %arg13[%dma_wait3A_85, %dma_wait3A_86] : memref<10000x128xf32, #tpu.memory_space<vmem_shared>> -> memref<10000x128xf32, #tpu.memory_space<vmem_shared>>
        tpu.wait_indirect_dma semaphore(%run_scoped3A : memref<!tpu.dma_semaphore, #tpu.memory_space<semaphore_mem>>) src(%arg10 : memref<80x128xf32, #tpu.memory_space<vmem>>) dst(%dma_wait3A_87 : memref<10000x128xf32, #tpu.memory_space<vmem_shared>>)
        tpu.yield
      }) : () -> ()
      %scan3A_81 = arith.constant 0 : i32
      scf.yield %scan3A_81 : i32
    }
    %scan3A_39 = arith.constant 125 : i32
    %barrier3A_40 = arith.constant 0 : index
    tpu.barrier barrier_id(%barrier3A_40)
    %mul3A_41 = arith.constant 624 : i32
    %mul3A_42 = arith.muli %arg1, %mul3A_41 : i32
    %add3A_43 = arith.constant 0 : i32
    %add3A_44 = arith.addi %mul3A_42, %add3A_43 : i32
    "tpu.region"() ({
      %run_scoped3A = tpu.sem_alloc : memref<!tpu.dma_semaphore, #tpu.memory_space<semaphore_mem>>
      %dma_start3A = arith.constant 0 : i32
      %dma_start3A_70 = tpu.memref_slice %arg13[%add3A_44, %dma_start3A] : memref<10000x128xf32, #tpu.memory_space<vmem_shared>> -> memref<104x128xf32, #tpu.memory_space<vmem_shared>>
      %dma_start3A_71 = arith.constant 0 : i32
      %dma_start3A_72 = tpu.memref_slice %arg13[%add3A_44, %dma_start3A_71] : memref<10000x128xf32, #tpu.memory_space<vmem_shared>> -> memref<104x128xf32, #tpu.memory_space<vmem_shared>>
      tpu.enqueue_dma source(%dma_start3A_72 : memref<104x128xf32, #tpu.memory_space<vmem_shared>>) target(%arg11 : memref<104x128xf32, #tpu.memory_space<vmem>>) target_semaphore(%run_scoped3A : memref<!tpu.dma_semaphore, #tpu.memory_space<semaphore_mem>>)
      %dma_wait3A = arith.constant 0 : i32
      %dma_wait3A_73 = tpu.memref_slice %arg13[%add3A_44, %dma_wait3A] : memref<10000x128xf32, #tpu.memory_space<vmem_shared>> -> memref<104x128xf32, #tpu.memory_space<vmem_shared>>
      %dma_wait3A_74 = arith.constant 0 : i32
      %dma_wait3A_75 = tpu.memref_slice %arg13[%add3A_44, %dma_wait3A_74] : memref<10000x128xf32, #tpu.memory_space<vmem_shared>> -> memref<104x128xf32, #tpu.memory_space<vmem_shared>>
      tpu.wait_dma2 semaphore(%run_scoped3A : memref<!tpu.dma_semaphore, #tpu.memory_space<semaphore_mem>>) src(%dma_wait3A_75 : memref<104x128xf32, #tpu.memory_space<vmem_shared>>) dst(%arg11 : memref<104x128xf32, #tpu.memory_space<vmem>>)
      tpu.yield
    }) : () -> ()
    "tpu.region"() ({
      %run_scoped3A = tpu.sem_alloc : memref<!tpu.dma_semaphore, #tpu.memory_space<semaphore_mem>>
      %dma_start3A = arith.constant 0 : i32
      %dma_start3A_70 = tpu.memref_slice %arg7[%arg0, %add3A_44, %dma_start3A] : memref<2x10000x128xf32, #tpu.memory_space<hbm>> -> memref<1x104x128xf32, #tpu.memory_space<hbm>>
      %dma_start3A_71 = tpu.memref_squeeze %dma_start3A_70 : memref<1x104x128xf32, #tpu.memory_space<hbm>> -> memref<104x128xf32, #tpu.memory_space<hbm>>
      %dma_start3A_72 = arith.constant 0 : i32
      %dma_start3A_73 = tpu.memref_slice %arg7[%arg0, %add3A_44, %dma_start3A_72] : memref<2x10000x128xf32, #tpu.memory_space<hbm>> -> memref<1x104x128xf32, #tpu.memory_space<hbm>>
      %dma_start3A_74 = tpu.memref_squeeze %dma_start3A_73 : memref<1x104x128xf32, #tpu.memory_space<hbm>> -> memref<104x128xf32, #tpu.memory_space<hbm>>
      tpu.enqueue_dma source(%arg11 : memref<104x128xf32, #tpu.memory_space<vmem>>) target(%dma_start3A_74 : memref<104x128xf32, #tpu.memory_space<hbm>>) target_semaphore(%run_scoped3A : memref<!tpu.dma_semaphore, #tpu.memory_space<semaphore_mem>>)
      %dma_wait3A = arith.constant 0 : i32
      %dma_wait3A_75 = tpu.memref_slice %arg7[%arg0, %add3A_44, %dma_wait3A] : memref<2x10000x128xf32, #tpu.memory_space<hbm>> -> memref<1x104x128xf32, #tpu.memory_space<hbm>>
      %dma_wait3A_76 = tpu.memref_squeeze %dma_wait3A_75 : memref<1x104x128xf32, #tpu.memory_space<hbm>> -> memref<104x128xf32, #tpu.memory_space<hbm>>
      %dma_wait3A_77 = arith.constant 0 : i32
      %dma_wait3A_78 = tpu.memref_slice %arg7[%arg0, %add3A_44, %dma_wait3A_77] : memref<2x10000x128xf32, #tpu.memory_space<hbm>> -> memref<1x104x128xf32, #tpu.memory_space<hbm>>
      %dma_wait3A_79 = tpu.memref_squeeze %dma_wait3A_78 : memref<1x104x128xf32, #tpu.memory_space<hbm>> -> memref<104x128xf32, #tpu.memory_space<hbm>>
      tpu.wait_dma2 semaphore(%run_scoped3A : memref<!tpu.dma_semaphore, #tpu.memory_space<semaphore_mem>>) src(%arg11 : memref<104x128xf32, #tpu.memory_space<vmem>>) dst(%dma_wait3A_79 : memref<104x128xf32, #tpu.memory_space<hbm>>)
      tpu.yield
    }) : () -> ()
    %mul3A_45 = arith.constant 624 : i32
    %mul3A_46 = arith.muli %arg1, %mul3A_45 : i32
    %add3A_47 = arith.constant 104 : i32
    %add3A_48 = arith.addi %mul3A_46, %add3A_47 : i32
    "tpu.region"() ({
      %run_scoped3A = tpu.sem_alloc : memref<!tpu.dma_semaphore, #tpu.memory_space<semaphore_mem>>
      %dma_start3A = arith.constant 0 : i32
      %dma_start3A_70 = tpu.memref_slice %arg13[%add3A_48, %dma_start3A] : memref<10000x128xf32, #tpu.memory_space<vmem_shared>> -> memref<104x128xf32, #tpu.memory_space<vmem_shared>>
      %dma_start3A_71 = arith.constant 0 : i32
      %dma_start3A_72 = tpu.memref_slice %arg13[%add3A_48, %dma_start3A_71] : memref<10000x128xf32, #tpu.memory_space<vmem_shared>> -> memref<104x128xf32, #tpu.memory_space<vmem_shared>>
      tpu.enqueue_dma source(%dma_start3A_72 : memref<104x128xf32, #tpu.memory_space<vmem_shared>>) target(%arg11 : memref<104x128xf32, #tpu.memory_space<vmem>>) target_semaphore(%run_scoped3A : memref<!tpu.dma_semaphore, #tpu.memory_space<semaphore_mem>>)
      %dma_wait3A = arith.constant 0 : i32
      %dma_wait3A_73 = tpu.memref_slice %arg13[%add3A_48, %dma_wait3A] : memref<10000x128xf32, #tpu.memory_space<vmem_shared>> -> memref<104x128xf32, #tpu.memory_space<vmem_shared>>
      %dma_wait3A_74 = arith.constant 0 : i32
      %dma_wait3A_75 = tpu.memref_slice %arg13[%add3A_48, %dma_wait3A_74] : memref<10000x128xf32, #tpu.memory_space<vmem_shared>> -> memref<104x128xf32, #tpu.memory_space<vmem_shared>>
      tpu.wait_dma2 semaphore(%run_scoped3A : memref<!tpu.dma_semaphore, #tpu.memory_space<semaphore_mem>>) src(%dma_wait3A_75 : memref<104x128xf32, #tpu.memory_space<vmem_shared>>) dst(%arg11 : memref<104x128xf32, #tpu.memory_space<vmem>>)
      tpu.yield
    }) : () -> ()
    "tpu.region"() ({
      %run_scoped3A = tpu.sem_alloc : memref<!tpu.dma_semaphore, #tpu.memory_space<semaphore_mem>>
      %dma_start3A = arith.constant 0 : i32
      %dma_start3A_70 = tpu.memref_slice %arg7[%arg0, %add3A_48, %dma_start3A] : memref<2x10000x128xf32, #tpu.memory_space<hbm>> -> memref<1x104x128xf32, #tpu.memory_space<hbm>>
      %dma_start3A_71 = tpu.memref_squeeze %dma_start3A_70 : memref<1x104x128xf32, #tpu.memory_space<hbm>> -> memref<104x128xf32, #tpu.memory_space<hbm>>
      %dma_start3A_72 = arith.constant 0 : i32
      %dma_start3A_73 = tpu.memref_slice %arg7[%arg0, %add3A_48, %dma_start3A_72] : memref<2x10000x128xf32, #tpu.memory_space<hbm>> -> memref<1x104x128xf32, #tpu.memory_space<hbm>>
      %dma_start3A_74 = tpu.memref_squeeze %dma_start3A_73 : memref<1x104x128xf32, #tpu.memory_space<hbm>> -> memref<104x128xf32, #tpu.memory_space<hbm>>
      tpu.enqueue_dma source(%arg11 : memref<104x128xf32, #tpu.memory_space<vmem>>) target(%dma_start3A_74 : memref<104x128xf32, #tpu.memory_space<hbm>>) target_semaphore(%run_scoped3A : memref<!tpu.dma_semaphore, #tpu.memory_space<semaphore_mem>>)
      %dma_wait3A = arith.constant 0 : i32
      %dma_wait3A_75 = tpu.memref_slice %arg7[%arg0, %add3A_48, %dma_wait3A] : memref<2x10000x128xf32, #tpu.memory_space<hbm>> -> memref<1x104x128xf32, #tpu.memory_space<hbm>>
      %dma_wait3A_76 = tpu.memref_squeeze %dma_wait3A_75 : memref<1x104x128xf32, #tpu.memory_space<hbm>> -> memref<104x128xf32, #tpu.memory_space<hbm>>
      %dma_wait3A_77 = arith.constant 0 : i32
      %dma_wait3A_78 = tpu.memref_slice %arg7[%arg0, %add3A_48, %dma_wait3A_77] : memref<2x10000x128xf32, #tpu.memory_space<hbm>> -> memref<1x104x128xf32, #tpu.memory_space<hbm>>
      %dma_wait3A_79 = tpu.memref_squeeze %dma_wait3A_78 : memref<1x104x128xf32, #tpu.memory_space<hbm>> -> memref<104x128xf32, #tpu.memory_space<hbm>>
      tpu.wait_dma2 semaphore(%run_scoped3A : memref<!tpu.dma_semaphore, #tpu.memory_space<semaphore_mem>>) src(%arg11 : memref<104x128xf32, #tpu.memory_space<vmem>>) dst(%dma_wait3A_79 : memref<104x128xf32, #tpu.memory_space<hbm>>)
      tpu.yield
    }) : () -> ()
    %mul3A_49 = arith.constant 624 : i32
    %mul3A_50 = arith.muli %arg1, %mul3A_49 : i32
    %add3A_51 = arith.constant 208 : i32
    %add3A_52 = arith.addi %mul3A_50, %add3A_51 : i32
    "tpu.region"() ({
      %run_scoped3A = tpu.sem_alloc : memref<!tpu.dma_semaphore, #tpu.memory_space<semaphore_mem>>
      %dma_start3A = arith.constant 0 : i32
      %dma_start3A_70 = tpu.memref_slice %arg13[%add3A_52, %dma_start3A] : memref<10000x128xf32, #tpu.memory_space<vmem_shared>> -> memref<104x128xf32, #tpu.memory_space<vmem_shared>>
      %dma_start3A_71 = arith.constant 0 : i32
      %dma_start3A_72 = tpu.memref_slice %arg13[%add3A_52, %dma_start3A_71] : memref<10000x128xf32, #tpu.memory_space<vmem_shared>> -> memref<104x128xf32, #tpu.memory_space<vmem_shared>>
      tpu.enqueue_dma source(%dma_start3A_72 : memref<104x128xf32, #tpu.memory_space<vmem_shared>>) target(%arg11 : memref<104x128xf32, #tpu.memory_space<vmem>>) target_semaphore(%run_scoped3A : memref<!tpu.dma_semaphore, #tpu.memory_space<semaphore_mem>>)
      %dma_wait3A = arith.constant 0 : i32
      %dma_wait3A_73 = tpu.memref_slice %arg13[%add3A_52, %dma_wait3A] : memref<10000x128xf32, #tpu.memory_space<vmem_shared>> -> memref<104x128xf32, #tpu.memory_space<vmem_shared>>
      %dma_wait3A_74 = arith.constant 0 : i32
      %dma_wait3A_75 = tpu.memref_slice %arg13[%add3A_52, %dma_wait3A_74] : memref<10000x128xf32, #tpu.memory_space<vmem_shared>> -> memref<104x128xf32, #tpu.memory_space<vmem_shared>>
      tpu.wait_dma2 semaphore(%run_scoped3A : memref<!tpu.dma_semaphore, #tpu.memory_space<semaphore_mem>>) src(%dma_wait3A_75 : memref<104x128xf32, #tpu.memory_space<vmem_shared>>) dst(%arg11 : memref<104x128xf32, #tpu.memory_space<vmem>>)
      tpu.yield
    }) : () -> ()
    "tpu.region"() ({
      %run_scoped3A = tpu.sem_alloc : memref<!tpu.dma_semaphore, #tpu.memory_space<semaphore_mem>>
      %dma_start3A = arith.constant 0 : i32
      %dma_start3A_70 = tpu.memref_slice %arg7[%arg0, %add3A_52, %dma_start3A] : memref<2x10000x128xf32, #tpu.memory_space<hbm>> -> memref<1x104x128xf32, #tpu.memory_space<hbm>>
      %dma_start3A_71 = tpu.memref_squeeze %dma_start3A_70 : memref<1x104x128xf32, #tpu.memory_space<hbm>> -> memref<104x128xf32, #tpu.memory_space<hbm>>
      %dma_start3A_72 = arith.constant 0 : i32
      %dma_start3A_73 = tpu.memref_slice %arg7[%arg0, %add3A_52, %dma_start3A_72] : memref<2x10000x128xf32, #tpu.memory_space<hbm>> -> memref<1x104x128xf32, #tpu.memory_space<hbm>>
      %dma_start3A_74 = tpu.memref_squeeze %dma_start3A_73 : memref<1x104x128xf32, #tpu.memory_space<hbm>> -> memref<104x128xf32, #tpu.memory_space<hbm>>
      tpu.enqueue_dma source(%arg11 : memref<104x128xf32, #tpu.memory_space<vmem>>) target(%dma_start3A_74 : memref<104x128xf32, #tpu.memory_space<hbm>>) target_semaphore(%run_scoped3A : memref<!tpu.dma_semaphore, #tpu.memory_space<semaphore_mem>>)
      %dma_wait3A = arith.constant 0 : i32
      %dma_wait3A_75 = tpu.memref_slice %arg7[%arg0, %add3A_52, %dma_wait3A] : memref<2x10000x128xf32, #tpu.memory_space<hbm>> -> memref<1x104x128xf32, #tpu.memory_space<hbm>>
      %dma_wait3A_76 = tpu.memref_squeeze %dma_wait3A_75 : memref<1x104x128xf32, #tpu.memory_space<hbm>> -> memref<104x128xf32, #tpu.memory_space<hbm>>
      %dma_wait3A_77 = arith.constant 0 : i32
      %dma_wait3A_78 = tpu.memref_slice %arg7[%arg0, %add3A_52, %dma_wait3A_77] : memref<2x10000x128xf32, #tpu.memory_space<hbm>> -> memref<1x104x128xf32, #tpu.memory_space<hbm>>
      %dma_wait3A_79 = tpu.memref_squeeze %dma_wait3A_78 : memref<1x104x128xf32, #tpu.memory_space<hbm>> -> memref<104x128xf32, #tpu.memory_space<hbm>>
      tpu.wait_dma2 semaphore(%run_scoped3A : memref<!tpu.dma_semaphore, #tpu.memory_space<semaphore_mem>>) src(%arg11 : memref<104x128xf32, #tpu.memory_space<vmem>>) dst(%dma_wait3A_79 : memref<104x128xf32, #tpu.memory_space<hbm>>)
      tpu.yield
    }) : () -> ()
    %mul3A_53 = arith.constant 624 : i32
    %mul3A_54 = arith.muli %arg1, %mul3A_53 : i32
    %add3A_55 = arith.constant 312 : i32
    %add3A_56 = arith.addi %mul3A_54, %add3A_55 : i32
    "tpu.region"() ({
      %run_scoped3A = tpu.sem_alloc : memref<!tpu.dma_semaphore, #tpu.memory_space<semaphore_mem>>
      %dma_start3A = arith.constant 0 : i32
      %dma_start3A_70 = tpu.memref_slice %arg13[%add3A_56, %dma_start3A] : memref<10000x128xf32, #tpu.memory_space<vmem_shared>> -> memref<104x128xf32, #tpu.memory_space<vmem_shared>>
      %dma_start3A_71 = arith.constant 0 : i32
      %dma_start3A_72 = tpu.memref_slice %arg13[%add3A_56, %dma_start3A_71] : memref<10000x128xf32, #tpu.memory_space<vmem_shared>> -> memref<104x128xf32, #tpu.memory_space<vmem_shared>>
      tpu.enqueue_dma source(%dma_start3A_72 : memref<104x128xf32, #tpu.memory_space<vmem_shared>>) target(%arg11 : memref<104x128xf32, #tpu.memory_space<vmem>>) target_semaphore(%run_scoped3A : memref<!tpu.dma_semaphore, #tpu.memory_space<semaphore_mem>>)
      %dma_wait3A = arith.constant 0 : i32
      %dma_wait3A_73 = tpu.memref_slice %arg13[%add3A_56, %dma_wait3A] : memref<10000x128xf32, #tpu.memory_space<vmem_shared>> -> memref<104x128xf32, #tpu.memory_space<vmem_shared>>
      %dma_wait3A_74 = arith.constant 0 : i32
      %dma_wait3A_75 = tpu.memref_slice %arg13[%add3A_56, %dma_wait3A_74] : memref<10000x128xf32, #tpu.memory_space<vmem_shared>> -> memref<104x128xf32, #tpu.memory_space<vmem_shared>>
      tpu.wait_dma2 semaphore(%run_scoped3A : memref<!tpu.dma_semaphore, #tpu.memory_space<semaphore_mem>>) src(%dma_wait3A_75 : memref<104x128xf32, #tpu.memory_space<vmem_shared>>) dst(%arg11 : memref<104x128xf32, #tpu.memory_space<vmem>>)
      tpu.yield
    }) : () -> ()
    "tpu.region"() ({
      %run_scoped3A = tpu.sem_alloc : memref<!tpu.dma_semaphore, #tpu.memory_space<semaphore_mem>>
      %dma_start3A = arith.constant 0 : i32
      %dma_start3A_70 = tpu.memref_slice %arg7[%arg0, %add3A_56, %dma_start3A] : memref<2x10000x128xf32, #tpu.memory_space<hbm>> -> memref<1x104x128xf32, #tpu.memory_space<hbm>>
      %dma_start3A_71 = tpu.memref_squeeze %dma_start3A_70 : memref<1x104x128xf32, #tpu.memory_space<hbm>> -> memref<104x128xf32, #tpu.memory_space<hbm>>
      %dma_start3A_72 = arith.constant 0 : i32
      %dma_start3A_73 = tpu.memref_slice %arg7[%arg0, %add3A_56, %dma_start3A_72] : memref<2x10000x128xf32, #tpu.memory_space<hbm>> -> memref<1x104x128xf32, #tpu.memory_space<hbm>>
      %dma_start3A_74 = tpu.memref_squeeze %dma_start3A_73 : memref<1x104x128xf32, #tpu.memory_space<hbm>> -> memref<104x128xf32, #tpu.memory_space<hbm>>
      tpu.enqueue_dma source(%arg11 : memref<104x128xf32, #tpu.memory_space<vmem>>) target(%dma_start3A_74 : memref<104x128xf32, #tpu.memory_space<hbm>>) target_semaphore(%run_scoped3A : memref<!tpu.dma_semaphore, #tpu.memory_space<semaphore_mem>>)
      %dma_wait3A = arith.constant 0 : i32
      %dma_wait3A_75 = tpu.memref_slice %arg7[%arg0, %add3A_56, %dma_wait3A] : memref<2x10000x128xf32, #tpu.memory_space<hbm>> -> memref<1x104x128xf32, #tpu.memory_space<hbm>>
      %dma_wait3A_76 = tpu.memref_squeeze %dma_wait3A_75 : memref<1x104x128xf32, #tpu.memory_space<hbm>> -> memref<104x128xf32, #tpu.memory_space<hbm>>
      %dma_wait3A_77 = arith.constant 0 : i32
      %dma_wait3A_78 = tpu.memref_slice %arg7[%arg0, %add3A_56, %dma_wait3A_77] : memref<2x10000x128xf32, #tpu.memory_space<hbm>> -> memref<1x104x128xf32, #tpu.memory_space<hbm>>
      %dma_wait3A_79 = tpu.memref_squeeze %dma_wait3A_78 : memref<1x104x128xf32, #tpu.memory_space<hbm>> -> memref<104x128xf32, #tpu.memory_space<hbm>>
      tpu.wait_dma2 semaphore(%run_scoped3A : memref<!tpu.dma_semaphore, #tpu.memory_space<semaphore_mem>>) src(%arg11 : memref<104x128xf32, #tpu.memory_space<vmem>>) dst(%dma_wait3A_79 : memref<104x128xf32, #tpu.memory_space<hbm>>)
      tpu.yield
    }) : () -> ()
    %mul3A_57 = arith.constant 624 : i32
    %mul3A_58 = arith.muli %arg1, %mul3A_57 : i32
    %add3A_59 = arith.constant 416 : i32
    %add3A_60 = arith.addi %mul3A_58, %add3A_59 : i32
    "tpu.region"() ({
      %run_scoped3A = tpu.sem_alloc : memref<!tpu.dma_semaphore, #tpu.memory_space<semaphore_mem>>
      %dma_start3A = arith.constant 0 : i32
      %dma_start3A_70 = tpu.memref_slice %arg13[%add3A_60, %dma_start3A] : memref<10000x128xf32, #tpu.memory_space<vmem_shared>> -> memref<104x128xf32, #tpu.memory_space<vmem_shared>>
      %dma_start3A_71 = arith.constant 0 : i32
      %dma_start3A_72 = tpu.memref_slice %arg13[%add3A_60, %dma_start3A_71] : memref<10000x128xf32, #tpu.memory_space<vmem_shared>> -> memref<104x128xf32, #tpu.memory_space<vmem_shared>>
      tpu.enqueue_dma source(%dma_start3A_72 : memref<104x128xf32, #tpu.memory_space<vmem_shared>>) target(%arg11 : memref<104x128xf32, #tpu.memory_space<vmem>>) target_semaphore(%run_scoped3A : memref<!tpu.dma_semaphore, #tpu.memory_space<semaphore_mem>>)
      %dma_wait3A = arith.constant 0 : i32
      %dma_wait3A_73 = tpu.memref_slice %arg13[%add3A_60, %dma_wait3A] : memref<10000x128xf32, #tpu.memory_space<vmem_shared>> -> memref<104x128xf32, #tpu.memory_space<vmem_shared>>
      %dma_wait3A_74 = arith.constant 0 : i32
      %dma_wait3A_75 = tpu.memref_slice %arg13[%add3A_60, %dma_wait3A_74] : memref<10000x128xf32, #tpu.memory_space<vmem_shared>> -> memref<104x128xf32, #tpu.memory_space<vmem_shared>>
      tpu.wait_dma2 semaphore(%run_scoped3A : memref<!tpu.dma_semaphore, #tpu.memory_space<semaphore_mem>>) src(%dma_wait3A_75 : memref<104x128xf32, #tpu.memory_space<vmem_shared>>) dst(%arg11 : memref<104x128xf32, #tpu.memory_space<vmem>>)
      tpu.yield
    }) : () -> ()
    "tpu.region"() ({
      %run_scoped3A = tpu.sem_alloc : memref<!tpu.dma_semaphore, #tpu.memory_space<semaphore_mem>>
      %dma_start3A = arith.constant 0 : i32
      %dma_start3A_70 = tpu.memref_slice %arg7[%arg0, %add3A_60, %dma_start3A] : memref<2x10000x128xf32, #tpu.memory_space<hbm>> -> memref<1x104x128xf32, #tpu.memory_space<hbm>>
      %dma_start3A_71 = tpu.memref_squeeze %dma_start3A_70 : memref<1x104x128xf32, #tpu.memory_space<hbm>> -> memref<104x128xf32, #tpu.memory_space<hbm>>
      %dma_start3A_72 = arith.constant 0 : i32
      %dma_start3A_73 = tpu.memref_slice %arg7[%arg0, %add3A_60, %dma_start3A_72] : memref<2x10000x128xf32, #tpu.memory_space<hbm>> -> memref<1x104x128xf32, #tpu.memory_space<hbm>>
      %dma_start3A_74 = tpu.memref_squeeze %dma_start3A_73 : memref<1x104x128xf32, #tpu.memory_space<hbm>> -> memref<104x128xf32, #tpu.memory_space<hbm>>
      tpu.enqueue_dma source(%arg11 : memref<104x128xf32, #tpu.memory_space<vmem>>) target(%dma_start3A_74 : memref<104x128xf32, #tpu.memory_space<hbm>>) target_semaphore(%run_scoped3A : memref<!tpu.dma_semaphore, #tpu.memory_space<semaphore_mem>>)
      %dma_wait3A = arith.constant 0 : i32
      %dma_wait3A_75 = tpu.memref_slice %arg7[%arg0, %add3A_60, %dma_wait3A] : memref<2x10000x128xf32, #tpu.memory_space<hbm>> -> memref<1x104x128xf32, #tpu.memory_space<hbm>>
      %dma_wait3A_76 = tpu.memref_squeeze %dma_wait3A_75 : memref<1x104x128xf32, #tpu.memory_space<hbm>> -> memref<104x128xf32, #tpu.memory_space<hbm>>
      %dma_wait3A_77 = arith.constant 0 : i32
      %dma_wait3A_78 = tpu.memref_slice %arg7[%arg0, %add3A_60, %dma_wait3A_77] : memref<2x10000x128xf32, #tpu.memory_space<hbm>> -> memref<1x104x128xf32, #tpu.memory_space<hbm>>
      %dma_wait3A_79 = tpu.memref_squeeze %dma_wait3A_78 : memref<1x104x128xf32, #tpu.memory_space<hbm>> -> memref<104x128xf32, #tpu.memory_space<hbm>>
      tpu.wait_dma2 semaphore(%run_scoped3A : memref<!tpu.dma_semaphore, #tpu.memory_space<semaphore_mem>>) src(%arg11 : memref<104x128xf32, #tpu.memory_space<vmem>>) dst(%dma_wait3A_79 : memref<104x128xf32, #tpu.memory_space<hbm>>)
      tpu.yield
    }) : () -> ()
    %mul3A_61 = arith.constant 624 : i32
    %mul3A_62 = arith.muli %arg1, %mul3A_61 : i32
    %add3A_63 = arith.constant 520 : i32
    %add3A_64 = arith.addi %mul3A_62, %add3A_63 : i32
    "tpu.region"() ({
      %run_scoped3A = tpu.sem_alloc : memref<!tpu.dma_semaphore, #tpu.memory_space<semaphore_mem>>
      %dma_start3A = arith.constant 0 : i32
      %dma_start3A_70 = tpu.memref_slice %arg13[%add3A_64, %dma_start3A] : memref<10000x128xf32, #tpu.memory_space<vmem_shared>> -> memref<104x128xf32, #tpu.memory_space<vmem_shared>>
      %dma_start3A_71 = arith.constant 0 : i32
      %dma_start3A_72 = tpu.memref_slice %arg13[%add3A_64, %dma_start3A_71] : memref<10000x128xf32, #tpu.memory_space<vmem_shared>> -> memref<104x128xf32, #tpu.memory_space<vmem_shared>>
      tpu.enqueue_dma source(%dma_start3A_72 : memref<104x128xf32, #tpu.memory_space<vmem_shared>>) target(%arg11 : memref<104x128xf32, #tpu.memory_space<vmem>>) target_semaphore(%run_scoped3A : memref<!tpu.dma_semaphore, #tpu.memory_space<semaphore_mem>>)
      %dma_wait3A = arith.constant 0 : i32
      %dma_wait3A_73 = tpu.memref_slice %arg13[%add3A_64, %dma_wait3A] : memref<10000x128xf32, #tpu.memory_space<vmem_shared>> -> memref<104x128xf32, #tpu.memory_space<vmem_shared>>
      %dma_wait3A_74 = arith.constant 0 : i32
      %dma_wait3A_75 = tpu.memref_slice %arg13[%add3A_64, %dma_wait3A_74] : memref<10000x128xf32, #tpu.memory_space<vmem_shared>> -> memref<104x128xf32, #tpu.memory_space<vmem_shared>>
      tpu.wait_dma2 semaphore(%run_scoped3A : memref<!tpu.dma_semaphore, #tpu.memory_space<semaphore_mem>>) src(%dma_wait3A_75 : memref<104x128xf32, #tpu.memory_space<vmem_shared>>) dst(%arg11 : memref<104x128xf32, #tpu.memory_space<vmem>>)
      tpu.yield
    }) : () -> ()
    "tpu.region"() ({
      %run_scoped3A = tpu.sem_alloc : memref<!tpu.dma_semaphore, #tpu.memory_space<semaphore_mem>>
      %dma_start3A = arith.constant 0 : i32
      %dma_start3A_70 = tpu.memref_slice %arg7[%arg0, %add3A_64, %dma_start3A] : memref<2x10000x128xf32, #tpu.memory_space<hbm>> -> memref<1x104x128xf32, #tpu.memory_space<hbm>>
      %dma_start3A_71 = tpu.memref_squeeze %dma_start3A_70 : memref<1x104x128xf32, #tpu.memory_space<hbm>> -> memref<104x128xf32, #tpu.memory_space<hbm>>
      %dma_start3A_72 = arith.constant 0 : i32
      %dma_start3A_73 = tpu.memref_slice %arg7[%arg0, %add3A_64, %dma_start3A_72] : memref<2x10000x128xf32, #tpu.memory_space<hbm>> -> memref<1x104x128xf32, #tpu.memory_space<hbm>>
      %dma_start3A_74 = tpu.memref_squeeze %dma_start3A_73 : memref<1x104x128xf32, #tpu.memory_space<hbm>> -> memref<104x128xf32, #tpu.memory_space<hbm>>
      tpu.enqueue_dma source(%arg11 : memref<104x128xf32, #tpu.memory_space<vmem>>) target(%dma_start3A_74 : memref<104x128xf32, #tpu.memory_space<hbm>>) target_semaphore(%run_scoped3A : memref<!tpu.dma_semaphore, #tpu.memory_space<semaphore_mem>>)
      %dma_wait3A = arith.constant 0 : i32
      %dma_wait3A_75 = tpu.memref_slice %arg7[%arg0, %add3A_64, %dma_wait3A] : memref<2x10000x128xf32, #tpu.memory_space<hbm>> -> memref<1x104x128xf32, #tpu.memory_space<hbm>>
      %dma_wait3A_76 = tpu.memref_squeeze %dma_wait3A_75 : memref<1x104x128xf32, #tpu.memory_space<hbm>> -> memref<104x128xf32, #tpu.memory_space<hbm>>
      %dma_wait3A_77 = arith.constant 0 : i32
      %dma_wait3A_78 = tpu.memref_slice %arg7[%arg0, %add3A_64, %dma_wait3A_77] : memref<2x10000x128xf32, #tpu.memory_space<hbm>> -> memref<1x104x128xf32, #tpu.memory_space<hbm>>
      %dma_wait3A_79 = tpu.memref_squeeze %dma_wait3A_78 : memref<1x104x128xf32, #tpu.memory_space<hbm>> -> memref<104x128xf32, #tpu.memory_space<hbm>>
      tpu.wait_dma2 semaphore(%run_scoped3A : memref<!tpu.dma_semaphore, #tpu.memory_space<semaphore_mem>>) src(%arg11 : memref<104x128xf32, #tpu.memory_space<vmem>>) dst(%dma_wait3A_79 : memref<104x128xf32, #tpu.memory_space<hbm>>)
      tpu.yield
    }) : () -> ()
    %eq3A_65 = arith.constant 15 : i32
    %eq3A_66 = arith.cmpi eq, %arg1, %eq3A_65 : i32
    %convert_element_type3A_67 = arith.extui %eq3A_66 : i1 to i32
    %cond3A_68 = arith.constant 0 : i32
    %cond3A_69 = arith.cmpi ne, %convert_element_type3A_67, %cond3A_68 : i32
    scf.if %cond3A_69 {
      "tpu.region"() ({
        %run_scoped3A = tpu.sem_alloc : memref<!tpu.dma_semaphore, #tpu.memory_space<semaphore_mem>>
        %dma_start3A = arith.constant 0 : i32
        %dma_start3A_70 = arith.constant 0 : i32
        %dma_start3A_71 = tpu.memref_slice %arg11[%dma_start3A, %dma_start3A_70] : memref<104x128xf32, #tpu.memory_space<vmem>> -> memref<16x128xf32, #tpu.memory_space<vmem>>
        %dma_start3A_72 = arith.constant 9984 : i32
        %dma_start3A_73 = arith.constant 0 : i32
        %dma_start3A_74 = tpu.memref_slice %arg13[%dma_start3A_72, %dma_start3A_73] : memref<10000x128xf32, #tpu.memory_space<vmem_shared>> -> memref<16x128xf32, #tpu.memory_space<vmem_shared>>
        %dma_start3A_75 = arith.constant 0 : i32
        %dma_start3A_76 = arith.constant 0 : i32
        %dma_start3A_77 = tpu.memref_slice %arg11[%dma_start3A_75, %dma_start3A_76] : memref<104x128xf32, #tpu.memory_space<vmem>> -> memref<16x128xf32, #tpu.memory_space<vmem>>
        %dma_start3A_78 = arith.constant 9984 : i32
        %dma_start3A_79 = arith.constant 0 : i32
        %dma_start3A_80 = tpu.memref_slice %arg13[%dma_start3A_78, %dma_start3A_79] : memref<10000x128xf32, #tpu.memory_space<vmem_shared>> -> memref<16x128xf32, #tpu.memory_space<vmem_shared>>
        tpu.enqueue_dma source(%dma_start3A_80 : memref<16x128xf32, #tpu.memory_space<vmem_shared>>) target(%dma_start3A_77 : memref<16x128xf32, #tpu.memory_space<vmem>>) target_semaphore(%run_scoped3A : memref<!tpu.dma_semaphore, #tpu.memory_space<semaphore_mem>>)
        %dma_wait3A = arith.constant 0 : i32
        %dma_wait3A_81 = arith.constant 0 : i32
        %dma_wait3A_82 = tpu.memref_slice %arg11[%dma_wait3A, %dma_wait3A_81] : memref<104x128xf32, #tpu.memory_space<vmem>> -> memref<16x128xf32, #tpu.memory_space<vmem>>
        %dma_wait3A_83 = arith.constant 9984 : i32
        %dma_wait3A_84 = arith.constant 0 : i32
        %dma_wait3A_85 = tpu.memref_slice %arg13[%dma_wait3A_83, %dma_wait3A_84] : memref<10000x128xf32, #tpu.memory_space<vmem_shared>> -> memref<16x128xf32, #tpu.memory_space<vmem_shared>>
        %dma_wait3A_86 = arith.constant 0 : i32
        %dma_wait3A_87 = arith.constant 0 : i32
        %dma_wait3A_88 = tpu.memref_slice %arg11[%dma_wait3A_86, %dma_wait3A_87] : memref<104x128xf32, #tpu.memory_space<vmem>> -> memref<16x128xf32, #tpu.memory_space<vmem>>
        %dma_wait3A_89 = arith.constant 9984 : i32
        %dma_wait3A_90 = arith.constant 0 : i32
        %dma_wait3A_91 = tpu.memref_slice %arg13[%dma_wait3A_89, %dma_wait3A_90] : memref<10000x128xf32, #tpu.memory_space<vmem_shared>> -> memref<16x128xf32, #tpu.memory_space<vmem_shared>>
        tpu.wait_dma2 semaphore(%run_scoped3A : memref<!tpu.dma_semaphore, #tpu.memory_space<semaphore_mem>>) src(%dma_wait3A_91 : memref<16x128xf32, #tpu.memory_space<vmem_shared>>) dst(%dma_wait3A_88 : memref<16x128xf32, #tpu.memory_space<vmem>>)
        tpu.yield
      }) : () -> ()
      "tpu.region"() ({
        %run_scoped3A = tpu.sem_alloc : memref<!tpu.dma_semaphore, #tpu.memory_space<semaphore_mem>>
        %dma_start3A = arith.constant 0 : i32
        %dma_start3A_70 = arith.constant 0 : i32
        %dma_start3A_71 = tpu.memref_slice %arg11[%dma_start3A, %dma_start3A_70] : memref<104x128xf32, #tpu.memory_space<vmem>> -> memref<16x128xf32, #tpu.memory_space<vmem>>
        %dma_start3A_72 = arith.constant 9984 : i32
        %dma_start3A_73 = arith.constant 0 : i32
        %dma_start3A_74 = tpu.memref_slice %arg7[%arg0, %dma_start3A_72, %dma_start3A_73] : memref<2x10000x128xf32, #tpu.memory_space<hbm>> -> memref<1x16x128xf32, #tpu.memory_space<hbm>>
        %dma_start3A_75 = tpu.memref_squeeze %dma_start3A_74 : memref<1x16x128xf32, #tpu.memory_space<hbm>> -> memref<16x128xf32, #tpu.memory_space<hbm>>
        %dma_start3A_76 = arith.constant 9984 : i32
        %dma_start3A_77 = arith.constant 0 : i32
        %dma_start3A_78 = tpu.memref_slice %arg7[%arg0, %dma_start3A_76, %dma_start3A_77] : memref<2x10000x128xf32, #tpu.memory_space<hbm>> -> memref<1x16x128xf32, #tpu.memory_space<hbm>>
        %dma_start3A_79 = tpu.memref_squeeze %dma_start3A_78 : memref<1x16x128xf32, #tpu.memory_space<hbm>> -> memref<16x128xf32, #tpu.memory_space<hbm>>
        %dma_start3A_80 = arith.constant 0 : i32
        %dma_start3A_81 = arith.constant 0 : i32
        %dma_start3A_82 = tpu.memref_slice %arg11[%dma_start3A_80, %dma_start3A_81] : memref<104x128xf32, #tpu.memory_space<vmem>> -> memref<16x128xf32, #tpu.memory_space<vmem>>
        tpu.enqueue_dma source(%dma_start3A_82 : memref<16x128xf32, #tpu.memory_space<vmem>>) target(%dma_start3A_79 : memref<16x128xf32, #tpu.memory_space<hbm>>) target_semaphore(%run_scoped3A : memref<!tpu.dma_semaphore, #tpu.memory_space<semaphore_mem>>)
        %dma_wait3A = arith.constant 0 : i32
        %dma_wait3A_83 = arith.constant 0 : i32
        %dma_wait3A_84 = tpu.memref_slice %arg11[%dma_wait3A, %dma_wait3A_83] : memref<104x128xf32, #tpu.memory_space<vmem>> -> memref<16x128xf32, #tpu.memory_space<vmem>>
        %dma_wait3A_85 = arith.constant 9984 : i32
        %dma_wait3A_86 = arith.constant 0 : i32
        %dma_wait3A_87 = tpu.memref_slice %arg7[%arg0, %dma_wait3A_85, %dma_wait3A_86] : memref<2x10000x128xf32, #tpu.memory_space<hbm>> -> memref<1x16x128xf32, #tpu.memory_space<hbm>>
        %dma_wait3A_88 = tpu.memref_squeeze %dma_wait3A_87 : memref<1x16x128xf32, #tpu.memory_space<hbm>> -> memref<16x128xf32, #tpu.memory_space<hbm>>
        %dma_wait3A_89 = arith.constant 9984 : i32
        %dma_wait3A_90 = arith.constant 0 : i32
        %dma_wait3A_91 = tpu.memref_slice %arg7[%arg0, %dma_wait3A_89, %dma_wait3A_90] : memref<2x10000x128xf32, #tpu.memory_space<hbm>> -> memref<1x16x128xf32, #tpu.memory_space<hbm>>
        %dma_wait3A_92 = tpu.memref_squeeze %dma_wait3A_91 : memref<1x16x128xf32, #tpu.memory_space<hbm>> -> memref<16x128xf32, #tpu.memory_space<hbm>>
        %dma_wait3A_93 = arith.constant 0 : i32
        %dma_wait3A_94 = arith.constant 0 : i32
        %dma_wait3A_95 = tpu.memref_slice %arg11[%dma_wait3A_93, %dma_wait3A_94] : memref<104x128xf32, #tpu.memory_space<vmem>> -> memref<16x128xf32, #tpu.memory_space<vmem>>
        tpu.wait_dma2 semaphore(%run_scoped3A : memref<!tpu.dma_semaphore, #tpu.memory_space<semaphore_mem>>) src(%dma_wait3A_95 : memref<16x128xf32, #tpu.memory_space<vmem>>) dst(%dma_wait3A_92 : memref<16x128xf32, #tpu.memory_space<hbm>>)
        tpu.yield
      }) : () -> ()
    } else {
    }
    return
  }
}

#map = affine_map<(d0, d1) -> (0, 0)>
#map1 = affine_map<(d0, d1) -> (0)>
#map2 = affine_map<(d0, d1) -> (0, 0, 0)>
module attributes {stable_mosaic.version = 14 : i64} {
  func.func @body(%arg0: i32, %arg1: i32, %arg2: memref<10000x128xf32, #tpu.memory_space<hbm>>, %arg3: memref<10000x128xf32, #tpu.memory_space<hbm>>, %arg4: memref<320000x128xf32, #tpu.memory_space<hbm>>, %arg5: memref<320000xi32, #tpu.memory_space<hbm>>, %arg6: memref<320000xi32, #tpu.memory_space<hbm>>, %arg7: memref<2x10000x128xf32, #tpu.memory_space<hbm>>, %arg8: memref<80xi32, #tpu.memory_space<vmem>>, %arg9: memref<80xi32, #tpu.memory_space<vmem>>, %arg10: memref<80x128xf32, #tpu.memory_space<vmem>>, %arg11: memref<104x128xf32, #tpu.memory_space<vmem>>, %arg12: memref<!tpu.dma_semaphore, #tpu.memory_space<semaphore_mem>>, %arg13: memref<80x128xf32, #tpu.memory_space<vmem>>, %arg14: memref<80x128xf32, #tpu.memory_space<vmem>>, %arg15: memref<10000x128xf32, #tpu.memory_space<vmem_shared>>) attributes {dimension_semantics = [#tpu.dimension_semantics<core_parallel>, #tpu.dimension_semantics<subcore_parallel>], iteration_bounds = array<i64: 2, 16>, scalar_prefetch = 0 : i64, scratch_operands = 8 : i64, tpu.core_type = #tpu.core_type<sc_vector_subcore>, window_params = [{transform_indices = #map}, {transform_indices = #map}, {transform_indices = #map}, {transform_indices = #map1}, {transform_indices = #map1}, {transform_indices = #map2}]} {
    %mul3A = arith.constant 16 : i32
    %mul3A_0 = arith.muli %arg0, %mul3A : i32
    %add3A = arith.addi %mul3A_0, %arg1 : i32
    %scan3A = arith.constant 0 : i32
    %scan3A_1 = arith.constant 0 : i32
    %scan3A_2 = arith.constant 832 : i32
    %scan3A_3 = arith.addi %scan3A_1, %scan3A_2 : i32
    %scan3A_4 = arith.constant 1 : i32
    %scan3A_5 = scf.for %scan3A_70 = %scan3A_1 to %scan3A_3 step %scan3A_4 iter_args(%scan3A_71 = %scan3A) -> (i32)  : i32 {
      %broadcast_in_dim3A = arith.constant 0.000000e+00 : f32
      %broadcast_in_dim3A_72 = vector.broadcast %broadcast_in_dim3A : f32 to vector<16xf32>
      %jit3A = arith.constant 8 : i32
      %div3A = arith.divsi %scan3A_70, %jit3A : i32
      %sign3A = arith.constant 0 : i32
      %sign3A_73 = arith.cmpi sgt, %scan3A_70, %sign3A : i32
      %sign3A_74 = arith.extui %sign3A_73 : i1 to i32
      %sign3A_75 = arith.constant 0 : i32
      %sign3A_76 = arith.cmpi slt, %scan3A_70, %sign3A_75 : i32
      %sign3A_77 = arith.extui %sign3A_76 : i1 to i32
      %sign3A_78 = arith.subi %sign3A_74, %sign3A_77 : i32
      %sign3A_79 = arith.constant 0 : i32
      %sign3A_80 = arith.cmpi sgt, %jit3A, %sign3A_79 : i32
      %sign3A_81 = arith.extui %sign3A_80 : i1 to i32
      %sign3A_82 = arith.constant 0 : i32
      %sign3A_83 = arith.cmpi slt, %jit3A, %sign3A_82 : i32
      %sign3A_84 = arith.extui %sign3A_83 : i1 to i32
      %sign3A_85 = arith.subi %sign3A_81, %sign3A_84 : i32
      %ne3A = arith.cmpi ne, %sign3A_78, %sign3A_85 : i32
      %rem3A = arith.remsi %scan3A_70, %jit3A : i32
      %ne3A_86 = arith.constant 0 : i32
      %ne3A_87 = arith.cmpi ne, %rem3A, %ne3A_86 : i32
      %and3A = arith.andi %ne3A, %ne3A_87 : i1
      %sub3A = arith.constant 1 : i32
      %sub3A_88 = arith.subi %div3A, %sub3A : i32
      %select_n3A = arith.select %and3A, %sub3A_88, %div3A : i32
      %jit3A_89 = arith.constant 8 : i32
      %eq3A_90 = arith.constant 0 : i32
      %eq3A_91 = arith.cmpi eq, %jit3A_89, %eq3A_90 : i32
      %jit3A_92 = arith.constant 1 : i32
      %select_n3A_93 = arith.select %eq3A_91, %jit3A_92, %jit3A_89 : i32
      %rem3A_94 = arith.remsi %scan3A_70, %select_n3A_93 : i32
      %ne3A_95 = arith.constant 0 : i32
      %ne3A_96 = arith.cmpi ne, %rem3A_94, %ne3A_95 : i32
      %lt3A = arith.constant 0 : i32
      %lt3A_97 = arith.cmpi slt, %rem3A_94, %lt3A : i32
      %lt3A_98 = arith.constant 0 : i32
      %lt3A_99 = arith.cmpi slt, %select_n3A_93, %lt3A_98 : i32
      %ne3A_100 = arith.xori %lt3A_97, %lt3A_99 : i1
      %and3A_101 = arith.andi %ne3A_100, %ne3A_96 : i1
      %add3A_102 = arith.addi %rem3A_94, %select_n3A_93 : i32
      %select_n3A_103 = arith.select %and3A_101, %add3A_102, %rem3A_94 : i32
      %mul3A_104 = arith.constant 16 : i32
      %mul3A_105 = arith.muli %select_n3A_103, %mul3A_104 : i32
      %swap3A = arith.index_cast %select_n3A : i32 to index
      %swap3A_106 = arith.index_cast %mul3A_105 : i32 to index
      %swap3A_107 = tpu.vector_load %arg11[%swap3A, %swap3A_106] {strides = array<i32>} : memref<104x128xf32, #tpu.memory_space<vmem>>, vector<1x16xf32>,
      %swap3A_108 = vector.shape_cast %swap3A_107 : vector<1x16xf32> to vector<16xf32>
      %swap3A_109 = vector.shape_cast %broadcast_in_dim3A_72 : vector<16xf32> to vector<1x16xf32>
      tpu.vector_store %arg11[%swap3A, %swap3A_106], %swap3A_109 {strides = array<i32>} : memref<104x128xf32, #tpu.memory_space<vmem>>, vector<1x16xf32>,
      %scan3A_110 = arith.constant 0 : i32
      scf.yield %scan3A_110 : i32
    }
    %scan3A_6 = arith.constant 832 : i32
    %mul3A_7 = arith.constant 624 : i32
    %mul3A_8 = arith.muli %arg1, %mul3A_7 : i32
    %add3A_9 = arith.constant 0 : i32
    %add3A_10 = arith.addi %mul3A_8, %add3A_9 : i32
    "tpu.region"() ({
      %run_scoped3A = tpu.sem_alloc : memref<!tpu.dma_semaphore, #tpu.memory_space<semaphore_mem>>
      %dma_start3A = arith.constant 0 : i32
      %dma_start3A_70 = tpu.memref_slice %arg15[%add3A_10, %dma_start3A] : memref<10000x128xf32, #tpu.memory_space<vmem_shared>> -> memref<104x128xf32, #tpu.memory_space<vmem_shared>>
      %dma_start3A_71 = arith.constant 0 : i32
      %dma_start3A_72 = tpu.memref_slice %arg15[%add3A_10, %dma_start3A_71] : memref<10000x128xf32, #tpu.memory_space<vmem_shared>> -> memref<104x128xf32, #tpu.memory_space<vmem_shared>>
      tpu.enqueue_dma source(%arg11 : memref<104x128xf32, #tpu.memory_space<vmem>>) target(%dma_start3A_72 : memref<104x128xf32, #tpu.memory_space<vmem_shared>>) target_semaphore(%run_scoped3A : memref<!tpu.dma_semaphore, #tpu.memory_space<semaphore_mem>>)
      %dma_wait3A = arith.constant 0 : i32
      %dma_wait3A_73 = tpu.memref_slice %arg15[%add3A_10, %dma_wait3A] : memref<10000x128xf32, #tpu.memory_space<vmem_shared>> -> memref<104x128xf32, #tpu.memory_space<vmem_shared>>
      %dma_wait3A_74 = arith.constant 0 : i32
      %dma_wait3A_75 = tpu.memref_slice %arg15[%add3A_10, %dma_wait3A_74] : memref<10000x128xf32, #tpu.memory_space<vmem_shared>> -> memref<104x128xf32, #tpu.memory_space<vmem_shared>>
      tpu.wait_dma2 semaphore(%run_scoped3A : memref<!tpu.dma_semaphore, #tpu.memory_space<semaphore_mem>>) src(%arg11 : memref<104x128xf32, #tpu.memory_space<vmem>>) dst(%dma_wait3A_75 : memref<104x128xf32, #tpu.memory_space<vmem_shared>>)
      tpu.yield
    }) : () -> ()
    %mul3A_11 = arith.constant 624 : i32
    %mul3A_12 = arith.muli %arg1, %mul3A_11 : i32
    %add3A_13 = arith.constant 104 : i32
    %add3A_14 = arith.addi %mul3A_12, %add3A_13 : i32
    "tpu.region"() ({
      %run_scoped3A = tpu.sem_alloc : memref<!tpu.dma_semaphore, #tpu.memory_space<semaphore_mem>>
      %dma_start3A = arith.constant 0 : i32
      %dma_start3A_70 = tpu.memref_slice %arg15[%add3A_14, %dma_start3A] : memref<10000x128xf32, #tpu.memory_space<vmem_shared>> -> memref<104x128xf32, #tpu.memory_space<vmem_shared>>
      %dma_start3A_71 = arith.constant 0 : i32
      %dma_start3A_72 = tpu.memref_slice %arg15[%add3A_14, %dma_start3A_71] : memref<10000x128xf32, #tpu.memory_space<vmem_shared>> -> memref<104x128xf32, #tpu.memory_space<vmem_shared>>
      tpu.enqueue_dma source(%arg11 : memref<104x128xf32, #tpu.memory_space<vmem>>) target(%dma_start3A_72 : memref<104x128xf32, #tpu.memory_space<vmem_shared>>) target_semaphore(%run_scoped3A : memref<!tpu.dma_semaphore, #tpu.memory_space<semaphore_mem>>)
      %dma_wait3A = arith.constant 0 : i32
      %dma_wait3A_73 = tpu.memref_slice %arg15[%add3A_14, %dma_wait3A] : memref<10000x128xf32, #tpu.memory_space<vmem_shared>> -> memref<104x128xf32, #tpu.memory_space<vmem_shared>>
      %dma_wait3A_74 = arith.constant 0 : i32
      %dma_wait3A_75 = tpu.memref_slice %arg15[%add3A_14, %dma_wait3A_74] : memref<10000x128xf32, #tpu.memory_space<vmem_shared>> -> memref<104x128xf32, #tpu.memory_space<vmem_shared>>
      tpu.wait_dma2 semaphore(%run_scoped3A : memref<!tpu.dma_semaphore, #tpu.memory_space<semaphore_mem>>) src(%arg11 : memref<104x128xf32, #tpu.memory_space<vmem>>) dst(%dma_wait3A_75 : memref<104x128xf32, #tpu.memory_space<vmem_shared>>)
      tpu.yield
    }) : () -> ()
    %mul3A_15 = arith.constant 624 : i32
    %mul3A_16 = arith.muli %arg1, %mul3A_15 : i32
    %add3A_17 = arith.constant 208 : i32
    %add3A_18 = arith.addi %mul3A_16, %add3A_17 : i32
    "tpu.region"() ({
      %run_scoped3A = tpu.sem_alloc : memref<!tpu.dma_semaphore, #tpu.memory_space<semaphore_mem>>
      %dma_start3A = arith.constant 0 : i32
      %dma_start3A_70 = tpu.memref_slice %arg15[%add3A_18, %dma_start3A] : memref<10000x128xf32, #tpu.memory_space<vmem_shared>> -> memref<104x128xf32, #tpu.memory_space<vmem_shared>>
      %dma_start3A_71 = arith.constant 0 : i32
      %dma_start3A_72 = tpu.memref_slice %arg15[%add3A_18, %dma_start3A_71] : memref<10000x128xf32, #tpu.memory_space<vmem_shared>> -> memref<104x128xf32, #tpu.memory_space<vmem_shared>>
      tpu.enqueue_dma source(%arg11 : memref<104x128xf32, #tpu.memory_space<vmem>>) target(%dma_start3A_72 : memref<104x128xf32, #tpu.memory_space<vmem_shared>>) target_semaphore(%run_scoped3A : memref<!tpu.dma_semaphore, #tpu.memory_space<semaphore_mem>>)
      %dma_wait3A = arith.constant 0 : i32
      %dma_wait3A_73 = tpu.memref_slice %arg15[%add3A_18, %dma_wait3A] : memref<10000x128xf32, #tpu.memory_space<vmem_shared>> -> memref<104x128xf32, #tpu.memory_space<vmem_shared>>
      %dma_wait3A_74 = arith.constant 0 : i32
      %dma_wait3A_75 = tpu.memref_slice %arg15[%add3A_18, %dma_wait3A_74] : memref<10000x128xf32, #tpu.memory_space<vmem_shared>> -> memref<104x128xf32, #tpu.memory_space<vmem_shared>>
      tpu.wait_dma2 semaphore(%run_scoped3A : memref<!tpu.dma_semaphore, #tpu.memory_space<semaphore_mem>>) src(%arg11 : memref<104x128xf32, #tpu.memory_space<vmem>>) dst(%dma_wait3A_75 : memref<104x128xf32, #tpu.memory_space<vmem_shared>>)
      tpu.yield
    }) : () -> ()
    %mul3A_19 = arith.constant 624 : i32
    %mul3A_20 = arith.muli %arg1, %mul3A_19 : i32
    %add3A_21 = arith.constant 312 : i32
    %add3A_22 = arith.addi %mul3A_20, %add3A_21 : i32
    "tpu.region"() ({
      %run_scoped3A = tpu.sem_alloc : memref<!tpu.dma_semaphore, #tpu.memory_space<semaphore_mem>>
      %dma_start3A = arith.constant 0 : i32
      %dma_start3A_70 = tpu.memref_slice %arg15[%add3A_22, %dma_start3A] : memref<10000x128xf32, #tpu.memory_space<vmem_shared>> -> memref<104x128xf32, #tpu.memory_space<vmem_shared>>
      %dma_start3A_71 = arith.constant 0 : i32
      %dma_start3A_72 = tpu.memref_slice %arg15[%add3A_22, %dma_start3A_71] : memref<10000x128xf32, #tpu.memory_space<vmem_shared>> -> memref<104x128xf32, #tpu.memory_space<vmem_shared>>
      tpu.enqueue_dma source(%arg11 : memref<104x128xf32, #tpu.memory_space<vmem>>) target(%dma_start3A_72 : memref<104x128xf32, #tpu.memory_space<vmem_shared>>) target_semaphore(%run_scoped3A : memref<!tpu.dma_semaphore, #tpu.memory_space<semaphore_mem>>)
      %dma_wait3A = arith.constant 0 : i32
      %dma_wait3A_73 = tpu.memref_slice %arg15[%add3A_22, %dma_wait3A] : memref<10000x128xf32, #tpu.memory_space<vmem_shared>> -> memref<104x128xf32, #tpu.memory_space<vmem_shared>>
      %dma_wait3A_74 = arith.constant 0 : i32
      %dma_wait3A_75 = tpu.memref_slice %arg15[%add3A_22, %dma_wait3A_74] : memref<10000x128xf32, #tpu.memory_space<vmem_shared>> -> memref<104x128xf32, #tpu.memory_space<vmem_shared>>
      tpu.wait_dma2 semaphore(%run_scoped3A : memref<!tpu.dma_semaphore, #tpu.memory_space<semaphore_mem>>) src(%arg11 : memref<104x128xf32, #tpu.memory_space<vmem>>) dst(%dma_wait3A_75 : memref<104x128xf32, #tpu.memory_space<vmem_shared>>)
      tpu.yield
    }) : () -> ()
    %mul3A_23 = arith.constant 624 : i32
    %mul3A_24 = arith.muli %arg1, %mul3A_23 : i32
    %add3A_25 = arith.constant 416 : i32
    %add3A_26 = arith.addi %mul3A_24, %add3A_25 : i32
    "tpu.region"() ({
      %run_scoped3A = tpu.sem_alloc : memref<!tpu.dma_semaphore, #tpu.memory_space<semaphore_mem>>
      %dma_start3A = arith.constant 0 : i32
      %dma_start3A_70 = tpu.memref_slice %arg15[%add3A_26, %dma_start3A] : memref<10000x128xf32, #tpu.memory_space<vmem_shared>> -> memref<104x128xf32, #tpu.memory_space<vmem_shared>>
      %dma_start3A_71 = arith.constant 0 : i32
      %dma_start3A_72 = tpu.memref_slice %arg15[%add3A_26, %dma_start3A_71] : memref<10000x128xf32, #tpu.memory_space<vmem_shared>> -> memref<104x128xf32, #tpu.memory_space<vmem_shared>>
      tpu.enqueue_dma source(%arg11 : memref<104x128xf32, #tpu.memory_space<vmem>>) target(%dma_start3A_72 : memref<104x128xf32, #tpu.memory_space<vmem_shared>>) target_semaphore(%run_scoped3A : memref<!tpu.dma_semaphore, #tpu.memory_space<semaphore_mem>>)
      %dma_wait3A = arith.constant 0 : i32
      %dma_wait3A_73 = tpu.memref_slice %arg15[%add3A_26, %dma_wait3A] : memref<10000x128xf32, #tpu.memory_space<vmem_shared>> -> memref<104x128xf32, #tpu.memory_space<vmem_shared>>
      %dma_wait3A_74 = arith.constant 0 : i32
      %dma_wait3A_75 = tpu.memref_slice %arg15[%add3A_26, %dma_wait3A_74] : memref<10000x128xf32, #tpu.memory_space<vmem_shared>> -> memref<104x128xf32, #tpu.memory_space<vmem_shared>>
      tpu.wait_dma2 semaphore(%run_scoped3A : memref<!tpu.dma_semaphore, #tpu.memory_space<semaphore_mem>>) src(%arg11 : memref<104x128xf32, #tpu.memory_space<vmem>>) dst(%dma_wait3A_75 : memref<104x128xf32, #tpu.memory_space<vmem_shared>>)
      tpu.yield
    }) : () -> ()
    %mul3A_27 = arith.constant 624 : i32
    %mul3A_28 = arith.muli %arg1, %mul3A_27 : i32
    %add3A_29 = arith.constant 520 : i32
    %add3A_30 = arith.addi %mul3A_28, %add3A_29 : i32
    "tpu.region"() ({
      %run_scoped3A = tpu.sem_alloc : memref<!tpu.dma_semaphore, #tpu.memory_space<semaphore_mem>>
      %dma_start3A = arith.constant 0 : i32
      %dma_start3A_70 = tpu.memref_slice %arg15[%add3A_30, %dma_start3A] : memref<10000x128xf32, #tpu.memory_space<vmem_shared>> -> memref<104x128xf32, #tpu.memory_space<vmem_shared>>
      %dma_start3A_71 = arith.constant 0 : i32
      %dma_start3A_72 = tpu.memref_slice %arg15[%add3A_30, %dma_start3A_71] : memref<10000x128xf32, #tpu.memory_space<vmem_shared>> -> memref<104x128xf32, #tpu.memory_space<vmem_shared>>
      tpu.enqueue_dma source(%arg11 : memref<104x128xf32, #tpu.memory_space<vmem>>) target(%dma_start3A_72 : memref<104x128xf32, #tpu.memory_space<vmem_shared>>) target_semaphore(%run_scoped3A : memref<!tpu.dma_semaphore, #tpu.memory_space<semaphore_mem>>)
      %dma_wait3A = arith.constant 0 : i32
      %dma_wait3A_73 = tpu.memref_slice %arg15[%add3A_30, %dma_wait3A] : memref<10000x128xf32, #tpu.memory_space<vmem_shared>> -> memref<104x128xf32, #tpu.memory_space<vmem_shared>>
      %dma_wait3A_74 = arith.constant 0 : i32
      %dma_wait3A_75 = tpu.memref_slice %arg15[%add3A_30, %dma_wait3A_74] : memref<10000x128xf32, #tpu.memory_space<vmem_shared>> -> memref<104x128xf32, #tpu.memory_space<vmem_shared>>
      tpu.wait_dma2 semaphore(%run_scoped3A : memref<!tpu.dma_semaphore, #tpu.memory_space<semaphore_mem>>) src(%arg11 : memref<104x128xf32, #tpu.memory_space<vmem>>) dst(%dma_wait3A_75 : memref<104x128xf32, #tpu.memory_space<vmem_shared>>)
      tpu.yield
    }) : () -> ()
    %eq3A = arith.constant 15 : i32
    %eq3A_31 = arith.cmpi eq, %arg1, %eq3A : i32
    %convert_element_type3A = arith.extui %eq3A_31 : i1 to i32
    %cond3A = arith.constant 0 : i32
    %cond3A_32 = arith.cmpi ne, %convert_element_type3A, %cond3A : i32
    scf.if %cond3A_32 {
      "tpu.region"() ({
        %run_scoped3A = tpu.sem_alloc : memref<!tpu.dma_semaphore, #tpu.memory_space<semaphore_mem>>
        %dma_start3A = arith.constant 0 : i32
        %dma_start3A_70 = arith.constant 0 : i32
        %dma_start3A_71 = tpu.memref_slice %arg11[%dma_start3A, %dma_start3A_70] : memref<104x128xf32, #tpu.memory_space<vmem>> -> memref<16x128xf32, #tpu.memory_space<vmem>>
        %dma_start3A_72 = arith.constant 9984 : i32
        %dma_start3A_73 = arith.constant 0 : i32
        %dma_start3A_74 = tpu.memref_slice %arg15[%dma_start3A_72, %dma_start3A_73] : memref<10000x128xf32, #tpu.memory_space<vmem_shared>> -> memref<16x128xf32, #tpu.memory_space<vmem_shared>>
        %dma_start3A_75 = arith.constant 9984 : i32
        %dma_start3A_76 = arith.constant 0 : i32
        %dma_start3A_77 = tpu.memref_slice %arg15[%dma_start3A_75, %dma_start3A_76] : memref<10000x128xf32, #tpu.memory_space<vmem_shared>> -> memref<16x128xf32, #tpu.memory_space<vmem_shared>>
        %dma_start3A_78 = arith.constant 0 : i32
        %dma_start3A_79 = arith.constant 0 : i32
        %dma_start3A_80 = tpu.memref_slice %arg11[%dma_start3A_78, %dma_start3A_79] : memref<104x128xf32, #tpu.memory_space<vmem>> -> memref<16x128xf32, #tpu.memory_space<vmem>>
        tpu.enqueue_dma source(%dma_start3A_80 : memref<16x128xf32, #tpu.memory_space<vmem>>) target(%dma_start3A_77 : memref<16x128xf32, #tpu.memory_space<vmem_shared>>) target_semaphore(%run_scoped3A : memref<!tpu.dma_semaphore, #tpu.memory_space<semaphore_mem>>)
        %dma_wait3A = arith.constant 0 : i32
        %dma_wait3A_81 = arith.constant 0 : i32
        %dma_wait3A_82 = tpu.memref_slice %arg11[%dma_wait3A, %dma_wait3A_81] : memref<104x128xf32, #tpu.memory_space<vmem>> -> memref<16x128xf32, #tpu.memory_space<vmem>>
        %dma_wait3A_83 = arith.constant 9984 : i32
        %dma_wait3A_84 = arith.constant 0 : i32
        %dma_wait3A_85 = tpu.memref_slice %arg15[%dma_wait3A_83, %dma_wait3A_84] : memref<10000x128xf32, #tpu.memory_space<vmem_shared>> -> memref<16x128xf32, #tpu.memory_space<vmem_shared>>
        %dma_wait3A_86 = arith.constant 9984 : i32
        %dma_wait3A_87 = arith.constant 0 : i32
        %dma_wait3A_88 = tpu.memref_slice %arg15[%dma_wait3A_86, %dma_wait3A_87] : memref<10000x128xf32, #tpu.memory_space<vmem_shared>> -> memref<16x128xf32, #tpu.memory_space<vmem_shared>>
        %dma_wait3A_89 = arith.constant 0 : i32
        %dma_wait3A_90 = arith.constant 0 : i32
        %dma_wait3A_91 = tpu.memref_slice %arg11[%dma_wait3A_89, %dma_wait3A_90] : memref<104x128xf32, #tpu.memory_space<vmem>> -> memref<16x128xf32, #tpu.memory_space<vmem>>
        tpu.wait_dma2 semaphore(%run_scoped3A : memref<!tpu.dma_semaphore, #tpu.memory_space<semaphore_mem>>) src(%dma_wait3A_91 : memref<16x128xf32, #tpu.memory_space<vmem>>) dst(%dma_wait3A_88 : memref<16x128xf32, #tpu.memory_space<vmem_shared>>)
        tpu.yield
      }) : () -> ()
    } else {
    }
    %barrier3A = arith.constant 0 : index
    tpu.barrier barrier_id(%barrier3A)
    %scan3A_33 = arith.constant 0 : i32
    %scan3A_34 = arith.constant 0 : i32
    %scan3A_35 = arith.constant 125 : i32
    %scan3A_36 = arith.addi %scan3A_34, %scan3A_35 : i32
    %scan3A_37 = arith.constant 1 : i32
    %scan3A_38 = scf.for %scan3A_70 = %scan3A_34 to %scan3A_36 step %scan3A_37 iter_args(%scan3A_71 = %scan3A_33) -> (i32)  : i32 {
      %mul3A_72 = arith.constant 10000 : i32
      %mul3A_73 = arith.muli %add3A, %mul3A_72 : i32
      %mul3A_74 = arith.constant 80 : i32
      %mul3A_75 = arith.muli %scan3A_70, %mul3A_74 : i32
      %add3A_76 = arith.addi %mul3A_73, %mul3A_75 : i32
      %multiple_of3A = tpu.assume_multiple %add3A_76, 16 : i32
      "tpu.region"() ({
        %run_scoped3A = tpu.sem_alloc : memref<!tpu.dma_semaphore, #tpu.memory_space<semaphore_mem>>
        %dma_start3A_103 = tpu.memref_slice %arg5[%multiple_of3A] : memref<320000xi32, #tpu.memory_space<hbm>> -> memref<80xi32, #tpu.memory_space<hbm>>
        %dma_start3A_104 = tpu.memref_slice %arg5[%multiple_of3A] : memref<320000xi32, #tpu.memory_space<hbm>> -> memref<80xi32, #tpu.memory_space<hbm>>
        tpu.enqueue_dma source(%dma_start3A_104 : memref<80xi32, #tpu.memory_space<hbm>>) target(%arg8 : memref<80xi32, #tpu.memory_space<vmem>>) target_semaphore(%run_scoped3A : memref<!tpu.dma_semaphore, #tpu.memory_space<semaphore_mem>>)
        %dma_wait3A_105 = tpu.memref_slice %arg5[%multiple_of3A] : memref<320000xi32, #tpu.memory_space<hbm>> -> memref<80xi32, #tpu.memory_space<hbm>>
        %dma_wait3A_106 = tpu.memref_slice %arg5[%multiple_of3A] : memref<320000xi32, #tpu.memory_space<hbm>> -> memref<80xi32, #tpu.memory_space<hbm>>
        tpu.wait_dma2 semaphore(%run_scoped3A : memref<!tpu.dma_semaphore, #tpu.memory_space<semaphore_mem>>) src(%dma_wait3A_106 : memref<80xi32, #tpu.memory_space<hbm>>) dst(%arg8 : memref<80xi32, #tpu.memory_space<vmem>>)
        tpu.yield
      }) : () -> ()
      "tpu.region"() ({
        %run_scoped3A = tpu.sem_alloc : memref<!tpu.dma_semaphore, #tpu.memory_space<semaphore_mem>>
        %dma_start3A_103 = tpu.memref_slice %arg6[%multiple_of3A] : memref<320000xi32, #tpu.memory_space<hbm>> -> memref<80xi32, #tpu.memory_space<hbm>>
        %dma_start3A_104 = tpu.memref_slice %arg6[%multiple_of3A] : memref<320000xi32, #tpu.memory_space<hbm>> -> memref<80xi32, #tpu.memory_space<hbm>>
        tpu.enqueue_dma source(%dma_start3A_104 : memref<80xi32, #tpu.memory_space<hbm>>) target(%arg9 : memref<80xi32, #tpu.memory_space<vmem>>) target_semaphore(%run_scoped3A : memref<!tpu.dma_semaphore, #tpu.memory_space<semaphore_mem>>)
        %dma_wait3A_105 = tpu.memref_slice %arg6[%multiple_of3A] : memref<320000xi32, #tpu.memory_space<hbm>> -> memref<80xi32, #tpu.memory_space<hbm>>
        %dma_wait3A_106 = tpu.memref_slice %arg6[%multiple_of3A] : memref<320000xi32, #tpu.memory_space<hbm>> -> memref<80xi32, #tpu.memory_space<hbm>>
        tpu.wait_dma2 semaphore(%run_scoped3A : memref<!tpu.dma_semaphore, #tpu.memory_space<semaphore_mem>>) src(%dma_wait3A_106 : memref<80xi32, #tpu.memory_space<hbm>>) dst(%arg9 : memref<80xi32, #tpu.memory_space<vmem>>)
        tpu.yield
      }) : () -> ()
      %dma_start3A = arith.constant 0 : i32
      %dma_start3A_77 = arith.constant 0 : i32
      %dma_start3A_78 = tpu.memref_slice %arg2[%dma_start3A, %dma_start3A_77] : memref<10000x128xf32, #tpu.memory_space<hbm>> -> memref<10000x128xf32, #tpu.memory_space<hbm>>
      tpu.enqueue_indirect_dma source(%dma_start3A_78 : memref<10000x128xf32, #tpu.memory_space<hbm>>) target(%arg10 : memref<80x128xf32, #tpu.memory_space<vmem>>) offsets(%arg9 : memref<80xi32, #tpu.memory_space<vmem>>) semaphore(%arg12 : memref<!tpu.dma_semaphore, #tpu.memory_space<semaphore_mem>>)
      %dma_start3A_79 = arith.constant 0 : i32
      %dma_start3A_80 = arith.constant 0 : i32
      %dma_start3A_81 = tpu.memref_slice %arg3[%dma_start3A_79, %dma_start3A_80] : memref<10000x128xf32, #tpu.memory_space<hbm>> -> memref<10000x128xf32, #tpu.memory_space<hbm>>
      tpu.enqueue_indirect_dma source(%dma_start3A_81 : memref<10000x128xf32, #tpu.memory_space<hbm>>) target(%arg13 : memref<80x128xf32, #tpu.memory_space<vmem>>) offsets(%arg8 : memref<80xi32, #tpu.memory_space<vmem>>) semaphore(%arg12 : memref<!tpu.dma_semaphore, #tpu.memory_space<semaphore_mem>>)
      %dma_start3A_82 = arith.constant 0 : i32
      %dma_start3A_83 = tpu.memref_slice %arg4[%multiple_of3A, %dma_start3A_82] : memref<320000x128xf32, #tpu.memory_space<hbm>> -> memref<80x128xf32, #tpu.memory_space<hbm>>
      %dma_start3A_84 = arith.constant 0 : i32
      %dma_start3A_85 = tpu.memref_slice %arg4[%multiple_of3A, %dma_start3A_84] : memref<320000x128xf32, #tpu.memory_space<hbm>> -> memref<80x128xf32, #tpu.memory_space<hbm>>
      tpu.enqueue_dma source(%dma_start3A_85 : memref<80x128xf32, #tpu.memory_space<hbm>>) target(%arg14 : memref<80x128xf32, #tpu.memory_space<vmem>>) target_semaphore(%arg12 : memref<!tpu.dma_semaphore, #tpu.memory_space<semaphore_mem>>)
      %dma_wait3A = arith.constant 0 : i32
      %dma_wait3A_86 = arith.constant 0 : i32
      %dma_wait3A_87 = tpu.memref_slice %arg2[%dma_wait3A, %dma_wait3A_86] : memref<10000x128xf32, #tpu.memory_space<hbm>> -> memref<10000x128xf32, #tpu.memory_space<hbm>>
      tpu.wait_indirect_dma semaphore(%arg12 : memref<!tpu.dma_semaphore, #tpu.memory_space<semaphore_mem>>) src(%dma_wait3A_87 : memref<10000x128xf32, #tpu.memory_space<hbm>>) dst(%arg10 : memref<80x128xf32, #tpu.memory_space<vmem>>)
      %dma_wait3A_88 = arith.constant 0 : i32
      %dma_wait3A_89 = arith.constant 0 : i32
      %dma_wait3A_90 = tpu.memref_slice %arg3[%dma_wait3A_88, %dma_wait3A_89] : memref<10000x128xf32, #tpu.memory_space<hbm>> -> memref<10000x128xf32, #tpu.memory_space<hbm>>
      tpu.wait_indirect_dma semaphore(%arg12 : memref<!tpu.dma_semaphore, #tpu.memory_space<semaphore_mem>>) src(%dma_wait3A_90 : memref<10000x128xf32, #tpu.memory_space<hbm>>) dst(%arg13 : memref<80x128xf32, #tpu.memory_space<vmem>>)
      %dma_wait3A_91 = arith.constant 0 : i32
      %dma_wait3A_92 = tpu.memref_slice %arg4[%multiple_of3A, %dma_wait3A_91] : memref<320000x128xf32, #tpu.memory_space<hbm>> -> memref<80x128xf32, #tpu.memory_space<hbm>>
      %dma_wait3A_93 = arith.constant 0 : i32
      %dma_wait3A_94 = tpu.memref_slice %arg4[%multiple_of3A, %dma_wait3A_93] : memref<320000x128xf32, #tpu.memory_space<hbm>> -> memref<80x128xf32, #tpu.memory_space<hbm>>
      tpu.wait_dma2 semaphore(%arg12 : memref<!tpu.dma_semaphore, #tpu.memory_space<semaphore_mem>>) src(%dma_wait3A_94 : memref<80x128xf32, #tpu.memory_space<hbm>>) dst(%arg14 : memref<80x128xf32, #tpu.memory_space<vmem>>)
      %scan3A_95 = arith.constant 0 : i32
      %scan3A_96 = arith.constant 0 : i32
      %scan3A_97 = arith.constant 80 : i32
      %scan3A_98 = arith.addi %scan3A_96, %scan3A_97 : i32
      %scan3A_99 = arith.constant 1 : i32
      %scan3A_100 = scf.for %scan3A_103 = %scan3A_96 to %scan3A_98 step %scan3A_99 iter_args(%scan3A_104 = %scan3A_95) -> (i32)  : i32 {
        %get3A = arith.index_cast %scan3A_103 : i32 to index
        %get3A_105 = arith.constant 0 : index
        %get3A_106 = tpu.vector_load %arg10[%get3A, %get3A_105] {strides = array<i32>} : memref<80x128xf32, #tpu.memory_space<vmem>>, vector<1x16xf32>,
        %get3A_107 = vector.shape_cast %get3A_106 : vector<1x16xf32> to vector<16xf32>
        %get3A_108 = arith.index_cast %scan3A_103 : i32 to index
        %get3A_109 = arith.constant 0 : index
        %get3A_110 = tpu.vector_load %arg13[%get3A_108, %get3A_109] {strides = array<i32>} : memref<80x128xf32, #tpu.memory_space<vmem>>, vector<1x16xf32>,
        %get3A_111 = vector.shape_cast %get3A_110 : vector<1x16xf32> to vector<16xf32>
        %add3A_112 = arith.addf %get3A_107, %get3A_111 : vector<16xf32>
        %get3A_113 = arith.index_cast %scan3A_103 : i32 to index
        %get3A_114 = arith.constant 0 : index
        %get3A_115 = tpu.vector_load %arg14[%get3A_113, %get3A_114] {strides = array<i32>} : memref<80x128xf32, #tpu.memory_space<vmem>>, vector<1x16xf32>,
        %get3A_116 = vector.shape_cast %get3A_115 : vector<1x16xf32> to vector<16xf32>
        %add3A_117 = arith.addf %add3A_112, %get3A_116 : vector<16xf32>
        %max3A = arith.constant 0.000000e+00 : f32
        %max3A_118 = vector.broadcast %max3A : f32 to vector<16xf32>
        %max3A_119 = arith.maximumf %add3A_117, %max3A_118 : vector<16xf32>
        %swap3A = arith.index_cast %scan3A_103 : i32 to index
        %swap3A_120 = arith.constant 0 : index
        %swap3A_121 = tpu.vector_load %arg10[%swap3A, %swap3A_120] {strides = array<i32>} : memref<80x128xf32, #tpu.memory_space<vmem>>, vector<1x16xf32>,
        %swap3A_122 = vector.shape_cast %swap3A_121 : vector<1x16xf32> to vector<16xf32>
        %swap3A_123 = vector.shape_cast %max3A_119 : vector<16xf32> to vector<1x16xf32>
        tpu.vector_store %arg10[%swap3A, %swap3A_120], %swap3A_123 {strides = array<i32>} : memref<80x128xf32, #tpu.memory_space<vmem>>, vector<1x16xf32>,
        %get3A_124 = arith.index_cast %scan3A_103 : i32 to index
        %get3A_125 = arith.constant 16 : index
        %get3A_126 = tpu.vector_load %arg10[%get3A_124, %get3A_125] {strides = array<i32>} : memref<80x128xf32, #tpu.memory_space<vmem>>, vector<1x16xf32>,
        %get3A_127 = vector.shape_cast %get3A_126 : vector<1x16xf32> to vector<16xf32>
        %get3A_128 = arith.index_cast %scan3A_103 : i32 to index
        %get3A_129 = arith.constant 16 : index
        %get3A_130 = tpu.vector_load %arg13[%get3A_128, %get3A_129] {strides = array<i32>} : memref<80x128xf32, #tpu.memory_space<vmem>>, vector<1x16xf32>,
        %get3A_131 = vector.shape_cast %get3A_130 : vector<1x16xf32> to vector<16xf32>
        %add3A_132 = arith.addf %get3A_127, %get3A_131 : vector<16xf32>
        %get3A_133 = arith.index_cast %scan3A_103 : i32 to index
        %get3A_134 = arith.constant 16 : index
        %get3A_135 = tpu.vector_load %arg14[%get3A_133, %get3A_134] {strides = array<i32>} : memref<80x128xf32, #tpu.memory_space<vmem>>, vector<1x16xf32>,
        %get3A_136 = vector.shape_cast %get3A_135 : vector<1x16xf32> to vector<16xf32>
        %add3A_137 = arith.addf %add3A_132, %get3A_136 : vector<16xf32>
        %max3A_138 = arith.constant 0.000000e+00 : f32
        %max3A_139 = vector.broadcast %max3A_138 : f32 to vector<16xf32>
        %max3A_140 = arith.maximumf %add3A_137, %max3A_139 : vector<16xf32>
        %swap3A_141 = arith.index_cast %scan3A_103 : i32 to index
        %swap3A_142 = arith.constant 16 : index
        %swap3A_143 = tpu.vector_load %arg10[%swap3A_141, %swap3A_142] {strides = array<i32>} : memref<80x128xf32, #tpu.memory_space<vmem>>, vector<1x16xf32>,
        %swap3A_144 = vector.shape_cast %swap3A_143 : vector<1x16xf32> to vector<16xf32>
        %swap3A_145 = vector.shape_cast %max3A_140 : vector<16xf32> to vector<1x16xf32>
        tpu.vector_store %arg10[%swap3A_141, %swap3A_142], %swap3A_145 {strides = array<i32>} : memref<80x128xf32, #tpu.memory_space<vmem>>, vector<1x16xf32>,
        %get3A_146 = arith.index_cast %scan3A_103 : i32 to index
        %get3A_147 = arith.constant 32 : index
        %get3A_148 = tpu.vector_load %arg10[%get3A_146, %get3A_147] {strides = array<i32>} : memref<80x128xf32, #tpu.memory_space<vmem>>, vector<1x16xf32>,
        %get3A_149 = vector.shape_cast %get3A_148 : vector<1x16xf32> to vector<16xf32>
        %get3A_150 = arith.index_cast %scan3A_103 : i32 to index
        %get3A_151 = arith.constant 32 : index
        %get3A_152 = tpu.vector_load %arg13[%get3A_150, %get3A_151] {strides = array<i32>} : memref<80x128xf32, #tpu.memory_space<vmem>>, vector<1x16xf32>,
        %get3A_153 = vector.shape_cast %get3A_152 : vector<1x16xf32> to vector<16xf32>
        %add3A_154 = arith.addf %get3A_149, %get3A_153 : vector<16xf32>
        %get3A_155 = arith.index_cast %scan3A_103 : i32 to index
        %get3A_156 = arith.constant 32 : index
        %get3A_157 = tpu.vector_load %arg14[%get3A_155, %get3A_156] {strides = array<i32>} : memref<80x128xf32, #tpu.memory_space<vmem>>, vector<1x16xf32>,
        %get3A_158 = vector.shape_cast %get3A_157 : vector<1x16xf32> to vector<16xf32>
        %add3A_159 = arith.addf %add3A_154, %get3A_158 : vector<16xf32>
        %max3A_160 = arith.constant 0.000000e+00 : f32
        %max3A_161 = vector.broadcast %max3A_160 : f32 to vector<16xf32>
        %max3A_162 = arith.maximumf %add3A_159, %max3A_161 : vector<16xf32>
        %swap3A_163 = arith.index_cast %scan3A_103 : i32 to index
        %swap3A_164 = arith.constant 32 : index
        %swap3A_165 = tpu.vector_load %arg10[%swap3A_163, %swap3A_164] {strides = array<i32>} : memref<80x128xf32, #tpu.memory_space<vmem>>, vector<1x16xf32>,
        %swap3A_166 = vector.shape_cast %swap3A_165 : vector<1x16xf32> to vector<16xf32>
        %swap3A_167 = vector.shape_cast %max3A_162 : vector<16xf32> to vector<1x16xf32>
        tpu.vector_store %arg10[%swap3A_163, %swap3A_164], %swap3A_167 {strides = array<i32>} : memref<80x128xf32, #tpu.memory_space<vmem>>, vector<1x16xf32>,
        %get3A_168 = arith.index_cast %scan3A_103 : i32 to index
        %get3A_169 = arith.constant 48 : index
        %get3A_170 = tpu.vector_load %arg10[%get3A_168, %get3A_169] {strides = array<i32>} : memref<80x128xf32, #tpu.memory_space<vmem>>, vector<1x16xf32>,
        %get3A_171 = vector.shape_cast %get3A_170 : vector<1x16xf32> to vector<16xf32>
        %get3A_172 = arith.index_cast %scan3A_103 : i32 to index
        %get3A_173 = arith.constant 48 : index
        %get3A_174 = tpu.vector_load %arg13[%get3A_172, %get3A_173] {strides = array<i32>} : memref<80x128xf32, #tpu.memory_space<vmem>>, vector<1x16xf32>,
        %get3A_175 = vector.shape_cast %get3A_174 : vector<1x16xf32> to vector<16xf32>
        %add3A_176 = arith.addf %get3A_171, %get3A_175 : vector<16xf32>
        %get3A_177 = arith.index_cast %scan3A_103 : i32 to index
        %get3A_178 = arith.constant 48 : index
        %get3A_179 = tpu.vector_load %arg14[%get3A_177, %get3A_178] {strides = array<i32>} : memref<80x128xf32, #tpu.memory_space<vmem>>, vector<1x16xf32>,
        %get3A_180 = vector.shape_cast %get3A_179 : vector<1x16xf32> to vector<16xf32>
        %add3A_181 = arith.addf %add3A_176, %get3A_180 : vector<16xf32>
        %max3A_182 = arith.constant 0.000000e+00 : f32
        %max3A_183 = vector.broadcast %max3A_182 : f32 to vector<16xf32>
        %max3A_184 = arith.maximumf %add3A_181, %max3A_183 : vector<16xf32>
        %swap3A_185 = arith.index_cast %scan3A_103 : i32 to index
        %swap3A_186 = arith.constant 48 : index
        %swap3A_187 = tpu.vector_load %arg10[%swap3A_185, %swap3A_186] {strides = array<i32>} : memref<80x128xf32, #tpu.memory_space<vmem>>, vector<1x16xf32>,
        %swap3A_188 = vector.shape_cast %swap3A_187 : vector<1x16xf32> to vector<16xf32>
        %swap3A_189 = vector.shape_cast %max3A_184 : vector<16xf32> to vector<1x16xf32>
        tpu.vector_store %arg10[%swap3A_185, %swap3A_186], %swap3A_189 {strides = array<i32>} : memref<80x128xf32, #tpu.memory_space<vmem>>, vector<1x16xf32>,
        %get3A_190 = arith.index_cast %scan3A_103 : i32 to index
        %get3A_191 = arith.constant 64 : index
        %get3A_192 = tpu.vector_load %arg10[%get3A_190, %get3A_191] {strides = array<i32>} : memref<80x128xf32, #tpu.memory_space<vmem>>, vector<1x16xf32>,
        %get3A_193 = vector.shape_cast %get3A_192 : vector<1x16xf32> to vector<16xf32>
        %get3A_194 = arith.index_cast %scan3A_103 : i32 to index
        %get3A_195 = arith.constant 64 : index
        %get3A_196 = tpu.vector_load %arg13[%get3A_194, %get3A_195] {strides = array<i32>} : memref<80x128xf32, #tpu.memory_space<vmem>>, vector<1x16xf32>,
        %get3A_197 = vector.shape_cast %get3A_196 : vector<1x16xf32> to vector<16xf32>
        %add3A_198 = arith.addf %get3A_193, %get3A_197 : vector<16xf32>
        %get3A_199 = arith.index_cast %scan3A_103 : i32 to index
        %get3A_200 = arith.constant 64 : index
        %get3A_201 = tpu.vector_load %arg14[%get3A_199, %get3A_200] {strides = array<i32>} : memref<80x128xf32, #tpu.memory_space<vmem>>, vector<1x16xf32>,
        %get3A_202 = vector.shape_cast %get3A_201 : vector<1x16xf32> to vector<16xf32>
        %add3A_203 = arith.addf %add3A_198, %get3A_202 : vector<16xf32>
        %max3A_204 = arith.constant 0.000000e+00 : f32
        %max3A_205 = vector.broadcast %max3A_204 : f32 to vector<16xf32>
        %max3A_206 = arith.maximumf %add3A_203, %max3A_205 : vector<16xf32>
        %swap3A_207 = arith.index_cast %scan3A_103 : i32 to index
        %swap3A_208 = arith.constant 64 : index
        %swap3A_209 = tpu.vector_load %arg10[%swap3A_207, %swap3A_208] {strides = array<i32>} : memref<80x128xf32, #tpu.memory_space<vmem>>, vector<1x16xf32>,
        %swap3A_210 = vector.shape_cast %swap3A_209 : vector<1x16xf32> to vector<16xf32>
        %swap3A_211 = vector.shape_cast %max3A_206 : vector<16xf32> to vector<1x16xf32>
        tpu.vector_store %arg10[%swap3A_207, %swap3A_208], %swap3A_211 {strides = array<i32>} : memref<80x128xf32, #tpu.memory_space<vmem>>, vector<1x16xf32>,
        %get3A_212 = arith.index_cast %scan3A_103 : i32 to index
        %get3A_213 = arith.constant 80 : index
        %get3A_214 = tpu.vector_load %arg10[%get3A_212, %get3A_213] {strides = array<i32>} : memref<80x128xf32, #tpu.memory_space<vmem>>, vector<1x16xf32>,
        %get3A_215 = vector.shape_cast %get3A_214 : vector<1x16xf32> to vector<16xf32>
        %get3A_216 = arith.index_cast %scan3A_103 : i32 to index
        %get3A_217 = arith.constant 80 : index
        %get3A_218 = tpu.vector_load %arg13[%get3A_216, %get3A_217] {strides = array<i32>} : memref<80x128xf32, #tpu.memory_space<vmem>>, vector<1x16xf32>,
        %get3A_219 = vector.shape_cast %get3A_218 : vector<1x16xf32> to vector<16xf32>
        %add3A_220 = arith.addf %get3A_215, %get3A_219 : vector<16xf32>
        %get3A_221 = arith.index_cast %scan3A_103 : i32 to index
        %get3A_222 = arith.constant 80 : index
        %get3A_223 = tpu.vector_load %arg14[%get3A_221, %get3A_222] {strides = array<i32>} : memref<80x128xf32, #tpu.memory_space<vmem>>, vector<1x16xf32>,
        %get3A_224 = vector.shape_cast %get3A_223 : vector<1x16xf32> to vector<16xf32>
        %add3A_225 = arith.addf %add3A_220, %get3A_224 : vector<16xf32>
        %max3A_226 = arith.constant 0.000000e+00 : f32
        %max3A_227 = vector.broadcast %max3A_226 : f32 to vector<16xf32>
        %max3A_228 = arith.maximumf %add3A_225, %max3A_227 : vector<16xf32>
        %swap3A_229 = arith.index_cast %scan3A_103 : i32 to index
        %swap3A_230 = arith.constant 80 : index
        %swap3A_231 = tpu.vector_load %arg10[%swap3A_229, %swap3A_230] {strides = array<i32>} : memref<80x128xf32, #tpu.memory_space<vmem>>, vector<1x16xf32>,
        %swap3A_232 = vector.shape_cast %swap3A_231 : vector<1x16xf32> to vector<16xf32>
        %swap3A_233 = vector.shape_cast %max3A_228 : vector<16xf32> to vector<1x16xf32>
        tpu.vector_store %arg10[%swap3A_229, %swap3A_230], %swap3A_233 {strides = array<i32>} : memref<80x128xf32, #tpu.memory_space<vmem>>, vector<1x16xf32>,
        %get3A_234 = arith.index_cast %scan3A_103 : i32 to index
        %get3A_235 = arith.constant 96 : index
        %get3A_236 = tpu.vector_load %arg10[%get3A_234, %get3A_235] {strides = array<i32>} : memref<80x128xf32, #tpu.memory_space<vmem>>, vector<1x16xf32>,
        %get3A_237 = vector.shape_cast %get3A_236 : vector<1x16xf32> to vector<16xf32>
        %get3A_238 = arith.index_cast %scan3A_103 : i32 to index
        %get3A_239 = arith.constant 96 : index
        %get3A_240 = tpu.vector_load %arg13[%get3A_238, %get3A_239] {strides = array<i32>} : memref<80x128xf32, #tpu.memory_space<vmem>>, vector<1x16xf32>,
        %get3A_241 = vector.shape_cast %get3A_240 : vector<1x16xf32> to vector<16xf32>
        %add3A_242 = arith.addf %get3A_237, %get3A_241 : vector<16xf32>
        %get3A_243 = arith.index_cast %scan3A_103 : i32 to index
        %get3A_244 = arith.constant 96 : index
        %get3A_245 = tpu.vector_load %arg14[%get3A_243, %get3A_244] {strides = array<i32>} : memref<80x128xf32, #tpu.memory_space<vmem>>, vector<1x16xf32>,
        %get3A_246 = vector.shape_cast %get3A_245 : vector<1x16xf32> to vector<16xf32>
        %add3A_247 = arith.addf %add3A_242, %get3A_246 : vector<16xf32>
        %max3A_248 = arith.constant 0.000000e+00 : f32
        %max3A_249 = vector.broadcast %max3A_248 : f32 to vector<16xf32>
        %max3A_250 = arith.maximumf %add3A_247, %max3A_249 : vector<16xf32>
        %swap3A_251 = arith.index_cast %scan3A_103 : i32 to index
        %swap3A_252 = arith.constant 96 : index
        %swap3A_253 = tpu.vector_load %arg10[%swap3A_251, %swap3A_252] {strides = array<i32>} : memref<80x128xf32, #tpu.memory_space<vmem>>, vector<1x16xf32>,
        %swap3A_254 = vector.shape_cast %swap3A_253 : vector<1x16xf32> to vector<16xf32>
        %swap3A_255 = vector.shape_cast %max3A_250 : vector<16xf32> to vector<1x16xf32>
        tpu.vector_store %arg10[%swap3A_251, %swap3A_252], %swap3A_255 {strides = array<i32>} : memref<80x128xf32, #tpu.memory_space<vmem>>, vector<1x16xf32>,
        %get3A_256 = arith.index_cast %scan3A_103 : i32 to index
        %get3A_257 = arith.constant 112 : index
        %get3A_258 = tpu.vector_load %arg10[%get3A_256, %get3A_257] {strides = array<i32>} : memref<80x128xf32, #tpu.memory_space<vmem>>, vector<1x16xf32>,
        %get3A_259 = vector.shape_cast %get3A_258 : vector<1x16xf32> to vector<16xf32>
        %get3A_260 = arith.index_cast %scan3A_103 : i32 to index
        %get3A_261 = arith.constant 112 : index
        %get3A_262 = tpu.vector_load %arg13[%get3A_260, %get3A_261] {strides = array<i32>} : memref<80x128xf32, #tpu.memory_space<vmem>>, vector<1x16xf32>,
        %get3A_263 = vector.shape_cast %get3A_262 : vector<1x16xf32> to vector<16xf32>
        %add3A_264 = arith.addf %get3A_259, %get3A_263 : vector<16xf32>
        %get3A_265 = arith.index_cast %scan3A_103 : i32 to index
        %get3A_266 = arith.constant 112 : index
        %get3A_267 = tpu.vector_load %arg14[%get3A_265, %get3A_266] {strides = array<i32>} : memref<80x128xf32, #tpu.memory_space<vmem>>, vector<1x16xf32>,
        %get3A_268 = vector.shape_cast %get3A_267 : vector<1x16xf32> to vector<16xf32>
        %add3A_269 = arith.addf %add3A_264, %get3A_268 : vector<16xf32>
        %max3A_270 = arith.constant 0.000000e+00 : f32
        %max3A_271 = vector.broadcast %max3A_270 : f32 to vector<16xf32>
        %max3A_272 = arith.maximumf %add3A_269, %max3A_271 : vector<16xf32>
        %swap3A_273 = arith.index_cast %scan3A_103 : i32 to index
        %swap3A_274 = arith.constant 112 : index
        %swap3A_275 = tpu.vector_load %arg10[%swap3A_273, %swap3A_274] {strides = array<i32>} : memref<80x128xf32, #tpu.memory_space<vmem>>, vector<1x16xf32>,
        %swap3A_276 = vector.shape_cast %swap3A_275 : vector<1x16xf32> to vector<16xf32>
        %swap3A_277 = vector.shape_cast %max3A_272 : vector<16xf32> to vector<1x16xf32>
        tpu.vector_store %arg10[%swap3A_273, %swap3A_274], %swap3A_277 {strides = array<i32>} : memref<80x128xf32, #tpu.memory_space<vmem>>, vector<1x16xf32>,
        %scan3A_278 = arith.constant 0 : i32
        scf.yield %scan3A_278 : i32
      }
      %scan3A_101 = arith.constant 80 : i32
      "tpu.region"() ({
        %run_scoped3A = tpu.sem_alloc : memref<!tpu.dma_semaphore, #tpu.memory_space<semaphore_mem>>
        %dma_start3A_103 = arith.constant 0 : i32
        %dma_start3A_104 = arith.constant 0 : i32
        %dma_start3A_105 = tpu.memref_slice %arg15[%dma_start3A_103, %dma_start3A_104] : memref<10000x128xf32, #tpu.memory_space<vmem_shared>> -> memref<10000x128xf32, #tpu.memory_space<vmem_shared>>
        tpu.enqueue_indirect_dma source(%arg10 : memref<80x128xf32, #tpu.memory_space<vmem>>) target(%dma_start3A_105 : memref<10000x128xf32, #tpu.memory_space<vmem_shared>>) offsets(%arg9 : memref<80xi32, #tpu.memory_space<vmem>>) semaphore(%run_scoped3A : memref<!tpu.dma_semaphore, #tpu.memory_space<semaphore_mem>>) {add = true}
        %dma_wait3A_106 = arith.constant 0 : i32
        %dma_wait3A_107 = arith.constant 0 : i32
        %dma_wait3A_108 = tpu.memref_slice %arg15[%dma_wait3A_106, %dma_wait3A_107] : memref<10000x128xf32, #tpu.memory_space<vmem_shared>> -> memref<10000x128xf32, #tpu.memory_space<vmem_shared>>
        tpu.wait_indirect_dma semaphore(%run_scoped3A : memref<!tpu.dma_semaphore, #tpu.memory_space<semaphore_mem>>) src(%arg10 : memref<80x128xf32, #tpu.memory_space<vmem>>) dst(%dma_wait3A_108 : memref<10000x128xf32, #tpu.memory_space<vmem_shared>>)
        tpu.yield
      }) : () -> ()
      %scan3A_102 = arith.constant 0 : i32
      scf.yield %scan3A_102 : i32
    }
    %scan3A_39 = arith.constant 125 : i32
    %barrier3A_40 = arith.constant 0 : index
    tpu.barrier barrier_id(%barrier3A_40)
    %mul3A_41 = arith.constant 624 : i32
    %mul3A_42 = arith.muli %arg1, %mul3A_41 : i32
    %add3A_43 = arith.constant 0 : i32
    %add3A_44 = arith.addi %mul3A_42, %add3A_43 : i32
    "tpu.region"() ({
      %run_scoped3A = tpu.sem_alloc : memref<!tpu.dma_semaphore, #tpu.memory_space<semaphore_mem>>
      %dma_start3A = arith.constant 0 : i32
      %dma_start3A_70 = tpu.memref_slice %arg15[%add3A_44, %dma_start3A] : memref<10000x128xf32, #tpu.memory_space<vmem_shared>> -> memref<104x128xf32, #tpu.memory_space<vmem_shared>>
      %dma_start3A_71 = arith.constant 0 : i32
      %dma_start3A_72 = tpu.memref_slice %arg15[%add3A_44, %dma_start3A_71] : memref<10000x128xf32, #tpu.memory_space<vmem_shared>> -> memref<104x128xf32, #tpu.memory_space<vmem_shared>>
      tpu.enqueue_dma source(%dma_start3A_72 : memref<104x128xf32, #tpu.memory_space<vmem_shared>>) target(%arg11 : memref<104x128xf32, #tpu.memory_space<vmem>>) target_semaphore(%run_scoped3A : memref<!tpu.dma_semaphore, #tpu.memory_space<semaphore_mem>>)
      %dma_wait3A = arith.constant 0 : i32
      %dma_wait3A_73 = tpu.memref_slice %arg15[%add3A_44, %dma_wait3A] : memref<10000x128xf32, #tpu.memory_space<vmem_shared>> -> memref<104x128xf32, #tpu.memory_space<vmem_shared>>
      %dma_wait3A_74 = arith.constant 0 : i32
      %dma_wait3A_75 = tpu.memref_slice %arg15[%add3A_44, %dma_wait3A_74] : memref<10000x128xf32, #tpu.memory_space<vmem_shared>> -> memref<104x128xf32, #tpu.memory_space<vmem_shared>>
      tpu.wait_dma2 semaphore(%run_scoped3A : memref<!tpu.dma_semaphore, #tpu.memory_space<semaphore_mem>>) src(%dma_wait3A_75 : memref<104x128xf32, #tpu.memory_space<vmem_shared>>) dst(%arg11 : memref<104x128xf32, #tpu.memory_space<vmem>>)
      tpu.yield
    }) : () -> ()
    "tpu.region"() ({
      %run_scoped3A = tpu.sem_alloc : memref<!tpu.dma_semaphore, #tpu.memory_space<semaphore_mem>>
      %dma_start3A = arith.constant 0 : i32
      %dma_start3A_70 = tpu.memref_slice %arg7[%arg0, %add3A_44, %dma_start3A] : memref<2x10000x128xf32, #tpu.memory_space<hbm>> -> memref<1x104x128xf32, #tpu.memory_space<hbm>>
      %dma_start3A_71 = tpu.memref_squeeze %dma_start3A_70 : memref<1x104x128xf32, #tpu.memory_space<hbm>> -> memref<104x128xf32, #tpu.memory_space<hbm>>
      %dma_start3A_72 = arith.constant 0 : i32
      %dma_start3A_73 = tpu.memref_slice %arg7[%arg0, %add3A_44, %dma_start3A_72] : memref<2x10000x128xf32, #tpu.memory_space<hbm>> -> memref<1x104x128xf32, #tpu.memory_space<hbm>>
      %dma_start3A_74 = tpu.memref_squeeze %dma_start3A_73 : memref<1x104x128xf32, #tpu.memory_space<hbm>> -> memref<104x128xf32, #tpu.memory_space<hbm>>
      tpu.enqueue_dma source(%arg11 : memref<104x128xf32, #tpu.memory_space<vmem>>) target(%dma_start3A_74 : memref<104x128xf32, #tpu.memory_space<hbm>>) target_semaphore(%run_scoped3A : memref<!tpu.dma_semaphore, #tpu.memory_space<semaphore_mem>>)
      %dma_wait3A = arith.constant 0 : i32
      %dma_wait3A_75 = tpu.memref_slice %arg7[%arg0, %add3A_44, %dma_wait3A] : memref<2x10000x128xf32, #tpu.memory_space<hbm>> -> memref<1x104x128xf32, #tpu.memory_space<hbm>>
      %dma_wait3A_76 = tpu.memref_squeeze %dma_wait3A_75 : memref<1x104x128xf32, #tpu.memory_space<hbm>> -> memref<104x128xf32, #tpu.memory_space<hbm>>
      %dma_wait3A_77 = arith.constant 0 : i32
      %dma_wait3A_78 = tpu.memref_slice %arg7[%arg0, %add3A_44, %dma_wait3A_77] : memref<2x10000x128xf32, #tpu.memory_space<hbm>> -> memref<1x104x128xf32, #tpu.memory_space<hbm>>
      %dma_wait3A_79 = tpu.memref_squeeze %dma_wait3A_78 : memref<1x104x128xf32, #tpu.memory_space<hbm>> -> memref<104x128xf32, #tpu.memory_space<hbm>>
      tpu.wait_dma2 semaphore(%run_scoped3A : memref<!tpu.dma_semaphore, #tpu.memory_space<semaphore_mem>>) src(%arg11 : memref<104x128xf32, #tpu.memory_space<vmem>>) dst(%dma_wait3A_79 : memref<104x128xf32, #tpu.memory_space<hbm>>)
      tpu.yield
    }) : () -> ()
    %mul3A_45 = arith.constant 624 : i32
    %mul3A_46 = arith.muli %arg1, %mul3A_45 : i32
    %add3A_47 = arith.constant 104 : i32
    %add3A_48 = arith.addi %mul3A_46, %add3A_47 : i32
    "tpu.region"() ({
      %run_scoped3A = tpu.sem_alloc : memref<!tpu.dma_semaphore, #tpu.memory_space<semaphore_mem>>
      %dma_start3A = arith.constant 0 : i32
      %dma_start3A_70 = tpu.memref_slice %arg15[%add3A_48, %dma_start3A] : memref<10000x128xf32, #tpu.memory_space<vmem_shared>> -> memref<104x128xf32, #tpu.memory_space<vmem_shared>>
      %dma_start3A_71 = arith.constant 0 : i32
      %dma_start3A_72 = tpu.memref_slice %arg15[%add3A_48, %dma_start3A_71] : memref<10000x128xf32, #tpu.memory_space<vmem_shared>> -> memref<104x128xf32, #tpu.memory_space<vmem_shared>>
      tpu.enqueue_dma source(%dma_start3A_72 : memref<104x128xf32, #tpu.memory_space<vmem_shared>>) target(%arg11 : memref<104x128xf32, #tpu.memory_space<vmem>>) target_semaphore(%run_scoped3A : memref<!tpu.dma_semaphore, #tpu.memory_space<semaphore_mem>>)
      %dma_wait3A = arith.constant 0 : i32
      %dma_wait3A_73 = tpu.memref_slice %arg15[%add3A_48, %dma_wait3A] : memref<10000x128xf32, #tpu.memory_space<vmem_shared>> -> memref<104x128xf32, #tpu.memory_space<vmem_shared>>
      %dma_wait3A_74 = arith.constant 0 : i32
      %dma_wait3A_75 = tpu.memref_slice %arg15[%add3A_48, %dma_wait3A_74] : memref<10000x128xf32, #tpu.memory_space<vmem_shared>> -> memref<104x128xf32, #tpu.memory_space<vmem_shared>>
      tpu.wait_dma2 semaphore(%run_scoped3A : memref<!tpu.dma_semaphore, #tpu.memory_space<semaphore_mem>>) src(%dma_wait3A_75 : memref<104x128xf32, #tpu.memory_space<vmem_shared>>) dst(%arg11 : memref<104x128xf32, #tpu.memory_space<vmem>>)
      tpu.yield
    }) : () -> ()
    "tpu.region"() ({
      %run_scoped3A = tpu.sem_alloc : memref<!tpu.dma_semaphore, #tpu.memory_space<semaphore_mem>>
      %dma_start3A = arith.constant 0 : i32
      %dma_start3A_70 = tpu.memref_slice %arg7[%arg0, %add3A_48, %dma_start3A] : memref<2x10000x128xf32, #tpu.memory_space<hbm>> -> memref<1x104x128xf32, #tpu.memory_space<hbm>>
      %dma_start3A_71 = tpu.memref_squeeze %dma_start3A_70 : memref<1x104x128xf32, #tpu.memory_space<hbm>> -> memref<104x128xf32, #tpu.memory_space<hbm>>
      %dma_start3A_72 = arith.constant 0 : i32
      %dma_start3A_73 = tpu.memref_slice %arg7[%arg0, %add3A_48, %dma_start3A_72] : memref<2x10000x128xf32, #tpu.memory_space<hbm>> -> memref<1x104x128xf32, #tpu.memory_space<hbm>>
      %dma_start3A_74 = tpu.memref_squeeze %dma_start3A_73 : memref<1x104x128xf32, #tpu.memory_space<hbm>> -> memref<104x128xf32, #tpu.memory_space<hbm>>
      tpu.enqueue_dma source(%arg11 : memref<104x128xf32, #tpu.memory_space<vmem>>) target(%dma_start3A_74 : memref<104x128xf32, #tpu.memory_space<hbm>>) target_semaphore(%run_scoped3A : memref<!tpu.dma_semaphore, #tpu.memory_space<semaphore_mem>>)
      %dma_wait3A = arith.constant 0 : i32
      %dma_wait3A_75 = tpu.memref_slice %arg7[%arg0, %add3A_48, %dma_wait3A] : memref<2x10000x128xf32, #tpu.memory_space<hbm>> -> memref<1x104x128xf32, #tpu.memory_space<hbm>>
      %dma_wait3A_76 = tpu.memref_squeeze %dma_wait3A_75 : memref<1x104x128xf32, #tpu.memory_space<hbm>> -> memref<104x128xf32, #tpu.memory_space<hbm>>
      %dma_wait3A_77 = arith.constant 0 : i32
      %dma_wait3A_78 = tpu.memref_slice %arg7[%arg0, %add3A_48, %dma_wait3A_77] : memref<2x10000x128xf32, #tpu.memory_space<hbm>> -> memref<1x104x128xf32, #tpu.memory_space<hbm>>
      %dma_wait3A_79 = tpu.memref_squeeze %dma_wait3A_78 : memref<1x104x128xf32, #tpu.memory_space<hbm>> -> memref<104x128xf32, #tpu.memory_space<hbm>>
      tpu.wait_dma2 semaphore(%run_scoped3A : memref<!tpu.dma_semaphore, #tpu.memory_space<semaphore_mem>>) src(%arg11 : memref<104x128xf32, #tpu.memory_space<vmem>>) dst(%dma_wait3A_79 : memref<104x128xf32, #tpu.memory_space<hbm>>)
      tpu.yield
    }) : () -> ()
    %mul3A_49 = arith.constant 624 : i32
    %mul3A_50 = arith.muli %arg1, %mul3A_49 : i32
    %add3A_51 = arith.constant 208 : i32
    %add3A_52 = arith.addi %mul3A_50, %add3A_51 : i32
    "tpu.region"() ({
      %run_scoped3A = tpu.sem_alloc : memref<!tpu.dma_semaphore, #tpu.memory_space<semaphore_mem>>
      %dma_start3A = arith.constant 0 : i32
      %dma_start3A_70 = tpu.memref_slice %arg15[%add3A_52, %dma_start3A] : memref<10000x128xf32, #tpu.memory_space<vmem_shared>> -> memref<104x128xf32, #tpu.memory_space<vmem_shared>>
      %dma_start3A_71 = arith.constant 0 : i32
      %dma_start3A_72 = tpu.memref_slice %arg15[%add3A_52, %dma_start3A_71] : memref<10000x128xf32, #tpu.memory_space<vmem_shared>> -> memref<104x128xf32, #tpu.memory_space<vmem_shared>>
      tpu.enqueue_dma source(%dma_start3A_72 : memref<104x128xf32, #tpu.memory_space<vmem_shared>>) target(%arg11 : memref<104x128xf32, #tpu.memory_space<vmem>>) target_semaphore(%run_scoped3A : memref<!tpu.dma_semaphore, #tpu.memory_space<semaphore_mem>>)
      %dma_wait3A = arith.constant 0 : i32
      %dma_wait3A_73 = tpu.memref_slice %arg15[%add3A_52, %dma_wait3A] : memref<10000x128xf32, #tpu.memory_space<vmem_shared>> -> memref<104x128xf32, #tpu.memory_space<vmem_shared>>
      %dma_wait3A_74 = arith.constant 0 : i32
      %dma_wait3A_75 = tpu.memref_slice %arg15[%add3A_52, %dma_wait3A_74] : memref<10000x128xf32, #tpu.memory_space<vmem_shared>> -> memref<104x128xf32, #tpu.memory_space<vmem_shared>>
      tpu.wait_dma2 semaphore(%run_scoped3A : memref<!tpu.dma_semaphore, #tpu.memory_space<semaphore_mem>>) src(%dma_wait3A_75 : memref<104x128xf32, #tpu.memory_space<vmem_shared>>) dst(%arg11 : memref<104x128xf32, #tpu.memory_space<vmem>>)
      tpu.yield
    }) : () -> ()
    "tpu.region"() ({
      %run_scoped3A = tpu.sem_alloc : memref<!tpu.dma_semaphore, #tpu.memory_space<semaphore_mem>>
      %dma_start3A = arith.constant 0 : i32
      %dma_start3A_70 = tpu.memref_slice %arg7[%arg0, %add3A_52, %dma_start3A] : memref<2x10000x128xf32, #tpu.memory_space<hbm>> -> memref<1x104x128xf32, #tpu.memory_space<hbm>>
      %dma_start3A_71 = tpu.memref_squeeze %dma_start3A_70 : memref<1x104x128xf32, #tpu.memory_space<hbm>> -> memref<104x128xf32, #tpu.memory_space<hbm>>
      %dma_start3A_72 = arith.constant 0 : i32
      %dma_start3A_73 = tpu.memref_slice %arg7[%arg0, %add3A_52, %dma_start3A_72] : memref<2x10000x128xf32, #tpu.memory_space<hbm>> -> memref<1x104x128xf32, #tpu.memory_space<hbm>>
      %dma_start3A_74 = tpu.memref_squeeze %dma_start3A_73 : memref<1x104x128xf32, #tpu.memory_space<hbm>> -> memref<104x128xf32, #tpu.memory_space<hbm>>
      tpu.enqueue_dma source(%arg11 : memref<104x128xf32, #tpu.memory_space<vmem>>) target(%dma_start3A_74 : memref<104x128xf32, #tpu.memory_space<hbm>>) target_semaphore(%run_scoped3A : memref<!tpu.dma_semaphore, #tpu.memory_space<semaphore_mem>>)
      %dma_wait3A = arith.constant 0 : i32
      %dma_wait3A_75 = tpu.memref_slice %arg7[%arg0, %add3A_52, %dma_wait3A] : memref<2x10000x128xf32, #tpu.memory_space<hbm>> -> memref<1x104x128xf32, #tpu.memory_space<hbm>>
      %dma_wait3A_76 = tpu.memref_squeeze %dma_wait3A_75 : memref<1x104x128xf32, #tpu.memory_space<hbm>> -> memref<104x128xf32, #tpu.memory_space<hbm>>
      %dma_wait3A_77 = arith.constant 0 : i32
      %dma_wait3A_78 = tpu.memref_slice %arg7[%arg0, %add3A_52, %dma_wait3A_77] : memref<2x10000x128xf32, #tpu.memory_space<hbm>> -> memref<1x104x128xf32, #tpu.memory_space<hbm>>
      %dma_wait3A_79 = tpu.memref_squeeze %dma_wait3A_78 : memref<1x104x128xf32, #tpu.memory_space<hbm>> -> memref<104x128xf32, #tpu.memory_space<hbm>>
      tpu.wait_dma2 semaphore(%run_scoped3A : memref<!tpu.dma_semaphore, #tpu.memory_space<semaphore_mem>>) src(%arg11 : memref<104x128xf32, #tpu.memory_space<vmem>>) dst(%dma_wait3A_79 : memref<104x128xf32, #tpu.memory_space<hbm>>)
      tpu.yield
    }) : () -> ()
    %mul3A_53 = arith.constant 624 : i32
    %mul3A_54 = arith.muli %arg1, %mul3A_53 : i32
    %add3A_55 = arith.constant 312 : i32
    %add3A_56 = arith.addi %mul3A_54, %add3A_55 : i32
    "tpu.region"() ({
      %run_scoped3A = tpu.sem_alloc : memref<!tpu.dma_semaphore, #tpu.memory_space<semaphore_mem>>
      %dma_start3A = arith.constant 0 : i32
      %dma_start3A_70 = tpu.memref_slice %arg15[%add3A_56, %dma_start3A] : memref<10000x128xf32, #tpu.memory_space<vmem_shared>> -> memref<104x128xf32, #tpu.memory_space<vmem_shared>>
      %dma_start3A_71 = arith.constant 0 : i32
      %dma_start3A_72 = tpu.memref_slice %arg15[%add3A_56, %dma_start3A_71] : memref<10000x128xf32, #tpu.memory_space<vmem_shared>> -> memref<104x128xf32, #tpu.memory_space<vmem_shared>>
      tpu.enqueue_dma source(%dma_start3A_72 : memref<104x128xf32, #tpu.memory_space<vmem_shared>>) target(%arg11 : memref<104x128xf32, #tpu.memory_space<vmem>>) target_semaphore(%run_scoped3A : memref<!tpu.dma_semaphore, #tpu.memory_space<semaphore_mem>>)
      %dma_wait3A = arith.constant 0 : i32
      %dma_wait3A_73 = tpu.memref_slice %arg15[%add3A_56, %dma_wait3A] : memref<10000x128xf32, #tpu.memory_space<vmem_shared>> -> memref<104x128xf32, #tpu.memory_space<vmem_shared>>
      %dma_wait3A_74 = arith.constant 0 : i32
      %dma_wait3A_75 = tpu.memref_slice %arg15[%add3A_56, %dma_wait3A_74] : memref<10000x128xf32, #tpu.memory_space<vmem_shared>> -> memref<104x128xf32, #tpu.memory_space<vmem_shared>>
      tpu.wait_dma2 semaphore(%run_scoped3A : memref<!tpu.dma_semaphore, #tpu.memory_space<semaphore_mem>>) src(%dma_wait3A_75 : memref<104x128xf32, #tpu.memory_space<vmem_shared>>) dst(%arg11 : memref<104x128xf32, #tpu.memory_space<vmem>>)
      tpu.yield
    }) : () -> ()
    "tpu.region"() ({
      %run_scoped3A = tpu.sem_alloc : memref<!tpu.dma_semaphore, #tpu.memory_space<semaphore_mem>>
      %dma_start3A = arith.constant 0 : i32
      %dma_start3A_70 = tpu.memref_slice %arg7[%arg0, %add3A_56, %dma_start3A] : memref<2x10000x128xf32, #tpu.memory_space<hbm>> -> memref<1x104x128xf32, #tpu.memory_space<hbm>>
      %dma_start3A_71 = tpu.memref_squeeze %dma_start3A_70 : memref<1x104x128xf32, #tpu.memory_space<hbm>> -> memref<104x128xf32, #tpu.memory_space<hbm>>
      %dma_start3A_72 = arith.constant 0 : i32
      %dma_start3A_73 = tpu.memref_slice %arg7[%arg0, %add3A_56, %dma_start3A_72] : memref<2x10000x128xf32, #tpu.memory_space<hbm>> -> memref<1x104x128xf32, #tpu.memory_space<hbm>>
      %dma_start3A_74 = tpu.memref_squeeze %dma_start3A_73 : memref<1x104x128xf32, #tpu.memory_space<hbm>> -> memref<104x128xf32, #tpu.memory_space<hbm>>
      tpu.enqueue_dma source(%arg11 : memref<104x128xf32, #tpu.memory_space<vmem>>) target(%dma_start3A_74 : memref<104x128xf32, #tpu.memory_space<hbm>>) target_semaphore(%run_scoped3A : memref<!tpu.dma_semaphore, #tpu.memory_space<semaphore_mem>>)
      %dma_wait3A = arith.constant 0 : i32
      %dma_wait3A_75 = tpu.memref_slice %arg7[%arg0, %add3A_56, %dma_wait3A] : memref<2x10000x128xf32, #tpu.memory_space<hbm>> -> memref<1x104x128xf32, #tpu.memory_space<hbm>>
      %dma_wait3A_76 = tpu.memref_squeeze %dma_wait3A_75 : memref<1x104x128xf32, #tpu.memory_space<hbm>> -> memref<104x128xf32, #tpu.memory_space<hbm>>
      %dma_wait3A_77 = arith.constant 0 : i32
      %dma_wait3A_78 = tpu.memref_slice %arg7[%arg0, %add3A_56, %dma_wait3A_77] : memref<2x10000x128xf32, #tpu.memory_space<hbm>> -> memref<1x104x128xf32, #tpu.memory_space<hbm>>
      %dma_wait3A_79 = tpu.memref_squeeze %dma_wait3A_78 : memref<1x104x128xf32, #tpu.memory_space<hbm>> -> memref<104x128xf32, #tpu.memory_space<hbm>>
      tpu.wait_dma2 semaphore(%run_scoped3A : memref<!tpu.dma_semaphore, #tpu.memory_space<semaphore_mem>>) src(%arg11 : memref<104x128xf32, #tpu.memory_space<vmem>>) dst(%dma_wait3A_79 : memref<104x128xf32, #tpu.memory_space<hbm>>)
      tpu.yield
    }) : () -> ()
    %mul3A_57 = arith.constant 624 : i32
    %mul3A_58 = arith.muli %arg1, %mul3A_57 : i32
    %add3A_59 = arith.constant 416 : i32
    %add3A_60 = arith.addi %mul3A_58, %add3A_59 : i32
    "tpu.region"() ({
      %run_scoped3A = tpu.sem_alloc : memref<!tpu.dma_semaphore, #tpu.memory_space<semaphore_mem>>
      %dma_start3A = arith.constant 0 : i32
      %dma_start3A_70 = tpu.memref_slice %arg15[%add3A_60, %dma_start3A] : memref<10000x128xf32, #tpu.memory_space<vmem_shared>> -> memref<104x128xf32, #tpu.memory_space<vmem_shared>>
      %dma_start3A_71 = arith.constant 0 : i32
      %dma_start3A_72 = tpu.memref_slice %arg15[%add3A_60, %dma_start3A_71] : memref<10000x128xf32, #tpu.memory_space<vmem_shared>> -> memref<104x128xf32, #tpu.memory_space<vmem_shared>>
      tpu.enqueue_dma source(%dma_start3A_72 : memref<104x128xf32, #tpu.memory_space<vmem_shared>>) target(%arg11 : memref<104x128xf32, #tpu.memory_space<vmem>>) target_semaphore(%run_scoped3A : memref<!tpu.dma_semaphore, #tpu.memory_space<semaphore_mem>>)
      %dma_wait3A = arith.constant 0 : i32
      %dma_wait3A_73 = tpu.memref_slice %arg15[%add3A_60, %dma_wait3A] : memref<10000x128xf32, #tpu.memory_space<vmem_shared>> -> memref<104x128xf32, #tpu.memory_space<vmem_shared>>
      %dma_wait3A_74 = arith.constant 0 : i32
      %dma_wait3A_75 = tpu.memref_slice %arg15[%add3A_60, %dma_wait3A_74] : memref<10000x128xf32, #tpu.memory_space<vmem_shared>> -> memref<104x128xf32, #tpu.memory_space<vmem_shared>>
      tpu.wait_dma2 semaphore(%run_scoped3A : memref<!tpu.dma_semaphore, #tpu.memory_space<semaphore_mem>>) src(%dma_wait3A_75 : memref<104x128xf32, #tpu.memory_space<vmem_shared>>) dst(%arg11 : memref<104x128xf32, #tpu.memory_space<vmem>>)
      tpu.yield
    }) : () -> ()
    "tpu.region"() ({
      %run_scoped3A = tpu.sem_alloc : memref<!tpu.dma_semaphore, #tpu.memory_space<semaphore_mem>>
      %dma_start3A = arith.constant 0 : i32
      %dma_start3A_70 = tpu.memref_slice %arg7[%arg0, %add3A_60, %dma_start3A] : memref<2x10000x128xf32, #tpu.memory_space<hbm>> -> memref<1x104x128xf32, #tpu.memory_space<hbm>>
      %dma_start3A_71 = tpu.memref_squeeze %dma_start3A_70 : memref<1x104x128xf32, #tpu.memory_space<hbm>> -> memref<104x128xf32, #tpu.memory_space<hbm>>
      %dma_start3A_72 = arith.constant 0 : i32
      %dma_start3A_73 = tpu.memref_slice %arg7[%arg0, %add3A_60, %dma_start3A_72] : memref<2x10000x128xf32, #tpu.memory_space<hbm>> -> memref<1x104x128xf32, #tpu.memory_space<hbm>>
      %dma_start3A_74 = tpu.memref_squeeze %dma_start3A_73 : memref<1x104x128xf32, #tpu.memory_space<hbm>> -> memref<104x128xf32, #tpu.memory_space<hbm>>
      tpu.enqueue_dma source(%arg11 : memref<104x128xf32, #tpu.memory_space<vmem>>) target(%dma_start3A_74 : memref<104x128xf32, #tpu.memory_space<hbm>>) target_semaphore(%run_scoped3A : memref<!tpu.dma_semaphore, #tpu.memory_space<semaphore_mem>>)
      %dma_wait3A = arith.constant 0 : i32
      %dma_wait3A_75 = tpu.memref_slice %arg7[%arg0, %add3A_60, %dma_wait3A] : memref<2x10000x128xf32, #tpu.memory_space<hbm>> -> memref<1x104x128xf32, #tpu.memory_space<hbm>>
      %dma_wait3A_76 = tpu.memref_squeeze %dma_wait3A_75 : memref<1x104x128xf32, #tpu.memory_space<hbm>> -> memref<104x128xf32, #tpu.memory_space<hbm>>
      %dma_wait3A_77 = arith.constant 0 : i32
      %dma_wait3A_78 = tpu.memref_slice %arg7[%arg0, %add3A_60, %dma_wait3A_77] : memref<2x10000x128xf32, #tpu.memory_space<hbm>> -> memref<1x104x128xf32, #tpu.memory_space<hbm>>
      %dma_wait3A_79 = tpu.memref_squeeze %dma_wait3A_78 : memref<1x104x128xf32, #tpu.memory_space<hbm>> -> memref<104x128xf32, #tpu.memory_space<hbm>>
      tpu.wait_dma2 semaphore(%run_scoped3A : memref<!tpu.dma_semaphore, #tpu.memory_space<semaphore_mem>>) src(%arg11 : memref<104x128xf32, #tpu.memory_space<vmem>>) dst(%dma_wait3A_79 : memref<104x128xf32, #tpu.memory_space<hbm>>)
      tpu.yield
    }) : () -> ()
    %mul3A_61 = arith.constant 624 : i32
    %mul3A_62 = arith.muli %arg1, %mul3A_61 : i32
    %add3A_63 = arith.constant 520 : i32
    %add3A_64 = arith.addi %mul3A_62, %add3A_63 : i32
    "tpu.region"() ({
      %run_scoped3A = tpu.sem_alloc : memref<!tpu.dma_semaphore, #tpu.memory_space<semaphore_mem>>
      %dma_start3A = arith.constant 0 : i32
      %dma_start3A_70 = tpu.memref_slice %arg15[%add3A_64, %dma_start3A] : memref<10000x128xf32, #tpu.memory_space<vmem_shared>> -> memref<104x128xf32, #tpu.memory_space<vmem_shared>>
      %dma_start3A_71 = arith.constant 0 : i32
      %dma_start3A_72 = tpu.memref_slice %arg15[%add3A_64, %dma_start3A_71] : memref<10000x128xf32, #tpu.memory_space<vmem_shared>> -> memref<104x128xf32, #tpu.memory_space<vmem_shared>>
      tpu.enqueue_dma source(%dma_start3A_72 : memref<104x128xf32, #tpu.memory_space<vmem_shared>>) target(%arg11 : memref<104x128xf32, #tpu.memory_space<vmem>>) target_semaphore(%run_scoped3A : memref<!tpu.dma_semaphore, #tpu.memory_space<semaphore_mem>>)
      %dma_wait3A = arith.constant 0 : i32
      %dma_wait3A_73 = tpu.memref_slice %arg15[%add3A_64, %dma_wait3A] : memref<10000x128xf32, #tpu.memory_space<vmem_shared>> -> memref<104x128xf32, #tpu.memory_space<vmem_shared>>
      %dma_wait3A_74 = arith.constant 0 : i32
      %dma_wait3A_75 = tpu.memref_slice %arg15[%add3A_64, %dma_wait3A_74] : memref<10000x128xf32, #tpu.memory_space<vmem_shared>> -> memref<104x128xf32, #tpu.memory_space<vmem_shared>>
      tpu.wait_dma2 semaphore(%run_scoped3A : memref<!tpu.dma_semaphore, #tpu.memory_space<semaphore_mem>>) src(%dma_wait3A_75 : memref<104x128xf32, #tpu.memory_space<vmem_shared>>) dst(%arg11 : memref<104x128xf32, #tpu.memory_space<vmem>>)
      tpu.yield
    }) : () -> ()
    "tpu.region"() ({
      %run_scoped3A = tpu.sem_alloc : memref<!tpu.dma_semaphore, #tpu.memory_space<semaphore_mem>>
      %dma_start3A = arith.constant 0 : i32
      %dma_start3A_70 = tpu.memref_slice %arg7[%arg0, %add3A_64, %dma_start3A] : memref<2x10000x128xf32, #tpu.memory_space<hbm>> -> memref<1x104x128xf32, #tpu.memory_space<hbm>>
      %dma_start3A_71 = tpu.memref_squeeze %dma_start3A_70 : memref<1x104x128xf32, #tpu.memory_space<hbm>> -> memref<104x128xf32, #tpu.memory_space<hbm>>
      %dma_start3A_72 = arith.constant 0 : i32
      %dma_start3A_73 = tpu.memref_slice %arg7[%arg0, %add3A_64, %dma_start3A_72] : memref<2x10000x128xf32, #tpu.memory_space<hbm>> -> memref<1x104x128xf32, #tpu.memory_space<hbm>>
      %dma_start3A_74 = tpu.memref_squeeze %dma_start3A_73 : memref<1x104x128xf32, #tpu.memory_space<hbm>> -> memref<104x128xf32, #tpu.memory_space<hbm>>
      tpu.enqueue_dma source(%arg11 : memref<104x128xf32, #tpu.memory_space<vmem>>) target(%dma_start3A_74 : memref<104x128xf32, #tpu.memory_space<hbm>>) target_semaphore(%run_scoped3A : memref<!tpu.dma_semaphore, #tpu.memory_space<semaphore_mem>>)
      %dma_wait3A = arith.constant 0 : i32
      %dma_wait3A_75 = tpu.memref_slice %arg7[%arg0, %add3A_64, %dma_wait3A] : memref<2x10000x128xf32, #tpu.memory_space<hbm>> -> memref<1x104x128xf32, #tpu.memory_space<hbm>>
      %dma_wait3A_76 = tpu.memref_squeeze %dma_wait3A_75 : memref<1x104x128xf32, #tpu.memory_space<hbm>> -> memref<104x128xf32, #tpu.memory_space<hbm>>
      %dma_wait3A_77 = arith.constant 0 : i32
      %dma_wait3A_78 = tpu.memref_slice %arg7[%arg0, %add3A_64, %dma_wait3A_77] : memref<2x10000x128xf32, #tpu.memory_space<hbm>> -> memref<1x104x128xf32, #tpu.memory_space<hbm>>
      %dma_wait3A_79 = tpu.memref_squeeze %dma_wait3A_78 : memref<1x104x128xf32, #tpu.memory_space<hbm>> -> memref<104x128xf32, #tpu.memory_space<hbm>>
      tpu.wait_dma2 semaphore(%run_scoped3A : memref<!tpu.dma_semaphore, #tpu.memory_space<semaphore_mem>>) src(%arg11 : memref<104x128xf32, #tpu.memory_space<vmem>>) dst(%dma_wait3A_79 : memref<104x128xf32, #tpu.memory_space<hbm>>)
      tpu.yield
    }) : () -> ()
    %eq3A_65 = arith.constant 15 : i32
    %eq3A_66 = arith.cmpi eq, %arg1, %eq3A_65 : i32
    %convert_element_type3A_67 = arith.extui %eq3A_66 : i1 to i32
    %cond3A_68 = arith.constant 0 : i32
    %cond3A_69 = arith.cmpi ne, %convert_element_type3A_67, %cond3A_68 : i32
    scf.if %cond3A_69 {
      "tpu.region"() ({
        %run_scoped3A = tpu.sem_alloc : memref<!tpu.dma_semaphore, #tpu.memory_space<semaphore_mem>>
        %dma_start3A = arith.constant 0 : i32
        %dma_start3A_70 = arith.constant 0 : i32
        %dma_start3A_71 = tpu.memref_slice %arg11[%dma_start3A, %dma_start3A_70] : memref<104x128xf32, #tpu.memory_space<vmem>> -> memref<16x128xf32, #tpu.memory_space<vmem>>
        %dma_start3A_72 = arith.constant 9984 : i32
        %dma_start3A_73 = arith.constant 0 : i32
        %dma_start3A_74 = tpu.memref_slice %arg15[%dma_start3A_72, %dma_start3A_73] : memref<10000x128xf32, #tpu.memory_space<vmem_shared>> -> memref<16x128xf32, #tpu.memory_space<vmem_shared>>
        %dma_start3A_75 = arith.constant 0 : i32
        %dma_start3A_76 = arith.constant 0 : i32
        %dma_start3A_77 = tpu.memref_slice %arg11[%dma_start3A_75, %dma_start3A_76] : memref<104x128xf32, #tpu.memory_space<vmem>> -> memref<16x128xf32, #tpu.memory_space<vmem>>
        %dma_start3A_78 = arith.constant 9984 : i32
        %dma_start3A_79 = arith.constant 0 : i32
        %dma_start3A_80 = tpu.memref_slice %arg15[%dma_start3A_78, %dma_start3A_79] : memref<10000x128xf32, #tpu.memory_space<vmem_shared>> -> memref<16x128xf32, #tpu.memory_space<vmem_shared>>
        tpu.enqueue_dma source(%dma_start3A_80 : memref<16x128xf32, #tpu.memory_space<vmem_shared>>) target(%dma_start3A_77 : memref<16x128xf32, #tpu.memory_space<vmem>>) target_semaphore(%run_scoped3A : memref<!tpu.dma_semaphore, #tpu.memory_space<semaphore_mem>>)
        %dma_wait3A = arith.constant 0 : i32
        %dma_wait3A_81 = arith.constant 0 : i32
        %dma_wait3A_82 = tpu.memref_slice %arg11[%dma_wait3A, %dma_wait3A_81] : memref<104x128xf32, #tpu.memory_space<vmem>> -> memref<16x128xf32, #tpu.memory_space<vmem>>
        %dma_wait3A_83 = arith.constant 9984 : i32
        %dma_wait3A_84 = arith.constant 0 : i32
        %dma_wait3A_85 = tpu.memref_slice %arg15[%dma_wait3A_83, %dma_wait3A_84] : memref<10000x128xf32, #tpu.memory_space<vmem_shared>> -> memref<16x128xf32, #tpu.memory_space<vmem_shared>>
        %dma_wait3A_86 = arith.constant 0 : i32
        %dma_wait3A_87 = arith.constant 0 : i32
        %dma_wait3A_88 = tpu.memref_slice %arg11[%dma_wait3A_86, %dma_wait3A_87] : memref<104x128xf32, #tpu.memory_space<vmem>> -> memref<16x128xf32, #tpu.memory_space<vmem>>
        %dma_wait3A_89 = arith.constant 9984 : i32
        %dma_wait3A_90 = arith.constant 0 : i32
        %dma_wait3A_91 = tpu.memref_slice %arg15[%dma_wait3A_89, %dma_wait3A_90] : memref<10000x128xf32, #tpu.memory_space<vmem_shared>> -> memref<16x128xf32, #tpu.memory_space<vmem_shared>>
        tpu.wait_dma2 semaphore(%run_scoped3A : memref<!tpu.dma_semaphore, #tpu.memory_space<semaphore_mem>>) src(%dma_wait3A_91 : memref<16x128xf32, #tpu.memory_space<vmem_shared>>) dst(%dma_wait3A_88 : memref<16x128xf32, #tpu.memory_space<vmem>>)
        tpu.yield
      }) : () -> ()
      "tpu.region"() ({
        %run_scoped3A = tpu.sem_alloc : memref<!tpu.dma_semaphore, #tpu.memory_space<semaphore_mem>>
        %dma_start3A = arith.constant 0 : i32
        %dma_start3A_70 = arith.constant 0 : i32
        %dma_start3A_71 = tpu.memref_slice %arg11[%dma_start3A, %dma_start3A_70] : memref<104x128xf32, #tpu.memory_space<vmem>> -> memref<16x128xf32, #tpu.memory_space<vmem>>
        %dma_start3A_72 = arith.constant 9984 : i32
        %dma_start3A_73 = arith.constant 0 : i32
        %dma_start3A_74 = tpu.memref_slice %arg7[%arg0, %dma_start3A_72, %dma_start3A_73] : memref<2x10000x128xf32, #tpu.memory_space<hbm>> -> memref<1x16x128xf32, #tpu.memory_space<hbm>>
        %dma_start3A_75 = tpu.memref_squeeze %dma_start3A_74 : memref<1x16x128xf32, #tpu.memory_space<hbm>> -> memref<16x128xf32, #tpu.memory_space<hbm>>
        %dma_start3A_76 = arith.constant 9984 : i32
        %dma_start3A_77 = arith.constant 0 : i32
        %dma_start3A_78 = tpu.memref_slice %arg7[%arg0, %dma_start3A_76, %dma_start3A_77] : memref<2x10000x128xf32, #tpu.memory_space<hbm>> -> memref<1x16x128xf32, #tpu.memory_space<hbm>>
        %dma_start3A_79 = tpu.memref_squeeze %dma_start3A_78 : memref<1x16x128xf32, #tpu.memory_space<hbm>> -> memref<16x128xf32, #tpu.memory_space<hbm>>
        %dma_start3A_80 = arith.constant 0 : i32
        %dma_start3A_81 = arith.constant 0 : i32
        %dma_start3A_82 = tpu.memref_slice %arg11[%dma_start3A_80, %dma_start3A_81] : memref<104x128xf32, #tpu.memory_space<vmem>> -> memref<16x128xf32, #tpu.memory_space<vmem>>
        tpu.enqueue_dma source(%dma_start3A_82 : memref<16x128xf32, #tpu.memory_space<vmem>>) target(%dma_start3A_79 : memref<16x128xf32, #tpu.memory_space<hbm>>) target_semaphore(%run_scoped3A : memref<!tpu.dma_semaphore, #tpu.memory_space<semaphore_mem>>)
        %dma_wait3A = arith.constant 0 : i32
        %dma_wait3A_83 = arith.constant 0 : i32
        %dma_wait3A_84 = tpu.memref_slice %arg11[%dma_wait3A, %dma_wait3A_83] : memref<104x128xf32, #tpu.memory_space<vmem>> -> memref<16x128xf32, #tpu.memory_space<vmem>>
        %dma_wait3A_85 = arith.constant 9984 : i32
        %dma_wait3A_86 = arith.constant 0 : i32
        %dma_wait3A_87 = tpu.memref_slice %arg7[%arg0, %dma_wait3A_85, %dma_wait3A_86] : memref<2x10000x128xf32, #tpu.memory_space<hbm>> -> memref<1x16x128xf32, #tpu.memory_space<hbm>>
        %dma_wait3A_88 = tpu.memref_squeeze %dma_wait3A_87 : memref<1x16x128xf32, #tpu.memory_space<hbm>> -> memref<16x128xf32, #tpu.memory_space<hbm>>
        %dma_wait3A_89 = arith.constant 9984 : i32
        %dma_wait3A_90 = arith.constant 0 : i32
        %dma_wait3A_91 = tpu.memref_slice %arg7[%arg0, %dma_wait3A_89, %dma_wait3A_90] : memref<2x10000x128xf32, #tpu.memory_space<hbm>> -> memref<1x16x128xf32, #tpu.memory_space<hbm>>
        %dma_wait3A_92 = tpu.memref_squeeze %dma_wait3A_91 : memref<1x16x128xf32, #tpu.memory_space<hbm>> -> memref<16x128xf32, #tpu.memory_space<hbm>>
        %dma_wait3A_93 = arith.constant 0 : i32
        %dma_wait3A_94 = arith.constant 0 : i32
        %dma_wait3A_95 = tpu.memref_slice %arg11[%dma_wait3A_93, %dma_wait3A_94] : memref<104x128xf32, #tpu.memory_space<vmem>> -> memref<16x128xf32, #tpu.memory_space<vmem>>
        tpu.wait_dma2 semaphore(%run_scoped3A : memref<!tpu.dma_semaphore, #tpu.memory_space<semaphore_mem>>) src(%dma_wait3A_95 : memref<16x128xf32, #tpu.memory_space<vmem>>) dst(%dma_wait3A_92 : memref<16x128xf32, #tpu.memory_space<hbm>>)
        tpu.yield
      }) : () -> ()
    } else {
    }
    return
  }
}

#map = affine_map<(d0, d1) -> (0, 0)>
#map1 = affine_map<(d0, d1) -> (0)>
#map2 = affine_map<(d0, d1) -> (0, 0, 0)>
module attributes {stable_mosaic.version = 14 : i64} {
  func.func @body(%arg0: i32, %arg1: i32, %arg2: memref<10000x128xf32, #tpu.memory_space<hbm>>, %arg3: memref<10000x128xf32, #tpu.memory_space<hbm>>, %arg4: memref<10000x128xf32, #tpu.memory_space<hbm>>, %arg5: memref<320000xi32, #tpu.memory_space<hbm>>, %arg6: memref<320000xi32, #tpu.memory_space<hbm>>, %arg7: memref<2x10000x128xf32, #tpu.memory_space<hbm>>, %arg8: memref<80xi32, #tpu.memory_space<vmem>>, %arg9: memref<80xi32, #tpu.memory_space<vmem>>, %arg10: memref<80x128xf32, #tpu.memory_space<vmem>>, %arg11: memref<104x128xf32, #tpu.memory_space<vmem>>, %arg12: memref<!tpu.dma_semaphore, #tpu.memory_space<semaphore_mem>>, %arg13: memref<10000x128xf32, #tpu.memory_space<vmem_shared>>) attributes {dimension_semantics = [#tpu.dimension_semantics<core_parallel>, #tpu.dimension_semantics<subcore_parallel>], iteration_bounds = array<i64: 2, 16>, scalar_prefetch = 0 : i64, scratch_operands = 6 : i64, tpu.core_type = #tpu.core_type<sc_vector_subcore>, window_params = [{transform_indices = #map}, {transform_indices = #map}, {transform_indices = #map}, {transform_indices = #map1}, {transform_indices = #map1}, {transform_indices = #map2}]} {
    %mul3A = arith.constant 16 : i32
    %mul3A_0 = arith.muli %arg0, %mul3A : i32
    %add3A = arith.addi %mul3A_0, %arg1 : i32
    %scan3A = arith.constant 0 : i32
    %scan3A_1 = arith.constant 0 : i32
    %scan3A_2 = arith.constant 832 : i32
    %scan3A_3 = arith.addi %scan3A_1, %scan3A_2 : i32
    %scan3A_4 = arith.constant 1 : i32
    %scan3A_5 = scf.for %scan3A_70 = %scan3A_1 to %scan3A_3 step %scan3A_4 iter_args(%scan3A_71 = %scan3A) -> (i32)  : i32 {
      %broadcast_in_dim3A = arith.constant 0.000000e+00 : f32
      %broadcast_in_dim3A_72 = vector.broadcast %broadcast_in_dim3A : f32 to vector<16xf32>
      %jit3A = arith.constant 8 : i32
      %div3A = arith.divsi %scan3A_70, %jit3A : i32
      %sign3A = arith.constant 0 : i32
      %sign3A_73 = arith.cmpi sgt, %scan3A_70, %sign3A : i32
      %sign3A_74 = arith.extui %sign3A_73 : i1 to i32
      %sign3A_75 = arith.constant 0 : i32
      %sign3A_76 = arith.cmpi slt, %scan3A_70, %sign3A_75 : i32
      %sign3A_77 = arith.extui %sign3A_76 : i1 to i32
      %sign3A_78 = arith.subi %sign3A_74, %sign3A_77 : i32
      %sign3A_79 = arith.constant 0 : i32
      %sign3A_80 = arith.cmpi sgt, %jit3A, %sign3A_79 : i32
      %sign3A_81 = arith.extui %sign3A_80 : i1 to i32
      %sign3A_82 = arith.constant 0 : i32
      %sign3A_83 = arith.cmpi slt, %jit3A, %sign3A_82 : i32
      %sign3A_84 = arith.extui %sign3A_83 : i1 to i32
      %sign3A_85 = arith.subi %sign3A_81, %sign3A_84 : i32
      %ne3A = arith.cmpi ne, %sign3A_78, %sign3A_85 : i32
      %rem3A = arith.remsi %scan3A_70, %jit3A : i32
      %ne3A_86 = arith.constant 0 : i32
      %ne3A_87 = arith.cmpi ne, %rem3A, %ne3A_86 : i32
      %and3A = arith.andi %ne3A, %ne3A_87 : i1
      %sub3A = arith.constant 1 : i32
      %sub3A_88 = arith.subi %div3A, %sub3A : i32
      %select_n3A = arith.select %and3A, %sub3A_88, %div3A : i32
      %jit3A_89 = arith.constant 8 : i32
      %eq3A_90 = arith.constant 0 : i32
      %eq3A_91 = arith.cmpi eq, %jit3A_89, %eq3A_90 : i32
      %jit3A_92 = arith.constant 1 : i32
      %select_n3A_93 = arith.select %eq3A_91, %jit3A_92, %jit3A_89 : i32
      %rem3A_94 = arith.remsi %scan3A_70, %select_n3A_93 : i32
      %ne3A_95 = arith.constant 0 : i32
      %ne3A_96 = arith.cmpi ne, %rem3A_94, %ne3A_95 : i32
      %lt3A = arith.constant 0 : i32
      %lt3A_97 = arith.cmpi slt, %rem3A_94, %lt3A : i32
      %lt3A_98 = arith.constant 0 : i32
      %lt3A_99 = arith.cmpi slt, %select_n3A_93, %lt3A_98 : i32
      %ne3A_100 = arith.xori %lt3A_97, %lt3A_99 : i1
      %and3A_101 = arith.andi %ne3A_100, %ne3A_96 : i1
      %add3A_102 = arith.addi %rem3A_94, %select_n3A_93 : i32
      %select_n3A_103 = arith.select %and3A_101, %add3A_102, %rem3A_94 : i32
      %mul3A_104 = arith.constant 16 : i32
      %mul3A_105 = arith.muli %select_n3A_103, %mul3A_104 : i32
      %swap3A = arith.index_cast %select_n3A : i32 to index
      %swap3A_106 = arith.index_cast %mul3A_105 : i32 to index
      %swap3A_107 = tpu.vector_load %arg11[%swap3A, %swap3A_106] {strides = array<i32>} : memref<104x128xf32, #tpu.memory_space<vmem>>, vector<1x16xf32>,
      %swap3A_108 = vector.shape_cast %swap3A_107 : vector<1x16xf32> to vector<16xf32>
      %swap3A_109 = vector.shape_cast %broadcast_in_dim3A_72 : vector<16xf32> to vector<1x16xf32>
      tpu.vector_store %arg11[%swap3A, %swap3A_106], %swap3A_109 {strides = array<i32>} : memref<104x128xf32, #tpu.memory_space<vmem>>, vector<1x16xf32>,
      %scan3A_110 = arith.constant 0 : i32
      scf.yield %scan3A_110 : i32
    }
    %scan3A_6 = arith.constant 832 : i32
    %mul3A_7 = arith.constant 624 : i32
    %mul3A_8 = arith.muli %arg1, %mul3A_7 : i32
    %add3A_9 = arith.constant 0 : i32
    %add3A_10 = arith.addi %mul3A_8, %add3A_9 : i32
    "tpu.region"() ({
      %run_scoped3A = tpu.sem_alloc : memref<!tpu.dma_semaphore, #tpu.memory_space<semaphore_mem>>
      %dma_start3A = arith.constant 0 : i32
      %dma_start3A_70 = tpu.memref_slice %arg13[%add3A_10, %dma_start3A] : memref<10000x128xf32, #tpu.memory_space<vmem_shared>> -> memref<104x128xf32, #tpu.memory_space<vmem_shared>>
      %dma_start3A_71 = arith.constant 0 : i32
      %dma_start3A_72 = tpu.memref_slice %arg13[%add3A_10, %dma_start3A_71] : memref<10000x128xf32, #tpu.memory_space<vmem_shared>> -> memref<104x128xf32, #tpu.memory_space<vmem_shared>>
      tpu.enqueue_dma source(%arg11 : memref<104x128xf32, #tpu.memory_space<vmem>>) target(%dma_start3A_72 : memref<104x128xf32, #tpu.memory_space<vmem_shared>>) target_semaphore(%run_scoped3A : memref<!tpu.dma_semaphore, #tpu.memory_space<semaphore_mem>>)
      %dma_wait3A = arith.constant 0 : i32
      %dma_wait3A_73 = tpu.memref_slice %arg13[%add3A_10, %dma_wait3A] : memref<10000x128xf32, #tpu.memory_space<vmem_shared>> -> memref<104x128xf32, #tpu.memory_space<vmem_shared>>
      %dma_wait3A_74 = arith.constant 0 : i32
      %dma_wait3A_75 = tpu.memref_slice %arg13[%add3A_10, %dma_wait3A_74] : memref<10000x128xf32, #tpu.memory_space<vmem_shared>> -> memref<104x128xf32, #tpu.memory_space<vmem_shared>>
      tpu.wait_dma2 semaphore(%run_scoped3A : memref<!tpu.dma_semaphore, #tpu.memory_space<semaphore_mem>>) src(%arg11 : memref<104x128xf32, #tpu.memory_space<vmem>>) dst(%dma_wait3A_75 : memref<104x128xf32, #tpu.memory_space<vmem_shared>>)
      tpu.yield
    }) : () -> ()
    %mul3A_11 = arith.constant 624 : i32
    %mul3A_12 = arith.muli %arg1, %mul3A_11 : i32
    %add3A_13 = arith.constant 104 : i32
    %add3A_14 = arith.addi %mul3A_12, %add3A_13 : i32
    "tpu.region"() ({
      %run_scoped3A = tpu.sem_alloc : memref<!tpu.dma_semaphore, #tpu.memory_space<semaphore_mem>>
      %dma_start3A = arith.constant 0 : i32
      %dma_start3A_70 = tpu.memref_slice %arg13[%add3A_14, %dma_start3A] : memref<10000x128xf32, #tpu.memory_space<vmem_shared>> -> memref<104x128xf32, #tpu.memory_space<vmem_shared>>
      %dma_start3A_71 = arith.constant 0 : i32
      %dma_start3A_72 = tpu.memref_slice %arg13[%add3A_14, %dma_start3A_71] : memref<10000x128xf32, #tpu.memory_space<vmem_shared>> -> memref<104x128xf32, #tpu.memory_space<vmem_shared>>
      tpu.enqueue_dma source(%arg11 : memref<104x128xf32, #tpu.memory_space<vmem>>) target(%dma_start3A_72 : memref<104x128xf32, #tpu.memory_space<vmem_shared>>) target_semaphore(%run_scoped3A : memref<!tpu.dma_semaphore, #tpu.memory_space<semaphore_mem>>)
      %dma_wait3A = arith.constant 0 : i32
      %dma_wait3A_73 = tpu.memref_slice %arg13[%add3A_14, %dma_wait3A] : memref<10000x128xf32, #tpu.memory_space<vmem_shared>> -> memref<104x128xf32, #tpu.memory_space<vmem_shared>>
      %dma_wait3A_74 = arith.constant 0 : i32
      %dma_wait3A_75 = tpu.memref_slice %arg13[%add3A_14, %dma_wait3A_74] : memref<10000x128xf32, #tpu.memory_space<vmem_shared>> -> memref<104x128xf32, #tpu.memory_space<vmem_shared>>
      tpu.wait_dma2 semaphore(%run_scoped3A : memref<!tpu.dma_semaphore, #tpu.memory_space<semaphore_mem>>) src(%arg11 : memref<104x128xf32, #tpu.memory_space<vmem>>) dst(%dma_wait3A_75 : memref<104x128xf32, #tpu.memory_space<vmem_shared>>)
      tpu.yield
    }) : () -> ()
    %mul3A_15 = arith.constant 624 : i32
    %mul3A_16 = arith.muli %arg1, %mul3A_15 : i32
    %add3A_17 = arith.constant 208 : i32
    %add3A_18 = arith.addi %mul3A_16, %add3A_17 : i32
    "tpu.region"() ({
      %run_scoped3A = tpu.sem_alloc : memref<!tpu.dma_semaphore, #tpu.memory_space<semaphore_mem>>
      %dma_start3A = arith.constant 0 : i32
      %dma_start3A_70 = tpu.memref_slice %arg13[%add3A_18, %dma_start3A] : memref<10000x128xf32, #tpu.memory_space<vmem_shared>> -> memref<104x128xf32, #tpu.memory_space<vmem_shared>>
      %dma_start3A_71 = arith.constant 0 : i32
      %dma_start3A_72 = tpu.memref_slice %arg13[%add3A_18, %dma_start3A_71] : memref<10000x128xf32, #tpu.memory_space<vmem_shared>> -> memref<104x128xf32, #tpu.memory_space<vmem_shared>>
      tpu.enqueue_dma source(%arg11 : memref<104x128xf32, #tpu.memory_space<vmem>>) target(%dma_start3A_72 : memref<104x128xf32, #tpu.memory_space<vmem_shared>>) target_semaphore(%run_scoped3A : memref<!tpu.dma_semaphore, #tpu.memory_space<semaphore_mem>>)
      %dma_wait3A = arith.constant 0 : i32
      %dma_wait3A_73 = tpu.memref_slice %arg13[%add3A_18, %dma_wait3A] : memref<10000x128xf32, #tpu.memory_space<vmem_shared>> -> memref<104x128xf32, #tpu.memory_space<vmem_shared>>
      %dma_wait3A_74 = arith.constant 0 : i32
      %dma_wait3A_75 = tpu.memref_slice %arg13[%add3A_18, %dma_wait3A_74] : memref<10000x128xf32, #tpu.memory_space<vmem_shared>> -> memref<104x128xf32, #tpu.memory_space<vmem_shared>>
      tpu.wait_dma2 semaphore(%run_scoped3A : memref<!tpu.dma_semaphore, #tpu.memory_space<semaphore_mem>>) src(%arg11 : memref<104x128xf32, #tpu.memory_space<vmem>>) dst(%dma_wait3A_75 : memref<104x128xf32, #tpu.memory_space<vmem_shared>>)
      tpu.yield
    }) : () -> ()
    %mul3A_19 = arith.constant 624 : i32
    %mul3A_20 = arith.muli %arg1, %mul3A_19 : i32
    %add3A_21 = arith.constant 312 : i32
    %add3A_22 = arith.addi %mul3A_20, %add3A_21 : i32
    "tpu.region"() ({
      %run_scoped3A = tpu.sem_alloc : memref<!tpu.dma_semaphore, #tpu.memory_space<semaphore_mem>>
      %dma_start3A = arith.constant 0 : i32
      %dma_start3A_70 = tpu.memref_slice %arg13[%add3A_22, %dma_start3A] : memref<10000x128xf32, #tpu.memory_space<vmem_shared>> -> memref<104x128xf32, #tpu.memory_space<vmem_shared>>
      %dma_start3A_71 = arith.constant 0 : i32
      %dma_start3A_72 = tpu.memref_slice %arg13[%add3A_22, %dma_start3A_71] : memref<10000x128xf32, #tpu.memory_space<vmem_shared>> -> memref<104x128xf32, #tpu.memory_space<vmem_shared>>
      tpu.enqueue_dma source(%arg11 : memref<104x128xf32, #tpu.memory_space<vmem>>) target(%dma_start3A_72 : memref<104x128xf32, #tpu.memory_space<vmem_shared>>) target_semaphore(%run_scoped3A : memref<!tpu.dma_semaphore, #tpu.memory_space<semaphore_mem>>)
      %dma_wait3A = arith.constant 0 : i32
      %dma_wait3A_73 = tpu.memref_slice %arg13[%add3A_22, %dma_wait3A] : memref<10000x128xf32, #tpu.memory_space<vmem_shared>> -> memref<104x128xf32, #tpu.memory_space<vmem_shared>>
      %dma_wait3A_74 = arith.constant 0 : i32
      %dma_wait3A_75 = tpu.memref_slice %arg13[%add3A_22, %dma_wait3A_74] : memref<10000x128xf32, #tpu.memory_space<vmem_shared>> -> memref<104x128xf32, #tpu.memory_space<vmem_shared>>
      tpu.wait_dma2 semaphore(%run_scoped3A : memref<!tpu.dma_semaphore, #tpu.memory_space<semaphore_mem>>) src(%arg11 : memref<104x128xf32, #tpu.memory_space<vmem>>) dst(%dma_wait3A_75 : memref<104x128xf32, #tpu.memory_space<vmem_shared>>)
      tpu.yield
    }) : () -> ()
    %mul3A_23 = arith.constant 624 : i32
    %mul3A_24 = arith.muli %arg1, %mul3A_23 : i32
    %add3A_25 = arith.constant 416 : i32
    %add3A_26 = arith.addi %mul3A_24, %add3A_25 : i32
    "tpu.region"() ({
      %run_scoped3A = tpu.sem_alloc : memref<!tpu.dma_semaphore, #tpu.memory_space<semaphore_mem>>
      %dma_start3A = arith.constant 0 : i32
      %dma_start3A_70 = tpu.memref_slice %arg13[%add3A_26, %dma_start3A] : memref<10000x128xf32, #tpu.memory_space<vmem_shared>> -> memref<104x128xf32, #tpu.memory_space<vmem_shared>>
      %dma_start3A_71 = arith.constant 0 : i32
      %dma_start3A_72 = tpu.memref_slice %arg13[%add3A_26, %dma_start3A_71] : memref<10000x128xf32, #tpu.memory_space<vmem_shared>> -> memref<104x128xf32, #tpu.memory_space<vmem_shared>>
      tpu.enqueue_dma source(%arg11 : memref<104x128xf32, #tpu.memory_space<vmem>>) target(%dma_start3A_72 : memref<104x128xf32, #tpu.memory_space<vmem_shared>>) target_semaphore(%run_scoped3A : memref<!tpu.dma_semaphore, #tpu.memory_space<semaphore_mem>>)
      %dma_wait3A = arith.constant 0 : i32
      %dma_wait3A_73 = tpu.memref_slice %arg13[%add3A_26, %dma_wait3A] : memref<10000x128xf32, #tpu.memory_space<vmem_shared>> -> memref<104x128xf32, #tpu.memory_space<vmem_shared>>
      %dma_wait3A_74 = arith.constant 0 : i32
      %dma_wait3A_75 = tpu.memref_slice %arg13[%add3A_26, %dma_wait3A_74] : memref<10000x128xf32, #tpu.memory_space<vmem_shared>> -> memref<104x128xf32, #tpu.memory_space<vmem_shared>>
      tpu.wait_dma2 semaphore(%run_scoped3A : memref<!tpu.dma_semaphore, #tpu.memory_space<semaphore_mem>>) src(%arg11 : memref<104x128xf32, #tpu.memory_space<vmem>>) dst(%dma_wait3A_75 : memref<104x128xf32, #tpu.memory_space<vmem_shared>>)
      tpu.yield
    }) : () -> ()
    %mul3A_27 = arith.constant 624 : i32
    %mul3A_28 = arith.muli %arg1, %mul3A_27 : i32
    %add3A_29 = arith.constant 520 : i32
    %add3A_30 = arith.addi %mul3A_28, %add3A_29 : i32
    "tpu.region"() ({
      %run_scoped3A = tpu.sem_alloc : memref<!tpu.dma_semaphore, #tpu.memory_space<semaphore_mem>>
      %dma_start3A = arith.constant 0 : i32
      %dma_start3A_70 = tpu.memref_slice %arg13[%add3A_30, %dma_start3A] : memref<10000x128xf32, #tpu.memory_space<vmem_shared>> -> memref<104x128xf32, #tpu.memory_space<vmem_shared>>
      %dma_start3A_71 = arith.constant 0 : i32
      %dma_start3A_72 = tpu.memref_slice %arg13[%add3A_30, %dma_start3A_71] : memref<10000x128xf32, #tpu.memory_space<vmem_shared>> -> memref<104x128xf32, #tpu.memory_space<vmem_shared>>
      tpu.enqueue_dma source(%arg11 : memref<104x128xf32, #tpu.memory_space<vmem>>) target(%dma_start3A_72 : memref<104x128xf32, #tpu.memory_space<vmem_shared>>) target_semaphore(%run_scoped3A : memref<!tpu.dma_semaphore, #tpu.memory_space<semaphore_mem>>)
      %dma_wait3A = arith.constant 0 : i32
      %dma_wait3A_73 = tpu.memref_slice %arg13[%add3A_30, %dma_wait3A] : memref<10000x128xf32, #tpu.memory_space<vmem_shared>> -> memref<104x128xf32, #tpu.memory_space<vmem_shared>>
      %dma_wait3A_74 = arith.constant 0 : i32
      %dma_wait3A_75 = tpu.memref_slice %arg13[%add3A_30, %dma_wait3A_74] : memref<10000x128xf32, #tpu.memory_space<vmem_shared>> -> memref<104x128xf32, #tpu.memory_space<vmem_shared>>
      tpu.wait_dma2 semaphore(%run_scoped3A : memref<!tpu.dma_semaphore, #tpu.memory_space<semaphore_mem>>) src(%arg11 : memref<104x128xf32, #tpu.memory_space<vmem>>) dst(%dma_wait3A_75 : memref<104x128xf32, #tpu.memory_space<vmem_shared>>)
      tpu.yield
    }) : () -> ()
    %eq3A = arith.constant 15 : i32
    %eq3A_31 = arith.cmpi eq, %arg1, %eq3A : i32
    %convert_element_type3A = arith.extui %eq3A_31 : i1 to i32
    %cond3A = arith.constant 0 : i32
    %cond3A_32 = arith.cmpi ne, %convert_element_type3A, %cond3A : i32
    scf.if %cond3A_32 {
      "tpu.region"() ({
        %run_scoped3A = tpu.sem_alloc : memref<!tpu.dma_semaphore, #tpu.memory_space<semaphore_mem>>
        %dma_start3A = arith.constant 0 : i32
        %dma_start3A_70 = arith.constant 0 : i32
        %dma_start3A_71 = tpu.memref_slice %arg11[%dma_start3A, %dma_start3A_70] : memref<104x128xf32, #tpu.memory_space<vmem>> -> memref<16x128xf32, #tpu.memory_space<vmem>>
        %dma_start3A_72 = arith.constant 9984 : i32
        %dma_start3A_73 = arith.constant 0 : i32
        %dma_start3A_74 = tpu.memref_slice %arg13[%dma_start3A_72, %dma_start3A_73] : memref<10000x128xf32, #tpu.memory_space<vmem_shared>> -> memref<16x128xf32, #tpu.memory_space<vmem_shared>>
        %dma_start3A_75 = arith.constant 9984 : i32
        %dma_start3A_76 = arith.constant 0 : i32
        %dma_start3A_77 = tpu.memref_slice %arg13[%dma_start3A_75, %dma_start3A_76] : memref<10000x128xf32, #tpu.memory_space<vmem_shared>> -> memref<16x128xf32, #tpu.memory_space<vmem_shared>>
        %dma_start3A_78 = arith.constant 0 : i32
        %dma_start3A_79 = arith.constant 0 : i32
        %dma_start3A_80 = tpu.memref_slice %arg11[%dma_start3A_78, %dma_start3A_79] : memref<104x128xf32, #tpu.memory_space<vmem>> -> memref<16x128xf32, #tpu.memory_space<vmem>>
        tpu.enqueue_dma source(%dma_start3A_80 : memref<16x128xf32, #tpu.memory_space<vmem>>) target(%dma_start3A_77 : memref<16x128xf32, #tpu.memory_space<vmem_shared>>) target_semaphore(%run_scoped3A : memref<!tpu.dma_semaphore, #tpu.memory_space<semaphore_mem>>)
        %dma_wait3A = arith.constant 0 : i32
        %dma_wait3A_81 = arith.constant 0 : i32
        %dma_wait3A_82 = tpu.memref_slice %arg11[%dma_wait3A, %dma_wait3A_81] : memref<104x128xf32, #tpu.memory_space<vmem>> -> memref<16x128xf32, #tpu.memory_space<vmem>>
        %dma_wait3A_83 = arith.constant 9984 : i32
        %dma_wait3A_84 = arith.constant 0 : i32
        %dma_wait3A_85 = tpu.memref_slice %arg13[%dma_wait3A_83, %dma_wait3A_84] : memref<10000x128xf32, #tpu.memory_space<vmem_shared>> -> memref<16x128xf32, #tpu.memory_space<vmem_shared>>
        %dma_wait3A_86 = arith.constant 9984 : i32
        %dma_wait3A_87 = arith.constant 0 : i32
        %dma_wait3A_88 = tpu.memref_slice %arg13[%dma_wait3A_86, %dma_wait3A_87] : memref<10000x128xf32, #tpu.memory_space<vmem_shared>> -> memref<16x128xf32, #tpu.memory_space<vmem_shared>>
        %dma_wait3A_89 = arith.constant 0 : i32
        %dma_wait3A_90 = arith.constant 0 : i32
        %dma_wait3A_91 = tpu.memref_slice %arg11[%dma_wait3A_89, %dma_wait3A_90] : memref<104x128xf32, #tpu.memory_space<vmem>> -> memref<16x128xf32, #tpu.memory_space<vmem>>
        tpu.wait_dma2 semaphore(%run_scoped3A : memref<!tpu.dma_semaphore, #tpu.memory_space<semaphore_mem>>) src(%dma_wait3A_91 : memref<16x128xf32, #tpu.memory_space<vmem>>) dst(%dma_wait3A_88 : memref<16x128xf32, #tpu.memory_space<vmem_shared>>)
        tpu.yield
      }) : () -> ()
    } else {
    }
    %barrier3A = arith.constant 0 : index
    tpu.barrier barrier_id(%barrier3A)
    %scan3A_33 = arith.constant 0 : i32
    %scan3A_34 = arith.constant 0 : i32
    %scan3A_35 = arith.constant 125 : i32
    %scan3A_36 = arith.addi %scan3A_34, %scan3A_35 : i32
    %scan3A_37 = arith.constant 1 : i32
    %scan3A_38 = scf.for %scan3A_70 = %scan3A_34 to %scan3A_36 step %scan3A_37 iter_args(%scan3A_71 = %scan3A_33) -> (i32)  : i32 {
      %mul3A_72 = arith.constant 10000 : i32
      %mul3A_73 = arith.muli %add3A, %mul3A_72 : i32
      %mul3A_74 = arith.constant 80 : i32
      %mul3A_75 = arith.muli %scan3A_70, %mul3A_74 : i32
      %add3A_76 = arith.addi %mul3A_73, %mul3A_75 : i32
      %multiple_of3A = tpu.assume_multiple %add3A_76, 16 : i32
      "tpu.region"() ({
        %run_scoped3A = tpu.sem_alloc : memref<!tpu.dma_semaphore, #tpu.memory_space<semaphore_mem>>
        %dma_start3A_82 = tpu.memref_slice %arg5[%multiple_of3A] : memref<320000xi32, #tpu.memory_space<hbm>> -> memref<80xi32, #tpu.memory_space<hbm>>
        %dma_start3A_83 = tpu.memref_slice %arg5[%multiple_of3A] : memref<320000xi32, #tpu.memory_space<hbm>> -> memref<80xi32, #tpu.memory_space<hbm>>
        tpu.enqueue_dma source(%dma_start3A_83 : memref<80xi32, #tpu.memory_space<hbm>>) target(%arg8 : memref<80xi32, #tpu.memory_space<vmem>>) target_semaphore(%run_scoped3A : memref<!tpu.dma_semaphore, #tpu.memory_space<semaphore_mem>>)
        %dma_wait3A_84 = tpu.memref_slice %arg5[%multiple_of3A] : memref<320000xi32, #tpu.memory_space<hbm>> -> memref<80xi32, #tpu.memory_space<hbm>>
        %dma_wait3A_85 = tpu.memref_slice %arg5[%multiple_of3A] : memref<320000xi32, #tpu.memory_space<hbm>> -> memref<80xi32, #tpu.memory_space<hbm>>
        tpu.wait_dma2 semaphore(%run_scoped3A : memref<!tpu.dma_semaphore, #tpu.memory_space<semaphore_mem>>) src(%dma_wait3A_85 : memref<80xi32, #tpu.memory_space<hbm>>) dst(%arg8 : memref<80xi32, #tpu.memory_space<vmem>>)
        tpu.yield
      }) : () -> ()
      "tpu.region"() ({
        %run_scoped3A = tpu.sem_alloc : memref<!tpu.dma_semaphore, #tpu.memory_space<semaphore_mem>>
        %dma_start3A_82 = tpu.memref_slice %arg6[%multiple_of3A] : memref<320000xi32, #tpu.memory_space<hbm>> -> memref<80xi32, #tpu.memory_space<hbm>>
        %dma_start3A_83 = tpu.memref_slice %arg6[%multiple_of3A] : memref<320000xi32, #tpu.memory_space<hbm>> -> memref<80xi32, #tpu.memory_space<hbm>>
        tpu.enqueue_dma source(%dma_start3A_83 : memref<80xi32, #tpu.memory_space<hbm>>) target(%arg9 : memref<80xi32, #tpu.memory_space<vmem>>) target_semaphore(%run_scoped3A : memref<!tpu.dma_semaphore, #tpu.memory_space<semaphore_mem>>)
        %dma_wait3A_84 = tpu.memref_slice %arg6[%multiple_of3A] : memref<320000xi32, #tpu.memory_space<hbm>> -> memref<80xi32, #tpu.memory_space<hbm>>
        %dma_wait3A_85 = tpu.memref_slice %arg6[%multiple_of3A] : memref<320000xi32, #tpu.memory_space<hbm>> -> memref<80xi32, #tpu.memory_space<hbm>>
        tpu.wait_dma2 semaphore(%run_scoped3A : memref<!tpu.dma_semaphore, #tpu.memory_space<semaphore_mem>>) src(%dma_wait3A_85 : memref<80xi32, #tpu.memory_space<hbm>>) dst(%arg9 : memref<80xi32, #tpu.memory_space<vmem>>)
        tpu.yield
      }) : () -> ()
      %dma_start3A = arith.constant 0 : i32
      %dma_start3A_77 = arith.constant 0 : i32
      %dma_start3A_78 = tpu.memref_slice %arg2[%dma_start3A, %dma_start3A_77] : memref<10000x128xf32, #tpu.memory_space<hbm>> -> memref<10000x128xf32, #tpu.memory_space<hbm>>
      tpu.enqueue_indirect_dma source(%dma_start3A_78 : memref<10000x128xf32, #tpu.memory_space<hbm>>) target(%arg10 : memref<80x128xf32, #tpu.memory_space<vmem>>) offsets(%arg8 : memref<80xi32, #tpu.memory_space<vmem>>) semaphore(%arg12 : memref<!tpu.dma_semaphore, #tpu.memory_space<semaphore_mem>>)
      %dma_wait3A = arith.constant 0 : i32
      %dma_wait3A_79 = arith.constant 0 : i32
      %dma_wait3A_80 = tpu.memref_slice %arg2[%dma_wait3A, %dma_wait3A_79] : memref<10000x128xf32, #tpu.memory_space<hbm>> -> memref<10000x128xf32, #tpu.memory_space<hbm>>
      tpu.wait_indirect_dma semaphore(%arg12 : memref<!tpu.dma_semaphore, #tpu.memory_space<semaphore_mem>>) src(%dma_wait3A_80 : memref<10000x128xf32, #tpu.memory_space<hbm>>) dst(%arg10 : memref<80x128xf32, #tpu.memory_space<vmem>>)
      "tpu.region"() ({
        %run_scoped3A = tpu.sem_alloc : memref<!tpu.dma_semaphore, #tpu.memory_space<semaphore_mem>>
        %dma_start3A_82 = arith.constant 0 : i32
        %dma_start3A_83 = arith.constant 0 : i32
        %dma_start3A_84 = tpu.memref_slice %arg13[%dma_start3A_82, %dma_start3A_83] : memref<10000x128xf32, #tpu.memory_space<vmem_shared>> -> memref<10000x128xf32, #tpu.memory_space<vmem_shared>>
        tpu.enqueue_indirect_dma source(%arg10 : memref<80x128xf32, #tpu.memory_space<vmem>>) target(%dma_start3A_84 : memref<10000x128xf32, #tpu.memory_space<vmem_shared>>) offsets(%arg9 : memref<80xi32, #tpu.memory_space<vmem>>) semaphore(%run_scoped3A : memref<!tpu.dma_semaphore, #tpu.memory_space<semaphore_mem>>) {add = true}
        %dma_wait3A_85 = arith.constant 0 : i32
        %dma_wait3A_86 = arith.constant 0 : i32
        %dma_wait3A_87 = tpu.memref_slice %arg13[%dma_wait3A_85, %dma_wait3A_86] : memref<10000x128xf32, #tpu.memory_space<vmem_shared>> -> memref<10000x128xf32, #tpu.memory_space<vmem_shared>>
        tpu.wait_indirect_dma semaphore(%run_scoped3A : memref<!tpu.dma_semaphore, #tpu.memory_space<semaphore_mem>>) src(%arg10 : memref<80x128xf32, #tpu.memory_space<vmem>>) dst(%dma_wait3A_87 : memref<10000x128xf32, #tpu.memory_space<vmem_shared>>)
        tpu.yield
      }) : () -> ()
      %scan3A_81 = arith.constant 0 : i32
      scf.yield %scan3A_81 : i32
    }
    %scan3A_39 = arith.constant 125 : i32
    %barrier3A_40 = arith.constant 0 : index
    tpu.barrier barrier_id(%barrier3A_40)
    %mul3A_41 = arith.constant 624 : i32
    %mul3A_42 = arith.muli %arg1, %mul3A_41 : i32
    %add3A_43 = arith.constant 0 : i32
    %add3A_44 = arith.addi %mul3A_42, %add3A_43 : i32
    "tpu.region"() ({
      %run_scoped3A = tpu.sem_alloc : memref<!tpu.dma_semaphore, #tpu.memory_space<semaphore_mem>>
      %dma_start3A = arith.constant 0 : i32
      %dma_start3A_70 = tpu.memref_slice %arg13[%add3A_44, %dma_start3A] : memref<10000x128xf32, #tpu.memory_space<vmem_shared>> -> memref<104x128xf32, #tpu.memory_space<vmem_shared>>
      %dma_start3A_71 = arith.constant 0 : i32
      %dma_start3A_72 = tpu.memref_slice %arg13[%add3A_44, %dma_start3A_71] : memref<10000x128xf32, #tpu.memory_space<vmem_shared>> -> memref<104x128xf32, #tpu.memory_space<vmem_shared>>
      tpu.enqueue_dma source(%dma_start3A_72 : memref<104x128xf32, #tpu.memory_space<vmem_shared>>) target(%arg11 : memref<104x128xf32, #tpu.memory_space<vmem>>) target_semaphore(%run_scoped3A : memref<!tpu.dma_semaphore, #tpu.memory_space<semaphore_mem>>)
      %dma_wait3A = arith.constant 0 : i32
      %dma_wait3A_73 = tpu.memref_slice %arg13[%add3A_44, %dma_wait3A] : memref<10000x128xf32, #tpu.memory_space<vmem_shared>> -> memref<104x128xf32, #tpu.memory_space<vmem_shared>>
      %dma_wait3A_74 = arith.constant 0 : i32
      %dma_wait3A_75 = tpu.memref_slice %arg13[%add3A_44, %dma_wait3A_74] : memref<10000x128xf32, #tpu.memory_space<vmem_shared>> -> memref<104x128xf32, #tpu.memory_space<vmem_shared>>
      tpu.wait_dma2 semaphore(%run_scoped3A : memref<!tpu.dma_semaphore, #tpu.memory_space<semaphore_mem>>) src(%dma_wait3A_75 : memref<104x128xf32, #tpu.memory_space<vmem_shared>>) dst(%arg11 : memref<104x128xf32, #tpu.memory_space<vmem>>)
      tpu.yield
    }) : () -> ()
    "tpu.region"() ({
      %run_scoped3A = tpu.sem_alloc : memref<!tpu.dma_semaphore, #tpu.memory_space<semaphore_mem>>
      %dma_start3A = arith.constant 0 : i32
      %dma_start3A_70 = tpu.memref_slice %arg7[%arg0, %add3A_44, %dma_start3A] : memref<2x10000x128xf32, #tpu.memory_space<hbm>> -> memref<1x104x128xf32, #tpu.memory_space<hbm>>
      %dma_start3A_71 = tpu.memref_squeeze %dma_start3A_70 : memref<1x104x128xf32, #tpu.memory_space<hbm>> -> memref<104x128xf32, #tpu.memory_space<hbm>>
      %dma_start3A_72 = arith.constant 0 : i32
      %dma_start3A_73 = tpu.memref_slice %arg7[%arg0, %add3A_44, %dma_start3A_72] : memref<2x10000x128xf32, #tpu.memory_space<hbm>> -> memref<1x104x128xf32, #tpu.memory_space<hbm>>
      %dma_start3A_74 = tpu.memref_squeeze %dma_start3A_73 : memref<1x104x128xf32, #tpu.memory_space<hbm>> -> memref<104x128xf32, #tpu.memory_space<hbm>>
      tpu.enqueue_dma source(%arg11 : memref<104x128xf32, #tpu.memory_space<vmem>>) target(%dma_start3A_74 : memref<104x128xf32, #tpu.memory_space<hbm>>) target_semaphore(%run_scoped3A : memref<!tpu.dma_semaphore, #tpu.memory_space<semaphore_mem>>)
      %dma_wait3A = arith.constant 0 : i32
      %dma_wait3A_75 = tpu.memref_slice %arg7[%arg0, %add3A_44, %dma_wait3A] : memref<2x10000x128xf32, #tpu.memory_space<hbm>> -> memref<1x104x128xf32, #tpu.memory_space<hbm>>
      %dma_wait3A_76 = tpu.memref_squeeze %dma_wait3A_75 : memref<1x104x128xf32, #tpu.memory_space<hbm>> -> memref<104x128xf32, #tpu.memory_space<hbm>>
      %dma_wait3A_77 = arith.constant 0 : i32
      %dma_wait3A_78 = tpu.memref_slice %arg7[%arg0, %add3A_44, %dma_wait3A_77] : memref<2x10000x128xf32, #tpu.memory_space<hbm>> -> memref<1x104x128xf32, #tpu.memory_space<hbm>>
      %dma_wait3A_79 = tpu.memref_squeeze %dma_wait3A_78 : memref<1x104x128xf32, #tpu.memory_space<hbm>> -> memref<104x128xf32, #tpu.memory_space<hbm>>
      tpu.wait_dma2 semaphore(%run_scoped3A : memref<!tpu.dma_semaphore, #tpu.memory_space<semaphore_mem>>) src(%arg11 : memref<104x128xf32, #tpu.memory_space<vmem>>) dst(%dma_wait3A_79 : memref<104x128xf32, #tpu.memory_space<hbm>>)
      tpu.yield
    }) : () -> ()
    %mul3A_45 = arith.constant 624 : i32
    %mul3A_46 = arith.muli %arg1, %mul3A_45 : i32
    %add3A_47 = arith.constant 104 : i32
    %add3A_48 = arith.addi %mul3A_46, %add3A_47 : i32
    "tpu.region"() ({
      %run_scoped3A = tpu.sem_alloc : memref<!tpu.dma_semaphore, #tpu.memory_space<semaphore_mem>>
      %dma_start3A = arith.constant 0 : i32
      %dma_start3A_70 = tpu.memref_slice %arg13[%add3A_48, %dma_start3A] : memref<10000x128xf32, #tpu.memory_space<vmem_shared>> -> memref<104x128xf32, #tpu.memory_space<vmem_shared>>
      %dma_start3A_71 = arith.constant 0 : i32
      %dma_start3A_72 = tpu.memref_slice %arg13[%add3A_48, %dma_start3A_71] : memref<10000x128xf32, #tpu.memory_space<vmem_shared>> -> memref<104x128xf32, #tpu.memory_space<vmem_shared>>
      tpu.enqueue_dma source(%dma_start3A_72 : memref<104x128xf32, #tpu.memory_space<vmem_shared>>) target(%arg11 : memref<104x128xf32, #tpu.memory_space<vmem>>) target_semaphore(%run_scoped3A : memref<!tpu.dma_semaphore, #tpu.memory_space<semaphore_mem>>)
      %dma_wait3A = arith.constant 0 : i32
      %dma_wait3A_73 = tpu.memref_slice %arg13[%add3A_48, %dma_wait3A] : memref<10000x128xf32, #tpu.memory_space<vmem_shared>> -> memref<104x128xf32, #tpu.memory_space<vmem_shared>>
      %dma_wait3A_74 = arith.constant 0 : i32
      %dma_wait3A_75 = tpu.memref_slice %arg13[%add3A_48, %dma_wait3A_74] : memref<10000x128xf32, #tpu.memory_space<vmem_shared>> -> memref<104x128xf32, #tpu.memory_space<vmem_shared>>
      tpu.wait_dma2 semaphore(%run_scoped3A : memref<!tpu.dma_semaphore, #tpu.memory_space<semaphore_mem>>) src(%dma_wait3A_75 : memref<104x128xf32, #tpu.memory_space<vmem_shared>>) dst(%arg11 : memref<104x128xf32, #tpu.memory_space<vmem>>)
      tpu.yield
    }) : () -> ()
    "tpu.region"() ({
      %run_scoped3A = tpu.sem_alloc : memref<!tpu.dma_semaphore, #tpu.memory_space<semaphore_mem>>
      %dma_start3A = arith.constant 0 : i32
      %dma_start3A_70 = tpu.memref_slice %arg7[%arg0, %add3A_48, %dma_start3A] : memref<2x10000x128xf32, #tpu.memory_space<hbm>> -> memref<1x104x128xf32, #tpu.memory_space<hbm>>
      %dma_start3A_71 = tpu.memref_squeeze %dma_start3A_70 : memref<1x104x128xf32, #tpu.memory_space<hbm>> -> memref<104x128xf32, #tpu.memory_space<hbm>>
      %dma_start3A_72 = arith.constant 0 : i32
      %dma_start3A_73 = tpu.memref_slice %arg7[%arg0, %add3A_48, %dma_start3A_72] : memref<2x10000x128xf32, #tpu.memory_space<hbm>> -> memref<1x104x128xf32, #tpu.memory_space<hbm>>
      %dma_start3A_74 = tpu.memref_squeeze %dma_start3A_73 : memref<1x104x128xf32, #tpu.memory_space<hbm>> -> memref<104x128xf32, #tpu.memory_space<hbm>>
      tpu.enqueue_dma source(%arg11 : memref<104x128xf32, #tpu.memory_space<vmem>>) target(%dma_start3A_74 : memref<104x128xf32, #tpu.memory_space<hbm>>) target_semaphore(%run_scoped3A : memref<!tpu.dma_semaphore, #tpu.memory_space<semaphore_mem>>)
      %dma_wait3A = arith.constant 0 : i32
      %dma_wait3A_75 = tpu.memref_slice %arg7[%arg0, %add3A_48, %dma_wait3A] : memref<2x10000x128xf32, #tpu.memory_space<hbm>> -> memref<1x104x128xf32, #tpu.memory_space<hbm>>
      %dma_wait3A_76 = tpu.memref_squeeze %dma_wait3A_75 : memref<1x104x128xf32, #tpu.memory_space<hbm>> -> memref<104x128xf32, #tpu.memory_space<hbm>>
      %dma_wait3A_77 = arith.constant 0 : i32
      %dma_wait3A_78 = tpu.memref_slice %arg7[%arg0, %add3A_48, %dma_wait3A_77] : memref<2x10000x128xf32, #tpu.memory_space<hbm>> -> memref<1x104x128xf32, #tpu.memory_space<hbm>>
      %dma_wait3A_79 = tpu.memref_squeeze %dma_wait3A_78 : memref<1x104x128xf32, #tpu.memory_space<hbm>> -> memref<104x128xf32, #tpu.memory_space<hbm>>
      tpu.wait_dma2 semaphore(%run_scoped3A : memref<!tpu.dma_semaphore, #tpu.memory_space<semaphore_mem>>) src(%arg11 : memref<104x128xf32, #tpu.memory_space<vmem>>) dst(%dma_wait3A_79 : memref<104x128xf32, #tpu.memory_space<hbm>>)
      tpu.yield
    }) : () -> ()
    %mul3A_49 = arith.constant 624 : i32
    %mul3A_50 = arith.muli %arg1, %mul3A_49 : i32
    %add3A_51 = arith.constant 208 : i32
    %add3A_52 = arith.addi %mul3A_50, %add3A_51 : i32
    "tpu.region"() ({
      %run_scoped3A = tpu.sem_alloc : memref<!tpu.dma_semaphore, #tpu.memory_space<semaphore_mem>>
      %dma_start3A = arith.constant 0 : i32
      %dma_start3A_70 = tpu.memref_slice %arg13[%add3A_52, %dma_start3A] : memref<10000x128xf32, #tpu.memory_space<vmem_shared>> -> memref<104x128xf32, #tpu.memory_space<vmem_shared>>
      %dma_start3A_71 = arith.constant 0 : i32
      %dma_start3A_72 = tpu.memref_slice %arg13[%add3A_52, %dma_start3A_71] : memref<10000x128xf32, #tpu.memory_space<vmem_shared>> -> memref<104x128xf32, #tpu.memory_space<vmem_shared>>
      tpu.enqueue_dma source(%dma_start3A_72 : memref<104x128xf32, #tpu.memory_space<vmem_shared>>) target(%arg11 : memref<104x128xf32, #tpu.memory_space<vmem>>) target_semaphore(%run_scoped3A : memref<!tpu.dma_semaphore, #tpu.memory_space<semaphore_mem>>)
      %dma_wait3A = arith.constant 0 : i32
      %dma_wait3A_73 = tpu.memref_slice %arg13[%add3A_52, %dma_wait3A] : memref<10000x128xf32, #tpu.memory_space<vmem_shared>> -> memref<104x128xf32, #tpu.memory_space<vmem_shared>>
      %dma_wait3A_74 = arith.constant 0 : i32
      %dma_wait3A_75 = tpu.memref_slice %arg13[%add3A_52, %dma_wait3A_74] : memref<10000x128xf32, #tpu.memory_space<vmem_shared>> -> memref<104x128xf32, #tpu.memory_space<vmem_shared>>
      tpu.wait_dma2 semaphore(%run_scoped3A : memref<!tpu.dma_semaphore, #tpu.memory_space<semaphore_mem>>) src(%dma_wait3A_75 : memref<104x128xf32, #tpu.memory_space<vmem_shared>>) dst(%arg11 : memref<104x128xf32, #tpu.memory_space<vmem>>)
      tpu.yield
    }) : () -> ()
    "tpu.region"() ({
      %run_scoped3A = tpu.sem_alloc : memref<!tpu.dma_semaphore, #tpu.memory_space<semaphore_mem>>
      %dma_start3A = arith.constant 0 : i32
      %dma_start3A_70 = tpu.memref_slice %arg7[%arg0, %add3A_52, %dma_start3A] : memref<2x10000x128xf32, #tpu.memory_space<hbm>> -> memref<1x104x128xf32, #tpu.memory_space<hbm>>
      %dma_start3A_71 = tpu.memref_squeeze %dma_start3A_70 : memref<1x104x128xf32, #tpu.memory_space<hbm>> -> memref<104x128xf32, #tpu.memory_space<hbm>>
      %dma_start3A_72 = arith.constant 0 : i32
      %dma_start3A_73 = tpu.memref_slice %arg7[%arg0, %add3A_52, %dma_start3A_72] : memref<2x10000x128xf32, #tpu.memory_space<hbm>> -> memref<1x104x128xf32, #tpu.memory_space<hbm>>
      %dma_start3A_74 = tpu.memref_squeeze %dma_start3A_73 : memref<1x104x128xf32, #tpu.memory_space<hbm>> -> memref<104x128xf32, #tpu.memory_space<hbm>>
      tpu.enqueue_dma source(%arg11 : memref<104x128xf32, #tpu.memory_space<vmem>>) target(%dma_start3A_74 : memref<104x128xf32, #tpu.memory_space<hbm>>) target_semaphore(%run_scoped3A : memref<!tpu.dma_semaphore, #tpu.memory_space<semaphore_mem>>)
      %dma_wait3A = arith.constant 0 : i32
      %dma_wait3A_75 = tpu.memref_slice %arg7[%arg0, %add3A_52, %dma_wait3A] : memref<2x10000x128xf32, #tpu.memory_space<hbm>> -> memref<1x104x128xf32, #tpu.memory_space<hbm>>
      %dma_wait3A_76 = tpu.memref_squeeze %dma_wait3A_75 : memref<1x104x128xf32, #tpu.memory_space<hbm>> -> memref<104x128xf32, #tpu.memory_space<hbm>>
      %dma_wait3A_77 = arith.constant 0 : i32
      %dma_wait3A_78 = tpu.memref_slice %arg7[%arg0, %add3A_52, %dma_wait3A_77] : memref<2x10000x128xf32, #tpu.memory_space<hbm>> -> memref<1x104x128xf32, #tpu.memory_space<hbm>>
      %dma_wait3A_79 = tpu.memref_squeeze %dma_wait3A_78 : memref<1x104x128xf32, #tpu.memory_space<hbm>> -> memref<104x128xf32, #tpu.memory_space<hbm>>
      tpu.wait_dma2 semaphore(%run_scoped3A : memref<!tpu.dma_semaphore, #tpu.memory_space<semaphore_mem>>) src(%arg11 : memref<104x128xf32, #tpu.memory_space<vmem>>) dst(%dma_wait3A_79 : memref<104x128xf32, #tpu.memory_space<hbm>>)
      tpu.yield
    }) : () -> ()
    %mul3A_53 = arith.constant 624 : i32
    %mul3A_54 = arith.muli %arg1, %mul3A_53 : i32
    %add3A_55 = arith.constant 312 : i32
    %add3A_56 = arith.addi %mul3A_54, %add3A_55 : i32
    "tpu.region"() ({
      %run_scoped3A = tpu.sem_alloc : memref<!tpu.dma_semaphore, #tpu.memory_space<semaphore_mem>>
      %dma_start3A = arith.constant 0 : i32
      %dma_start3A_70 = tpu.memref_slice %arg13[%add3A_56, %dma_start3A] : memref<10000x128xf32, #tpu.memory_space<vmem_shared>> -> memref<104x128xf32, #tpu.memory_space<vmem_shared>>
      %dma_start3A_71 = arith.constant 0 : i32
      %dma_start3A_72 = tpu.memref_slice %arg13[%add3A_56, %dma_start3A_71] : memref<10000x128xf32, #tpu.memory_space<vmem_shared>> -> memref<104x128xf32, #tpu.memory_space<vmem_shared>>
      tpu.enqueue_dma source(%dma_start3A_72 : memref<104x128xf32, #tpu.memory_space<vmem_shared>>) target(%arg11 : memref<104x128xf32, #tpu.memory_space<vmem>>) target_semaphore(%run_scoped3A : memref<!tpu.dma_semaphore, #tpu.memory_space<semaphore_mem>>)
      %dma_wait3A = arith.constant 0 : i32
      %dma_wait3A_73 = tpu.memref_slice %arg13[%add3A_56, %dma_wait3A] : memref<10000x128xf32, #tpu.memory_space<vmem_shared>> -> memref<104x128xf32, #tpu.memory_space<vmem_shared>>
      %dma_wait3A_74 = arith.constant 0 : i32
      %dma_wait3A_75 = tpu.memref_slice %arg13[%add3A_56, %dma_wait3A_74] : memref<10000x128xf32, #tpu.memory_space<vmem_shared>> -> memref<104x128xf32, #tpu.memory_space<vmem_shared>>
      tpu.wait_dma2 semaphore(%run_scoped3A : memref<!tpu.dma_semaphore, #tpu.memory_space<semaphore_mem>>) src(%dma_wait3A_75 : memref<104x128xf32, #tpu.memory_space<vmem_shared>>) dst(%arg11 : memref<104x128xf32, #tpu.memory_space<vmem>>)
      tpu.yield
    }) : () -> ()
    "tpu.region"() ({
      %run_scoped3A = tpu.sem_alloc : memref<!tpu.dma_semaphore, #tpu.memory_space<semaphore_mem>>
      %dma_start3A = arith.constant 0 : i32
      %dma_start3A_70 = tpu.memref_slice %arg7[%arg0, %add3A_56, %dma_start3A] : memref<2x10000x128xf32, #tpu.memory_space<hbm>> -> memref<1x104x128xf32, #tpu.memory_space<hbm>>
      %dma_start3A_71 = tpu.memref_squeeze %dma_start3A_70 : memref<1x104x128xf32, #tpu.memory_space<hbm>> -> memref<104x128xf32, #tpu.memory_space<hbm>>
      %dma_start3A_72 = arith.constant 0 : i32
      %dma_start3A_73 = tpu.memref_slice %arg7[%arg0, %add3A_56, %dma_start3A_72] : memref<2x10000x128xf32, #tpu.memory_space<hbm>> -> memref<1x104x128xf32, #tpu.memory_space<hbm>>
      %dma_start3A_74 = tpu.memref_squeeze %dma_start3A_73 : memref<1x104x128xf32, #tpu.memory_space<hbm>> -> memref<104x128xf32, #tpu.memory_space<hbm>>
      tpu.enqueue_dma source(%arg11 : memref<104x128xf32, #tpu.memory_space<vmem>>) target(%dma_start3A_74 : memref<104x128xf32, #tpu.memory_space<hbm>>) target_semaphore(%run_scoped3A : memref<!tpu.dma_semaphore, #tpu.memory_space<semaphore_mem>>)
      %dma_wait3A = arith.constant 0 : i32
      %dma_wait3A_75 = tpu.memref_slice %arg7[%arg0, %add3A_56, %dma_wait3A] : memref<2x10000x128xf32, #tpu.memory_space<hbm>> -> memref<1x104x128xf32, #tpu.memory_space<hbm>>
      %dma_wait3A_76 = tpu.memref_squeeze %dma_wait3A_75 : memref<1x104x128xf32, #tpu.memory_space<hbm>> -> memref<104x128xf32, #tpu.memory_space<hbm>>
      %dma_wait3A_77 = arith.constant 0 : i32
      %dma_wait3A_78 = tpu.memref_slice %arg7[%arg0, %add3A_56, %dma_wait3A_77] : memref<2x10000x128xf32, #tpu.memory_space<hbm>> -> memref<1x104x128xf32, #tpu.memory_space<hbm>>
      %dma_wait3A_79 = tpu.memref_squeeze %dma_wait3A_78 : memref<1x104x128xf32, #tpu.memory_space<hbm>> -> memref<104x128xf32, #tpu.memory_space<hbm>>
      tpu.wait_dma2 semaphore(%run_scoped3A : memref<!tpu.dma_semaphore, #tpu.memory_space<semaphore_mem>>) src(%arg11 : memref<104x128xf32, #tpu.memory_space<vmem>>) dst(%dma_wait3A_79 : memref<104x128xf32, #tpu.memory_space<hbm>>)
      tpu.yield
    }) : () -> ()
    %mul3A_57 = arith.constant 624 : i32
    %mul3A_58 = arith.muli %arg1, %mul3A_57 : i32
    %add3A_59 = arith.constant 416 : i32
    %add3A_60 = arith.addi %mul3A_58, %add3A_59 : i32
    "tpu.region"() ({
      %run_scoped3A = tpu.sem_alloc : memref<!tpu.dma_semaphore, #tpu.memory_space<semaphore_mem>>
      %dma_start3A = arith.constant 0 : i32
      %dma_start3A_70 = tpu.memref_slice %arg13[%add3A_60, %dma_start3A] : memref<10000x128xf32, #tpu.memory_space<vmem_shared>> -> memref<104x128xf32, #tpu.memory_space<vmem_shared>>
      %dma_start3A_71 = arith.constant 0 : i32
      %dma_start3A_72 = tpu.memref_slice %arg13[%add3A_60, %dma_start3A_71] : memref<10000x128xf32, #tpu.memory_space<vmem_shared>> -> memref<104x128xf32, #tpu.memory_space<vmem_shared>>
      tpu.enqueue_dma source(%dma_start3A_72 : memref<104x128xf32, #tpu.memory_space<vmem_shared>>) target(%arg11 : memref<104x128xf32, #tpu.memory_space<vmem>>) target_semaphore(%run_scoped3A : memref<!tpu.dma_semaphore, #tpu.memory_space<semaphore_mem>>)
      %dma_wait3A = arith.constant 0 : i32
      %dma_wait3A_73 = tpu.memref_slice %arg13[%add3A_60, %dma_wait3A] : memref<10000x128xf32, #tpu.memory_space<vmem_shared>> -> memref<104x128xf32, #tpu.memory_space<vmem_shared>>
      %dma_wait3A_74 = arith.constant 0 : i32
      %dma_wait3A_75 = tpu.memref_slice %arg13[%add3A_60, %dma_wait3A_74] : memref<10000x128xf32, #tpu.memory_space<vmem_shared>> -> memref<104x128xf32, #tpu.memory_space<vmem_shared>>
      tpu.wait_dma2 semaphore(%run_scoped3A : memref<!tpu.dma_semaphore, #tpu.memory_space<semaphore_mem>>) src(%dma_wait3A_75 : memref<104x128xf32, #tpu.memory_space<vmem_shared>>) dst(%arg11 : memref<104x128xf32, #tpu.memory_space<vmem>>)
      tpu.yield
    }) : () -> ()
    "tpu.region"() ({
      %run_scoped3A = tpu.sem_alloc : memref<!tpu.dma_semaphore, #tpu.memory_space<semaphore_mem>>
      %dma_start3A = arith.constant 0 : i32
      %dma_start3A_70 = tpu.memref_slice %arg7[%arg0, %add3A_60, %dma_start3A] : memref<2x10000x128xf32, #tpu.memory_space<hbm>> -> memref<1x104x128xf32, #tpu.memory_space<hbm>>
      %dma_start3A_71 = tpu.memref_squeeze %dma_start3A_70 : memref<1x104x128xf32, #tpu.memory_space<hbm>> -> memref<104x128xf32, #tpu.memory_space<hbm>>
      %dma_start3A_72 = arith.constant 0 : i32
      %dma_start3A_73 = tpu.memref_slice %arg7[%arg0, %add3A_60, %dma_start3A_72] : memref<2x10000x128xf32, #tpu.memory_space<hbm>> -> memref<1x104x128xf32, #tpu.memory_space<hbm>>
      %dma_start3A_74 = tpu.memref_squeeze %dma_start3A_73 : memref<1x104x128xf32, #tpu.memory_space<hbm>> -> memref<104x128xf32, #tpu.memory_space<hbm>>
      tpu.enqueue_dma source(%arg11 : memref<104x128xf32, #tpu.memory_space<vmem>>) target(%dma_start3A_74 : memref<104x128xf32, #tpu.memory_space<hbm>>) target_semaphore(%run_scoped3A : memref<!tpu.dma_semaphore, #tpu.memory_space<semaphore_mem>>)
      %dma_wait3A = arith.constant 0 : i32
      %dma_wait3A_75 = tpu.memref_slice %arg7[%arg0, %add3A_60, %dma_wait3A] : memref<2x10000x128xf32, #tpu.memory_space<hbm>> -> memref<1x104x128xf32, #tpu.memory_space<hbm>>
      %dma_wait3A_76 = tpu.memref_squeeze %dma_wait3A_75 : memref<1x104x128xf32, #tpu.memory_space<hbm>> -> memref<104x128xf32, #tpu.memory_space<hbm>>
      %dma_wait3A_77 = arith.constant 0 : i32
      %dma_wait3A_78 = tpu.memref_slice %arg7[%arg0, %add3A_60, %dma_wait3A_77] : memref<2x10000x128xf32, #tpu.memory_space<hbm>> -> memref<1x104x128xf32, #tpu.memory_space<hbm>>
      %dma_wait3A_79 = tpu.memref_squeeze %dma_wait3A_78 : memref<1x104x128xf32, #tpu.memory_space<hbm>> -> memref<104x128xf32, #tpu.memory_space<hbm>>
      tpu.wait_dma2 semaphore(%run_scoped3A : memref<!tpu.dma_semaphore, #tpu.memory_space<semaphore_mem>>) src(%arg11 : memref<104x128xf32, #tpu.memory_space<vmem>>) dst(%dma_wait3A_79 : memref<104x128xf32, #tpu.memory_space<hbm>>)
      tpu.yield
    }) : () -> ()
    %mul3A_61 = arith.constant 624 : i32
    %mul3A_62 = arith.muli %arg1, %mul3A_61 : i32
    %add3A_63 = arith.constant 520 : i32
    %add3A_64 = arith.addi %mul3A_62, %add3A_63 : i32
    "tpu.region"() ({
      %run_scoped3A = tpu.sem_alloc : memref<!tpu.dma_semaphore, #tpu.memory_space<semaphore_mem>>
      %dma_start3A = arith.constant 0 : i32
      %dma_start3A_70 = tpu.memref_slice %arg13[%add3A_64, %dma_start3A] : memref<10000x128xf32, #tpu.memory_space<vmem_shared>> -> memref<104x128xf32, #tpu.memory_space<vmem_shared>>
      %dma_start3A_71 = arith.constant 0 : i32
      %dma_start3A_72 = tpu.memref_slice %arg13[%add3A_64, %dma_start3A_71] : memref<10000x128xf32, #tpu.memory_space<vmem_shared>> -> memref<104x128xf32, #tpu.memory_space<vmem_shared>>
      tpu.enqueue_dma source(%dma_start3A_72 : memref<104x128xf32, #tpu.memory_space<vmem_shared>>) target(%arg11 : memref<104x128xf32, #tpu.memory_space<vmem>>) target_semaphore(%run_scoped3A : memref<!tpu.dma_semaphore, #tpu.memory_space<semaphore_mem>>)
      %dma_wait3A = arith.constant 0 : i32
      %dma_wait3A_73 = tpu.memref_slice %arg13[%add3A_64, %dma_wait3A] : memref<10000x128xf32, #tpu.memory_space<vmem_shared>> -> memref<104x128xf32, #tpu.memory_space<vmem_shared>>
      %dma_wait3A_74 = arith.constant 0 : i32
      %dma_wait3A_75 = tpu.memref_slice %arg13[%add3A_64, %dma_wait3A_74] : memref<10000x128xf32, #tpu.memory_space<vmem_shared>> -> memref<104x128xf32, #tpu.memory_space<vmem_shared>>
      tpu.wait_dma2 semaphore(%run_scoped3A : memref<!tpu.dma_semaphore, #tpu.memory_space<semaphore_mem>>) src(%dma_wait3A_75 : memref<104x128xf32, #tpu.memory_space<vmem_shared>>) dst(%arg11 : memref<104x128xf32, #tpu.memory_space<vmem>>)
      tpu.yield
    }) : () -> ()
    "tpu.region"() ({
      %run_scoped3A = tpu.sem_alloc : memref<!tpu.dma_semaphore, #tpu.memory_space<semaphore_mem>>
      %dma_start3A = arith.constant 0 : i32
      %dma_start3A_70 = tpu.memref_slice %arg7[%arg0, %add3A_64, %dma_start3A] : memref<2x10000x128xf32, #tpu.memory_space<hbm>> -> memref<1x104x128xf32, #tpu.memory_space<hbm>>
      %dma_start3A_71 = tpu.memref_squeeze %dma_start3A_70 : memref<1x104x128xf32, #tpu.memory_space<hbm>> -> memref<104x128xf32, #tpu.memory_space<hbm>>
      %dma_start3A_72 = arith.constant 0 : i32
      %dma_start3A_73 = tpu.memref_slice %arg7[%arg0, %add3A_64, %dma_start3A_72] : memref<2x10000x128xf32, #tpu.memory_space<hbm>> -> memref<1x104x128xf32, #tpu.memory_space<hbm>>
      %dma_start3A_74 = tpu.memref_squeeze %dma_start3A_73 : memref<1x104x128xf32, #tpu.memory_space<hbm>> -> memref<104x128xf32, #tpu.memory_space<hbm>>
      tpu.enqueue_dma source(%arg11 : memref<104x128xf32, #tpu.memory_space<vmem>>) target(%dma_start3A_74 : memref<104x128xf32, #tpu.memory_space<hbm>>) target_semaphore(%run_scoped3A : memref<!tpu.dma_semaphore, #tpu.memory_space<semaphore_mem>>)
      %dma_wait3A = arith.constant 0 : i32
      %dma_wait3A_75 = tpu.memref_slice %arg7[%arg0, %add3A_64, %dma_wait3A] : memref<2x10000x128xf32, #tpu.memory_space<hbm>> -> memref<1x104x128xf32, #tpu.memory_space<hbm>>
      %dma_wait3A_76 = tpu.memref_squeeze %dma_wait3A_75 : memref<1x104x128xf32, #tpu.memory_space<hbm>> -> memref<104x128xf32, #tpu.memory_space<hbm>>
      %dma_wait3A_77 = arith.constant 0 : i32
      %dma_wait3A_78 = tpu.memref_slice %arg7[%arg0, %add3A_64, %dma_wait3A_77] : memref<2x10000x128xf32, #tpu.memory_space<hbm>> -> memref<1x104x128xf32, #tpu.memory_space<hbm>>
      %dma_wait3A_79 = tpu.memref_squeeze %dma_wait3A_78 : memref<1x104x128xf32, #tpu.memory_space<hbm>> -> memref<104x128xf32, #tpu.memory_space<hbm>>
      tpu.wait_dma2 semaphore(%run_scoped3A : memref<!tpu.dma_semaphore, #tpu.memory_space<semaphore_mem>>) src(%arg11 : memref<104x128xf32, #tpu.memory_space<vmem>>) dst(%dma_wait3A_79 : memref<104x128xf32, #tpu.memory_space<hbm>>)
      tpu.yield
    }) : () -> ()
    %eq3A_65 = arith.constant 15 : i32
    %eq3A_66 = arith.cmpi eq, %arg1, %eq3A_65 : i32
    %convert_element_type3A_67 = arith.extui %eq3A_66 : i1 to i32
    %cond3A_68 = arith.constant 0 : i32
    %cond3A_69 = arith.cmpi ne, %convert_element_type3A_67, %cond3A_68 : i32
    scf.if %cond3A_69 {
      "tpu.region"() ({
        %run_scoped3A = tpu.sem_alloc : memref<!tpu.dma_semaphore, #tpu.memory_space<semaphore_mem>>
        %dma_start3A = arith.constant 0 : i32
        %dma_start3A_70 = arith.constant 0 : i32
        %dma_start3A_71 = tpu.memref_slice %arg11[%dma_start3A, %dma_start3A_70] : memref<104x128xf32, #tpu.memory_space<vmem>> -> memref<16x128xf32, #tpu.memory_space<vmem>>
        %dma_start3A_72 = arith.constant 9984 : i32
        %dma_start3A_73 = arith.constant 0 : i32
        %dma_start3A_74 = tpu.memref_slice %arg13[%dma_start3A_72, %dma_start3A_73] : memref<10000x128xf32, #tpu.memory_space<vmem_shared>> -> memref<16x128xf32, #tpu.memory_space<vmem_shared>>
        %dma_start3A_75 = arith.constant 0 : i32
        %dma_start3A_76 = arith.constant 0 : i32
        %dma_start3A_77 = tpu.memref_slice %arg11[%dma_start3A_75, %dma_start3A_76] : memref<104x128xf32, #tpu.memory_space<vmem>> -> memref<16x128xf32, #tpu.memory_space<vmem>>
        %dma_start3A_78 = arith.constant 9984 : i32
        %dma_start3A_79 = arith.constant 0 : i32
        %dma_start3A_80 = tpu.memref_slice %arg13[%dma_start3A_78, %dma_start3A_79] : memref<10000x128xf32, #tpu.memory_space<vmem_shared>> -> memref<16x128xf32, #tpu.memory_space<vmem_shared>>
        tpu.enqueue_dma source(%dma_start3A_80 : memref<16x128xf32, #tpu.memory_space<vmem_shared>>) target(%dma_start3A_77 : memref<16x128xf32, #tpu.memory_space<vmem>>) target_semaphore(%run_scoped3A : memref<!tpu.dma_semaphore, #tpu.memory_space<semaphore_mem>>)
        %dma_wait3A = arith.constant 0 : i32
        %dma_wait3A_81 = arith.constant 0 : i32
        %dma_wait3A_82 = tpu.memref_slice %arg11[%dma_wait3A, %dma_wait3A_81] : memref<104x128xf32, #tpu.memory_space<vmem>> -> memref<16x128xf32, #tpu.memory_space<vmem>>
        %dma_wait3A_83 = arith.constant 9984 : i32
        %dma_wait3A_84 = arith.constant 0 : i32
        %dma_wait3A_85 = tpu.memref_slice %arg13[%dma_wait3A_83, %dma_wait3A_84] : memref<10000x128xf32, #tpu.memory_space<vmem_shared>> -> memref<16x128xf32, #tpu.memory_space<vmem_shared>>
        %dma_wait3A_86 = arith.constant 0 : i32
        %dma_wait3A_87 = arith.constant 0 : i32
        %dma_wait3A_88 = tpu.memref_slice %arg11[%dma_wait3A_86, %dma_wait3A_87] : memref<104x128xf32, #tpu.memory_space<vmem>> -> memref<16x128xf32, #tpu.memory_space<vmem>>
        %dma_wait3A_89 = arith.constant 9984 : i32
        %dma_wait3A_90 = arith.constant 0 : i32
        %dma_wait3A_91 = tpu.memref_slice %arg13[%dma_wait3A_89, %dma_wait3A_90] : memref<10000x128xf32, #tpu.memory_space<vmem_shared>> -> memref<16x128xf32, #tpu.memory_space<vmem_shared>>
        tpu.wait_dma2 semaphore(%run_scoped3A : memref<!tpu.dma_semaphore, #tpu.memory_space<semaphore_mem>>) src(%dma_wait3A_91 : memref<16x128xf32, #tpu.memory_space<vmem_shared>>) dst(%dma_wait3A_88 : memref<16x128xf32, #tpu.memory_space<vmem>>)
        tpu.yield
      }) : () -> ()
      "tpu.region"() ({
        %run_scoped3A = tpu.sem_alloc : memref<!tpu.dma_semaphore, #tpu.memory_space<semaphore_mem>>
        %dma_start3A = arith.constant 0 : i32
        %dma_start3A_70 = arith.constant 0 : i32
        %dma_start3A_71 = tpu.memref_slice %arg11[%dma_start3A, %dma_start3A_70] : memref<104x128xf32, #tpu.memory_space<vmem>> -> memref<16x128xf32, #tpu.memory_space<vmem>>
        %dma_start3A_72 = arith.constant 9984 : i32
        %dma_start3A_73 = arith.constant 0 : i32
        %dma_start3A_74 = tpu.memref_slice %arg7[%arg0, %dma_start3A_72, %dma_start3A_73] : memref<2x10000x128xf32, #tpu.memory_space<hbm>> -> memref<1x16x128xf32, #tpu.memory_space<hbm>>
        %dma_start3A_75 = tpu.memref_squeeze %dma_start3A_74 : memref<1x16x128xf32, #tpu.memory_space<hbm>> -> memref<16x128xf32, #tpu.memory_space<hbm>>
        %dma_start3A_76 = arith.constant 9984 : i32
        %dma_start3A_77 = arith.constant 0 : i32
        %dma_start3A_78 = tpu.memref_slice %arg7[%arg0, %dma_start3A_76, %dma_start3A_77] : memref<2x10000x128xf32, #tpu.memory_space<hbm>> -> memref<1x16x128xf32, #tpu.memory_space<hbm>>
        %dma_start3A_79 = tpu.memref_squeeze %dma_start3A_78 : memref<1x16x128xf32, #tpu.memory_space<hbm>> -> memref<16x128xf32, #tpu.memory_space<hbm>>
        %dma_start3A_80 = arith.constant 0 : i32
        %dma_start3A_81 = arith.constant 0 : i32
        %dma_start3A_82 = tpu.memref_slice %arg11[%dma_start3A_80, %dma_start3A_81] : memref<104x128xf32, #tpu.memory_space<vmem>> -> memref<16x128xf32, #tpu.memory_space<vmem>>
        tpu.enqueue_dma source(%dma_start3A_82 : memref<16x128xf32, #tpu.memory_space<vmem>>) target(%dma_start3A_79 : memref<16x128xf32, #tpu.memory_space<hbm>>) target_semaphore(%run_scoped3A : memref<!tpu.dma_semaphore, #tpu.memory_space<semaphore_mem>>)
        %dma_wait3A = arith.constant 0 : i32
        %dma_wait3A_83 = arith.constant 0 : i32
        %dma_wait3A_84 = tpu.memref_slice %arg11[%dma_wait3A, %dma_wait3A_83] : memref<104x128xf32, #tpu.memory_space<vmem>> -> memref<16x128xf32, #tpu.memory_space<vmem>>
        %dma_wait3A_85 = arith.constant 9984 : i32
        %dma_wait3A_86 = arith.constant 0 : i32
        %dma_wait3A_87 = tpu.memref_slice %arg7[%arg0, %dma_wait3A_85, %dma_wait3A_86] : memref<2x10000x128xf32, #tpu.memory_space<hbm>> -> memref<1x16x128xf32, #tpu.memory_space<hbm>>
        %dma_wait3A_88 = tpu.memref_squeeze %dma_wait3A_87 : memref<1x16x128xf32, #tpu.memory_space<hbm>> -> memref<16x128xf32, #tpu.memory_space<hbm>>
        %dma_wait3A_89 = arith.constant 9984 : i32
        %dma_wait3A_90 = arith.constant 0 : i32
        %dma_wait3A_91 = tpu.memref_slice %arg7[%arg0, %dma_wait3A_89, %dma_wait3A_90] : memref<2x10000x128xf32, #tpu.memory_space<hbm>> -> memref<1x16x128xf32, #tpu.memory_space<hbm>>
        %dma_wait3A_92 = tpu.memref_squeeze %dma_wait3A_91 : memref<1x16x128xf32, #tpu.memory_space<hbm>> -> memref<16x128xf32, #tpu.memory_space<hbm>>
        %dma_wait3A_93 = arith.constant 0 : i32
        %dma_wait3A_94 = arith.constant 0 : i32
        %dma_wait3A_95 = tpu.memref_slice %arg11[%dma_wait3A_93, %dma_wait3A_94] : memref<104x128xf32, #tpu.memory_space<vmem>> -> memref<16x128xf32, #tpu.memory_space<vmem>>
        tpu.wait_dma2 semaphore(%run_scoped3A : memref<!tpu.dma_semaphore, #tpu.memory_space<semaphore_mem>>) src(%dma_wait3A_95 : memref<16x128xf32, #tpu.memory_space<vmem>>) dst(%dma_wait3A_92 : memref<16x128xf32, #tpu.memory_space<hbm>>)
        tpu.yield
      }) : () -> ()
    } else {
    }
    return
  }
}

</mosaic_0001>

<sc_bundles>
// kernel: kernel.12.cloned.1.call-start
scs
__scs_entry_jumppad:
0x0: {  	(pc) =	sbr.rel $0x88, $3  }
0x1: {  	(tag) =	ssettag $0x0;
	lr =	simm.s32 $0x1  }
0x2: {  	[smem:$0x3F92] =	sst lr;
	_ =	strace $0xD0000000  }
0x3: {  	_ = 	snop  }
0x4: {  	_ = 	snop  }
0x5: {  	_ = 	snop  }
0x6: {  	_ = 	snop  }
0x7: {  	_ = 	snop  }
__scs_overlays_trampoline_lowered:
0x8: {  	[smem:$0x3FA1] =	sst s0  }
0x9: {  	[smem:$0x3FA2] =	sst s1  }
0xa: {  	[smem:$0x3FA3] =	sst s2  }
0xb: {  	[smem:$0x3FA4] =	sst s3  }
0xc: {  	[smem:$0x3FA5] =	sst s4  }
0xd: {  	[smem:$0x3FA6] =	sst s5  }
0xe: {  	[smem:$0x3FA7] =	sst s6  }
0xf: {  	[smem:$0x3FA8] =	sst s7  }
0x10: {  	[smem:$0x3FA9] =	sst s8  }
0x11: {  	[smem:$0x3FAA] =	sst s9;
	s0 =	simm.s32 @!p0 $0x0  }
0x12: {  	s1 =	sld [smem:$0x3F90];
	s0 =	simm.s32 @p0 $0x1  }
0x13: {  	[smem:$0x3FAB] =	sst s0;
	s0 =	simm.s32 @!p1 $0x0  }
0x14: {  	s2 =	sld [smem:$0x3F8F];
	s0 =	simm.s32 @p1 $0x1  }
0x15: {  	[smem:$0x3FAC] =	sst s0;
	s0 =	simm.s32 @!p2 $0x0  }
0x16: {  	s3 =	sld [smem:$0x3FDB];
	s0 =	simm.s32 @p2 $0x1  }
0x17: {  	s4 =	simm.s32 $0x1BF5;
	[smem:$0x3FAE] =	sst s0  }
0x18: {  	s0 =	sld [smem:$0x3F91];
	_ =	swait.ge [sflag:s4], $0x0  }
0x19: {  	s7 =	sld [smem:$0x3F92]  }
0x1a: {  	s8 =	sadd.s32 $0xFFFFE003, lr  }
0x1b: {  	s9 =	sadd.s32 $0xFFFFFEF7, lr;
	s5 =	simm.s32 $0xFFFFFFFF;
	p2 =	slt.u32 s8, $0xFFFFF086  }
0x1c: {  	p1 =	slt.u32 s9, $0xF7A;
	s5 =	simm.s32 @!p2 $0x0  }
0x1d: {  	s5 =	simm.s32 @p1 $0x1;
	p0 =	seq.s32 s7, s2  }
0x1e: {  	s7 =	smul.u32 @!p0 $0xF7A, s2;
	p2 =	seq.s32 @!p0 s5, $0x0  }
0x1f: {  	s9 =	smul.u32 $0xF7A, s1;
	s8 =	simm.s32 @!p0 $0x1BF5;
	p2 =	por !p2, p0  }
0x20: {  	[sflag:s8] =	ssyncset.s32 @!p0 $0xFFFFF086;
	s6 =	sadd.s32 @!p0 s3, s7;
	s7 =	simm.s32 @!p0 $0x108  }
0x21: {  	s3 =	sadd.s32 s3, s9;
	s6 =	sadd.s32 @!p0 $0x88, s6;
	s7 =	simm.s32 @p2 $0x1082  }
0x22: {  	[simem:s7], [sflag:s8] =	dma.local @!p0 [hbm:s6], $0xF7A  }
0x23: {  	s9 =	sor.u32 $0xD0000000, s2;
	s6 =	simm.s32 $0x108;
	_ =	swait.ge @!p0 [sflag:s8], $0x0  }
0x24: {  	s3 =	sadd.s32 $0x88, s3;
	s6 =	simm.s32 @!p1 $0x1082;
	[sflag:s4] =	ssyncset.s32 $0xFFFFF086  }
0x25: {  	[simem:s6], [sflag:s4] =	dma.local [hbm:s3], $0xF7A  }
0x26: {  	[smem:$0x3F92] =	sst s1;
	(tag) =	ssettag s2;
	_ =	strace s9  }
0x27: {  	s1 =	sld [smem:$0x3FA2]  }
0x28: {  	s2 =	sld [smem:$0x3FA3]  }
0x29: {  	s4 =	sld [smem:$0x3FA5]  }
0x2a: {  	p0 =	seq.s32 s5, $0x0;
	s5 =	sld [smem:$0x3FA6]  }
0x2b: {  	s6 =	sld [smem:$0x3FA7]  }
0x2c: {  	s7 =	sld [smem:$0x3FA8]  }
0x2d: {  	s3 =	simm.s32 $0x108;
	s8 =	sld [smem:$0x3FA9]  }
0x2e: {  	s3 =	simm.s32 @!p0 $0x1082;
	s9 =	sld [smem:$0x3FAA]  }
0x2f: {  	lr =	sadd.s32 s0, s3;
	s0 =	sld [smem:$0x3FA1]  }
0x30: {  	s3 =	sld [smem:$0x3FA4]  }
0x31: {  	[smem:$0x3FAD] =	sst s10  }
0x32: {  	s10 =	sld [smem:$0x3FAB];
	_ =	sdelay $0x3  }
0x33: {  	p0 =	seq.s32 s10, $0x1;
	s10 =	sld [smem:$0x3FAD];
	_ =	sdelay $0x3  }
0x34: {  	[smem:$0x3FAD] =	sst s10  }
0x35: {  	s10 =	sld [smem:$0x3FAC];
	_ =	sdelay $0x3  }
0x36: {  	p1 =	seq.s32 s10, $0x1;
	s10 =	sld [smem:$0x3FAD];
	_ =	sdelay $0x3  }
0x37: {  	[smem:$0x3FAD] =	sst s10  }
0x38: {  	s10 =	sld [smem:$0x3FAE]  }
0x39: {  	_ = 	snop;
	(pc) =	sbr.ind lr, $3  }
0x3a: {  	_ = 	snop  }
0x3b: {  	_ = 	snop  }
0x3c: {  	p2 =	seq.s32 s10, $0x1;
	s10 =	sld [smem:$0x3FAD]  }
0x3d: {  	_ =	shalt  }
0x3e: {  	_ =	shalt  }
0x3f: {  	_ =	shalt  }
0x40: {  	_ =	shalt  }
0x41: {  	_ =	shalt  }
0x42: {  	_ =	shalt  }
0x43: {  	_ =	shalt  }
0x44: {  	_ =	shalt  }
0x45: {  	_ =	shalt  }
0x46: {  	_ =	shalt  }
0x47: {  	_ =	shalt  }
0x48: {  	_ =	shalt  }
0x49: {  	_ =	shalt  }
0x4a: {  	_ =	shalt  }
0x4b: {  	_ =	shalt  }
0x4c: {  	_ =	shalt  }
0x4d: {  	_ =	shalt  }
0x4e: {  	_ =	shalt  }
0x4f: {  	_ =	shalt  }
0x50: {  	_ =	shalt  }
0x51: {  	_ =	shalt  }
0x52: {  	_ =	shalt  }
0x53: {  	_ =	shalt  }
0x54: {  	_ =	shalt  }
0x55: {  	_ =	shalt  }
0x56: {  	_ =	shalt  }
0x57: {  	_ =	shalt  }
0x58: {  	_ =	shalt  }
0x59: {  	_ =	shalt  }
0x5a: {  	_ =	shalt  }
0x5b: {  	_ =	shalt  }
0x5c: {  	_ =	shalt  }
0x5d: {  	_ =	shalt  }
0x5e: {  	_ =	shalt  }
0x5f: {  	_ =	shalt  }
0x60: {  	_ =	shalt  }
0x61: {  	_ =	shalt  }
0x62: {  	_ =	shalt  }
0x63: {  	_ =	shalt  }
0x64: {  	_ =	shalt  }
0x65: {  	_ =	shalt  }
0x66: {  	_ =	shalt  }
0x67: {  	_ =	shalt  }
0x68: {  	_ =	shalt  }
0x69: {  	_ =	shalt  }
0x6a: {  	_ =	shalt  }
0x6b: {  	_ =	shalt  }
0x6c: {  	_ =	shalt  }
0x6d: {  	_ =	shalt  }
0x6e: {  	_ =	shalt  }
0x6f: {  	_ =	shalt  }
0x70: {  	_ =	shalt  }
0x71: {  	_ =	shalt  }
0x72: {  	_ =	shalt  }
0x73: {  	_ =	shalt  }
0x74: {  	_ =	shalt  }
0x75: {  	_ =	shalt  }
0x76: {  	_ =	shalt  }
0x77: {  	_ =	shalt  }
0x78: {  	_ =	shalt  }
0x79: {  	_ =	shalt  }
0x7a: {  	_ =	shalt  }
0x7b: {  	_ =	shalt  }
0x7c: {  	_ =	shalt  }
0x7d: {  	_ =	shalt  }
0x7e: {  	_ =	shalt  }
0x7f: {  	_ =	shalt  }
0x80: {  	_ =	shalt  }
0x81: {  	_ =	shalt  }
0x82: {  	_ =	shalt  }
0x83: {  	_ =	shalt  }
0x84: {  	_ =	shalt  }
0x85: {  	_ =	shalt  }
0x86: {  	_ =	shalt  }
0x87: {  	_ =	shalt  }
.Lfunc_end0:
.L_simem_size_0:
called_computation.2_lowered:
.L_overlay_start_0:
0x88: {  	s2 =	sld [smem:$0x3FD9]  }
0x89: {  	s3 =	sld [smem:$0x3FFE];
	_ =	sdelay $0x1  }
0x8a: {  	s1 =	srdreg.scid  }
0x8b: {  	s0 =	sand.u32 $0x1, s1  }
0x8c: {  	s17 =	sshll.u32 s0, $0xA;
	s2 =	sadd.s32 s3, s2  }
0x8d: {  	s2 =	sadd.s32 s2, s17  }
0x8e: {  	[smem:$0x3FB9] =	sst s2  }
0x8f: {  	_ = 	snop  }
0x90: {  	(tm) =	ssettm $0x1  }
0x91: {  	s18 =	sld [smem:$0x3FFB];
	_ =	sdelay $0x3  }
0x92: {  	_ =	strace s18  }
0x93: {  	s2 =	sld [smem:$0x3FFC];
	_ =	sdelay $0x3  }
0x94: {  	_ =	strace s2  }
0x95: {  	s2 =	sld [smem:$0x3FFD];
	_ =	sdelay $0x3  }
0x96: {  	_ =	strace s2  }
0x97: {  	_ =	strace $0x8FFFFFFF  }
0x98: {  	s19 =	sld [smem:$0x3FDB];
	_ =	sdelay $0x1  }
0x99: {  	s20 =	simm.s32 $_scs_section_size  }
0x9a: {  	s4 =	simm.s32 $_size__tile_overlayer_lowered;
	s5 =	simm.s32 $_tile_overlayer_lowered  }
0x9b: {  	s6 =	simm.s32 $0x1BFF;
	s21 =	sshll.u32 s5, $0x1;
	s3 =	sadd.s32 s20, s19  }
0x9c: {  	s22 =	simm.s32 $0x0;
	s4 =	sshll.u32 s4, $0x1;
	s5 =	sadd.s32 s21, s3  }
0x9d: {  	[timem:s22], [sflag:s6] =	dma.local [hbm:s5], s4  }
0x9e: {  	_ =	swait.ge [sflag:s6], s4  }
0x9f: {  	s4 =	ssub.s32 $0x0, s4;
	[sflag:s6] =	ssyncset.done $0x0  }
0xa0: {  	[sflag:s6] =	ssyncadd.s32 s4;
	_ =	sdelay $0x1  }
0xa1: {  	s23 =	simm.s32 $0x1B8B  }
0xa2: {  	_ =	swait.ge [sflag:s23], $0x1  }
0xa3: {  	[sflag:s23] =	ssyncset.done $0x0  }
0xa4: {  	[sflag:s23] =	ssyncadd.s32 $0xFFFFFFFF  }
0xa5: {  	s4 =	sld [smem:$0x0]  }
0xa6: {  	s5 =	sand.u32 $0xFFFFFFFE, s1  }
0xa7: {  	p0 =	sne.s32 s1, s5  }
0xa8: {  	s5 =	sshll.u32 @p0 s5, $0xE  }
0xa9: {  	s5 =	sadd.s32 @p0 $0x11B8D, s5;
	s6 =	sshll.u32 @p0 s4, $0x11  }
0xaa: {  	s5 =	sor.u32 @p0 s6, s5  }
0xab: {  	[sflag:s5] =	ssyncadd.remote.s32 @p0 $0x1;
	_ =	sdelay $0x1  }
0xac: {  	s5 =	simm.s32 @p0 $0x1B8D  }
0xad: {  	_ =	swait.eq @p0 [sflag:s5], $0x1  }
0xae: {  	[sflag:s5] =	ssyncadd.s32 @p0 $0xFFFFFFFF  }
0xaf: {  	s6 =	sshll.u32 @!p0 s1, $0xE  }
0xb0: {  	s6 =	sor.u32 @!p0 $0x4000, s6;
	s5 =	simm.s32 @!p0 $0x1B8D  }
0xb1: {  	s4 =	sshll.u32 @!p0 s4, $0x11;
	s6 =	sadd.s32 @!p0 $0x11B8D, s6;
	_ =	swait.eq @!p0 [sflag:s5], $0x1  }
0xb2: {  	s4 =	sor.u32 @!p0 s4, s6;
	[sflag:s5] =	ssyncadd.s32 @!p0 $0xFFFFFFFF  }
0xb3: {  	s25 =	simm.s32 $0x1B8E;
	s24 =	sld [smem:$0x3FFE];
	[sflag:s4] =	ssyncadd.remote.s32 @!p0 $0x1  }
0xb4: {  	s26 =	simm.s32 $execute0_lowered;
	[smem:$0x3FD2] =	sst s25  }
0xb5: {  	s5 =	sshll.u32 s26, $0x1;
	_ =	strace $0x80000049;
	[dreg:$0x1] =	wrdreg $0xFFFFFFFF  }
0xb6: {  	s28 =	simm.s32 $_size_execute0_lowered;
	s3 =	sadd.s32 s3, s5;
	[dreg:$0x0] =	wrdreg $0x0  }
0xb7: {  	s5 =	sshll.u32 s28, $0x1;
	[dreg:$0x2] =	wrdreg s3  }
0xb8: {  	[dreg:$0x3] =	wrdreg s5  }
0xb9: {  	[dreg:$0x4] =	wrdreg $0xC0  }
0xba: {  	_ =	task [dreg:s22], $0x5FFFF  }
0xbb: {  	[dreg:$0x1] =	wrdreg $0xFFFFFFFF  }
0xbc: {  	[dreg:$0x0] =	wrdreg $0x60  }
0xbd: {  	[dreg:$0x2] =	wrdreg s24  }
0xbe: {  	[dreg:$0x3] =	wrdreg $0x5D000  }
0xbf: {  	[dreg:$0x4] =	wrdreg $0x9  }
0xc0: {  	_ =	task.clear_ibuf [dreg:s22], $0x5FFFF;
	_ =	strace $0x90000049  }
0xc1: {  	s29 =	simm.s32 $0x9;
	_ =	strace $0x8000004B  }
0xc2: {  	_ =	swait.ge [sflag:s29], $0x1  }
0xc3: {  	[sflag:s29] =	ssyncadd.s32 $0xFFFFFFFF  }
0xc4: {  	_ =	strace $0x9000004B  }
0xc5: {  	_ =	sfence  }
0xc6: {  	s30 =	sld [smem:$0x0];
	_ =	sdelay $0x2  }
0xc7: {  	s31 =	sshll.u32 s1, $0xD;
	s1 =	sshrl.u32 s1, $0x2  }
0xc8: {  	s4 =	sand.u32 $0x4000, s31;
	s1 =	sadd.s32 s1, s30  }
0xc9: {  	s0 =	sor.u32 s4, s0;
	s1 =	sshll.u32 s1, $0x11  }
0xca: {  	s0 =	sor.u32 s1, s0  }
0xcb: {  	s0 =	sadd.s32 $0x8F2B, s0  }
0xcc: {  	[sflag:s0] =	ssyncadd.remote.s32 $0x1  }
0xcd: {  	_ =	sfence.sel $0xFFFF  }
0xce: {  	[dreg:$0x0] =	wrdreg $0xFFFFFFFF;
	(pc) =	sbr.abs _section_cstart, $3  }
0xcf: {  	[dreg:$0x1] =	wrdreg $0xFFFFFFFF  }
0xd0: {  	_ =	task.clear_ibuf [dreg:s22], $0x2FFFF;
	_ =	strace $0x9FFFFFFF  }
0xd1: {  	(tm) =	ssettm $0x7FFFFFFF  }
tec
execute0_lowered:
.L_overlay_start_1:
0x0: {  	(tag) =	ssettag $0x1  }
0x1: {  	s0 =	rddreg [dreg:$0x0];
	s1 =	srdreg.scid  }
0x2: {  	s2 =	rddreg [dreg:$0x1];
	s30 =	stileid.u32  }
0x3: {  	s3 =	simm.s32 $0x0;
	s22 =	simm.s32 $0x2900;
	s23 =	simm.s32 $0x2  }
0x4: {  	s24 =	simm.s32 $0x80;
	s25 =	simm.s32 $0x50;
	s26 =	simm.s32 $0x100  }
0x5: {  	s28 =	simm.s32 $0x1;
	s29 =	simm.s32 $0x0;
	s5 =	smul.u32 $0x2710, s30  }
0x6: {  	s7 =	sand.u32 $0x1, s1;
	[smem:$0x7FF] =	sst s3;
	s6 =	smul.u32 $0x4E000, s30  }
0x7: {  	s10 =	smul.u32 $0x13800, s30;
	s11 =	sadd.s32 $0x138000, s2;
	p0 =	sne.s32 s30, $0xF  }
0x8: {  	s4 =	smul.u32 $0x27100, s7;
	_ =	strace $0x8000004A;
	s31 =	ssub.s32 $0x2, s7  }
0x9: {  	s16 =	smul.u32 $0x138800, s7;
	s8 =	sshrl.u32 s31, $0x1;
	s6 =	sshrl.u32 s6, $0x2  }
0xa: {  	s13 =	sadd.s32 $0x3400, s10;
	s14 =	sadd.s32 $0x6800, s10;
	s15 =	sadd.s32 $0x9C00, s10  }
0xb: {  	s17 =	sadd.s32 $0xD000, s10;
	s18 =	sadd.s32 $0x10400, s10;
	s5 =	sadd.s32 s5, s4  }
0xc: {  	s4 =	sadd.s32 $0x544600, s0;
	s19 =	ssub.s32 s31, s8;
	s7 =	sadd.s32 s14, s2  }
0xd: {  	s8 =	sadd.s32 s15, s2;
	s9 =	sadd.s32 s17, s2;
	s12 =	sadd.s32 s10, s16  }
0xe: {  	s10 =	sadd.s32 s18, s2;
	s14 =	sadd.s32 s16, s14;
	s15 =	sadd.s32 s16, s15  }
0xf: {  	s17 =	sadd.s32 s16, s17;
	s18 =	sadd.s32 s16, s18;
	s20 =	sshrl.u32 s16, $0x3  }
0x10: {  	s5 =	sshrl.u32 s5, $0x3;
	s12 =	sshrl.u32 s12, $0x3;
	s14 =	sshrl.u32 s14, $0x3  }
0x11: {  	s15 =	sshrl.u32 s15, $0x3;
	s17 =	sshrl.u32 s17, $0x3;
	s18 =	sshrl.u32 s18, $0x3  }
0x12: {  	s19 =	smax.u32 s19, $0x1;
	s21 =	sadd.s32 s5, s0;
	s0 =	sadd.s32 $0x56B800, s0  }
0x13: {  	s5 =	sadd.s32 s6, s2;
	s6 =	sadd.s32 s13, s2;
	s13 =	sadd.s32 s16, s13  }
0x14: {  	s12 =	sadd.s32 s0, s12;
	s13 =	sshrl.u32 s13, $0x3;
	s14 =	sadd.s32 s0, s14  }
0x15: {  	s15 =	sadd.s32 s0, s15;
	s16 =	sadd.s32 s0, s17;
	s17 =	sadd.s32 s0, s18  }
0x16: {  	[dreg:$0x3] =	wrdreg s12;
	s13 =	sadd.s32 s0, s13;
	s0 =	sadd.s32 s0, s20  }
0x17: {  	v0 =	vimm.f32 $0.0e+00;
	s20 =	sadd.s32 $0x4EA00, s21;
	s21 =	sadd.s32 $0x58800, s21;
	s18 =	sadd.s32 $0x27000, s0  }
.LBB2_1:
0x18: {  	s0 =	sand.u32 $0xFE00, s3  }
0x19: {  	s31 =	sand.u32 $0x70, s3;
	s0 =	sshrl.u32 s0, $0x2  }
0x1a: {  	s30 =	simm.s32 $0x40;
	s0 =	sor.u32 s31, s0;
	s31 =	simm.s32 $0x0  }
.LBB2_2:
0x1b: {  	p1 =	sne.s32 s30, $0xCFC0  }
0x1c: {  	[tilespmem:s0+$0x2900] =	vst v0;
	s31 =	sadd.s32 $0x10, s31;
	s0 =	smov.u32 s30;
	s30 =	sadd.s32 $0x40, s30  }
.Ltmp0:
0x1d: {  	(pc) =	sbr.rel @p1 .LBB2_2-.Ltmp0, $4  }
0x1e: {  	_ = 	snop  }
0x1f: {  	s0 =	sand.u32 $0xFE00, s0  }
0x20: {  	s1 =	sand.u32 $0x70, s31;
	s0 =	sshrl.u32 s0, $0x2  }
0x21: {  	s0 =	sor.u32 s1, s0  }
0x22: {  	[tilespmem:s0+$0x2900] =	vst v0  }
0x23: {  	[spmem:s5] =	stream.linear.scatter [tilespmem:s22], [sflag:$0x2], $0x3400, $0x38;
	[tilespmem:$0x19580] =	vst v63  }
0x24: {  	_ =	swait.ge [sflag:s23], $0x3400  }
0x25: {  	[sflag:s23] =	ssyncset.done $0x0  }
0x26: {  	[sflag:s23] =	ssyncadd.s32 $0xFFFFCC00  }
0x27: {  	[spmem:s6] =	stream.linear.scatter [tilespmem:s22], [sflag:$0x2], $0x3400, $0x38;
	[tilespmem:$0x19580] =	vst v63  }
0x28: {  	_ =	swait.ge [sflag:s23], $0x3400  }
0x29: {  	[sflag:s23] =	ssyncset.done $0x0  }
0x2a: {  	[sflag:s23] =	ssyncadd.s32 $0xFFFFCC00  }
0x2b: {  	[spmem:s7] =	stream.linear.scatter [tilespmem:s22], [sflag:$0x2], $0x3400, $0x38;
	[tilespmem:$0x19580] =	vst v63  }
0x2c: {  	_ =	swait.ge [sflag:s23], $0x3400  }
0x2d: {  	[sflag:s23] =	ssyncset.done $0x0  }
0x2e: {  	[sflag:s23] =	ssyncadd.s32 $0xFFFFCC00  }
0x2f: {  	[spmem:s8] =	stream.linear.scatter [tilespmem:s22], [sflag:$0x2], $0x3400, $0x38;
	[tilespmem:$0x19580] =	vst v63  }
0x30: {  	_ =	swait.ge [sflag:s23], $0x3400  }
0x31: {  	[sflag:s23] =	ssyncset.done $0x0  }
0x32: {  	[sflag:s23] =	ssyncadd.s32 $0xFFFFCC00  }
0x33: {  	[spmem:s9] =	stream.linear.scatter [tilespmem:s22], [sflag:$0x2], $0x3400, $0x38;
	[tilespmem:$0x19580] =	vst v63  }
0x34: {  	_ =	swait.ge [sflag:s23], $0x3400  }
0x35: {  	[sflag:s23] =	ssyncset.done $0x0  }
0x36: {  	[sflag:s23] =	ssyncadd.s32 $0xFFFFCC00  }
0x37: {  	[spmem:s10] =	stream.linear.scatter [tilespmem:s22], [sflag:$0x2], $0x3400, $0x38;
	[tilespmem:$0x19580] =	vst v63  }
0x38: {  	_ =	swait.ge [sflag:s23], $0x3400  }
0x39: {  	[sflag:s23] =	ssyncset.done $0x0  }
0x3a: {  	s0 =	simm.s32 @!p0 $0x2900;
	[sflag:s23] =	ssyncadd.s32 $0xFFFFCC00  }
0x3b: {  	[spmem:s11] =	stream.linear.scatter @!p0 [tilespmem:s0], [sflag:$0x2], $0x800, $0x38;
	[tilespmem:$0x19580] =	vst v63  }
0x3c: {  	s0 =	simm.s32 @!p0 $0x2  }
0x3d: {  	_ =	swait.ge @!p0 [sflag:s0], $0x800  }
0x3e: {  	[sflag:s0] =	ssyncset.done @!p0 $0x0  }
0x3f: {  	[sflag:s0] =	ssyncadd.s32 @!p0 $0xFFFFF800  }
0x40: {  	s1 =	sadd.s32 $0x0, s21;
	[bflag:$0x0] =	sbarrier.arrive $0xFFFF  }
0x41: {  	[tilespmem:s3], [sflag:$0x2] =	stream.linear.gather [hbm4b:s1+s3], $0x50, $0x38;
	[tilespmem:$0x19580] =	vst v63  }
0x42: {  	_ =	swait.ge [sflag:s23], $0x50  }
0x43: {  	[sflag:s23] =	ssyncset.done $0x0  }
0x44: {  	s12 =	sadd.s32 $0x0, s20;
	[sflag:s23] =	ssyncadd.s32 $0xFFFFFFB0  }
0x45: {  	[tilespmem:s24], [sflag:$0x2] =	stream.linear.gather [hbm4b:s12+s3], $0x50, $0x38;
	[tilespmem:$0x19580] =	vst v63  }
0x46: {  	_ =	swait.ge [sflag:s23], $0x50  }
0x47: {  	[sflag:s23] =	ssyncset.done $0x0  }
0x48: {  	[sflag:s23] =	ssyncadd.s32 $0xFFFFFFB0  }
0x49: {  	[tilespmem:s26], [sflag:$0x1] =	stream.indirect.gather [hbm4b:s4+s25], $0x80, s3, s25, $0xb8;
	[tilespmem:$0x19580] =	vst v63  }
0x4a: {  	_ =	swait.ge [sflag:s28], $0x2800  }
0x4b: {  	[sflag:s28] =	ssyncset.done $0x0  }
0x4c: {  	[sflag:s28] =	ssyncadd.s32 $0xFFFFD800  }
0x4d: {  	[spmem:s2] =	stream.indirect.scatter.add.f32 [tilespmem:s26], [sflag:$0x2], $0x80, s24, s25, $0xb8;
	[tilespmem:$0x19580] =	vst v63  }
0x4e: {  	_ =	swait.ge [sflag:s23], $0x2800  }
0x4f: {  	s30 =	simm.s32 $0xA;
	s31 =	simm.s32 $0x14;
	[sflag:s23] =	ssyncset.done $0x0  }
.LBB2_4:
0x50: {  	s0 =	sadd.s32 s30, s21  }
0x51: {  	[sflag:s23] =	ssyncadd.s32 $0xFFFFD800;
	s1 =	smov.u32 s31;
	s12 =	sadd.s32 $0xA, s31  }
0x52: {  	[tilespmem:s3], [sflag:$0x2] =	stream.linear.gather [hbm4b:s0+s3], $0x50, $0x38;
	[tilespmem:$0x19580] =	vst v63  }
0x53: {  	p1 =	sne.s32 s31, $0x4D8;
	_ =	swait.ge [sflag:s23], $0x50  }
0x54: {  	[sflag:s23] =	ssyncset.done $0x0  }
0x55: {  	s0 =	sadd.s32 s30, s20;
	s30 =	smov.u32 s1;
	[sflag:s23] =	ssyncadd.s32 $0xFFFFFFB0  }
0x56: {  	[tilespmem:s24], [sflag:$0x2] =	stream.linear.gather [hbm4b:s0+s3], $0x50, $0x38;
	[tilespmem:$0x19580] =	vst v63  }
0x57: {  	_ =	swait.ge [sflag:s23], $0x50  }
0x58: {  	[sflag:s23] =	ssyncset.done $0x0  }
0x59: {  	[sflag:s23] =	ssyncadd.s32 $0xFFFFFFB0  }
0x5a: {  	[tilespmem:s26], [sflag:$0x1] =	stream.indirect.gather [hbm4b:s4+s25], $0x80, s3, s25, $0xb8;
	[tilespmem:$0x19580] =	vst v63  }
0x5b: {  	_ =	swait.ge [sflag:s28], $0x2800  }
.Ltmp1:
0x5c: {  	[sflag:s28] =	ssyncset.done $0x0;
	(pc) =	sbr.rel @p1 .LBB2_4-.Ltmp1, $4  }
0x5d: {  	[sflag:s28] =	ssyncadd.s32 $0xFFFFD800  }
0x5e: {  	[spmem:s2] =	stream.indirect.scatter.add.f32 [tilespmem:s26], [sflag:$0x2], $0x80, s24, s25, $0xb8;
	[tilespmem:$0x19580] =	vst v63  }
0x5f: {  	_ =	swait.ge [sflag:s23], $0x2800  }
0x60: {  	s31 =	smov.u32 s12;
	[sflag:s23] =	ssyncset.done $0x0  }
0x61: {  	s0 =	sadd.s32 s30, s21;
	[sflag:s23] =	ssyncadd.s32 $0xFFFFD800  }
0x62: {  	[tilespmem:s3], [sflag:$0x2] =	stream.linear.gather [hbm4b:s0+s3], $0x50, $0x38;
	[tilespmem:$0x19580] =	vst v63  }
0x63: {  	_ =	swait.ge [sflag:s23], $0x50  }
0x64: {  	[sflag:s23] =	ssyncset.done $0x0  }
0x65: {  	s30 =	sadd.s32 s30, s20;
	[sflag:s23] =	ssyncadd.s32 $0xFFFFFFB0  }
0x66: {  	[tilespmem:s24], [sflag:$0x2] =	stream.linear.gather [hbm4b:s30+s3], $0x50, $0x38;
	[tilespmem:$0x19580] =	vst v63  }
0x67: {  	_ =	swait.ge [sflag:s23], $0x50  }
0x68: {  	[sflag:s23] =	ssyncset.done $0x0  }
0x69: {  	[sflag:s23] =	ssyncadd.s32 $0xFFFFFFB0  }
0x6a: {  	[tilespmem:s26], [sflag:$0x1] =	stream.indirect.gather [hbm4b:s4+s25], $0x80, s3, s25, $0xb8;
	[tilespmem:$0x19580] =	vst v63  }
0x6b: {  	_ =	swait.ge [sflag:s28], $0x2800  }
0x6c: {  	[sflag:s28] =	ssyncset.done $0x0  }
0x6d: {  	[sflag:s28] =	ssyncadd.s32 $0xFFFFD800  }
0x6e: {  	[spmem:s2] =	stream.indirect.scatter.add.f32 [tilespmem:s26], [sflag:$0x2], $0x80, s24, s25, $0xb8;
	[tilespmem:$0x19580] =	vst v63  }
0x6f: {  	_ =	swait.ge [sflag:s23], $0x2800  }
0x70: {  	[sflag:s23] =	ssyncset.done $0x0  }
0x71: {  	[sflag:s23] =	ssyncadd.s32 $0xFFFFD800  }
0x72: {  	[bflag:$0x0] =	sbarrier.arrive $0xFFFF  }
0x73: {  	[tilespmem:s22], [sflag:$0x2] =	stream.linear.gather [spmem:s5], $0x3400, $0x38;
	[tilespmem:$0x19580] =	vst v63  }
0x74: {  	_ =	swait.ge [sflag:s23], $0x3400  }
0x75: {  	[sflag:s23] =	ssyncset.done $0x0  }
0x76: {  	s31 =	rddreg [dreg:$0x3];
	[sflag:s23] =	ssyncadd.s32 $0xFFFFCC00  }
0x77: {  	[hbm4b:s31+s3] =	stream.linear.scatter [tilespmem:s22], [sflag:$0x2], $0x3400, $0x38;
	[tilespmem:$0x19580] =	vst v63  }
0x78: {  	_ =	swait.ge [sflag:s23], $0x3400  }
0x79: {  	[sflag:s23] =	ssyncset.done $0x0  }
0x7a: {  	[sflag:s23] =	ssyncadd.s32 $0xFFFFCC00  }
0x7b: {  	[tilespmem:s22], [sflag:$0x2] =	stream.linear.gather [spmem:s6], $0x3400, $0x38;
	[tilespmem:$0x19580] =	vst v63  }
0x7c: {  	_ =	swait.ge [sflag:s23], $0x3400  }
0x7d: {  	[sflag:s23] =	ssyncset.done $0x0  }
0x7e: {  	[sflag:s23] =	ssyncadd.s32 $0xFFFFCC00  }
0x7f: {  	[hbm4b:s13+s3] =	stream.linear.scatter [tilespmem:s22], [sflag:$0x2], $0x3400, $0x38;
	[tilespmem:$0x19580] =	vst v63  }
0x80: {  	_ =	swait.ge [sflag:s23], $0x3400  }
0x81: {  	[sflag:s23] =	ssyncset.done $0x0  }
0x82: {  	[sflag:s23] =	ssyncadd.s32 $0xFFFFCC00  }
0x83: {  	[tilespmem:s22], [sflag:$0x2] =	stream.linear.gather [spmem:s7], $0x3400, $0x38;
	[tilespmem:$0x19580] =	vst v63  }
0x84: {  	_ =	swait.ge [sflag:s23], $0x3400  }
0x85: {  	[sflag:s23] =	ssyncset.done $0x0  }
0x86: {  	[sflag:s23] =	ssyncadd.s32 $0xFFFFCC00  }
0x87: {  	[hbm4b:s14+s3] =	stream.linear.scatter [tilespmem:s22], [sflag:$0x2], $0x3400, $0x38;
	[tilespmem:$0x19580] =	vst v63  }
0x88: {  	_ =	swait.ge [sflag:s23], $0x3400  }
0x89: {  	[sflag:s23] =	ssyncset.done $0x0  }
0x8a: {  	[sflag:s23] =	ssyncadd.s32 $0xFFFFCC00  }
0x8b: {  	[tilespmem:s22], [sflag:$0x2] =	stream.linear.gather [spmem:s8], $0x3400, $0x38;
	[tilespmem:$0x19580] =	vst v63  }
0x8c: {  	_ =	swait.ge [sflag:s23], $0x3400  }
0x8d: {  	[sflag:s23] =	ssyncset.done $0x0  }
0x8e: {  	[sflag:s23] =	ssyncadd.s32 $0xFFFFCC00  }
0x8f: {  	[hbm4b:s15+s3] =	stream.linear.scatter [tilespmem:s22], [sflag:$0x2], $0x3400, $0x38;
	[tilespmem:$0x19580] =	vst v63  }
0x90: {  	_ =	swait.ge [sflag:s23], $0x3400  }
0x91: {  	[sflag:s23] =	ssyncset.done $0x0  }
0x92: {  	[sflag:s23] =	ssyncadd.s32 $0xFFFFCC00  }
0x93: {  	[tilespmem:s22], [sflag:$0x2] =	stream.linear.gather [spmem:s9], $0x3400, $0x38;
	[tilespmem:$0x19580] =	vst v63  }
0x94: {  	_ =	swait.ge [sflag:s23], $0x3400  }
0x95: {  	[sflag:s23] =	ssyncset.done $0x0  }
0x96: {  	[sflag:s23] =	ssyncadd.s32 $0xFFFFCC00  }
0x97: {  	[hbm4b:s16+s3] =	stream.linear.scatter [tilespmem:s22], [sflag:$0x2], $0x3400, $0x38;
	[tilespmem:$0x19580] =	vst v63  }
0x98: {  	_ =	swait.ge [sflag:s23], $0x3400  }
0x99: {  	[sflag:s23] =	ssyncset.done $0x0  }
0x9a: {  	[sflag:s23] =	ssyncadd.s32 $0xFFFFCC00  }
0x9b: {  	[tilespmem:s22], [sflag:$0x2] =	stream.linear.gather [spmem:s10], $0x3400, $0x38;
	[tilespmem:$0x19580] =	vst v63  }
0x9c: {  	_ =	swait.ge [sflag:s23], $0x3400  }
0x9d: {  	[sflag:s23] =	ssyncset.done $0x0  }
0x9e: {  	[sflag:s23] =	ssyncadd.s32 $0xFFFFCC00  }
0x9f: {  	[hbm4b:s17+s3] =	stream.linear.scatter [tilespmem:s22], [sflag:$0x2], $0x3400, $0x38;
	[tilespmem:$0x19580] =	vst v63  }
0xa0: {  	_ =	swait.ge [sflag:s23], $0x3400  }
0xa1: {  	[sflag:s23] =	ssyncset.done $0x0  }
0xa2: {  	s1 =	simm.s32 @!p0 $0x2;
	s0 =	simm.s32 @!p0 $0x2900;
	[sflag:s23] =	ssyncadd.s32 $0xFFFFCC00  }
0xa3: {  	[tilespmem:s0], [sflag:$0x2] =	stream.linear.gather @!p0 [spmem:s11], $0x800, $0x38;
	[tilespmem:$0x19580] =	vst v63  }
0xa4: {  	s29 =	sadd.s32 $0x1, s29;
	_ =	swait.ge @!p0 [sflag:s1], $0x800  }
0xa5: {  	p1 =	sne.s32 s29, s19;
	[sflag:s1] =	ssyncset.done @!p0 $0x0  }
.Ltmp2:
0xa6: {  	s12 =	simm.s32 @!p0 $0x0;
	[sflag:s1] =	ssyncadd.s32 @!p0 $0xFFFFF800;
	(pc) =	sbr.rel @p1 .LBB2_1-.Ltmp2, $4  }
0xa7: {  	[hbm4b:s18+s12] =	stream.linear.scatter @!p0 [tilespmem:s0], [sflag:$0x2], $0x800, $0x38;
	[tilespmem:$0x19580] =	vst v63  }
0xa8: {  	_ =	swait.ge @!p0 [sflag:s1], $0x800  }
0xa9: {  	[sflag:s1] =	ssyncset.done @!p0 $0x0  }
0xaa: {  	[sflag:s1] =	ssyncadd.s32 @!p0 $0xFFFFF800  }
0xab: {  	_ =	sfence.sel $0x180000  }
0xac: {  	[bflag:$0x0] =	sbarrier.arrive $0xFFFF  }
0xad: {  	_ =	strace $0x9000004A  }
0xae: {  	s0 =	stileid.u32;
	[bflag:$0x2] =	sbarrier.arrive $0xFFFF  }
0xaf: {  	p0 =	sne.s32 s0, $0x0;
	s0 =	rddreg [dreg:$0x2]  }
0xb0: {  	s0 =	sadd.s32 @!p0 $0x100000, s0  }
0xb1: {  	[sflag:s0] =	ssyncadd.tile.s32 @!p0 $0x1;
	_ =	shalt  }
.Lfunc_end2:
_tile_overlayer_lowered:
.L_overlay_start_2:
0xb2: {  	(tag) =	ssettag $0x2  }
0xb3: {  	s0 =	rddreg [dreg:$0x0];
	s2 =	stileid.u32  }
0xb4: {  	s1 =	rddreg [dreg:$0x1];
	p0 =	sne.s32 s2, $0x0  }
0xb5: {  	s3 =	rddreg [dreg:$0x2];
	[bflag:$0x3] =	sbarrier.arrive $0xFFFF;
	s2 =	simm.s32 @!p0 $0x1C02  }
0xb6: {  	[timem:s3], [sflag:s2] =	dma.local @!p0 [hbm:s0], s1  }
0xb7: {  	s0 =	simm.s32 @!p0 $0x2  }
0xb8: {  	_ =	swait.ge @!p0 [sflag:s0], s1  }
0xb9: {  	s1 =	ssub.s32 @!p0 $0x0, s1;
	[sflag:s0] =	ssyncset.done @!p0 $0x0  }
0xba: {  	[sflag:s0] =	ssyncadd.s32 @!p0 s1  }
0xbb: {  	[bflag:$0x3] =	sbarrier.arrive $0xFFFF  }
0xbc: {  	_ =	shalt  }

// kernel: kernel.15.cloned.1.call-start
scs
__scs_entry_jumppad:
0x0: {  	(pc) =	sbr.rel $0x88, $3  }
0x1: {  	(tag) =	ssettag $0x0;
	lr =	simm.s32 $0x1  }
0x2: {  	[smem:$0x3F92] =	sst lr;
	_ =	strace $0xD0000000  }
0x3: {  	_ = 	snop  }
0x4: {  	_ = 	snop  }
0x5: {  	_ = 	snop  }
0x6: {  	_ = 	snop  }
0x7: {  	_ = 	snop  }
__scs_overlays_trampoline_lowered:
0x8: {  	[smem:$0x3FA1] =	sst s0  }
0x9: {  	[smem:$0x3FA2] =	sst s1  }
0xa: {  	[smem:$0x3FA3] =	sst s2  }
0xb: {  	[smem:$0x3FA4] =	sst s3  }
0xc: {  	[smem:$0x3FA5] =	sst s4  }
0xd: {  	[smem:$0x3FA6] =	sst s5  }
0xe: {  	[smem:$0x3FA7] =	sst s6  }
0xf: {  	[smem:$0x3FA8] =	sst s7  }
0x10: {  	[smem:$0x3FA9] =	sst s8  }
0x11: {  	[smem:$0x3FAA] =	sst s9;
	s0 =	simm.s32 @!p0 $0x0  }
0x12: {  	s1 =	sld [smem:$0x3F90];
	s0 =	simm.s32 @p0 $0x1  }
0x13: {  	[smem:$0x3FAB] =	sst s0;
	s0 =	simm.s32 @!p1 $0x0  }
0x14: {  	s2 =	sld [smem:$0x3F8F];
	s0 =	simm.s32 @p1 $0x1  }
0x15: {  	[smem:$0x3FAC] =	sst s0;
	s0 =	simm.s32 @!p2 $0x0  }
0x16: {  	s3 =	sld [smem:$0x3FDB];
	s0 =	simm.s32 @p2 $0x1  }
0x17: {  	s4 =	simm.s32 $0x1BF5;
	[smem:$0x3FAE] =	sst s0  }
0x18: {  	s0 =	sld [smem:$0x3F91];
	_ =	swait.ge [sflag:s4], $0x0  }
0x19: {  	s7 =	sld [smem:$0x3F92]  }
0x1a: {  	s8 =	sadd.s32 $0xFFFFE003, lr  }
0x1b: {  	s9 =	sadd.s32 $0xFFFFFEF7, lr;
	s5 =	simm.s32 $0xFFFFFFFF;
	p2 =	slt.u32 s8, $0xFFFFF086  }
0x1c: {  	p1 =	slt.u32 s9, $0xF7A;
	s5 =	simm.s32 @!p2 $0x0  }
0x1d: {  	s5 =	simm.s32 @p1 $0x1;
	p0 =	seq.s32 s7, s2  }
0x1e: {  	s7 =	smul.u32 @!p0 $0xF7A, s2;
	p2 =	seq.s32 @!p0 s5, $0x0  }
0x1f: {  	s9 =	smul.u32 $0xF7A, s1;
	s8 =	simm.s32 @!p0 $0x1BF5;
	p2 =	por !p2, p0  }
0x20: {  	[sflag:s8] =	ssyncset.s32 @!p0 $0xFFFFF086;
	s6 =	sadd.s32 @!p0 s3, s7;
	s7 =	simm.s32 @!p0 $0x108  }
0x21: {  	s3 =	sadd.s32 s3, s9;
	s6 =	sadd.s32 @!p0 $0x88, s6;
	s7 =	simm.s32 @p2 $0x1082  }
0x22: {  	[simem:s7], [sflag:s8] =	dma.local @!p0 [hbm:s6], $0xF7A  }
0x23: {  	s9 =	sor.u32 $0xD0000000, s2;
	s6 =	simm.s32 $0x108;
	_ =	swait.ge @!p0 [sflag:s8], $0x0  }
0x24: {  	s3 =	sadd.s32 $0x88, s3;
	s6 =	simm.s32 @!p1 $0x1082;
	[sflag:s4] =	ssyncset.s32 $0xFFFFF086  }
0x25: {  	[simem:s6], [sflag:s4] =	dma.local [hbm:s3], $0xF7A  }
0x26: {  	[smem:$0x3F92] =	sst s1;
	(tag) =	ssettag s2;
	_ =	strace s9  }
0x27: {  	s1 =	sld [smem:$0x3FA2]  }
0x28: {  	s2 =	sld [smem:$0x3FA3]  }
0x29: {  	s4 =	sld [smem:$0x3FA5]  }
0x2a: {  	p0 =	seq.s32 s5, $0x0;
	s5 =	sld [smem:$0x3FA6]  }
0x2b: {  	s6 =	sld [smem:$0x3FA7]  }
0x2c: {  	s7 =	sld [smem:$0x3FA8]  }
0x2d: {  	s3 =	simm.s32 $0x108;
	s8 =	sld [smem:$0x3FA9]  }
0x2e: {  	s3 =	simm.s32 @!p0 $0x1082;
	s9 =	sld [smem:$0x3FAA]  }
0x2f: {  	lr =	sadd.s32 s0, s3;
	s0 =	sld [smem:$0x3FA1]  }
0x30: {  	s3 =	sld [smem:$0x3FA4]  }
0x31: {  	[smem:$0x3FAD] =	sst s10  }
0x32: {  	s10 =	sld [smem:$0x3FAB];
	_ =	sdelay $0x3  }
0x33: {  	p0 =	seq.s32 s10, $0x1;
	s10 =	sld [smem:$0x3FAD];
	_ =	sdelay $0x3  }
0x34: {  	[smem:$0x3FAD] =	sst s10  }
0x35: {  	s10 =	sld [smem:$0x3FAC];
	_ =	sdelay $0x3  }
0x36: {  	p1 =	seq.s32 s10, $0x1;
	s10 =	sld [smem:$0x3FAD];
	_ =	sdelay $0x3  }
0x37: {  	[smem:$0x3FAD] =	sst s10  }
0x38: {  	s10 =	sld [smem:$0x3FAE]  }
0x39: {  	_ = 	snop;
	(pc) =	sbr.ind lr, $3  }
0x3a: {  	_ = 	snop  }
0x3b: {  	_ = 	snop  }
0x3c: {  	p2 =	seq.s32 s10, $0x1;
	s10 =	sld [smem:$0x3FAD]  }
0x3d: {  	_ =	shalt  }
0x3e: {  	_ =	shalt  }
0x3f: {  	_ =	shalt  }
0x40: {  	_ =	shalt  }
0x41: {  	_ =	shalt  }
0x42: {  	_ =	shalt  }
0x43: {  	_ =	shalt  }
0x44: {  	_ =	shalt  }
0x45: {  	_ =	shalt  }
0x46: {  	_ =	shalt  }
0x47: {  	_ =	shalt  }
0x48: {  	_ =	shalt  }
0x49: {  	_ =	shalt  }
0x4a: {  	_ =	shalt  }
0x4b: {  	_ =	shalt  }
0x4c: {  	_ =	shalt  }
0x4d: {  	_ =	shalt  }
0x4e: {  	_ =	shalt  }
0x4f: {  	_ =	shalt  }
0x50: {  	_ =	shalt  }
0x51: {  	_ =	shalt  }
0x52: {  	_ =	shalt  }
0x53: {  	_ =	shalt  }
0x54: {  	_ =	shalt  }
0x55: {  	_ =	shalt  }
0x56: {  	_ =	shalt  }
0x57: {  	_ =	shalt  }
0x58: {  	_ =	shalt  }
0x59: {  	_ =	shalt  }
0x5a: {  	_ =	shalt  }
0x5b: {  	_ =	shalt  }
0x5c: {  	_ =	shalt  }
0x5d: {  	_ =	shalt  }
0x5e: {  	_ =	shalt  }
0x5f: {  	_ =	shalt  }
0x60: {  	_ =	shalt  }
0x61: {  	_ =	shalt  }
0x62: {  	_ =	shalt  }
0x63: {  	_ =	shalt  }
0x64: {  	_ =	shalt  }
0x65: {  	_ =	shalt  }
0x66: {  	_ =	shalt  }
0x67: {  	_ =	shalt  }
0x68: {  	_ =	shalt  }
0x69: {  	_ =	shalt  }
0x6a: {  	_ =	shalt  }
0x6b: {  	_ =	shalt  }
0x6c: {  	_ =	shalt  }
0x6d: {  	_ =	shalt  }
0x6e: {  	_ =	shalt  }
0x6f: {  	_ =	shalt  }
0x70: {  	_ =	shalt  }
0x71: {  	_ =	shalt  }
0x72: {  	_ =	shalt  }
0x73: {  	_ =	shalt  }
0x74: {  	_ =	shalt  }
0x75: {  	_ =	shalt  }
0x76: {  	_ =	shalt  }
0x77: {  	_ =	shalt  }
0x78: {  	_ =	shalt  }
0x79: {  	_ =	shalt  }
0x7a: {  	_ =	shalt  }
0x7b: {  	_ =	shalt  }
0x7c: {  	_ =	shalt  }
0x7d: {  	_ =	shalt  }
0x7e: {  	_ =	shalt  }
0x7f: {  	_ =	shalt  }
0x80: {  	_ =	shalt  }
0x81: {  	_ =	shalt  }
0x82: {  	_ =	shalt  }
0x83: {  	_ =	shalt  }
0x84: {  	_ =	shalt  }
0x85: {  	_ =	shalt  }
0x86: {  	_ =	shalt  }
0x87: {  	_ =	shalt  }
.Lfunc_end0:
.L_simem_size_0:
called_computation.3_lowered:
.L_overlay_start_0:
0x88: {  	s2 =	sld [smem:$0x3FD9]  }
0x89: {  	s3 =	sld [smem:$0x3FFE];
	_ =	sdelay $0x1  }
0x8a: {  	s1 =	srdreg.scid  }
0x8b: {  	s0 =	sand.u32 $0x1, s1  }
0x8c: {  	s17 =	sshll.u32 s0, $0xA;
	s2 =	sadd.s32 s3, s2  }
0x8d: {  	s2 =	sadd.s32 s2, s17  }
0x8e: {  	[smem:$0x3FB9] =	sst s2  }
0x8f: {  	_ = 	snop  }
0x90: {  	s2 =	sld [smem:$0x3FD0];
	(tm) =	ssettm $0x1  }
0x91: {  	s18 =	sld [smem:$0x3FFB];
	_ =	sdelay $0x3  }
0x92: {  	_ =	strace s18  }
0x93: {  	s3 =	sld [smem:$0x3FFC];
	_ =	sdelay $0x3  }
0x94: {  	_ =	strace s3  }
0x95: {  	s3 =	sld [smem:$0x3FFD];
	_ =	sdelay $0x3  }
0x96: {  	_ =	strace s3  }
0x97: {  	_ =	strace $0x8FFFFFFF  }
0x98: {  	s19 =	sld [smem:$0x3FDB];
	_ =	sdelay $0x1  }
0x99: {  	s4 =	simm.s32 $_scs_section_size  }
0x9a: {  	s5 =	simm.s32 $_size__tile_overlayer_lowered;
	s6 =	simm.s32 $_tile_overlayer_lowered  }
0x9b: {  	s22 =	simm.s32 $0x1BFF;
	s21 =	sshll.u32 s6, $0x1;
	s3 =	sadd.s32 s4, s19  }
0x9c: {  	s7 =	simm.s32 $0x0;
	s20 =	sshll.u32 s5, $0x1;
	s5 =	sadd.s32 s21, s3  }
0x9d: {  	[timem:s7], [sflag:s22] =	dma.local [hbm:s5], s20  }
0x9e: {  	_ =	swait.ge [sflag:s22], s20  }
0x9f: {  	s4 =	ssub.s32 $0x0, s20;
	[sflag:s22] =	ssyncset.done $0x0  }
0xa0: {  	[sflag:s22] =	ssyncadd.s32 s4;
	_ =	sdelay $0x1  }
0xa1: {  	s23 =	simm.s32 $0x1B8B  }
0xa2: {  	_ =	swait.ge [sflag:s23], $0x1  }
0xa3: {  	[sflag:s23] =	ssyncset.done $0x0  }
0xa4: {  	s25 =	simm.s32 $0x1B8E;
	s24 =	sld [smem:$0x3FFE];
	[sflag:s23] =	ssyncadd.s32 $0xFFFFFFFF  }
0xa5: {  	s26 =	simm.s32 $execute0_lowered;
	[smem:$0x3FD2] =	sst s25  }
0xa6: {  	s5 =	sshll.u32 s26, $0x1;
	_ =	strace $0x8000004F;
	[dreg:$0x1] =	wrdreg $0xFFFFFFFF  }
0xa7: {  	s28 =	simm.s32 $_size_execute0_lowered;
	s3 =	sadd.s32 s3, s5;
	[dreg:$0x0] =	wrdreg $0x0  }
0xa8: {  	s5 =	sshll.u32 s28, $0x1;
	[dreg:$0x2] =	wrdreg s3  }
0xa9: {  	[dreg:$0x3] =	wrdreg s5  }
0xaa: {  	[dreg:$0x4] =	wrdreg $0xC0  }
0xab: {  	_ =	task [dreg:s7], $0x5FFFF  }
0xac: {  	[dreg:$0x1] =	wrdreg $0xFFFFFFFF  }
0xad: {  	[dreg:$0x0] =	wrdreg $0x60  }
0xae: {  	[dreg:$0x2] =	wrdreg s2  }
0xaf: {  	[dreg:$0x3] =	wrdreg s24  }
0xb0: {  	[dreg:$0x4] =	wrdreg $0x5D000  }
0xb1: {  	[dreg:$0x5] =	wrdreg $0x9  }
0xb2: {  	_ =	task.clear_ibuf [dreg:s7], $0x6FFFF;
	_ =	strace $0x9000004F  }
0xb3: {  	s29 =	simm.s32 $0x9;
	_ =	strace $0x80000051  }
0xb4: {  	_ =	swait.ge [sflag:s29], $0x1  }
0xb5: {  	[sflag:s29] =	ssyncadd.s32 $0xFFFFFFFF  }
0xb6: {  	_ =	strace $0x90000051  }
0xb7: {  	_ =	sfence  }
0xb8: {  	s30 =	sld [smem:$0x0];
	_ =	sdelay $0x2  }
0xb9: {  	s31 =	sshll.u32 s1, $0xD;
	s1 =	sshrl.u32 s1, $0x2  }
0xba: {  	s3 =	sand.u32 $0x4000, s31;
	s1 =	sadd.s32 s1, s30  }
0xbb: {  	s0 =	sor.u32 s3, s0;
	s1 =	sshll.u32 s1, $0x11  }
0xbc: {  	s0 =	sor.u32 s1, s0  }
0xbd: {  	s0 =	sadd.s32 $0x8F2B, s0  }
0xbe: {  	[sflag:s0] =	ssyncadd.remote.s32 $0x1  }
0xbf: {  	_ =	sfence.sel $0xFFFF  }
0xc0: {  	[dreg:$0x0] =	wrdreg $0xFFFFFFFF;
	(pc) =	sbr.abs _section_cstart, $3  }
0xc1: {  	[dreg:$0x1] =	wrdreg $0xFFFFFFFF  }
0xc2: {  	_ =	task.clear_ibuf [dreg:s7], $0x2FFFF;
	_ =	strace $0x9FFFFFFF  }
0xc3: {  	(tm) =	ssettm $0x7FFFFFFF  }
tec
execute0_lowered:
.L_overlay_start_1:
0x0: {  	(tag) =	ssettag $0x1  }
0x1: {  	s1 =	rddreg [dreg:$0x0];
	s0 =	srdreg.scid  }
0x2: {  	s2 =	rddreg [dreg:$0x1];
	s26 =	stileid.u32  }
0x3: {  	s3 =	rddreg [dreg:$0x2];
	s4 =	simm.s32 $0x0;
	s22 =	simm.s32 $0x2900  }
0x4: {  	s23 =	simm.s32 $0x2;
	s24 =	simm.s32 $0x80;
	s25 =	simm.s32 $0x50  }
0x5: {  	s28 =	simm.s32 $0x1;
	s29 =	simm.s32 $0x0;
	s6 =	smul.u32 $0x2710, s26  }
0x6: {  	s7 =	sand.u32 $0x1, s0;
	[smem:$0x7FF] =	sst s4;
	s30 =	smul.u32 $0x4E000, s26  }
0x7: {  	s10 =	smul.u32 $0x13800, s26;
	s11 =	sadd.s32 $0x138000, s3;
	p0 =	sne.s32 s26, $0xF  }
0x8: {  	s26 =	simm.s32 $0x100;
	s5 =	smul.u32 $0x27100, s7;
	s31 =	ssub.s32 $0x2, s7  }
0x9: {  	_ =	strace $0x80000050;
	s16 =	smul.u32 $0x138800, s7;
	s8 =	sshrl.u32 s31, $0x1  }
0xa: {  	s13 =	sadd.s32 $0x3400, s10;
	s14 =	sadd.s32 $0x6800, s10;
	s15 =	sadd.s32 $0x9C00, s10  }
0xb: {  	s17 =	sadd.s32 $0xD000, s10;
	s18 =	sadd.s32 $0x10400, s10;
	s5 =	sadd.s32 s6, s5  }
0xc: {  	s6 =	sshrl.u32 s30, $0x2;
	s19 =	ssub.s32 s31, s8;
	s7 =	sadd.s32 s14, s3  }
0xd: {  	s8 =	sadd.s32 s15, s3;
	s9 =	sadd.s32 s17, s3;
	s12 =	sadd.s32 s10, s16  }
0xe: {  	s10 =	sadd.s32 s18, s3;
	s14 =	sadd.s32 s16, s14;
	s15 =	sadd.s32 s16, s15  }
0xf: {  	s17 =	sadd.s32 s16, s17;
	s18 =	sadd.s32 s16, s18;
	s20 =	sshrl.u32 s16, $0x3  }
0x10: {  	s5 =	sshrl.u32 s5, $0x3;
	s12 =	sshrl.u32 s12, $0x3;
	s14 =	sshrl.u32 s14, $0x3  }
0x11: {  	s15 =	sshrl.u32 s15, $0x3;
	s17 =	sshrl.u32 s17, $0x3;
	s18 =	sshrl.u32 s18, $0x3  }
0x12: {  	s19 =	smax.u32 s19, $0x1;
	s21 =	sadd.s32 s5, s2;
	s2 =	sadd.s32 $0x600, s2  }
0x13: {  	s5 =	sadd.s32 s6, s3;
	s6 =	sadd.s32 s13, s3;
	s13 =	sadd.s32 s16, s13  }
0x14: {  	s12 =	sadd.s32 s2, s12;
	s13 =	sshrl.u32 s13, $0x3;
	s14 =	sadd.s32 s2, s14  }
0x15: {  	s15 =	sadd.s32 s2, s15;
	s16 =	sadd.s32 s2, s17;
	s17 =	sadd.s32 s2, s18  }
0x16: {  	[dreg:$0x4] =	wrdreg s12;
	s13 =	sadd.s32 s2, s13;
	s2 =	sadd.s32 s2, s20  }
0x17: {  	v0 =	vimm.f32 $0.0e+00;
	s20 =	sadd.s32 $0x4EA00, s21;
	s21 =	sadd.s32 $0x58800, s21;
	s18 =	sadd.s32 $0x27000, s2  }
.LBB2_1:
0x18: {  	s2 =	sand.u32 $0xFE00, s4  }
0x19: {  	s31 =	sand.u32 $0x70, s4;
	s2 =	sshrl.u32 s2, $0x2  }
0x1a: {  	s30 =	simm.s32 $0x40;
	s2 =	sor.u32 s31, s2;
	s31 =	simm.s32 $0x0  }
.LBB2_2:
0x1b: {  	p1 =	sne.s32 s30, $0xCFC0  }
0x1c: {  	[tilespmem:s2+$0x2900] =	vst v0;
	s31 =	sadd.s32 $0x10, s31;
	s2 =	smov.u32 s30;
	s30 =	sadd.s32 $0x40, s30  }
.Ltmp0:
0x1d: {  	(pc) =	sbr.rel @p1 .LBB2_2-.Ltmp0, $4  }
0x1e: {  	_ = 	snop  }
0x1f: {  	s2 =	sand.u32 $0xFE00, s2  }
0x20: {  	s0 =	sand.u32 $0x70, s31;
	s2 =	sshrl.u32 s2, $0x2  }
0x21: {  	s2 =	sor.u32 s0, s2  }
0x22: {  	[tilespmem:s2+$0x2900] =	vst v0  }
0x23: {  	[spmem:s5] =	stream.linear.scatter [tilespmem:s22], [sflag:$0x2], $0x3400, $0x38;
	[tilespmem:$0x19580] =	vst v63  }
0x24: {  	_ =	swait.ge [sflag:s23], $0x3400  }
0x25: {  	[sflag:s23] =	ssyncset.done $0x0  }
0x26: {  	[sflag:s23] =	ssyncadd.s32 $0xFFFFCC00  }
0x27: {  	[spmem:s6] =	stream.linear.scatter [tilespmem:s22], [sflag:$0x2], $0x3400, $0x38;
	[tilespmem:$0x19580] =	vst v63  }
0x28: {  	_ =	swait.ge [sflag:s23], $0x3400  }
0x29: {  	[sflag:s23] =	ssyncset.done $0x0  }
0x2a: {  	[sflag:s23] =	ssyncadd.s32 $0xFFFFCC00  }
0x2b: {  	[spmem:s7] =	stream.linear.scatter [tilespmem:s22], [sflag:$0x2], $0x3400, $0x38;
	[tilespmem:$0x19580] =	vst v63  }
0x2c: {  	_ =	swait.ge [sflag:s23], $0x3400  }
0x2d: {  	[sflag:s23] =	ssyncset.done $0x0  }
0x2e: {  	[sflag:s23] =	ssyncadd.s32 $0xFFFFCC00  }
0x2f: {  	[spmem:s8] =	stream.linear.scatter [tilespmem:s22], [sflag:$0x2], $0x3400, $0x38;
	[tilespmem:$0x19580] =	vst v63  }
0x30: {  	_ =	swait.ge [sflag:s23], $0x3400  }
0x31: {  	[sflag:s23] =	ssyncset.done $0x0  }
0x32: {  	[sflag:s23] =	ssyncadd.s32 $0xFFFFCC00  }
0x33: {  	[spmem:s9] =	stream.linear.scatter [tilespmem:s22], [sflag:$0x2], $0x3400, $0x38;
	[tilespmem:$0x19580] =	vst v63  }
0x34: {  	_ =	swait.ge [sflag:s23], $0x3400  }
0x35: {  	[sflag:s23] =	ssyncset.done $0x0  }
0x36: {  	[sflag:s23] =	ssyncadd.s32 $0xFFFFCC00  }
0x37: {  	[spmem:s10] =	stream.linear.scatter [tilespmem:s22], [sflag:$0x2], $0x3400, $0x38;
	[tilespmem:$0x19580] =	vst v63  }
0x38: {  	_ =	swait.ge [sflag:s23], $0x3400  }
0x39: {  	[sflag:s23] =	ssyncset.done $0x0  }
0x3a: {  	s0 =	simm.s32 @!p0 $0x2900;
	[sflag:s23] =	ssyncadd.s32 $0xFFFFCC00  }
0x3b: {  	[spmem:s11] =	stream.linear.scatter @!p0 [tilespmem:s0], [sflag:$0x2], $0x800, $0x38;
	[tilespmem:$0x19580] =	vst v63  }
0x3c: {  	s0 =	simm.s32 @!p0 $0x2  }
0x3d: {  	_ =	swait.ge @!p0 [sflag:s0], $0x800  }
0x3e: {  	[sflag:s0] =	ssyncset.done @!p0 $0x0  }
0x3f: {  	[sflag:s0] =	ssyncadd.s32 @!p0 $0xFFFFF800  }
0x40: {  	s2 =	sadd.s32 $0x0, s21;
	[bflag:$0x0] =	sbarrier.arrive $0xFFFF  }
0x41: {  	[tilespmem:s4], [sflag:$0x2] =	stream.linear.gather [hbm4b:s2+s4], $0x50, $0x38;
	[tilespmem:$0x19580] =	vst v63  }
0x42: {  	_ =	swait.ge [sflag:s23], $0x50  }
0x43: {  	[sflag:s23] =	ssyncset.done $0x0  }
0x44: {  	s12 =	sadd.s32 $0x0, s20;
	[sflag:s23] =	ssyncadd.s32 $0xFFFFFFB0  }
0x45: {  	[tilespmem:s24], [sflag:$0x2] =	stream.linear.gather [hbm4b:s12+s4], $0x50, $0x38;
	[tilespmem:$0x19580] =	vst v63  }
0x46: {  	_ =	swait.ge [sflag:s23], $0x50  }
0x47: {  	[sflag:s23] =	ssyncset.done $0x0  }
0x48: {  	[sflag:s23] =	ssyncadd.s32 $0xFFFFFFB0  }
0x49: {  	[tilespmem:s26], [sflag:$0x1] =	stream.indirect.gather [hbm4b:s1+s25], $0x80, s4, s25, $0xb8;
	[tilespmem:$0x19580] =	vst v63  }
0x4a: {  	_ =	swait.ge [sflag:s28], $0x2800  }
0x4b: {  	[sflag:s28] =	ssyncset.done $0x0  }
0x4c: {  	[sflag:s28] =	ssyncadd.s32 $0xFFFFD800  }
0x4d: {  	[spmem:s3] =	stream.indirect.scatter.add.f32 [tilespmem:s26], [sflag:$0x2], $0x80, s24, s25, $0xb8;
	[tilespmem:$0x19580] =	vst v63  }
0x4e: {  	_ =	swait.ge [sflag:s23], $0x2800  }
0x4f: {  	s30 =	simm.s32 $0xA;
	s31 =	simm.s32 $0x14;
	[sflag:s23] =	ssyncset.done $0x0  }
.LBB2_4:
0x50: {  	s0 =	sadd.s32 s30, s21  }
0x51: {  	[sflag:s23] =	ssyncadd.s32 $0xFFFFD800;
	s2 =	smov.u32 s31;
	s12 =	sadd.s32 $0xA, s31  }
0x52: {  	[tilespmem:s4], [sflag:$0x2] =	stream.linear.gather [hbm4b:s0+s4], $0x50, $0x38;
	[tilespmem:$0x19580] =	vst v63  }
0x53: {  	p1 =	sne.s32 s31, $0x4D8;
	_ =	swait.ge [sflag:s23], $0x50  }
0x54: {  	[sflag:s23] =	ssyncset.done $0x0  }
0x55: {  	s0 =	sadd.s32 s30, s20;
	s30 =	smov.u32 s2;
	[sflag:s23] =	ssyncadd.s32 $0xFFFFFFB0  }
0x56: {  	[tilespmem:s24], [sflag:$0x2] =	stream.linear.gather [hbm4b:s0+s4], $0x50, $0x38;
	[tilespmem:$0x19580] =	vst v63  }
0x57: {  	_ =	swait.ge [sflag:s23], $0x50  }
0x58: {  	[sflag:s23] =	ssyncset.done $0x0  }
0x59: {  	[sflag:s23] =	ssyncadd.s32 $0xFFFFFFB0  }
0x5a: {  	[tilespmem:s26], [sflag:$0x1] =	stream.indirect.gather [hbm4b:s1+s25], $0x80, s4, s25, $0xb8;
	[tilespmem:$0x19580] =	vst v63  }
0x5b: {  	_ =	swait.ge [sflag:s28], $0x2800  }
.Ltmp1:
0x5c: {  	[sflag:s28] =	ssyncset.done $0x0;
	(pc) =	sbr.rel @p1 .LBB2_4-.Ltmp1, $4  }
0x5d: {  	[sflag:s28] =	ssyncadd.s32 $0xFFFFD800  }
0x5e: {  	[spmem:s3] =	stream.indirect.scatter.add.f32 [tilespmem:s26], [sflag:$0x2], $0x80, s24, s25, $0xb8;
	[tilespmem:$0x19580] =	vst v63  }
0x5f: {  	_ =	swait.ge [sflag:s23], $0x2800  }
0x60: {  	s31 =	smov.u32 s12;
	[sflag:s23] =	ssyncset.done $0x0  }
0x61: {  	s0 =	sadd.s32 s30, s21;
	[sflag:s23] =	ssyncadd.s32 $0xFFFFD800  }
0x62: {  	[tilespmem:s4], [sflag:$0x2] =	stream.linear.gather [hbm4b:s0+s4], $0x50, $0x38;
	[tilespmem:$0x19580] =	vst v63  }
0x63: {  	_ =	swait.ge [sflag:s23], $0x50  }
0x64: {  	[sflag:s23] =	ssyncset.done $0x0  }
0x65: {  	s30 =	sadd.s32 s30, s20;
	[sflag:s23] =	ssyncadd.s32 $0xFFFFFFB0  }
0x66: {  	[tilespmem:s24], [sflag:$0x2] =	stream.linear.gather [hbm4b:s30+s4], $0x50, $0x38;
	[tilespmem:$0x19580] =	vst v63  }
0x67: {  	_ =	swait.ge [sflag:s23], $0x50  }
0x68: {  	[sflag:s23] =	ssyncset.done $0x0  }
0x69: {  	[sflag:s23] =	ssyncadd.s32 $0xFFFFFFB0  }
0x6a: {  	[tilespmem:s26], [sflag:$0x1] =	stream.indirect.gather [hbm4b:s1+s25], $0x80, s4, s25, $0xb8;
	[tilespmem:$0x19580] =	vst v63  }
0x6b: {  	_ =	swait.ge [sflag:s28], $0x2800  }
0x6c: {  	[sflag:s28] =	ssyncset.done $0x0  }
0x6d: {  	[sflag:s28] =	ssyncadd.s32 $0xFFFFD800  }
0x6e: {  	[spmem:s3] =	stream.indirect.scatter.add.f32 [tilespmem:s26], [sflag:$0x2], $0x80, s24, s25, $0xb8;
	[tilespmem:$0x19580] =	vst v63  }
0x6f: {  	_ =	swait.ge [sflag:s23], $0x2800  }
0x70: {  	[sflag:s23] =	ssyncset.done $0x0  }
0x71: {  	[sflag:s23] =	ssyncadd.s32 $0xFFFFD800  }
0x72: {  	[bflag:$0x0] =	sbarrier.arrive $0xFFFF  }
0x73: {  	[tilespmem:s22], [sflag:$0x2] =	stream.linear.gather [spmem:s5], $0x3400, $0x38;
	[tilespmem:$0x19580] =	vst v63  }
0x74: {  	_ =	swait.ge [sflag:s23], $0x3400  }
0x75: {  	[sflag:s23] =	ssyncset.done $0x0  }
0x76: {  	s31 =	rddreg [dreg:$0x4];
	[sflag:s23] =	ssyncadd.s32 $0xFFFFCC00  }
0x77: {  	[hbm4b:s31+s4] =	stream.linear.scatter [tilespmem:s22], [sflag:$0x2], $0x3400, $0x38;
	[tilespmem:$0x19580] =	vst v63  }
0x78: {  	_ =	swait.ge [sflag:s23], $0x3400  }
0x79: {  	[sflag:s23] =	ssyncset.done $0x0  }
0x7a: {  	[sflag:s23] =	ssyncadd.s32 $0xFFFFCC00  }
0x7b: {  	[tilespmem:s22], [sflag:$0x2] =	stream.linear.gather [spmem:s6], $0x3400, $0x38;
	[tilespmem:$0x19580] =	vst v63  }
0x7c: {  	_ =	swait.ge [sflag:s23], $0x3400  }
0x7d: {  	[sflag:s23] =	ssyncset.done $0x0  }
0x7e: {  	[sflag:s23] =	ssyncadd.s32 $0xFFFFCC00  }
0x7f: {  	[hbm4b:s13+s4] =	stream.linear.scatter [tilespmem:s22], [sflag:$0x2], $0x3400, $0x38;
	[tilespmem:$0x19580] =	vst v63  }
0x80: {  	_ =	swait.ge [sflag:s23], $0x3400  }
0x81: {  	[sflag:s23] =	ssyncset.done $0x0  }
0x82: {  	[sflag:s23] =	ssyncadd.s32 $0xFFFFCC00  }
0x83: {  	[tilespmem:s22], [sflag:$0x2] =	stream.linear.gather [spmem:s7], $0x3400, $0x38;
	[tilespmem:$0x19580] =	vst v63  }
0x84: {  	_ =	swait.ge [sflag:s23], $0x3400  }
0x85: {  	[sflag:s23] =	ssyncset.done $0x0  }
0x86: {  	[sflag:s23] =	ssyncadd.s32 $0xFFFFCC00  }
0x87: {  	[hbm4b:s14+s4] =	stream.linear.scatter [tilespmem:s22], [sflag:$0x2], $0x3400, $0x38;
	[tilespmem:$0x19580] =	vst v63  }
0x88: {  	_ =	swait.ge [sflag:s23], $0x3400  }
0x89: {  	[sflag:s23] =	ssyncset.done $0x0  }
0x8a: {  	[sflag:s23] =	ssyncadd.s32 $0xFFFFCC00  }
0x8b: {  	[tilespmem:s22], [sflag:$0x2] =	stream.linear.gather [spmem:s8], $0x3400, $0x38;
	[tilespmem:$0x19580] =	vst v63  }
0x8c: {  	_ =	swait.ge [sflag:s23], $0x3400  }
0x8d: {  	[sflag:s23] =	ssyncset.done $0x0  }
0x8e: {  	[sflag:s23] =	ssyncadd.s32 $0xFFFFCC00  }
0x8f: {  	[hbm4b:s15+s4] =	stream.linear.scatter [tilespmem:s22], [sflag:$0x2], $0x3400, $0x38;
	[tilespmem:$0x19580] =	vst v63  }
0x90: {  	_ =	swait.ge [sflag:s23], $0x3400  }
0x91: {  	[sflag:s23] =	ssyncset.done $0x0  }
0x92: {  	[sflag:s23] =	ssyncadd.s32 $0xFFFFCC00  }
0x93: {  	[tilespmem:s22], [sflag:$0x2] =	stream.linear.gather [spmem:s9], $0x3400, $0x38;
	[tilespmem:$0x19580] =	vst v63  }
0x94: {  	_ =	swait.ge [sflag:s23], $0x3400  }
0x95: {  	[sflag:s23] =	ssyncset.done $0x0  }
0x96: {  	[sflag:s23] =	ssyncadd.s32 $0xFFFFCC00  }
0x97: {  	[hbm4b:s16+s4] =	stream.linear.scatter [tilespmem:s22], [sflag:$0x2], $0x3400, $0x38;
	[tilespmem:$0x19580] =	vst v63  }
0x98: {  	_ =	swait.ge [sflag:s23], $0x3400  }
0x99: {  	[sflag:s23] =	ssyncset.done $0x0  }
0x9a: {  	[sflag:s23] =	ssyncadd.s32 $0xFFFFCC00  }
0x9b: {  	[tilespmem:s22], [sflag:$0x2] =	stream.linear.gather [spmem:s10], $0x3400, $0x38;
	[tilespmem:$0x19580] =	vst v63  }
0x9c: {  	_ =	swait.ge [sflag:s23], $0x3400  }
0x9d: {  	[sflag:s23] =	ssyncset.done $0x0  }
0x9e: {  	[sflag:s23] =	ssyncadd.s32 $0xFFFFCC00  }
0x9f: {  	[hbm4b:s17+s4] =	stream.linear.scatter [tilespmem:s22], [sflag:$0x2], $0x3400, $0x38;
	[tilespmem:$0x19580] =	vst v63  }
0xa0: {  	_ =	swait.ge [sflag:s23], $0x3400  }
0xa1: {  	[sflag:s23] =	ssyncset.done $0x0  }
0xa2: {  	s2 =	simm.s32 @!p0 $0x2;
	s0 =	simm.s32 @!p0 $0x2900;
	[sflag:s23] =	ssyncadd.s32 $0xFFFFCC00  }
0xa3: {  	[tilespmem:s0], [sflag:$0x2] =	stream.linear.gather @!p0 [spmem:s11], $0x800, $0x38;
	[tilespmem:$0x19580] =	vst v63  }
0xa4: {  	s29 =	sadd.s32 $0x1, s29;
	_ =	swait.ge @!p0 [sflag:s2], $0x800  }
0xa5: {  	p1 =	sne.s32 s29, s19;
	[sflag:s2] =	ssyncset.done @!p0 $0x0  }
.Ltmp2:
0xa6: {  	s12 =	simm.s32 @!p0 $0x0;
	[sflag:s2] =	ssyncadd.s32 @!p0 $0xFFFFF800;
	(pc) =	sbr.rel @p1 .LBB2_1-.Ltmp2, $4  }
0xa7: {  	[hbm4b:s18+s12] =	stream.linear.scatter @!p0 [tilespmem:s0], [sflag:$0x2], $0x800, $0x38;
	[tilespmem:$0x19580] =	vst v63  }
0xa8: {  	_ =	swait.ge @!p0 [sflag:s2], $0x800  }
0xa9: {  	[sflag:s2] =	ssyncset.done @!p0 $0x0  }
0xaa: {  	[sflag:s2] =	ssyncadd.s32 @!p0 $0xFFFFF800  }
0xab: {  	_ =	sfence.sel $0x180000  }
0xac: {  	[bflag:$0x0] =	sbarrier.arrive $0xFFFF  }
0xad: {  	_ =	strace $0x90000050  }
0xae: {  	s0 =	stileid.u32;
	[bflag:$0x2] =	sbarrier.arrive $0xFFFF  }
0xaf: {  	p0 =	sne.s32 s0, $0x0;
	s0 =	rddreg [dreg:$0x3]  }
0xb0: {  	s0 =	sadd.s32 @!p0 $0x100000, s0  }
0xb1: {  	[sflag:s0] =	ssyncadd.tile.s32 @!p0 $0x1;
	_ =	shalt  }
.Lfunc_end2:
_tile_overlayer_lowered:
.L_overlay_start_2:
0xb2: {  	(tag) =	ssettag $0x2  }
0xb3: {  	s0 =	rddreg [dreg:$0x0];
	s2 =	stileid.u32  }
0xb4: {  	s1 =	rddreg [dreg:$0x1];
	p0 =	sne.s32 s2, $0x0  }
0xb5: {  	s3 =	rddreg [dreg:$0x2];
	[bflag:$0x3] =	sbarrier.arrive $0xFFFF;
	s2 =	simm.s32 @!p0 $0x1C02  }
0xb6: {  	[timem:s3], [sflag:s2] =	dma.local @!p0 [hbm:s0], s1  }
0xb7: {  	s0 =	simm.s32 @!p0 $0x2  }
0xb8: {  	_ =	swait.ge @!p0 [sflag:s0], s1  }
0xb9: {  	s1 =	ssub.s32 @!p0 $0x0, s1;
	[sflag:s0] =	ssyncset.done @!p0 $0x0  }
0xba: {  	[sflag:s0] =	ssyncadd.s32 @!p0 s1  }
0xbb: {  	[bflag:$0x3] =	sbarrier.arrive $0xFFFF  }
0xbc: {  	_ =	shalt  }

// kernel: kernel.6.cloned.1.call-start
scs
__scs_entry_jumppad:
0x0: {  	(pc) =	sbr.rel $0x88, $3  }
0x1: {  	(tag) =	ssettag $0x0;
	lr =	simm.s32 $0x1  }
0x2: {  	[smem:$0x3F92] =	sst lr;
	_ =	strace $0xD0000000  }
0x3: {  	_ = 	snop  }
0x4: {  	_ = 	snop  }
0x5: {  	_ = 	snop  }
0x6: {  	_ = 	snop  }
0x7: {  	_ = 	snop  }
__scs_overlays_trampoline_lowered:
0x8: {  	[smem:$0x3FA1] =	sst s0  }
0x9: {  	[smem:$0x3FA2] =	sst s1  }
0xa: {  	[smem:$0x3FA3] =	sst s2  }
0xb: {  	[smem:$0x3FA4] =	sst s3  }
0xc: {  	[smem:$0x3FA5] =	sst s4  }
0xd: {  	[smem:$0x3FA6] =	sst s5  }
0xe: {  	[smem:$0x3FA7] =	sst s6  }
0xf: {  	[smem:$0x3FA8] =	sst s7  }
0x10: {  	[smem:$0x3FA9] =	sst s8  }
0x11: {  	[smem:$0x3FAA] =	sst s9;
	s0 =	simm.s32 @!p0 $0x0  }
0x12: {  	s1 =	sld [smem:$0x3F90];
	s0 =	simm.s32 @p0 $0x1  }
0x13: {  	[smem:$0x3FAB] =	sst s0;
	s0 =	simm.s32 @!p1 $0x0  }
0x14: {  	s2 =	sld [smem:$0x3F8F];
	s0 =	simm.s32 @p1 $0x1  }
0x15: {  	[smem:$0x3FAC] =	sst s0;
	s0 =	simm.s32 @!p2 $0x0  }
0x16: {  	s3 =	sld [smem:$0x3FDB];
	s0 =	simm.s32 @p2 $0x1  }
0x17: {  	s4 =	simm.s32 $0x1BF5;
	[smem:$0x3FAE] =	sst s0  }
0x18: {  	s0 =	sld [smem:$0x3F91];
	_ =	swait.ge [sflag:s4], $0x0  }
0x19: {  	s7 =	sld [smem:$0x3F92]  }
0x1a: {  	s8 =	sadd.s32 $0xFFFFE003, lr  }
0x1b: {  	s9 =	sadd.s32 $0xFFFFFEF7, lr;
	s5 =	simm.s32 $0xFFFFFFFF;
	p2 =	slt.u32 s8, $0xFFFFF086  }
0x1c: {  	p1 =	slt.u32 s9, $0xF7A;
	s5 =	simm.s32 @!p2 $0x0  }
0x1d: {  	s5 =	simm.s32 @p1 $0x1;
	p0 =	seq.s32 s7, s2  }
0x1e: {  	s7 =	smul.u32 @!p0 $0xF7A, s2;
	p2 =	seq.s32 @!p0 s5, $0x0  }
0x1f: {  	s9 =	smul.u32 $0xF7A, s1;
	s8 =	simm.s32 @!p0 $0x1BF5;
	p2 =	por !p2, p0  }
0x20: {  	[sflag:s8] =	ssyncset.s32 @!p0 $0xFFFFF086;
	s6 =	sadd.s32 @!p0 s3, s7;
	s7 =	simm.s32 @!p0 $0x108  }
0x21: {  	s3 =	sadd.s32 s3, s9;
	s6 =	sadd.s32 @!p0 $0x88, s6;
	s7 =	simm.s32 @p2 $0x1082  }
0x22: {  	[simem:s7], [sflag:s8] =	dma.local @!p0 [hbm:s6], $0xF7A  }
0x23: {  	s9 =	sor.u32 $0xD0000000, s2;
	s6 =	simm.s32 $0x108;
	_ =	swait.ge @!p0 [sflag:s8], $0x0  }
0x24: {  	s3 =	sadd.s32 $0x88, s3;
	s6 =	simm.s32 @!p1 $0x1082;
	[sflag:s4] =	ssyncset.s32 $0xFFFFF086  }
0x25: {  	[simem:s6], [sflag:s4] =	dma.local [hbm:s3], $0xF7A  }
0x26: {  	[smem:$0x3F92] =	sst s1;
	(tag) =	ssettag s2;
	_ =	strace s9  }
0x27: {  	s1 =	sld [smem:$0x3FA2]  }
0x28: {  	s2 =	sld [smem:$0x3FA3]  }
0x29: {  	s4 =	sld [smem:$0x3FA5]  }
0x2a: {  	p0 =	seq.s32 s5, $0x0;
	s5 =	sld [smem:$0x3FA6]  }
0x2b: {  	s6 =	sld [smem:$0x3FA7]  }
0x2c: {  	s7 =	sld [smem:$0x3FA8]  }
0x2d: {  	s3 =	simm.s32 $0x108;
	s8 =	sld [smem:$0x3FA9]  }
0x2e: {  	s3 =	simm.s32 @!p0 $0x1082;
	s9 =	sld [smem:$0x3FAA]  }
0x2f: {  	lr =	sadd.s32 s0, s3;
	s0 =	sld [smem:$0x3FA1]  }
0x30: {  	s3 =	sld [smem:$0x3FA4]  }
0x31: {  	[smem:$0x3FAD] =	sst s10  }
0x32: {  	s10 =	sld [smem:$0x3FAB];
	_ =	sdelay $0x3  }
0x33: {  	p0 =	seq.s32 s10, $0x1;
	s10 =	sld [smem:$0x3FAD];
	_ =	sdelay $0x3  }
0x34: {  	[smem:$0x3FAD] =	sst s10  }
0x35: {  	s10 =	sld [smem:$0x3FAC];
	_ =	sdelay $0x3  }
0x36: {  	p1 =	seq.s32 s10, $0x1;
	s10 =	sld [smem:$0x3FAD];
	_ =	sdelay $0x3  }
0x37: {  	[smem:$0x3FAD] =	sst s10  }
0x38: {  	s10 =	sld [smem:$0x3FAE]  }
0x39: {  	_ = 	snop;
	(pc) =	sbr.ind lr, $3  }
0x3a: {  	_ = 	snop  }
0x3b: {  	_ = 	snop  }
0x3c: {  	p2 =	seq.s32 s10, $0x1;
	s10 =	sld [smem:$0x3FAD]  }
0x3d: {  	_ =	shalt  }
0x3e: {  	_ =	shalt  }
0x3f: {  	_ =	shalt  }
0x40: {  	_ =	shalt  }
0x41: {  	_ =	shalt  }
0x42: {  	_ =	shalt  }
0x43: {  	_ =	shalt  }
0x44: {  	_ =	shalt  }
0x45: {  	_ =	shalt  }
0x46: {  	_ =	shalt  }
0x47: {  	_ =	shalt  }
0x48: {  	_ =	shalt  }
0x49: {  	_ =	shalt  }
0x4a: {  	_ =	shalt  }
0x4b: {  	_ =	shalt  }
0x4c: {  	_ =	shalt  }
0x4d: {  	_ =	shalt  }
0x4e: {  	_ =	shalt  }
0x4f: {  	_ =	shalt  }
0x50: {  	_ =	shalt  }
0x51: {  	_ =	shalt  }
0x52: {  	_ =	shalt  }
0x53: {  	_ =	shalt  }
0x54: {  	_ =	shalt  }
0x55: {  	_ =	shalt  }
0x56: {  	_ =	shalt  }
0x57: {  	_ =	shalt  }
0x58: {  	_ =	shalt  }
0x59: {  	_ =	shalt  }
0x5a: {  	_ =	shalt  }
0x5b: {  	_ =	shalt  }
0x5c: {  	_ =	shalt  }
0x5d: {  	_ =	shalt  }
0x5e: {  	_ =	shalt  }
0x5f: {  	_ =	shalt  }
0x60: {  	_ =	shalt  }
0x61: {  	_ =	shalt  }
0x62: {  	_ =	shalt  }
0x63: {  	_ =	shalt  }
0x64: {  	_ =	shalt  }
0x65: {  	_ =	shalt  }
0x66: {  	_ =	shalt  }
0x67: {  	_ =	shalt  }
0x68: {  	_ =	shalt  }
0x69: {  	_ =	shalt  }
0x6a: {  	_ =	shalt  }
0x6b: {  	_ =	shalt  }
0x6c: {  	_ =	shalt  }
0x6d: {  	_ =	shalt  }
0x6e: {  	_ =	shalt  }
0x6f: {  	_ =	shalt  }
0x70: {  	_ =	shalt  }
0x71: {  	_ =	shalt  }
0x72: {  	_ =	shalt  }
0x73: {  	_ =	shalt  }
0x74: {  	_ =	shalt  }
0x75: {  	_ =	shalt  }
0x76: {  	_ =	shalt  }
0x77: {  	_ =	shalt  }
0x78: {  	_ =	shalt  }
0x79: {  	_ =	shalt  }
0x7a: {  	_ =	shalt  }
0x7b: {  	_ =	shalt  }
0x7c: {  	_ =	shalt  }
0x7d: {  	_ =	shalt  }
0x7e: {  	_ =	shalt  }
0x7f: {  	_ =	shalt  }
0x80: {  	_ =	shalt  }
0x81: {  	_ =	shalt  }
0x82: {  	_ =	shalt  }
0x83: {  	_ =	shalt  }
0x84: {  	_ =	shalt  }
0x85: {  	_ =	shalt  }
0x86: {  	_ =	shalt  }
0x87: {  	_ =	shalt  }
.Lfunc_end0:
.L_simem_size_0:
called_computation_lowered:
.L_overlay_start_0:
0x88: {  	s2 =	sld [smem:$0x3FD9]  }
0x89: {  	s3 =	sld [smem:$0x3FFE];
	_ =	sdelay $0x1  }
0x8a: {  	s1 =	srdreg.scid  }
0x8b: {  	s0 =	sand.u32 $0x1, s1  }
0x8c: {  	s17 =	sshll.u32 s0, $0xA;
	s2 =	sadd.s32 s3, s2  }
0x8d: {  	s2 =	sadd.s32 s2, s17  }
0x8e: {  	[smem:$0x3FB9] =	sst s2  }
0x8f: {  	_ = 	snop  }
0x90: {  	s2 =	sld [smem:$0x3FD0];
	(tm) =	ssettm $0x1  }
0x91: {  	s18 =	sld [smem:$0x3FFB];
	_ =	sdelay $0x3  }
0x92: {  	_ =	strace s18  }
0x93: {  	s3 =	sld [smem:$0x3FFC];
	_ =	sdelay $0x3  }
0x94: {  	_ =	strace s3  }
0x95: {  	s3 =	sld [smem:$0x3FFD];
	_ =	sdelay $0x3  }
0x96: {  	_ =	strace s3  }
0x97: {  	_ =	strace $0x8FFFFFFF  }
0x98: {  	s19 =	sld [smem:$0x3FDB];
	_ =	sdelay $0x1  }
0x99: {  	s4 =	simm.s32 $_scs_section_size  }
0x9a: {  	s5 =	simm.s32 $_size__tile_overlayer_lowered;
	s6 =	simm.s32 $_tile_overlayer_lowered  }
0x9b: {  	s22 =	simm.s32 $0x1BFF;
	s21 =	sshll.u32 s6, $0x1;
	s3 =	sadd.s32 s4, s19  }
0x9c: {  	s7 =	simm.s32 $0x0;
	s20 =	sshll.u32 s5, $0x1;
	s5 =	sadd.s32 s21, s3  }
0x9d: {  	[timem:s7], [sflag:s22] =	dma.local [hbm:s5], s20  }
0x9e: {  	_ =	swait.ge [sflag:s22], s20  }
0x9f: {  	s4 =	ssub.s32 $0x0, s20;
	[sflag:s22] =	ssyncset.done $0x0  }
0xa0: {  	[sflag:s22] =	ssyncadd.s32 s4;
	_ =	sdelay $0x1  }
0xa1: {  	s23 =	simm.s32 $0x1B8B  }
0xa2: {  	_ =	swait.ge [sflag:s23], $0x1  }
0xa3: {  	[sflag:s23] =	ssyncset.done $0x0  }
0xa4: {  	s25 =	simm.s32 $0x1B8E;
	s24 =	sld [smem:$0x3FFE];
	[sflag:s23] =	ssyncadd.s32 $0xFFFFFFFF  }
0xa5: {  	s26 =	simm.s32 $execute0_lowered;
	[smem:$0x3FD2] =	sst s25  }
0xa6: {  	s5 =	sshll.u32 s26, $0x1;
	_ =	strace $0x80000046;
	[dreg:$0x1] =	wrdreg $0xFFFFFFFF  }
0xa7: {  	s28 =	simm.s32 $_size_execute0_lowered;
	s3 =	sadd.s32 s3, s5;
	[dreg:$0x0] =	wrdreg $0x0  }
0xa8: {  	s5 =	sshll.u32 s28, $0x1;
	[dreg:$0x2] =	wrdreg s3  }
0xa9: {  	[dreg:$0x3] =	wrdreg s5  }
0xaa: {  	[dreg:$0x4] =	wrdreg $0xC0  }
0xab: {  	_ =	task [dreg:s7], $0x5FFFF  }
0xac: {  	[dreg:$0x1] =	wrdreg $0xFFFFFFFF  }
0xad: {  	[dreg:$0x0] =	wrdreg $0x60  }
0xae: {  	[dreg:$0x2] =	wrdreg s24  }
0xaf: {  	[dreg:$0x3] =	wrdreg s2  }
0xb0: {  	[dreg:$0x4] =	wrdreg $0xAD000  }
0xb1: {  	[dreg:$0x5] =	wrdreg $0xA  }
0xb2: {  	_ =	task.clear_ibuf [dreg:s7], $0x6FFFF;
	_ =	strace $0x90000046  }
0xb3: {  	s29 =	simm.s32 $0xA;
	_ =	strace $0x80000048  }
0xb4: {  	_ =	swait.ge [sflag:s29], $0x1  }
0xb5: {  	[sflag:s29] =	ssyncadd.s32 $0xFFFFFFFF  }
0xb6: {  	_ =	strace $0x90000048  }
0xb7: {  	_ =	sfence  }
0xb8: {  	s30 =	sld [smem:$0x0];
	_ =	sdelay $0x2  }
0xb9: {  	s31 =	sshll.u32 s1, $0xD;
	s1 =	sshrl.u32 s1, $0x2  }
0xba: {  	s3 =	sand.u32 $0x4000, s31;
	s1 =	sadd.s32 s1, s30  }
0xbb: {  	s0 =	sor.u32 s3, s0;
	s1 =	sshll.u32 s1, $0x11  }
0xbc: {  	s0 =	sor.u32 s1, s0  }
0xbd: {  	s0 =	sadd.s32 $0x8F2B, s0  }
0xbe: {  	[sflag:s0] =	ssyncadd.remote.s32 $0x1  }
0xbf: {  	_ =	sfence.sel $0xFFFF  }
0xc0: {  	[dreg:$0x0] =	wrdreg $0xFFFFFFFF;
	(pc) =	sbr.abs _section_cstart, $3  }
0xc1: {  	[dreg:$0x1] =	wrdreg $0xFFFFFFFF  }
0xc2: {  	_ =	task.clear_ibuf [dreg:s7], $0x2FFFF;
	_ =	strace $0x9FFFFFFF  }
0xc3: {  	(tm) =	ssettm $0x7FFFFFFF  }
tec
execute0_lowered:
.L_overlay_start_1:
0x0: {  	(tag) =	ssettag $0x1  }
0x1: {  	s0 =	rddreg [dreg:$0x0]  }
0x2: {  	s3 =	rddreg [dreg:$0x1]  }
0x3: {  	s1 =	rddreg [dreg:$0x2];
	s2 =	simm.s32 $0x0;
	s6 =	srdreg.scid  }
0x4: {  	s25 =	stileid.u32;
	s28 =	simm.s32 $0x80;
	s29 =	simm.s32 $0x50  }
0x5: {  	s30 =	simm.s32 $0x100;
	s31 =	simm.s32 $0x5D00;
	[smem:$0x7FF] =	sst s2  }
0x6: {  	s4 =	sadd.s32 $0x27800, s0;
	s5 =	sadd.s32 $0x600, s0;
	s12 =	sand.u32 $0x1, s6  }
0x7: {  	s6 =	sadd.s32 $0x62600, s0;
	s10 =	smul.u32 $0x4E000, s25;
	s7 =	sadd.s32 $0x58800, s0  }
0x8: {  	s15 =	smul.u32 $0x13800, s25;
	s8 =	sadd.s32 $0x4EA00, s0;
	p0 =	sne.s32 s25, $0xF  }
0x9: {  	_ =	strace $0x80000047;
	s9 =	ssub.s32 $0x2, s12;
	s13 =	sshll.u32 s12, $0x4  }
0xa: {  	s20 =	smul.u32 $0x138800, s12;
	s11 =	sshrl.u32 s9, $0x1;
	s16 =	sor.u32 s25, s13  }
0xb: {  	s14 =	sshrl.u32 s10, $0x2;
	s17 =	sadd.s32 $0x3400, s15;
	s18 =	sadd.s32 $0x6800, s15  }
0xc: {  	s19 =	sadd.s32 $0x9C00, s15;
	s21 =	sadd.s32 $0xD000, s15;
	s22 =	sadd.s32 $0x10400, s15  }
0xd: {  	s25 =	simm.s32 $0x2900;
	s0 =	ssub.s32 s9, s11;
	s9 =	sadd.s32 s14, s1  }
0xe: {  	s10 =	sadd.s32 s17, s1;
	s11 =	sadd.s32 s18, s1;
	s12 =	sadd.s32 s19, s1  }
0xf: {  	s13 =	sadd.s32 s21, s1;
	s14 =	sadd.s32 s22, s1;
	s23 =	sadd.s32 s15, s20  }
0x10: {  	s15 =	sadd.s32 $0x138000, s1;
	s16 =	smul.u32 $0x2710, s16;
	s17 =	sadd.s32 s20, s17  }
0x11: {  	s18 =	sadd.s32 s20, s18;
	s19 =	sadd.s32 s20, s19;
	s23 =	sshrl.u32 s23, $0x3  }
0x12: {  	s21 =	sadd.s32 s20, s21;
	s17 =	sshrl.u32 s17, $0x3;
	s23 =	sadd.s32 s3, s23  }
0x13: {  	s18 =	sshrl.u32 s18, $0x3;
	s17 =	sadd.s32 s3, s17;
	[dreg:$0x4] =	wrdreg s23  }
0x14: {  	s19 =	sshrl.u32 s19, $0x3;
	s18 =	sadd.s32 s3, s18;
	[dreg:$0x5] =	wrdreg s17  }
0x15: {  	[dreg:$0x6] =	wrdreg s18;
	s17 =	sadd.s32 s3, s19;
	s23 =	sadd.s32 s20, s22  }
0x16: {  	[dreg:$0x7] =	wrdreg s17;
	s17 =	sshrl.u32 s21, $0x3;
	s18 =	sshrl.u32 s23, $0x3  }
0x17: {  	s24 =	sshrl.u32 s20, $0x3;
	s17 =	sadd.s32 s3, s17;
	s26 =	sadd.s32 s3, s18  }
0x18: {  	s3 =	sadd.s32 s3, s24;
	s24 =	smax.u32 s0, $0x1;
	[dreg:$0x8] =	wrdreg s17  }
0x19: {  	s0 =	simm.s32 $0x8500;
	[dreg:$0x9] =	wrdreg s26;
	s23 =	sadd.s32 $0x27000, s3  }
0x1a: {  	v0 =	vimm.f32 $0.0e+00;
	s26 =	simm.s32 $0x2;
	s3 =	simm.s32 $0x1;
	s17 =	simm.s32 $0x0  }
.LBB2_1:
0x1b: {  	s18 =	sand.u32 $0xFE00, s2  }
0x1c: {  	s19 =	sand.u32 $0x70, s2;
	s20 =	sshrl.u32 s18, $0x2  }
0x1d: {  	s18 =	simm.s32 $0x40;
	s20 =	sor.u32 s19, s20;
	s19 =	simm.s32 $0x0  }
.LBB2_2:
0x1e: {  	p1 =	sne.s32 s18, $0xCFC0  }
0x1f: {  	[tilespmem:s20+$0x2900] =	vst v0;
	s19 =	sadd.s32 $0x10, s19;
	s20 =	smov.u32 s18;
	s18 =	sadd.s32 $0x40, s18  }
.Ltmp0:
0x20: {  	(pc) =	sbr.rel @p1 .LBB2_2-.Ltmp0, $4  }
0x21: {  	_ = 	snop  }
0x22: {  	s20 =	sand.u32 $0xFE00, s20  }
0x23: {  	s21 =	sand.u32 $0x70, s19;
	s20 =	sshrl.u32 s20, $0x2  }
0x24: {  	s20 =	sor.u32 s21, s20  }
0x25: {  	[tilespmem:s20+$0x2900] =	vst v0  }
0x26: {  	[spmem:s9] =	stream.linear.scatter [tilespmem:s25], [sflag:$0x2], $0x3400, $0x38;
	[tilespmem:$0x1E580] =	vst v63  }
0x27: {  	_ =	swait.ge [sflag:s26], $0x3400  }
0x28: {  	[sflag:s26] =	ssyncset.done $0x0  }
0x29: {  	[sflag:s26] =	ssyncadd.s32 $0xFFFFCC00  }
0x2a: {  	[spmem:s10] =	stream.linear.scatter [tilespmem:s25], [sflag:$0x2], $0x3400, $0x38;
	[tilespmem:$0x1E580] =	vst v63  }
0x2b: {  	_ =	swait.ge [sflag:s26], $0x3400  }
0x2c: {  	[sflag:s26] =	ssyncset.done $0x0  }
0x2d: {  	[sflag:s26] =	ssyncadd.s32 $0xFFFFCC00  }
0x2e: {  	[spmem:s11] =	stream.linear.scatter [tilespmem:s25], [sflag:$0x2], $0x3400, $0x38;
	[tilespmem:$0x1E580] =	vst v63  }
0x2f: {  	_ =	swait.ge [sflag:s26], $0x3400  }
0x30: {  	[sflag:s26] =	ssyncset.done $0x0  }
0x31: {  	[sflag:s26] =	ssyncadd.s32 $0xFFFFCC00  }
0x32: {  	[spmem:s12] =	stream.linear.scatter [tilespmem:s25], [sflag:$0x2], $0x3400, $0x38;
	[tilespmem:$0x1E580] =	vst v63  }
0x33: {  	_ =	swait.ge [sflag:s26], $0x3400  }
0x34: {  	[sflag:s26] =	ssyncset.done $0x0  }
0x35: {  	[sflag:s26] =	ssyncadd.s32 $0xFFFFCC00  }
0x36: {  	[spmem:s13] =	stream.linear.scatter [tilespmem:s25], [sflag:$0x2], $0x3400, $0x38;
	[tilespmem:$0x1E580] =	vst v63  }
0x37: {  	_ =	swait.ge [sflag:s26], $0x3400  }
0x38: {  	[sflag:s26] =	ssyncset.done $0x0  }
0x39: {  	[sflag:s26] =	ssyncadd.s32 $0xFFFFCC00  }
0x3a: {  	[spmem:s14] =	stream.linear.scatter [tilespmem:s25], [sflag:$0x2], $0x3400, $0x38;
	[tilespmem:$0x1E580] =	vst v63  }
0x3b: {  	_ =	swait.ge [sflag:s26], $0x3400  }
0x3c: {  	[sflag:s26] =	ssyncset.done $0x0  }
0x3d: {  	s18 =	simm.s32 @!p0 $0x2900;
	[sflag:s26] =	ssyncadd.s32 $0xFFFFCC00  }
0x3e: {  	[spmem:s15] =	stream.linear.scatter @!p0 [tilespmem:s18], [sflag:$0x2], $0x800, $0x38;
	[tilespmem:$0x1E580] =	vst v63  }
0x3f: {  	s18 =	simm.s32 @!p0 $0x2  }
0x40: {  	_ =	swait.ge @!p0 [sflag:s18], $0x800  }
0x41: {  	[sflag:s18] =	ssyncset.done @!p0 $0x0  }
0x42: {  	[sflag:s18] =	ssyncadd.s32 @!p0 $0xFFFFF800  }
0x43: {  	s19 =	simm.s32 $0x0;
	s18 =	simm.s32 $0x0;
	[bflag:$0x0] =	sbarrier.arrive $0xFFFF  }
.LBB2_4:
0x44: {  	s20 =	smul.u32 $0x50, s19;
	_ =	sdelay $0x1  }
0x45: {  	s20 =	sadd.s32 s16, s20  }
0x46: {  	s21 =	sshrl.u32 s20, $0x3  }
0x47: {  	s22 =	sadd.s32 s7, s21  }
0x48: {  	[tilespmem:s18], [sflag:$0x2] =	stream.linear.gather [hbm4b:s22+s18], $0x50, $0x38;
	[tilespmem:$0x1E580] =	vst v63  }
0x49: {  	_ =	swait.ge [sflag:s26], $0x50  }
0x4a: {  	[sflag:s26] =	ssyncset.done $0x0  }
0x4b: {  	s21 =	sadd.s32 s8, s21;
	[sflag:s26] =	ssyncadd.s32 $0xFFFFFFB0  }
0x4c: {  	[tilespmem:s28], [sflag:$0x2] =	stream.linear.gather [hbm4b:s21+s18], $0x50, $0x38;
	[tilespmem:$0x1E580] =	vst v63  }
0x4d: {  	_ =	swait.ge [sflag:s26], $0x50  }
0x4e: {  	[sflag:s26] =	ssyncset.done $0x0  }
0x4f: {  	[sflag:s26] =	ssyncadd.s32 $0xFFFFFFB0  }
0x50: {  	[tilespmem:s30], [sflag:$0x1] =	stream.indirect.gather [hbm4b:s4+s29], $0x80, s28, s29, $0xb8;
	[tilespmem:$0x1E580] =	vst v63  }
0x51: {  	s20 =	sshll.u32 s20, $0x4  }
0x52: {  	[tilespmem:s31], [sflag:$0x1] =	stream.indirect.gather [hbm4b:s5+s29], $0x80, s18, s29, $0xb8;
	[tilespmem:$0x1E580] =	vst v63  }
0x53: {  	s20 =	sadd.s32 s6, s20  }
0x54: {  	[tilespmem:s0], [sflag:$0x1] =	stream.linear.gather [hbm4b:s20+s18], $0x2800, $0x38;
	[tilespmem:$0x1E580] =	vst v63  }
0x55: {  	_ =	swait.ge [sflag:s3], $0x2800  }
0x56: {  	[sflag:s3] =	ssyncset.done $0x0  }
0x57: {  	[sflag:s3] =	ssyncadd.s32 $0xFFFFD800  }
0x58: {  	_ =	swait.ge [sflag:s3], $0x2800  }
0x59: {  	[sflag:s3] =	ssyncset.done $0x0  }
0x5a: {  	[sflag:s3] =	ssyncadd.s32 $0xFFFFD800  }
0x5b: {  	_ =	swait.ge [sflag:s3], $0x2800  }
0x5c: {  	[sflag:s3] =	ssyncset.done $0x0  }
0x5d: {  	s20 =	simm.s32 $0x0;
	[sflag:s3] =	ssyncadd.s32 $0xFFFFD800  }
0x5e: {  	v5 =	vld [tilespmem:s20+$0x8500]  }
0x5f: {  	v6 =	vld [tilespmem:s20+$0x8510]  }
0x60: {  	v4 =	vld [tilespmem:s20+$0x8520]  }
0x61: {  	v3 =	vld [tilespmem:s20+$0x8530]  }
0x62: {  	v2 =	vld [tilespmem:s20+$0x8540]  }
0x63: {  	v1 =	vld [tilespmem:s20+$0x8550]  }
0x64: {  	v13 =	vld [tilespmem:s20+$0x5D00]  }
0x65: {  	v18 =	vld [tilespmem:s20+$0x5D10]  }
0x66: {  	v12 =	vld [tilespmem:s20+$0x5D20]  }
0x67: {  	v11 =	vld [tilespmem:s20+$0x5D30]  }
0x68: {  	v10 =	vld [tilespmem:s20+$0x5D40]  }
0x69: {  	v9 =	vld [tilespmem:s20+$0x5D50]  }
0x6a: {  	v8 =	vld [tilespmem:s20+$0x5D60]  }
0x6b: {  	v7 =	vld [tilespmem:s20+$0x5D70]  }
0x6c: {  	v19 =	vld [tilespmem:s20+$0x100]  }
0x6d: {  	v20 =	vld [tilespmem:s20+$0x110]  }
0x6e: {  	v17 =	vld [tilespmem:s20+$0x120]  }
0x6f: {  	v16 =	vld [tilespmem:s20+$0x130]  }
0x70: {  	v15 =	vld [tilespmem:s20+$0x140]  }
0x71: {  	v14 =	vld [tilespmem:s20+$0x150];
	v19 =	vadd.f32 v13, v19  }
0x72: {  	s21 =	simm.s32 $0x200;
	v18 =	vadd.f32 v18, v20;
	v13 =	vld [tilespmem:s20+$0x160]  }
.LBB2_5:
0x73: {  	p1 =	sne.s32 s21, $0x9E00;
	v5 =	vadd.f32 v5, v19;
	v12 =	vadd.f32 v12, v17;
	v17 =	vld [tilespmem:s20+$0x170]  }
0x74: {  	v6 =	vadd.f32 v6, v18;
	v11 =	vadd.f32 v11, v16;
	v16 =	vld [tilespmem:s20+$0x8560]  }
0x75: {  	s22 =	sshra.s32 s21, $0x2;
	v18 =	vmax.f32 v5, $0.0e+00;
	v4 =	vadd.f32 v4, v12;
	v10 =	vadd.f32 v10, v15;
	v12 =	vld [tilespmem:s20+$0x8570]  }
0x76: {  	v5 =	vld [tilespmem:s22+$0x8500];
	[tilespmem:s20+$0x100] =	vst v18;
	v15 =	vmax.f32 v6, $0.0e+00;
	v3 =	vadd.f32 v3, v11;
	v9 =	vadd.f32 v9, v14  }
0x77: {  	v6 =	vld [tilespmem:s22+$0x8510];
	[tilespmem:s20+$0x110] =	vst v15;
	v11 =	vmax.f32 v4, $0.0e+00;
	v2 =	vadd.f32 v2, v10;
	v8 =	vadd.f32 v8, v13  }
0x78: {  	v4 =	vld [tilespmem:s22+$0x8520];
	[tilespmem:s20+$0x120] =	vst v11;
	v10 =	vmax.f32 v3, $0.0e+00;
	v1 =	vadd.f32 v1, v9;
	v7 =	vadd.f32 v7, v17  }
0x79: {  	v3 =	vld [tilespmem:s22+$0x8530];
	[tilespmem:s20+$0x130] =	vst v10;
	v9 =	vmax.f32 v2, $0.0e+00;
	v8 =	vadd.f32 v16, v8  }
0x7a: {  	v2 =	vld [tilespmem:s22+$0x8540];
	[tilespmem:s20+$0x140] =	vst v9;
	v9 =	vmax.f32 v1, $0.0e+00;
	v7 =	vadd.f32 v12, v7  }
0x7b: {  	v1 =	vld [tilespmem:s22+$0x8550];
	[tilespmem:s20+$0x150] =	vst v9;
	v8 =	vmax.f32 v8, $0.0e+00  }
0x7c: {  	v13 =	vld [tilespmem:s22+$0x5D00];
	[tilespmem:s20+$0x160] =	vst v8;
	v7 =	vmax.f32 v7, $0.0e+00  }
0x7d: {  	v18 =	vld [tilespmem:s22+$0x5D10];
	[tilespmem:s20+$0x170] =	vst v7;
	s20 =	smov.u32 s22  }
0x7e: {  	v12 =	vld [tilespmem:s20+$0x5D20]  }
0x7f: {  	v11 =	vld [tilespmem:s20+$0x5D30]  }
0x80: {  	v10 =	vld [tilespmem:s20+$0x5D40]  }
0x81: {  	v9 =	vld [tilespmem:s20+$0x5D50]  }
0x82: {  	v8 =	vld [tilespmem:s20+$0x5D60]  }
0x83: {  	v7 =	vld [tilespmem:s20+$0x5D70]  }
0x84: {  	v14 =	vld [tilespmem:s20+$0x100]  }
0x85: {  	v20 =	vld [tilespmem:s20+$0x110]  }
.Ltmp1:
0x86: {  	v17 =	vld [tilespmem:s20+$0x120];
	(pc) =	sbr.rel @p1 .LBB2_5-.Ltmp1, $4  }
0x87: {  	v16 =	vld [tilespmem:s20+$0x130]  }
0x88: {  	v15 =	vld [tilespmem:s20+$0x140]  }
0x89: {  	v19 =	vadd.f32 v13, v14;
	v14 =	vld [tilespmem:s20+$0x150]  }
0x8a: {  	s21 =	sadd.s32 $0x200, s21;
	v18 =	vadd.f32 v18, v20;
	v13 =	vld [tilespmem:s20+$0x160]  }
0x8b: {  	v5 =	vadd.f32 v5, v19;
	v12 =	vadd.f32 v12, v17;
	v57 =	vld [tilespmem:s20+$0x170]  }
0x8c: {  	v58 =	vld [tilespmem:s20+$0x8560];
	v6 =	vadd.f32 v6, v18;
	v11 =	vadd.f32 v11, v16  }
0x8d: {  	v59 =	vld [tilespmem:s20+$0x8570];
	v5 =	vmax.f32 v5, $0.0e+00;
	v4 =	vadd.f32 v4, v12;
	v10 =	vadd.f32 v10, v15  }
0x8e: {  	[tilespmem:s20+$0x100] =	vst v5;
	v60 =	vmax.f32 v6, $0.0e+00;
	v3 =	vadd.f32 v3, v11;
	v61 =	vadd.f32 v9, v14  }
0x8f: {  	[tilespmem:s20+$0x110] =	vst v60;
	v4 =	vmax.f32 v4, $0.0e+00;
	v2 =	vadd.f32 v2, v10;
	v62 =	vadd.f32 v8, v13  }
0x90: {  	[tilespmem:s20+$0x120] =	vst v4;
	v3 =	vmax.f32 v3, $0.0e+00;
	v1 =	vadd.f32 v1, v61;
	v63 =	vadd.f32 v7, v57  }
0x91: {  	[tilespmem:s20+$0x130] =	vst v3;
	v2 =	vmax.f32 v2, $0.0e+00;
	v3 =	vadd.f32 v58, v62  }
0x92: {  	[tilespmem:s20+$0x140] =	vst v2;
	v1 =	vmax.f32 v1, $0.0e+00;
	v2 =	vadd.f32 v59, v63  }
0x93: {  	s19 =	sadd.s32 $0x1, s19;
	[tilespmem:s20+$0x150] =	vst v1;
	v1 =	vmax.f32 v3, $0.0e+00  }
0x94: {  	p1 =	sne.s32 s19, $0x7D;
	[tilespmem:s20+$0x160] =	vst v1;
	v1 =	vmax.f32 v2, $0.0e+00  }
.Ltmp2:
0x95: {  	[tilespmem:s20+$0x170] =	vst v1;
	(pc) =	sbr.rel @p1 .LBB2_4-.Ltmp2, $4  }
0x96: {  	[spmem:s1] =	stream.indirect.scatter.add.f32 [tilespmem:s30], [sflag:$0x2], $0x80, s28, s29, $0xb8;
	[tilespmem:$0x1E580] =	vst v63  }
0x97: {  	_ =	swait.ge [sflag:s26], $0x2800  }
0x98: {  	[sflag:s26] =	ssyncset.done $0x0  }
0x99: {  	[sflag:s26] =	ssyncadd.s32 $0xFFFFD800  }
0x9a: {  	[bflag:$0x0] =	sbarrier.arrive $0xFFFF  }
0x9b: {  	[tilespmem:s25], [sflag:$0x2] =	stream.linear.gather [spmem:s9], $0x3400, $0x38;
	[tilespmem:$0x1E580] =	vst v63  }
0x9c: {  	_ =	swait.ge [sflag:s26], $0x3400  }
0x9d: {  	[sflag:s26] =	ssyncset.done $0x0  }
0x9e: {  	s18 =	rddreg [dreg:$0x4];
	[sflag:s26] =	ssyncadd.s32 $0xFFFFCC00  }
0x9f: {  	[hbm4b:s18+s2] =	stream.linear.scatter [tilespmem:s25], [sflag:$0x2], $0x3400, $0x38;
	[tilespmem:$0x1E580] =	vst v63  }
0xa0: {  	_ =	swait.ge [sflag:s26], $0x3400  }
0xa1: {  	[sflag:s26] =	ssyncset.done $0x0  }
0xa2: {  	[sflag:s26] =	ssyncadd.s32 $0xFFFFCC00  }
0xa3: {  	[tilespmem:s25], [sflag:$0x2] =	stream.linear.gather [spmem:s10], $0x3400, $0x38;
	[tilespmem:$0x1E580] =	vst v63  }
0xa4: {  	_ =	swait.ge [sflag:s26], $0x3400  }
0xa5: {  	[sflag:s26] =	ssyncset.done $0x0  }
0xa6: {  	s22 =	rddreg [dreg:$0x5];
	[sflag:s26] =	ssyncadd.s32 $0xFFFFCC00  }
0xa7: {  	[hbm4b:s22+s2] =	stream.linear.scatter [tilespmem:s25], [sflag:$0x2], $0x3400, $0x38;
	[tilespmem:$0x1E580] =	vst v63  }
0xa8: {  	_ =	swait.ge [sflag:s26], $0x3400  }
0xa9: {  	[sflag:s26] =	ssyncset.done $0x0  }
0xaa: {  	[sflag:s26] =	ssyncadd.s32 $0xFFFFCC00  }
0xab: {  	[tilespmem:s25], [sflag:$0x2] =	stream.linear.gather [spmem:s11], $0x3400, $0x38;
	[tilespmem:$0x1E580] =	vst v63  }
0xac: {  	_ =	swait.ge [sflag:s26], $0x3400  }
0xad: {  	[sflag:s26] =	ssyncset.done $0x0  }
0xae: {  	s19 =	rddreg [dreg:$0x6];
	[sflag:s26] =	ssyncadd.s32 $0xFFFFCC00  }
0xaf: {  	[hbm4b:s19+s2] =	stream.linear.scatter [tilespmem:s25], [sflag:$0x2], $0x3400, $0x38;
	[tilespmem:$0x1E580] =	vst v63  }
0xb0: {  	_ =	swait.ge [sflag:s26], $0x3400  }
0xb1: {  	[sflag:s26] =	ssyncset.done $0x0  }
0xb2: {  	[sflag:s26] =	ssyncadd.s32 $0xFFFFCC00  }
0xb3: {  	[tilespmem:s25], [sflag:$0x2] =	stream.linear.gather [spmem:s12], $0x3400, $0x38;
	[tilespmem:$0x1E580] =	vst v63  }
0xb4: {  	_ =	swait.ge [sflag:s26], $0x3400  }
0xb5: {  	[sflag:s26] =	ssyncset.done $0x0  }
0xb6: {  	s20 =	rddreg [dreg:$0x7];
	[sflag:s26] =	ssyncadd.s32 $0xFFFFCC00  }
0xb7: {  	[hbm4b:s20+s2] =	stream.linear.scatter [tilespmem:s25], [sflag:$0x2], $0x3400, $0x38;
	[tilespmem:$0x1E580] =	vst v63  }
0xb8: {  	_ =	swait.ge [sflag:s26], $0x3400  }
0xb9: {  	[sflag:s26] =	ssyncset.done $0x0  }
0xba: {  	[sflag:s26] =	ssyncadd.s32 $0xFFFFCC00  }
0xbb: {  	[tilespmem:s25], [sflag:$0x2] =	stream.linear.gather [spmem:s13], $0x3400, $0x38;
	[tilespmem:$0x1E580] =	vst v63  }
0xbc: {  	_ =	swait.ge [sflag:s26], $0x3400  }
0xbd: {  	[sflag:s26] =	ssyncset.done $0x0  }
0xbe: {  	s21 =	rddreg [dreg:$0x8];
	[sflag:s26] =	ssyncadd.s32 $0xFFFFCC00  }
0xbf: {  	[hbm4b:s21+s2] =	stream.linear.scatter [tilespmem:s25], [sflag:$0x2], $0x3400, $0x38;
	[tilespmem:$0x1E580] =	vst v63  }
0xc0: {  	_ =	swait.ge [sflag:s26], $0x3400  }
0xc1: {  	[sflag:s26] =	ssyncset.done $0x0  }
0xc2: {  	[sflag:s26] =	ssyncadd.s32 $0xFFFFCC00  }
0xc3: {  	[tilespmem:s25], [sflag:$0x2] =	stream.linear.gather [spmem:s14], $0x3400, $0x38;
	[tilespmem:$0x1E580] =	vst v63  }
0xc4: {  	_ =	swait.ge [sflag:s26], $0x3400  }
0xc5: {  	[sflag:s26] =	ssyncset.done $0x0  }
0xc6: {  	s22 =	rddreg [dreg:$0x9];
	[sflag:s26] =	ssyncadd.s32 $0xFFFFCC00  }
0xc7: {  	[hbm4b:s22+s2] =	stream.linear.scatter [tilespmem:s25], [sflag:$0x2], $0x3400, $0x38;
	[tilespmem:$0x1E580] =	vst v63  }
0xc8: {  	_ =	swait.ge [sflag:s26], $0x3400  }
0xc9: {  	[sflag:s26] =	ssyncset.done $0x0  }
0xca: {  	s18 =	simm.s32 @!p0 $0x2900;
	s19 =	simm.s32 @!p0 $0x2;
	[sflag:s26] =	ssyncadd.s32 $0xFFFFCC00  }
0xcb: {  	[tilespmem:s18], [sflag:$0x2] =	stream.linear.gather @!p0 [spmem:s15], $0x800, $0x38;
	[tilespmem:$0x1E580] =	vst v63  }
0xcc: {  	s17 =	sadd.s32 $0x1, s17;
	_ =	swait.ge @!p0 [sflag:s19], $0x800  }
0xcd: {  	p1 =	sne.s32 s17, s24;
	[sflag:s19] =	ssyncset.done @!p0 $0x0  }
.Ltmp3:
0xce: {  	s20 =	simm.s32 @!p0 $0x0;
	[sflag:s19] =	ssyncadd.s32 @!p0 $0xFFFFF800;
	(pc) =	sbr.rel @p1 .LBB2_1-.Ltmp3, $4  }
0xcf: {  	[hbm4b:s23+s20] =	stream.linear.scatter @!p0 [tilespmem:s18], [sflag:$0x2], $0x800, $0x38;
	[tilespmem:$0x1E580] =	vst v63  }
0xd0: {  	_ =	swait.ge @!p0 [sflag:s19], $0x800  }
0xd1: {  	[sflag:s19] =	ssyncset.done @!p0 $0x0  }
0xd2: {  	[sflag:s19] =	ssyncadd.s32 @!p0 $0xFFFFF800  }
0xd3: {  	_ =	sfence.sel $0x180000  }
0xd4: {  	[bflag:$0x0] =	sbarrier.arrive $0xFFFF  }
0xd5: {  	_ =	strace $0x90000047  }
0xd6: {  	s0 =	stileid.u32;
	[bflag:$0x2] =	sbarrier.arrive $0xFFFF  }
0xd7: {  	p0 =	sne.s32 s0, $0x0;
	s0 =	rddreg [dreg:$0x3]  }
0xd8: {  	s0 =	sadd.s32 @!p0 $0x100000, s0  }
0xd9: {  	[sflag:s0] =	ssyncadd.tile.s32 @!p0 $0x1;
	_ =	shalt  }
.Lfunc_end2:
_tile_overlayer_lowered:
.L_overlay_start_2:
0xda: {  	(tag) =	ssettag $0x2  }
0xdb: {  	s0 =	rddreg [dreg:$0x0];
	s2 =	stileid.u32  }
0xdc: {  	s1 =	rddreg [dreg:$0x1];
	p0 =	sne.s32 s2, $0x0  }
0xdd: {  	s3 =	rddreg [dreg:$0x2];
	[bflag:$0x3] =	sbarrier.arrive $0xFFFF;
	s2 =	simm.s32 @!p0 $0x1C02  }
0xde: {  	[timem:s3], [sflag:s2] =	dma.local @!p0 [hbm:s0], s1  }
0xdf: {  	s0 =	simm.s32 @!p0 $0x2  }
0xe0: {  	_ =	swait.ge @!p0 [sflag:s0], s1  }
0xe1: {  	s1 =	ssub.s32 @!p0 $0x0, s1;
	[sflag:s0] =	ssyncset.done @!p0 $0x0  }
0xe2: {  	[sflag:s0] =	ssyncadd.s32 @!p0 s1  }
0xe3: {  	[bflag:$0x3] =	sbarrier.arrive $0xFFFF  }
0xe4: {  	_ =	shalt  }

// kernel: kernel.9.cloned.1.call-start
scs
__scs_entry_jumppad:
0x0: {  	(pc) =	sbr.rel $0x88, $3  }
0x1: {  	(tag) =	ssettag $0x0;
	lr =	simm.s32 $0x1  }
0x2: {  	[smem:$0x3F92] =	sst lr;
	_ =	strace $0xD0000000  }
0x3: {  	_ = 	snop  }
0x4: {  	_ = 	snop  }
0x5: {  	_ = 	snop  }
0x6: {  	_ = 	snop  }
0x7: {  	_ = 	snop  }
__scs_overlays_trampoline_lowered:
0x8: {  	[smem:$0x3FA1] =	sst s0  }
0x9: {  	[smem:$0x3FA2] =	sst s1  }
0xa: {  	[smem:$0x3FA3] =	sst s2  }
0xb: {  	[smem:$0x3FA4] =	sst s3  }
0xc: {  	[smem:$0x3FA5] =	sst s4  }
0xd: {  	[smem:$0x3FA6] =	sst s5  }
0xe: {  	[smem:$0x3FA7] =	sst s6  }
0xf: {  	[smem:$0x3FA8] =	sst s7  }
0x10: {  	[smem:$0x3FA9] =	sst s8  }
0x11: {  	[smem:$0x3FAA] =	sst s9;
	s0 =	simm.s32 @!p0 $0x0  }
0x12: {  	s1 =	sld [smem:$0x3F90];
	s0 =	simm.s32 @p0 $0x1  }
0x13: {  	[smem:$0x3FAB] =	sst s0;
	s0 =	simm.s32 @!p1 $0x0  }
0x14: {  	s2 =	sld [smem:$0x3F8F];
	s0 =	simm.s32 @p1 $0x1  }
0x15: {  	[smem:$0x3FAC] =	sst s0;
	s0 =	simm.s32 @!p2 $0x0  }
0x16: {  	s3 =	sld [smem:$0x3FDB];
	s0 =	simm.s32 @p2 $0x1  }
0x17: {  	s4 =	simm.s32 $0x1BF5;
	[smem:$0x3FAE] =	sst s0  }
0x18: {  	s0 =	sld [smem:$0x3F91];
	_ =	swait.ge [sflag:s4], $0x0  }
0x19: {  	s7 =	sld [smem:$0x3F92]  }
0x1a: {  	s8 =	sadd.s32 $0xFFFFE003, lr  }
0x1b: {  	s9 =	sadd.s32 $0xFFFFFEF7, lr;
	s5 =	simm.s32 $0xFFFFFFFF;
	p2 =	slt.u32 s8, $0xFFFFF086  }
0x1c: {  	p1 =	slt.u32 s9, $0xF7A;
	s5 =	simm.s32 @!p2 $0x0  }
0x1d: {  	s5 =	simm.s32 @p1 $0x1;
	p0 =	seq.s32 s7, s2  }
0x1e: {  	s7 =	smul.u32 @!p0 $0xF7A, s2;
	p2 =	seq.s32 @!p0 s5, $0x0  }
0x1f: {  	s9 =	smul.u32 $0xF7A, s1;
	s8 =	simm.s32 @!p0 $0x1BF5;
	p2 =	por !p2, p0  }
0x20: {  	[sflag:s8] =	ssyncset.s32 @!p0 $0xFFFFF086;
	s6 =	sadd.s32 @!p0 s3, s7;
	s7 =	simm.s32 @!p0 $0x108  }
0x21: {  	s3 =	sadd.s32 s3, s9;
	s6 =	sadd.s32 @!p0 $0x88, s6;
	s7 =	simm.s32 @p2 $0x1082  }
0x22: {  	[simem:s7], [sflag:s8] =	dma.local @!p0 [hbm:s6], $0xF7A  }
0x23: {  	s9 =	sor.u32 $0xD0000000, s2;
	s6 =	simm.s32 $0x108;
	_ =	swait.ge @!p0 [sflag:s8], $0x0  }
0x24: {  	s3 =	sadd.s32 $0x88, s3;
	s6 =	simm.s32 @!p1 $0x1082;
	[sflag:s4] =	ssyncset.s32 $0xFFFFF086  }
0x25: {  	[simem:s6], [sflag:s4] =	dma.local [hbm:s3], $0xF7A  }
0x26: {  	[smem:$0x3F92] =	sst s1;
	(tag) =	ssettag s2;
	_ =	strace s9  }
0x27: {  	s1 =	sld [smem:$0x3FA2]  }
0x28: {  	s2 =	sld [smem:$0x3FA3]  }
0x29: {  	s4 =	sld [smem:$0x3FA5]  }
0x2a: {  	p0 =	seq.s32 s5, $0x0;
	s5 =	sld [smem:$0x3FA6]  }
0x2b: {  	s6 =	sld [smem:$0x3FA7]  }
0x2c: {  	s7 =	sld [smem:$0x3FA8]  }
0x2d: {  	s3 =	simm.s32 $0x108;
	s8 =	sld [smem:$0x3FA9]  }
0x2e: {  	s3 =	simm.s32 @!p0 $0x1082;
	s9 =	sld [smem:$0x3FAA]  }
0x2f: {  	lr =	sadd.s32 s0, s3;
	s0 =	sld [smem:$0x3FA1]  }
0x30: {  	s3 =	sld [smem:$0x3FA4]  }
0x31: {  	[smem:$0x3FAD] =	sst s10  }
0x32: {  	s10 =	sld [smem:$0x3FAB];
	_ =	sdelay $0x3  }
0x33: {  	p0 =	seq.s32 s10, $0x1;
	s10 =	sld [smem:$0x3FAD];
	_ =	sdelay $0x3  }
0x34: {  	[smem:$0x3FAD] =	sst s10  }
0x35: {  	s10 =	sld [smem:$0x3FAC];
	_ =	sdelay $0x3  }
0x36: {  	p1 =	seq.s32 s10, $0x1;
	s10 =	sld [smem:$0x3FAD];
	_ =	sdelay $0x3  }
0x37: {  	[smem:$0x3FAD] =	sst s10  }
0x38: {  	s10 =	sld [smem:$0x3FAE]  }
0x39: {  	_ = 	snop;
	(pc) =	sbr.ind lr, $3  }
0x3a: {  	_ = 	snop  }
0x3b: {  	_ = 	snop  }
0x3c: {  	p2 =	seq.s32 s10, $0x1;
	s10 =	sld [smem:$0x3FAD]  }
0x3d: {  	_ =	shalt  }
0x3e: {  	_ =	shalt  }
0x3f: {  	_ =	shalt  }
0x40: {  	_ =	shalt  }
0x41: {  	_ =	shalt  }
0x42: {  	_ =	shalt  }
0x43: {  	_ =	shalt  }
0x44: {  	_ =	shalt  }
0x45: {  	_ =	shalt  }
0x46: {  	_ =	shalt  }
0x47: {  	_ =	shalt  }
0x48: {  	_ =	shalt  }
0x49: {  	_ =	shalt  }
0x4a: {  	_ =	shalt  }
0x4b: {  	_ =	shalt  }
0x4c: {  	_ =	shalt  }
0x4d: {  	_ =	shalt  }
0x4e: {  	_ =	shalt  }
0x4f: {  	_ =	shalt  }
0x50: {  	_ =	shalt  }
0x51: {  	_ =	shalt  }
0x52: {  	_ =	shalt  }
0x53: {  	_ =	shalt  }
0x54: {  	_ =	shalt  }
0x55: {  	_ =	shalt  }
0x56: {  	_ =	shalt  }
0x57: {  	_ =	shalt  }
0x58: {  	_ =	shalt  }
0x59: {  	_ =	shalt  }
0x5a: {  	_ =	shalt  }
0x5b: {  	_ =	shalt  }
0x5c: {  	_ =	shalt  }
0x5d: {  	_ =	shalt  }
0x5e: {  	_ =	shalt  }
0x5f: {  	_ =	shalt  }
0x60: {  	_ =	shalt  }
0x61: {  	_ =	shalt  }
0x62: {  	_ =	shalt  }
0x63: {  	_ =	shalt  }
0x64: {  	_ =	shalt  }
0x65: {  	_ =	shalt  }
0x66: {  	_ =	shalt  }
0x67: {  	_ =	shalt  }
0x68: {  	_ =	shalt  }
0x69: {  	_ =	shalt  }
0x6a: {  	_ =	shalt  }
0x6b: {  	_ =	shalt  }
0x6c: {  	_ =	shalt  }
0x6d: {  	_ =	shalt  }
0x6e: {  	_ =	shalt  }
0x6f: {  	_ =	shalt  }
0x70: {  	_ =	shalt  }
0x71: {  	_ =	shalt  }
0x72: {  	_ =	shalt  }
0x73: {  	_ =	shalt  }
0x74: {  	_ =	shalt  }
0x75: {  	_ =	shalt  }
0x76: {  	_ =	shalt  }
0x77: {  	_ =	shalt  }
0x78: {  	_ =	shalt  }
0x79: {  	_ =	shalt  }
0x7a: {  	_ =	shalt  }
0x7b: {  	_ =	shalt  }
0x7c: {  	_ =	shalt  }
0x7d: {  	_ =	shalt  }
0x7e: {  	_ =	shalt  }
0x7f: {  	_ =	shalt  }
0x80: {  	_ =	shalt  }
0x81: {  	_ =	shalt  }
0x82: {  	_ =	shalt  }
0x83: {  	_ =	shalt  }
0x84: {  	_ =	shalt  }
0x85: {  	_ =	shalt  }
0x86: {  	_ =	shalt  }
0x87: {  	_ =	shalt  }
.Lfunc_end0:
.L_simem_size_0:
called_computation.1_lowered:
.L_overlay_start_0:
0x88: {  	s2 =	sld [smem:$0x3FD9]  }
0x89: {  	s3 =	sld [smem:$0x3FFE];
	_ =	sdelay $0x1  }
0x8a: {  	s1 =	srdreg.scid  }
0x8b: {  	s0 =	sand.u32 $0x1, s1  }
0x8c: {  	s17 =	sshll.u32 s0, $0xA;
	s2 =	sadd.s32 s3, s2  }
0x8d: {  	s2 =	sadd.s32 s2, s17  }
0x8e: {  	[smem:$0x3FB9] =	sst s2  }
0x8f: {  	_ = 	snop  }
0x90: {  	s18 =	sld [smem:$0x3FD0];
	(tm) =	ssettm $0x1  }
0x91: {  	s19 =	sld [smem:$0x3FFB];
	_ =	sdelay $0x3  }
0x92: {  	_ =	strace s19  }
0x93: {  	s2 =	sld [smem:$0x3FFC];
	_ =	sdelay $0x3  }
0x94: {  	_ =	strace s2  }
0x95: {  	s2 =	sld [smem:$0x3FFD];
	_ =	sdelay $0x3  }
0x96: {  	_ =	strace s2  }
0x97: {  	_ =	strace $0x8FFFFFFF  }
0x98: {  	s20 =	sld [smem:$0x3FDB];
	_ =	sdelay $0x1  }
0x99: {  	s4 =	simm.s32 $_scs_section_size  }
0x9a: {  	s5 =	simm.s32 $_size__tile_overlayer_lowered;
	s6 =	simm.s32 $_tile_overlayer_lowered  }
0x9b: {  	s7 =	simm.s32 $0x1BFF;
	s21 =	sshll.u32 s6, $0x1;
	s4 =	sadd.s32 s4, s20  }
0x9c: {  	s22 =	simm.s32 $0x0;
	s5 =	sshll.u32 s5, $0x1;
	s6 =	sadd.s32 s21, s4  }
0x9d: {  	[timem:s22], [sflag:s7] =	dma.local [hbm:s6], s5  }
0x9e: {  	_ =	swait.ge [sflag:s7], s5  }
0x9f: {  	s5 =	ssub.s32 $0x0, s5;
	[sflag:s7] =	ssyncset.done $0x0  }
0xa0: {  	[sflag:s7] =	ssyncadd.s32 s5;
	_ =	sdelay $0x1  }
0xa1: {  	s23 =	simm.s32 $0x1B8B  }
0xa2: {  	_ =	swait.ge [sflag:s23], $0x1  }
0xa3: {  	[sflag:s23] =	ssyncset.done $0x0  }
0xa4: {  	[sflag:s23] =	ssyncadd.s32 $0xFFFFFFFF  }
0xa5: {  	s5 =	sld [smem:$0x0]  }
0xa6: {  	s6 =	sand.u32 $0xFFFFFFFE, s1  }
0xa7: {  	p0 =	sne.s32 s1, s6  }
0xa8: {  	s6 =	sshll.u32 @p0 s6, $0xE  }
0xa9: {  	s6 =	sadd.s32 @p0 $0x11B8D, s6;
	s7 =	sshll.u32 @p0 s5, $0x11  }
0xaa: {  	s6 =	sor.u32 @p0 s7, s6  }
0xab: {  	[sflag:s6] =	ssyncadd.remote.s32 @p0 $0x1;
	_ =	sdelay $0x1  }
0xac: {  	s6 =	simm.s32 @p0 $0x1B8D  }
0xad: {  	_ =	swait.eq @p0 [sflag:s6], $0x1  }
0xae: {  	[sflag:s6] =	ssyncadd.s32 @p0 $0xFFFFFFFF  }
0xaf: {  	s7 =	sshll.u32 @!p0 s1, $0xE  }
0xb0: {  	s7 =	sor.u32 @!p0 $0x4000, s7;
	s6 =	simm.s32 @!p0 $0x1B8D  }
0xb1: {  	s5 =	sshll.u32 @!p0 s5, $0x11;
	s7 =	sadd.s32 @!p0 $0x11B8D, s7;
	_ =	swait.eq @!p0 [sflag:s6], $0x1  }
0xb2: {  	s5 =	sor.u32 @!p0 s5, s7;
	[sflag:s6] =	ssyncadd.s32 @!p0 $0xFFFFFFFF  }
0xb3: {  	s25 =	simm.s32 $0x1B8E;
	s24 =	sld [smem:$0x3FFE];
	[sflag:s5] =	ssyncadd.remote.s32 @!p0 $0x1  }
0xb4: {  	s26 =	simm.s32 $execute0_lowered;
	[smem:$0x3FD2] =	sst s25  }
0xb5: {  	s6 =	sshll.u32 s26, $0x1;
	_ =	strace $0x8000004C;
	[dreg:$0x1] =	wrdreg $0xFFFFFFFF  }
0xb6: {  	s28 =	simm.s32 $_size_execute0_lowered;
	s4 =	sadd.s32 s4, s6;
	[dreg:$0x0] =	wrdreg $0x0  }
0xb7: {  	s6 =	sshll.u32 s28, $0x1;
	[dreg:$0x2] =	wrdreg s4  }
0xb8: {  	[dreg:$0x3] =	wrdreg s6  }
0xb9: {  	[dreg:$0x4] =	wrdreg $0xC0  }
0xba: {  	_ =	task [dreg:s22], $0x5FFFF  }
0xbb: {  	[dreg:$0x1] =	wrdreg $0xFFFFFFFF  }
0xbc: {  	[dreg:$0x0] =	wrdreg $0x60  }
0xbd: {  	[dreg:$0x2] =	wrdreg s24  }
0xbe: {  	[dreg:$0x3] =	wrdreg s18  }
0xbf: {  	[dreg:$0x4] =	wrdreg $0xAD000  }
0xc0: {  	[dreg:$0x5] =	wrdreg $0xA  }
0xc1: {  	_ =	task.clear_ibuf [dreg:s22], $0x6FFFF;
	_ =	strace $0x9000004C  }
0xc2: {  	s29 =	simm.s32 $0xA;
	_ =	strace $0x8000004E  }
0xc3: {  	_ =	swait.ge [sflag:s29], $0x1  }
0xc4: {  	[sflag:s29] =	ssyncadd.s32 $0xFFFFFFFF  }
0xc5: {  	_ =	strace $0x9000004E  }
0xc6: {  	_ =	sfence  }
0xc7: {  	s30 =	sld [smem:$0x0];
	_ =	sdelay $0x2  }
0xc8: {  	s31 =	sshll.u32 s1, $0xD;
	s1 =	sshrl.u32 s1, $0x2  }
0xc9: {  	s4 =	sand.u32 $0x4000, s31;
	s1 =	sadd.s32 s1, s30  }
0xca: {  	s0 =	sor.u32 s4, s0;
	s1 =	sshll.u32 s1, $0x11  }
0xcb: {  	s0 =	sor.u32 s1, s0  }
0xcc: {  	s0 =	sadd.s32 $0x8F2B, s0  }
0xcd: {  	[sflag:s0] =	ssyncadd.remote.s32 $0x1  }
0xce: {  	_ =	sfence.sel $0xFFFF  }
0xcf: {  	[dreg:$0x0] =	wrdreg $0xFFFFFFFF;
	(pc) =	sbr.abs _section_cstart, $3  }
0xd0: {  	[dreg:$0x1] =	wrdreg $0xFFFFFFFF  }
0xd1: {  	_ =	task.clear_ibuf [dreg:s22], $0x2FFFF;
	_ =	strace $0x9FFFFFFF  }
0xd2: {  	(tm) =	ssettm $0x7FFFFFFF  }
0xd3: {  	_ =	shalt  }
tec
execute0_lowered:
.L_overlay_start_1:
0x0: {  	(tag) =	ssettag $0x1  }
0x1: {  	s0 =	rddreg [dreg:$0x0]  }
0x2: {  	s3 =	rddreg [dreg:$0x1]  }
0x3: {  	s1 =	rddreg [dreg:$0x2];
	s2 =	simm.s32 $0x0;
	s6 =	srdreg.scid  }
0x4: {  	s25 =	stileid.u32;
	s28 =	simm.s32 $0x80;
	s29 =	simm.s32 $0x50  }
0x5: {  	s30 =	simm.s32 $0x100;
	s31 =	simm.s32 $0x5D00;
	[smem:$0x7FF] =	sst s2  }
0x6: {  	s4 =	sadd.s32 $0x27800, s0;
	s5 =	sadd.s32 $0x600, s0;
	s12 =	sand.u32 $0x1, s6  }
0x7: {  	s6 =	sadd.s32 $0x5B9A00, s0;
	s10 =	smul.u32 $0x4E000, s25;
	s7 =	sadd.s32 $0x58800, s0  }
0x8: {  	s15 =	smul.u32 $0x13800, s25;
	s8 =	sadd.s32 $0x4EA00, s0;
	p0 =	sne.s32 s25, $0xF  }
0x9: {  	_ =	strace $0x8000004D;
	s9 =	ssub.s32 $0x2, s12;
	s13 =	sshll.u32 s12, $0x4  }
0xa: {  	s20 =	smul.u32 $0x138800, s12;
	s11 =	sshrl.u32 s9, $0x1;
	s16 =	sor.u32 s25, s13  }
0xb: {  	s14 =	sshrl.u32 s10, $0x2;
	s17 =	sadd.s32 $0x3400, s15;
	s18 =	sadd.s32 $0x6800, s15  }
0xc: {  	s19 =	sadd.s32 $0x9C00, s15;
	s21 =	sadd.s32 $0xD000, s15;
	s22 =	sadd.s32 $0x10400, s15  }
0xd: {  	s25 =	simm.s32 $0x2900;
	s0 =	ssub.s32 s9, s11;
	s9 =	sadd.s32 s14, s1  }
0xe: {  	s10 =	sadd.s32 s17, s1;
	s11 =	sadd.s32 s18, s1;
	s12 =	sadd.s32 s19, s1  }
0xf: {  	s13 =	sadd.s32 s21, s1;
	s14 =	sadd.s32 s22, s1;
	s23 =	sadd.s32 s15, s20  }
0x10: {  	s15 =	sadd.s32 $0x138000, s1;
	s16 =	smul.u32 $0x2710, s16;
	s17 =	sadd.s32 s20, s17  }
0x11: {  	s18 =	sadd.s32 s20, s18;
	s19 =	sadd.s32 s20, s19;
	s23 =	sshrl.u32 s23, $0x3  }
0x12: {  	s21 =	sadd.s32 s20, s21;
	s17 =	sshrl.u32 s17, $0x3;
	s23 =	sadd.s32 s3, s23  }
0x13: {  	s18 =	sshrl.u32 s18, $0x3;
	s17 =	sadd.s32 s3, s17;
	[dreg:$0x4] =	wrdreg s23  }
0x14: {  	s19 =	sshrl.u32 s19, $0x3;
	s18 =	sadd.s32 s3, s18;
	[dreg:$0x5] =	wrdreg s17  }
0x15: {  	[dreg:$0x6] =	wrdreg s18;
	s17 =	sadd.s32 s3, s19;
	s23 =	sadd.s32 s20, s22  }
0x16: {  	[dreg:$0x7] =	wrdreg s17;
	s17 =	sshrl.u32 s21, $0x3;
	s18 =	sshrl.u32 s23, $0x3  }
0x17: {  	s24 =	sshrl.u32 s20, $0x3;
	s17 =	sadd.s32 s3, s17;
	s26 =	sadd.s32 s3, s18  }
0x18: {  	s3 =	sadd.s32 s3, s24;
	s24 =	smax.u32 s0, $0x1;
	[dreg:$0x8] =	wrdreg s17  }
0x19: {  	s0 =	simm.s32 $0x8500;
	[dreg:$0x9] =	wrdreg s26;
	s23 =	sadd.s32 $0x27000, s3  }
0x1a: {  	v0 =	vimm.f32 $0.0e+00;
	s26 =	simm.s32 $0x2;
	s3 =	simm.s32 $0x1;
	s17 =	simm.s32 $0x0  }
.LBB2_1:
0x1b: {  	s18 =	sand.u32 $0xFE00, s2  }
0x1c: {  	s19 =	sand.u32 $0x70, s2;
	s20 =	sshrl.u32 s18, $0x2  }
0x1d: {  	s18 =	simm.s32 $0x40;
	s20 =	sor.u32 s19, s20;
	s19 =	simm.s32 $0x0  }
.LBB2_2:
0x1e: {  	p1 =	sne.s32 s18, $0xCFC0  }
0x1f: {  	[tilespmem:s20+$0x2900] =	vst v0;
	s19 =	sadd.s32 $0x10, s19;
	s20 =	smov.u32 s18;
	s18 =	sadd.s32 $0x40, s18  }
.Ltmp0:
0x20: {  	(pc) =	sbr.rel @p1 .LBB2_2-.Ltmp0, $4  }
0x21: {  	_ = 	snop  }
0x22: {  	s20 =	sand.u32 $0xFE00, s20  }
0x23: {  	s21 =	sand.u32 $0x70, s19;
	s20 =	sshrl.u32 s20, $0x2  }
0x24: {  	s20 =	sor.u32 s21, s20  }
0x25: {  	[tilespmem:s20+$0x2900] =	vst v0  }
0x26: {  	[spmem:s9] =	stream.linear.scatter [tilespmem:s25], [sflag:$0x2], $0x3400, $0x38;
	[tilespmem:$0x1E580] =	vst v63  }
0x27: {  	_ =	swait.ge [sflag:s26], $0x3400  }
0x28: {  	[sflag:s26] =	ssyncset.done $0x0  }
0x29: {  	[sflag:s26] =	ssyncadd.s32 $0xFFFFCC00  }
0x2a: {  	[spmem:s10] =	stream.linear.scatter [tilespmem:s25], [sflag:$0x2], $0x3400, $0x38;
	[tilespmem:$0x1E580] =	vst v63  }
0x2b: {  	_ =	swait.ge [sflag:s26], $0x3400  }
0x2c: {  	[sflag:s26] =	ssyncset.done $0x0  }
0x2d: {  	[sflag:s26] =	ssyncadd.s32 $0xFFFFCC00  }
0x2e: {  	[spmem:s11] =	stream.linear.scatter [tilespmem:s25], [sflag:$0x2], $0x3400, $0x38;
	[tilespmem:$0x1E580] =	vst v63  }
0x2f: {  	_ =	swait.ge [sflag:s26], $0x3400  }
0x30: {  	[sflag:s26] =	ssyncset.done $0x0  }
0x31: {  	[sflag:s26] =	ssyncadd.s32 $0xFFFFCC00  }
0x32: {  	[spmem:s12] =	stream.linear.scatter [tilespmem:s25], [sflag:$0x2], $0x3400, $0x38;
	[tilespmem:$0x1E580] =	vst v63  }
0x33: {  	_ =	swait.ge [sflag:s26], $0x3400  }
0x34: {  	[sflag:s26] =	ssyncset.done $0x0  }
0x35: {  	[sflag:s26] =	ssyncadd.s32 $0xFFFFCC00  }
0x36: {  	[spmem:s13] =	stream.linear.scatter [tilespmem:s25], [sflag:$0x2], $0x3400, $0x38;
	[tilespmem:$0x1E580] =	vst v63  }
0x37: {  	_ =	swait.ge [sflag:s26], $0x3400  }
0x38: {  	[sflag:s26] =	ssyncset.done $0x0  }
0x39: {  	[sflag:s26] =	ssyncadd.s32 $0xFFFFCC00  }
0x3a: {  	[spmem:s14] =	stream.linear.scatter [tilespmem:s25], [sflag:$0x2], $0x3400, $0x38;
	[tilespmem:$0x1E580] =	vst v63  }
0x3b: {  	_ =	swait.ge [sflag:s26], $0x3400  }
0x3c: {  	[sflag:s26] =	ssyncset.done $0x0  }
0x3d: {  	s18 =	simm.s32 @!p0 $0x2900;
	[sflag:s26] =	ssyncadd.s32 $0xFFFFCC00  }
0x3e: {  	[spmem:s15] =	stream.linear.scatter @!p0 [tilespmem:s18], [sflag:$0x2], $0x800, $0x38;
	[tilespmem:$0x1E580] =	vst v63  }
0x3f: {  	s18 =	simm.s32 @!p0 $0x2  }
0x40: {  	_ =	swait.ge @!p0 [sflag:s18], $0x800  }
0x41: {  	[sflag:s18] =	ssyncset.done @!p0 $0x0  }
0x42: {  	[sflag:s18] =	ssyncadd.s32 @!p0 $0xFFFFF800  }
0x43: {  	s19 =	simm.s32 $0x0;
	s18 =	simm.s32 $0x0;
	[bflag:$0x0] =	sbarrier.arrive $0xFFFF  }
.LBB2_4:
0x44: {  	s20 =	smul.u32 $0x50, s19;
	_ =	sdelay $0x1  }
0x45: {  	s20 =	sadd.s32 s16, s20  }
0x46: {  	s21 =	sshrl.u32 s20, $0x3  }
0x47: {  	s22 =	sadd.s32 s7, s21  }
0x48: {  	[tilespmem:s18], [sflag:$0x2] =	stream.linear.gather [hbm4b:s22+s18], $0x50, $0x38;
	[tilespmem:$0x1E580] =	vst v63  }
0x49: {  	_ =	swait.ge [sflag:s26], $0x50  }
0x4a: {  	[sflag:s26] =	ssyncset.done $0x0  }
0x4b: {  	s21 =	sadd.s32 s8, s21;
	[sflag:s26] =	ssyncadd.s32 $0xFFFFFFB0  }
0x4c: {  	[tilespmem:s28], [sflag:$0x2] =	stream.linear.gather [hbm4b:s21+s18], $0x50, $0x38;
	[tilespmem:$0x1E580] =	vst v63  }
0x4d: {  	_ =	swait.ge [sflag:s26], $0x50  }
0x4e: {  	[sflag:s26] =	ssyncset.done $0x0  }
0x4f: {  	[sflag:s26] =	ssyncadd.s32 $0xFFFFFFB0  }
0x50: {  	[tilespmem:s30], [sflag:$0x1] =	stream.indirect.gather [hbm4b:s4+s29], $0x80, s28, s29, $0xb8;
	[tilespmem:$0x1E580] =	vst v63  }
0x51: {  	s20 =	sshll.u32 s20, $0x4  }
0x52: {  	[tilespmem:s31], [sflag:$0x1] =	stream.indirect.gather [hbm4b:s5+s29], $0x80, s18, s29, $0xb8;
	[tilespmem:$0x1E580] =	vst v63  }
0x53: {  	s20 =	sadd.s32 s6, s20  }
0x54: {  	[tilespmem:s0], [sflag:$0x1] =	stream.linear.gather [hbm4b:s20+s18], $0x2800, $0x38;
	[tilespmem:$0x1E580] =	vst v63  }
0x55: {  	_ =	swait.ge [sflag:s3], $0x2800  }
0x56: {  	[sflag:s3] =	ssyncset.done $0x0  }
0x57: {  	[sflag:s3] =	ssyncadd.s32 $0xFFFFD800  }
0x58: {  	_ =	swait.ge [sflag:s3], $0x2800  }
0x59: {  	[sflag:s3] =	ssyncset.done $0x0  }
0x5a: {  	[sflag:s3] =	ssyncadd.s32 $0xFFFFD800  }
0x5b: {  	_ =	swait.ge [sflag:s3], $0x2800  }
0x5c: {  	[sflag:s3] =	ssyncset.done $0x0  }
0x5d: {  	s20 =	simm.s32 $0x0;
	[sflag:s3] =	ssyncadd.s32 $0xFFFFD800  }
0x5e: {  	v5 =	vld [tilespmem:s20+$0x8500]  }
0x5f: {  	v6 =	vld [tilespmem:s20+$0x8510]  }
0x60: {  	v4 =	vld [tilespmem:s20+$0x8520]  }
0x61: {  	v3 =	vld [tilespmem:s20+$0x8530]  }
0x62: {  	v2 =	vld [tilespmem:s20+$0x8540]  }
0x63: {  	v1 =	vld [tilespmem:s20+$0x8550]  }
0x64: {  	v13 =	vld [tilespmem:s20+$0x5D00]  }
0x65: {  	v18 =	vld [tilespmem:s20+$0x5D10]  }
0x66: {  	v12 =	vld [tilespmem:s20+$0x5D20]  }
0x67: {  	v11 =	vld [tilespmem:s20+$0x5D30]  }
0x68: {  	v10 =	vld [tilespmem:s20+$0x5D40]  }
0x69: {  	v9 =	vld [tilespmem:s20+$0x5D50]  }
0x6a: {  	v8 =	vld [tilespmem:s20+$0x5D60]  }
0x6b: {  	v7 =	vld [tilespmem:s20+$0x5D70]  }
0x6c: {  	v19 =	vld [tilespmem:s20+$0x100]  }
0x6d: {  	v20 =	vld [tilespmem:s20+$0x110]  }
0x6e: {  	v17 =	vld [tilespmem:s20+$0x120]  }
0x6f: {  	v16 =	vld [tilespmem:s20+$0x130]  }
0x70: {  	v15 =	vld [tilespmem:s20+$0x140]  }
0x71: {  	v14 =	vld [tilespmem:s20+$0x150];
	v19 =	vadd.f32 v13, v19  }
0x72: {  	s21 =	simm.s32 $0x200;
	v18 =	vadd.f32 v18, v20;
	v13 =	vld [tilespmem:s20+$0x160]  }
.LBB2_5:
0x73: {  	p1 =	sne.s32 s21, $0x9E00;
	v5 =	vadd.f32 v5, v19;
	v12 =	vadd.f32 v12, v17;
	v17 =	vld [tilespmem:s20+$0x170]  }
0x74: {  	v6 =	vadd.f32 v6, v18;
	v11 =	vadd.f32 v11, v16;
	v16 =	vld [tilespmem:s20+$0x8560]  }
0x75: {  	s22 =	sshra.s32 s21, $0x2;
	v18 =	vmax.f32 v5, $0.0e+00;
	v4 =	vadd.f32 v4, v12;
	v10 =	vadd.f32 v10, v15;
	v12 =	vld [tilespmem:s20+$0x8570]  }
0x76: {  	v5 =	vld [tilespmem:s22+$0x8500];
	[tilespmem:s20+$0x100] =	vst v18;
	v15 =	vmax.f32 v6, $0.0e+00;
	v3 =	vadd.f32 v3, v11;
	v9 =	vadd.f32 v9, v14  }
0x77: {  	v6 =	vld [tilespmem:s22+$0x8510];
	[tilespmem:s20+$0x110] =	vst v15;
	v11 =	vmax.f32 v4, $0.0e+00;
	v2 =	vadd.f32 v2, v10;
	v8 =	vadd.f32 v8, v13  }
0x78: {  	v4 =	vld [tilespmem:s22+$0x8520];
	[tilespmem:s20+$0x120] =	vst v11;
	v10 =	vmax.f32 v3, $0.0e+00;
	v1 =	vadd.f32 v1, v9;
	v7 =	vadd.f32 v7, v17  }
0x79: {  	v3 =	vld [tilespmem:s22+$0x8530];
	[tilespmem:s20+$0x130] =	vst v10;
	v9 =	vmax.f32 v2, $0.0e+00;
	v8 =	vadd.f32 v16, v8  }
0x7a: {  	v2 =	vld [tilespmem:s22+$0x8540];
	[tilespmem:s20+$0x140] =	vst v9;
	v9 =	vmax.f32 v1, $0.0e+00;
	v7 =	vadd.f32 v12, v7  }
0x7b: {  	v1 =	vld [tilespmem:s22+$0x8550];
	[tilespmem:s20+$0x150] =	vst v9;
	v8 =	vmax.f32 v8, $0.0e+00  }
0x7c: {  	v13 =	vld [tilespmem:s22+$0x5D00];
	[tilespmem:s20+$0x160] =	vst v8;
	v7 =	vmax.f32 v7, $0.0e+00  }
0x7d: {  	v18 =	vld [tilespmem:s22+$0x5D10];
	[tilespmem:s20+$0x170] =	vst v7;
	s20 =	smov.u32 s22  }
0x7e: {  	v12 =	vld [tilespmem:s20+$0x5D20]  }
0x7f: {  	v11 =	vld [tilespmem:s20+$0x5D30]  }
0x80: {  	v10 =	vld [tilespmem:s20+$0x5D40]  }
0x81: {  	v9 =	vld [tilespmem:s20+$0x5D50]  }
0x82: {  	v8 =	vld [tilespmem:s20+$0x5D60]  }
0x83: {  	v7 =	vld [tilespmem:s20+$0x5D70]  }
0x84: {  	v14 =	vld [tilespmem:s20+$0x100]  }
0x85: {  	v20 =	vld [tilespmem:s20+$0x110]  }
.Ltmp1:
0x86: {  	v17 =	vld [tilespmem:s20+$0x120];
	(pc) =	sbr.rel @p1 .LBB2_5-.Ltmp1, $4  }
0x87: {  	v16 =	vld [tilespmem:s20+$0x130]  }
0x88: {  	v15 =	vld [tilespmem:s20+$0x140]  }
0x89: {  	v19 =	vadd.f32 v13, v14;
	v14 =	vld [tilespmem:s20+$0x150]  }
0x8a: {  	s21 =	sadd.s32 $0x200, s21;
	v18 =	vadd.f32 v18, v20;
	v13 =	vld [tilespmem:s20+$0x160]  }
0x8b: {  	v5 =	vadd.f32 v5, v19;
	v12 =	vadd.f32 v12, v17;
	v57 =	vld [tilespmem:s20+$0x170]  }
0x8c: {  	v58 =	vld [tilespmem:s20+$0x8560];
	v6 =	vadd.f32 v6, v18;
	v11 =	vadd.f32 v11, v16  }
0x8d: {  	v59 =	vld [tilespmem:s20+$0x8570];
	v5 =	vmax.f32 v5, $0.0e+00;
	v4 =	vadd.f32 v4, v12;
	v10 =	vadd.f32 v10, v15  }
0x8e: {  	[tilespmem:s20+$0x100] =	vst v5;
	v60 =	vmax.f32 v6, $0.0e+00;
	v3 =	vadd.f32 v3, v11;
	v61 =	vadd.f32 v9, v14  }
0x8f: {  	[tilespmem:s20+$0x110] =	vst v60;
	v4 =	vmax.f32 v4, $0.0e+00;
	v2 =	vadd.f32 v2, v10;
	v62 =	vadd.f32 v8, v13  }
0x90: {  	[tilespmem:s20+$0x120] =	vst v4;
	v3 =	vmax.f32 v3, $0.0e+00;
	v1 =	vadd.f32 v1, v61;
	v63 =	vadd.f32 v7, v57  }
0x91: {  	[tilespmem:s20+$0x130] =	vst v3;
	v2 =	vmax.f32 v2, $0.0e+00;
	v3 =	vadd.f32 v58, v62  }
0x92: {  	[tilespmem:s20+$0x140] =	vst v2;
	v1 =	vmax.f32 v1, $0.0e+00;
	v2 =	vadd.f32 v59, v63  }
0x93: {  	s19 =	sadd.s32 $0x1, s19;
	[tilespmem:s20+$0x150] =	vst v1;
	v1 =	vmax.f32 v3, $0.0e+00  }
0x94: {  	p1 =	sne.s32 s19, $0x7D;
	[tilespmem:s20+$0x160] =	vst v1;
	v1 =	vmax.f32 v2, $0.0e+00  }
.Ltmp2:
0x95: {  	[tilespmem:s20+$0x170] =	vst v1;
	(pc) =	sbr.rel @p1 .LBB2_4-.Ltmp2, $4  }
0x96: {  	[spmem:s1] =	stream.indirect.scatter.add.f32 [tilespmem:s30], [sflag:$0x2], $0x80, s28, s29, $0xb8;
	[tilespmem:$0x1E580] =	vst v63  }
0x97: {  	_ =	swait.ge [sflag:s26], $0x2800  }
0x98: {  	[sflag:s26] =	ssyncset.done $0x0  }
0x99: {  	[sflag:s26] =	ssyncadd.s32 $0xFFFFD800  }
0x9a: {  	[bflag:$0x0] =	sbarrier.arrive $0xFFFF  }
0x9b: {  	[tilespmem:s25], [sflag:$0x2] =	stream.linear.gather [spmem:s9], $0x3400, $0x38;
	[tilespmem:$0x1E580] =	vst v63  }
0x9c: {  	_ =	swait.ge [sflag:s26], $0x3400  }
0x9d: {  	[sflag:s26] =	ssyncset.done $0x0  }
0x9e: {  	s18 =	rddreg [dreg:$0x4];
	[sflag:s26] =	ssyncadd.s32 $0xFFFFCC00  }
0x9f: {  	[hbm4b:s18+s2] =	stream.linear.scatter [tilespmem:s25], [sflag:$0x2], $0x3400, $0x38;
	[tilespmem:$0x1E580] =	vst v63  }
0xa0: {  	_ =	swait.ge [sflag:s26], $0x3400  }
0xa1: {  	[sflag:s26] =	ssyncset.done $0x0  }
0xa2: {  	[sflag:s26] =	ssyncadd.s32 $0xFFFFCC00  }
0xa3: {  	[tilespmem:s25], [sflag:$0x2] =	stream.linear.gather [spmem:s10], $0x3400, $0x38;
	[tilespmem:$0x1E580] =	vst v63  }
0xa4: {  	_ =	swait.ge [sflag:s26], $0x3400  }
0xa5: {  	[sflag:s26] =	ssyncset.done $0x0  }
0xa6: {  	s22 =	rddreg [dreg:$0x5];
	[sflag:s26] =	ssyncadd.s32 $0xFFFFCC00  }
0xa7: {  	[hbm4b:s22+s2] =	stream.linear.scatter [tilespmem:s25], [sflag:$0x2], $0x3400, $0x38;
	[tilespmem:$0x1E580] =	vst v63  }
0xa8: {  	_ =	swait.ge [sflag:s26], $0x3400  }
0xa9: {  	[sflag:s26] =	ssyncset.done $0x0  }
0xaa: {  	[sflag:s26] =	ssyncadd.s32 $0xFFFFCC00  }
0xab: {  	[tilespmem:s25], [sflag:$0x2] =	stream.linear.gather [spmem:s11], $0x3400, $0x38;
	[tilespmem:$0x1E580] =	vst v63  }
0xac: {  	_ =	swait.ge [sflag:s26], $0x3400  }
0xad: {  	[sflag:s26] =	ssyncset.done $0x0  }
0xae: {  	s19 =	rddreg [dreg:$0x6];
	[sflag:s26] =	ssyncadd.s32 $0xFFFFCC00  }
0xaf: {  	[hbm4b:s19+s2] =	stream.linear.scatter [tilespmem:s25], [sflag:$0x2], $0x3400, $0x38;
	[tilespmem:$0x1E580] =	vst v63  }
0xb0: {  	_ =	swait.ge [sflag:s26], $0x3400  }
0xb1: {  	[sflag:s26] =	ssyncset.done $0x0  }
0xb2: {  	[sflag:s26] =	ssyncadd.s32 $0xFFFFCC00  }
0xb3: {  	[tilespmem:s25], [sflag:$0x2] =	stream.linear.gather [spmem:s12], $0x3400, $0x38;
	[tilespmem:$0x1E580] =	vst v63  }
0xb4: {  	_ =	swait.ge [sflag:s26], $0x3400  }
0xb5: {  	[sflag:s26] =	ssyncset.done $0x0  }
0xb6: {  	s20 =	rddreg [dreg:$0x7];
	[sflag:s26] =	ssyncadd.s32 $0xFFFFCC00  }
0xb7: {  	[hbm4b:s20+s2] =	stream.linear.scatter [tilespmem:s25], [sflag:$0x2], $0x3400, $0x38;
	[tilespmem:$0x1E580] =	vst v63  }
0xb8: {  	_ =	swait.ge [sflag:s26], $0x3400  }
0xb9: {  	[sflag:s26] =	ssyncset.done $0x0  }
0xba: {  	[sflag:s26] =	ssyncadd.s32 $0xFFFFCC00  }
0xbb: {  	[tilespmem:s25], [sflag:$0x2] =	stream.linear.gather [spmem:s13], $0x3400, $0x38;
	[tilespmem:$0x1E580] =	vst v63  }
0xbc: {  	_ =	swait.ge [sflag:s26], $0x3400  }
0xbd: {  	[sflag:s26] =	ssyncset.done $0x0  }
0xbe: {  	s21 =	rddreg [dreg:$0x8];
	[sflag:s26] =	ssyncadd.s32 $0xFFFFCC00  }
0xbf: {  	[hbm4b:s21+s2] =	stream.linear.scatter [tilespmem:s25], [sflag:$0x2], $0x3400, $0x38;
	[tilespmem:$0x1E580] =	vst v63  }
0xc0: {  	_ =	swait.ge [sflag:s26], $0x3400  }
0xc1: {  	[sflag:s26] =	ssyncset.done $0x0  }
0xc2: {  	[sflag:s26] =	ssyncadd.s32 $0xFFFFCC00  }
0xc3: {  	[tilespmem:s25], [sflag:$0x2] =	stream.linear.gather [spmem:s14], $0x3400, $0x38;
	[tilespmem:$0x1E580] =	vst v63  }
0xc4: {  	_ =	swait.ge [sflag:s26], $0x3400  }
0xc5: {  	[sflag:s26] =	ssyncset.done $0x0  }
0xc6: {  	s22 =	rddreg [dreg:$0x9];
	[sflag:s26] =	ssyncadd.s32 $0xFFFFCC00  }
0xc7: {  	[hbm4b:s22+s2] =	stream.linear.scatter [tilespmem:s25], [sflag:$0x2], $0x3400, $0x38;
	[tilespmem:$0x1E580] =	vst v63  }
0xc8: {  	_ =	swait.ge [sflag:s26], $0x3400  }
0xc9: {  	[sflag:s26] =	ssyncset.done $0x0  }
0xca: {  	s18 =	simm.s32 @!p0 $0x2900;
	s19 =	simm.s32 @!p0 $0x2;
	[sflag:s26] =	ssyncadd.s32 $0xFFFFCC00  }
0xcb: {  	[tilespmem:s18], [sflag:$0x2] =	stream.linear.gather @!p0 [spmem:s15], $0x800, $0x38;
	[tilespmem:$0x1E580] =	vst v63  }
0xcc: {  	s17 =	sadd.s32 $0x1, s17;
	_ =	swait.ge @!p0 [sflag:s19], $0x800  }
0xcd: {  	p1 =	sne.s32 s17, s24;
	[sflag:s19] =	ssyncset.done @!p0 $0x0  }
.Ltmp3:
0xce: {  	s20 =	simm.s32 @!p0 $0x0;
	[sflag:s19] =	ssyncadd.s32 @!p0 $0xFFFFF800;
	(pc) =	sbr.rel @p1 .LBB2_1-.Ltmp3, $4  }
0xcf: {  	[hbm4b:s23+s20] =	stream.linear.scatter @!p0 [tilespmem:s18], [sflag:$0x2], $0x800, $0x38;
	[tilespmem:$0x1E580] =	vst v63  }
0xd0: {  	_ =	swait.ge @!p0 [sflag:s19], $0x800  }
0xd1: {  	[sflag:s19] =	ssyncset.done @!p0 $0x0  }
0xd2: {  	[sflag:s19] =	ssyncadd.s32 @!p0 $0xFFFFF800  }
0xd3: {  	_ =	sfence.sel $0x180000  }
0xd4: {  	[bflag:$0x0] =	sbarrier.arrive $0xFFFF  }
0xd5: {  	_ =	strace $0x9000004D  }
0xd6: {  	s0 =	stileid.u32;
	[bflag:$0x2] =	sbarrier.arrive $0xFFFF  }
0xd7: {  	p0 =	sne.s32 s0, $0x0;
	s0 =	rddreg [dreg:$0x3]  }
0xd8: {  	s0 =	sadd.s32 @!p0 $0x100000, s0  }
0xd9: {  	[sflag:s0] =	ssyncadd.tile.s32 @!p0 $0x1;
	_ =	shalt  }
.Lfunc_end2:
_tile_overlayer_lowered:
.L_overlay_start_2:
0xda: {  	(tag) =	ssettag $0x2  }
0xdb: {  	s0 =	rddreg [dreg:$0x0];
	s2 =	stileid.u32  }
0xdc: {  	s1 =	rddreg [dreg:$0x1];
	p0 =	sne.s32 s2, $0x0  }
0xdd: {  	s3 =	rddreg [dreg:$0x2];
	[bflag:$0x3] =	sbarrier.arrive $0xFFFF;
	s2 =	simm.s32 @!p0 $0x1C02  }
0xde: {  	[timem:s3], [sflag:s2] =	dma.local @!p0 [hbm:s0], s1  }
0xdf: {  	s0 =	simm.s32 @!p0 $0x2  }
0xe0: {  	_ =	swait.ge @!p0 [sflag:s0], s1  }
0xe1: {  	s1 =	ssub.s32 @!p0 $0x0, s1;
	[sflag:s0] =	ssyncset.done @!p0 $0x0  }
0xe2: {  	[sflag:s0] =	ssyncadd.s32 @!p0 s1  }
0xe3: {  	[bflag:$0x3] =	sbarrier.arrive $0xFFFF  }
0xe4: {  	_ =	shalt  }

</sc_bundles>
